<compile_context>
chip_gen: v7x
topology: tpu7x:2x2x1
jax: 0.10.2.dev20260603
libtpu: 0.0.44.dev20260713+nightly
codegen_flags: <defaults>
</compile_context>

<pallas_src>
import functools

import jax
import jax.numpy as jnp
from jax import lax
from jax.experimental import pallas as pl
from jax.experimental.pallas import tpu as pltpu
from jax.experimental.pallas import tpu_sc as plsc

N = 10000
E = 320000
D_IN, D_H, D_OUT = 128, 16, 7
D2 = 8

NC, NS = 2, 16
NW = NC * NS
CW = 128
NCHUNK = E // CW
BASE = NCHUNK // NW
XTRA = NCHUNK % NW
RPS = N // NS
NBUF = 13

ROWB = 2000



@functools.cache
def _sc_mesh():
    return plsc.VectorSubcoreMesh(
        core_axis_name="c", subcore_axis_name="s", num_cores=NC, num_subcores=NS
    )


def _stage_idx(src_hbm, idx_ref, start, tile):

    @pl.when(tile < XTRA)
    def _full():
        pltpu.sync_copy(src_hbm.at[pl.ds(start, BASE + 1)], idx_ref)

    @pl.when(tile >= XTRA)
    def _base():
        pltpu.sync_copy(
            src_hbm.at[pl.ds(start, BASE)], idx_ref.at[pl.ds(0, BASE)]
        )


def _edge_views(ei_hbm):
    return ei_hbm.at[0], ei_hbm.at[1]


@functools.cache
def _sc_deg():

    @functools.partial(
        pl.kernel,
        out_type=jax.ShapeDtypeStruct((NC, N), jnp.float32),
        mesh=_sc_mesh(),
        scratch_types=[
            pltpu.VMEM((BASE + 1, CW), jnp.int32),
            pltpu.VMEM((CW,), jnp.float32),
            pltpu.VMEM_SHARED((N,), jnp.float32),
            pltpu.SemaphoreType.DMA,
        ],
        compiler_params=pltpu.CompilerParams(use_tc_tiling_on_sc=False),
    )
    def deg_kernel(ei_hbm, ones_hbm, zeros_hbm, out_hbm, idx_d, ones_v, acc_sh, sem):
        c = lax.axis_index("c")
        s = lax.axis_index("s")
        tile = c * NS + s
        _, dst_hbm = _edge_views(ei_hbm)

        @pl.when(s == 0)
        def _zero():
            pltpu.sync_copy(zeros_hbm, acc_sh)

        start = BASE * tile + jnp.minimum(tile, XTRA)
        _stage_idx(dst_hbm, idx_d, start, tile)
        pltpu.sync_copy(ones_hbm, ones_v)
        plsc.subcore_barrier()

        W = 8
        for b in range(W):
            pltpu.async_copy(ones_v, acc_sh.at[idx_d.at[b]], sem, add=True)

        @pl.loop(W, BASE)
        def _step(j):
            pltpu.make_async_copy(ones_v, acc_sh.at[pl.ds(0, CW)], sem).wait()
            pltpu.async_copy(ones_v, acc_sh.at[idx_d.at[j]], sem, add=True)

        @pl.when(tile < XTRA)
        def _extra():
            pltpu.make_async_copy(ones_v, acc_sh.at[pl.ds(0, CW)], sem).wait()
            pltpu.async_copy(ones_v, acc_sh.at[idx_d.at[BASE]], sem, add=True)

        for b in range(W):
            pltpu.make_async_copy(ones_v, acc_sh.at[pl.ds(0, CW)], sem).wait()
        plsc.subcore_barrier()

        @pl.when(s == 0)
        def _writeback():
            pltpu.sync_copy(acc_sh, out_hbm.at[c])

    return deg_kernel


@functools.cache
def _sc_agg(width, from_spmem):

    @functools.partial(
        pl.kernel,
        out_type=jax.ShapeDtypeStruct((NC, N, width), jnp.float32),
        mesh=_sc_mesh(),
        scratch_types=[
            pltpu.VMEM((BASE + 1, CW), jnp.int32),
            pltpu.VMEM((BASE + 1, CW), jnp.int32),
            pltpu.VMEM((NBUF, CW, width), jnp.float32),
            pltpu.VMEM_SHARED((N, width), jnp.float32),
            pltpu.VMEM_SHARED((N, width), jnp.float32),
            pltpu.SemaphoreType.DMA((NBUF,)),
            pltpu.SemaphoreType.DMA((NBUF,)),
        ],
        compiler_params=pltpu.CompilerParams(use_tc_tiling_on_sc=False),
    )
    def agg_kernel(g_hbm_flat, ei_hbm, zrows_hbm, out_hbm,
                   idx_s, idx_d, rows, acc_sh, g_sh, gsem, ssem):
        c = lax.axis_index("c")
        s = lax.axis_index("s")
        tile = c * NS + s
        src_hbm, dst_hbm = _edge_views(ei_hbm)
        pltpu.sync_copy(zrows_hbm, acc_sh.at[pl.ds(s * RPS, RPS)])
        pltpu.sync_copy(
            g_hbm_flat.at[pl.ds(s * RPS, RPS)], g_sh.at[pl.ds(s * RPS, RPS)]
        )

        def g_src(b):
            if from_spmem or b % 2:
                return g_sh
            return g_hbm_flat
        start = BASE * tile + jnp.minimum(tile, XTRA)
        _stage_idx(src_hbm, idx_s, start, tile)
        _stage_idx(dst_hbm, idx_d, start, tile)
        plsc.subcore_barrier()

        for b in range(NBUF):
            pltpu.async_copy(g_src(b).at[idx_s.at[b]], rows.at[b], gsem.at[b])

        @pl.loop(0, BASE, step=NBUF)
        def _group(j0):
            for b in range(NBUF):
                pltpu.make_async_copy(
                    g_src(b).at[idx_s.at[j0 + b]], rows.at[b], gsem.at[b]
                ).wait()
                pltpu.async_copy(
                    rows.at[b], acc_sh.at[idx_d.at[j0 + b]], ssem.at[b], add=True
                )
            for b in range(NBUF):
                jn = j0 + NBUF + b
                pltpu.make_async_copy(
                    rows.at[b], acc_sh.at[pl.ds(0, CW)], ssem.at[b]
                ).wait()

                @pl.when(jn < BASE + jnp.where(tile < XTRA, 1, 0))
                def _prefetch():
                    pltpu.async_copy(g_src(b).at[idx_s.at[jn]], rows.at[b], gsem.at[b])

        bt = BASE % NBUF

        @pl.when(tile < XTRA)
        def _tail():
            pltpu.make_async_copy(
                g_src(bt).at[idx_s.at[BASE]], rows.at[bt], gsem.at[bt]
            ).wait()
            pltpu.async_copy(
                rows.at[bt], acc_sh.at[idx_d.at[BASE]], ssem.at[bt], add=True
            )
            pltpu.make_async_copy(
                rows.at[bt], acc_sh.at[pl.ds(0, CW)], ssem.at[bt]
            ).wait()

        plsc.subcore_barrier()
        pltpu.sync_copy(
            acc_sh.at[pl.ds(s * RPS, RPS)], out_hbm.at[c, pl.ds(s * RPS, RPS)]
        )

    return agg_kernel



PK = N * D_H // 128


def _pack(v, groups, w):
    rows = v.shape[0] // groups
    v3 = v.reshape(rows, groups, w)
    return jnp.concatenate([v3[:, i, :] for i in range(groups)], axis=1)


def _unpack(vp, groups, w):
    rows = vp.shape[0]
    parts = [vp[:, i * w:(i + 1) * w] for i in range(groups)]
    return jnp.stack(parts, axis=1).reshape(rows * groups, w)


def _k2_body(degp_ref, x_ref, w1_ref, g1_ref, dinv_ref, dinv8_ref):
    deg = degp_ref[0:1] + degp_ref[1:2] + 1.0
    dinv_col = jnp.transpose(lax.rsqrt(deg))
    dinv = jnp.broadcast_to(dinv_col, (N, D_H))
    h = jnp.dot(x_ref[...], w1_ref[...], preferred_element_type=jnp.float32)
    g1_ref[...] = _pack(h * dinv, 8, D_H)
    dinv_ref[...] = _pack(dinv, 8, D_H)
    dinv8_ref[...] = _pack(jnp.broadcast_to(dinv_col, (N, D2)), 8, D2)


def _tc_k2(degp, x, w1):
    return pl.pallas_call(
        _k2_body,
        out_shape=[
            jax.ShapeDtypeStruct((PK, 128), jnp.float32),
            jax.ShapeDtypeStruct((PK, 128), jnp.float32),
            jax.ShapeDtypeStruct((PK, 64), jnp.float32),
        ],
        compiler_params=pltpu.CompilerParams(vmem_limit_bytes=100 * 1024 * 1024),
    )(degp, x, w1)


def _k4_body(accp_ref, g1_ref, dinv_ref, b1t_ref, bd_ref, dinv8_ref, g2_ref):
    acc = accp_ref[0] + accp_ref[1] + g1_ref[...]
    h1 = jnp.maximum(acc * dinv_ref[...] + b1t_ref[...], 0.0)
    g2 = jnp.dot(h1, bd_ref[...], preferred_element_type=jnp.float32)
    g2_ref[...] = g2 * dinv8_ref[...]


def _tc_k4(accp, g1, dinv, b1t, bd, dinv8):
    return pl.pallas_call(
        _k4_body,
        out_shape=jax.ShapeDtypeStruct((PK, 64), jnp.float32),
        compiler_params=pltpu.CompilerParams(vmem_limit_bytes=100 * 1024 * 1024),
    )(accp, g1, dinv, b1t, bd, dinv8)


def _k6_body(accp_ref, g2_ref, dinv8_ref, b2t_ref, segsum_ref, out_ref):
    op = (accp_ref[0] + accp_ref[1] + g2_ref[...]) * dinv8_ref[...] + b2t_ref[...]
    lane = lax.broadcasted_iota(jnp.int32, (PK, 64), 1) % D2
    op = jnp.where(lane < D_OUT, op, -1e30)
    v = op
    for sh in (1, 2, 4):
        r = pltpu.roll(v, 64 - sh, 1)
        v = jnp.maximum(v, jnp.where(lane < D2 - sh, r, -1e30))
    m = v
    for sh in (1, 2, 4):
        r = pltpu.roll(m, sh, 1)
        m = jnp.maximum(m, jnp.where(lane >= sh, r, -1e30))
    ex = jnp.exp(op - m)
    ssum = jnp.dot(ex, segsum_ref[...], preferred_element_type=jnp.float32,
                   precision=lax.Precision.HIGHEST)
    out_ref[...] = op - m - jnp.log(ssum)


def _tc_k6(accp, g2, dinv8, b2t, segsum):
    return pl.pallas_call(
        _k6_body,
        out_shape=jax.ShapeDtypeStruct((PK, 64), jnp.float32),
        compiler_params=pltpu.CompilerParams(vmem_limit_bytes=100 * 1024 * 1024),
    )(accp, g2, dinv8, b2t, segsum)



def kernel(x, edge_index, W1, b1, W2, b2):
    zrows = jnp.zeros((RPS, D_H), jnp.float32)
    ones = jnp.ones((CW,), jnp.float32)
    zeros_n = jnp.zeros((N,), jnp.float32)

    ei3 = edge_index.reshape(2, NCHUNK, CW)
    degp = _sc_deg()(ei3, ones, zeros_n)
    g1p, dinvp, dinv8p = _tc_k2(degp, x, W1)
    accp1 = _sc_agg(D_H, False)(g1p.reshape(N, D_H), ei3, zrows)

    w2p = jnp.zeros((D_H, D2), jnp.float32).at[:, :D_OUT].set(W2)
    bd = jnp.kron(jnp.eye(8, dtype=jnp.float32), w2p)
    b1t = jnp.tile(b1, 8).reshape(1, 128)
    g2p = _tc_k4(accp1.reshape(NC, PK, 128), g1p, dinvp, b1t, bd, dinv8p)
    accp2 = _sc_agg(D2, True)(g2p.reshape(N, D2), ei3,
                        jnp.zeros((RPS, D2), jnp.float32))

    b2p8 = jnp.zeros((D2,), jnp.float32).at[:D_OUT].set(b2)
    b2t = jnp.tile(b2p8, 8).reshape(1, 64)
    segsum = jnp.kron(jnp.eye(8, dtype=jnp.float32), jnp.ones((D2, D2), jnp.float32))
    outp = _tc_k6(accp2.reshape(NC, PK, 64), g2p, dinv8p, b2t, segsum)
    return outp.reshape(N, D2)[:, :D_OUT]

# --- scband reference (transcript-rebuilt; emitter-appended) ---
"""Pipeline reference for scband-gcn-1949915152819 (READ-ONLY COPY).

The authoritative reference and input builder live on the scoring server;
editing this copy changes nothing except your own understanding.
"""

import jax, jax.numpy as jnp
import numpy as np

N_NODES = 10000
N_EDGES = 320000
D_IN, D_H, D_OUT = 128, 16, 7


def gcn_conv(x, edge_index, W, b):
    n = x.shape[0]
    loop = jnp.arange(n, dtype=edge_index.dtype)
    src = jnp.concatenate([edge_index[0], loop])
    dst = jnp.concatenate([edge_index[1], loop])
    deg = jax.ops.segment_sum(jnp.ones_like(src, dtype=x.dtype), dst, num_segments=n)
    deg_inv_sqrt = jnp.where(deg > 0, 1.0 / jnp.sqrt(deg), 0.0)
    norm = deg_inv_sqrt[src] * deg_inv_sqrt[dst]
    h = x @ W
    msg = h[src] * norm[:, None]
    out = jax.ops.segment_sum(msg, dst, num_segments=n)
    return out + b


def setup_inputs(seed: int = 0) -> dict:
    key = jax.random.key(seed)
    k1, k2, k3, k4, k5, k6 = jax.random.split(key, 6)
    x = jax.random.normal(k1, (N_NODES, D_IN), dtype=jnp.float32)
    edge_index = jax.random.randint(k2, (2, N_EDGES), 0, N_NODES, dtype=jnp.int32)
    W1 = jax.random.normal(k3, (D_IN, D_H), dtype=jnp.float32) * (1.0 / np.sqrt(D_IN))
    b1 = jnp.zeros((D_H,), dtype=jnp.float32)
    W2 = jax.random.normal(k4, (D_H, D_OUT), dtype=jnp.float32) * (1.0 / np.sqrt(D_H))
    b2 = jnp.zeros((D_OUT,), dtype=jnp.float32)
    return {"x": x, "edge_index": edge_index, "W1": W1, "b1": b1, "W2": W2, "b2": b2}


def reference(x, edge_index, W1, b1, W2, b2):
    h = gcn_conv(x, edge_index, W1, b1)
    h = jax.nn.relu(h)
    h = gcn_conv(h, edge_index, W2, b2)
    return jax.nn.log_softmax(h, axis=1)

if __name__ == "__main__":
    import jax
    _d = setup_inputs()
    print(jax.jit(kernel)(*tuple(_d.values())))

</pallas_src>

<mosaic_0001>
#map = affine_map<(d0, d1) -> (0, 0)>
#map1 = affine_map<(d0, d1) -> (0, 0, 0)>
module attributes {stable_mosaic.version = 14 : i64} {
  func.func @agg_kernel(%arg0: i32, %arg1: i32, %arg2: memref<10000x8xf32, #tpu.memory_space<hbm>>, %arg3: memref<2x2500x128xi32, #tpu.memory_space<hbm>>, %arg4: memref<625x8xf32, #tpu.memory_space<hbm>>, %arg5: memref<2x10000x8xf32, #tpu.memory_space<hbm>>, %arg6: memref<79x128xi32, #tpu.memory_space<vmem>>, %arg7: memref<79x128xi32, #tpu.memory_space<vmem>>, %arg8: memref<13x128x8xf32, #tpu.memory_space<vmem>>, %arg9: memref<10000x8xf32, #tpu.memory_space<vmem_shared>>, %arg10: memref<10000x8xf32, #tpu.memory_space<vmem_shared>>, %arg11: memref<13x!tpu.dma_semaphore, #tpu.memory_space<semaphore_mem>>, %arg12: memref<13x!tpu.dma_semaphore, #tpu.memory_space<semaphore_mem>>) attributes {dimension_semantics = [#tpu.dimension_semantics<core_parallel>, #tpu.dimension_semantics<subcore_parallel>], iteration_bounds = array<i64: 2, 16>, scalar_prefetch = 0 : i64, scratch_operands = 7 : i64, tpu.core_type = #tpu.core_type<sc_vector_subcore>, window_params = [{transform_indices = #map}, {transform_indices = #map1}, {transform_indices = #map}, {transform_indices = #map1}]} {
    %mul3A = arith.constant 16 : i32
    %mul3A_0 = arith.muli %arg0, %mul3A : i32
    %add3A = arith.addi %mul3A_0, %arg1 : i32
    %mul3A_1 = arith.constant 625 : i32
    %mul3A_2 = arith.muli %arg1, %mul3A_1 : i32
    "tpu.region"() ({
      %run_scoped3A = tpu.sem_alloc : memref<!tpu.dma_semaphore, #tpu.memory_space<semaphore_mem>>
      %dma_start3A_239 = arith.constant 0 : i32
      %dma_start3A_240 = tpu.memref_slice %arg9[%mul3A_2, %dma_start3A_239] : memref<10000x8xf32, #tpu.memory_space<vmem_shared>> -> memref<625x8xf32, #tpu.memory_space<vmem_shared>>
      tpu.enqueue_dma source(%arg4 : memref<625x8xf32, #tpu.memory_space<hbm>>) target(%dma_start3A_240 : memref<625x8xf32, #tpu.memory_space<vmem_shared>>) target_semaphore(%run_scoped3A : memref<!tpu.dma_semaphore, #tpu.memory_space<semaphore_mem>>)
      %dma_wait3A = arith.constant 0 : i32
      %dma_wait3A_241 = tpu.memref_slice %arg9[%mul3A_2, %dma_wait3A] : memref<10000x8xf32, #tpu.memory_space<vmem_shared>> -> memref<625x8xf32, #tpu.memory_space<vmem_shared>>
      tpu.wait_dma2 semaphore(%run_scoped3A : memref<!tpu.dma_semaphore, #tpu.memory_space<semaphore_mem>>) src(%arg4 : memref<625x8xf32, #tpu.memory_space<hbm>>) dst(%dma_wait3A_241 : memref<625x8xf32, #tpu.memory_space<vmem_shared>>)
      tpu.yield
    }) : () -> ()
    %mul3A_3 = arith.constant 625 : i32
    %mul3A_4 = arith.muli %arg1, %mul3A_3 : i32
    %mul3A_5 = arith.constant 625 : i32
    %mul3A_6 = arith.muli %arg1, %mul3A_5 : i32
    "tpu.region"() ({
      %run_scoped3A = tpu.sem_alloc : memref<!tpu.dma_semaphore, #tpu.memory_space<semaphore_mem>>
      %dma_start3A_239 = arith.constant 0 : i32
      %dma_start3A_240 = tpu.memref_slice %arg10[%mul3A_6, %dma_start3A_239] : memref<10000x8xf32, #tpu.memory_space<vmem_shared>> -> memref<625x8xf32, #tpu.memory_space<vmem_shared>>
      %dma_start3A_241 = arith.constant 0 : i32
      %dma_start3A_242 = tpu.memref_slice %arg2[%mul3A_4, %dma_start3A_241] : memref<10000x8xf32, #tpu.memory_space<hbm>> -> memref<625x8xf32, #tpu.memory_space<hbm>>
      tpu.enqueue_dma source(%dma_start3A_242 : memref<625x8xf32, #tpu.memory_space<hbm>>) target(%dma_start3A_240 : memref<625x8xf32, #tpu.memory_space<vmem_shared>>) target_semaphore(%run_scoped3A : memref<!tpu.dma_semaphore, #tpu.memory_space<semaphore_mem>>)
      %dma_wait3A = arith.constant 0 : i32
      %dma_wait3A_243 = tpu.memref_slice %arg10[%mul3A_6, %dma_wait3A] : memref<10000x8xf32, #tpu.memory_space<vmem_shared>> -> memref<625x8xf32, #tpu.memory_space<vmem_shared>>
      %dma_wait3A_244 = arith.constant 0 : i32
      %dma_wait3A_245 = tpu.memref_slice %arg2[%mul3A_4, %dma_wait3A_244] : memref<10000x8xf32, #tpu.memory_space<hbm>> -> memref<625x8xf32, #tpu.memory_space<hbm>>
      tpu.wait_dma2 semaphore(%run_scoped3A : memref<!tpu.dma_semaphore, #tpu.memory_space<semaphore_mem>>) src(%dma_wait3A_245 : memref<625x8xf32, #tpu.memory_space<hbm>>) dst(%dma_wait3A_243 : memref<625x8xf32, #tpu.memory_space<vmem_shared>>)
      tpu.yield
    }) : () -> ()
    %mul3A_7 = arith.constant 78 : i32
    %mul3A_8 = arith.muli %mul3A_7, %add3A : i32
    %min3A = arith.constant 4 : i32
    %min3A_9 = arith.minsi %add3A, %min3A : i32
    %add3A_10 = arith.addi %mul3A_8, %min3A_9 : i32
    %lt3A = arith.constant 4 : i32
    %lt3A_11 = arith.cmpi slt, %add3A, %lt3A : i32
    %convert_element_type3A = arith.extui %lt3A_11 : i1 to i32
    %cond3A = arith.constant 0 : i32
    %cond3A_12 = arith.constant 0 : i32
    %cond3A_13 = arith.cmpi ne, %convert_element_type3A, %cond3A_12 : i32
    scf.if %cond3A_13 {
      "tpu.region"() ({
        %run_scoped3A = tpu.sem_alloc : memref<!tpu.dma_semaphore, #tpu.memory_space<semaphore_mem>>
        %dma_start3A_239 = arith.constant 0 : i32
        %dma_start3A_240 = arith.constant 0 : i32
        %dma_start3A_241 = tpu.memref_slice %arg3[%cond3A, %dma_start3A_239, %dma_start3A_240] : memref<2x2500x128xi32, #tpu.memory_space<hbm>> -> memref<1x2500x128xi32, #tpu.memory_space<hbm>>
        %dma_start3A_242 = tpu.memref_squeeze %dma_start3A_241 : memref<1x2500x128xi32, #tpu.memory_space<hbm>> -> memref<2500x128xi32, #tpu.memory_space<hbm>>
        %dma_start3A_243 = arith.constant 0 : i32
        %dma_start3A_244 = tpu.memref_slice %dma_start3A_242[%add3A_10, %dma_start3A_243] : memref<2500x128xi32, #tpu.memory_space<hbm>> -> memref<79x128xi32, #tpu.memory_space<hbm>>
        %dma_start3A_245 = arith.constant 0 : i32
        %dma_start3A_246 = arith.constant 0 : i32
        %dma_start3A_247 = tpu.memref_slice %arg3[%cond3A, %dma_start3A_245, %dma_start3A_246] : memref<2x2500x128xi32, #tpu.memory_space<hbm>> -> memref<1x2500x128xi32, #tpu.memory_space<hbm>>
        %dma_start3A_248 = tpu.memref_squeeze %dma_start3A_247 : memref<1x2500x128xi32, #tpu.memory_space<hbm>> -> memref<2500x128xi32, #tpu.memory_space<hbm>>
        %dma_start3A_249 = arith.constant 0 : i32
        %dma_start3A_250 = tpu.memref_slice %dma_start3A_248[%add3A_10, %dma_start3A_249] : memref<2500x128xi32, #tpu.memory_space<hbm>> -> memref<79x128xi32, #tpu.memory_space<hbm>>
        tpu.enqueue_dma source(%dma_start3A_250 : memref<79x128xi32, #tpu.memory_space<hbm>>) target(%arg6 : memref<79x128xi32, #tpu.memory_space<vmem>>) target_semaphore(%run_scoped3A : memref<!tpu.dma_semaphore, #tpu.memory_space<semaphore_mem>>)
        %dma_wait3A = arith.constant 0 : i32
        %dma_wait3A_251 = arith.constant 0 : i32
        %dma_wait3A_252 = tpu.memref_slice %arg3[%cond3A, %dma_wait3A, %dma_wait3A_251] : memref<2x2500x128xi32, #tpu.memory_space<hbm>> -> memref<1x2500x128xi32, #tpu.memory_space<hbm>>
        %dma_wait3A_253 = tpu.memref_squeeze %dma_wait3A_252 : memref<1x2500x128xi32, #tpu.memory_space<hbm>> -> memref<2500x128xi32, #tpu.memory_space<hbm>>
        %dma_wait3A_254 = arith.constant 0 : i32
        %dma_wait3A_255 = tpu.memref_slice %dma_wait3A_253[%add3A_10, %dma_wait3A_254] : memref<2500x128xi32, #tpu.memory_space<hbm>> -> memref<79x128xi32, #tpu.memory_space<hbm>>
        %dma_wait3A_256 = arith.constant 0 : i32
        %dma_wait3A_257 = arith.constant 0 : i32
        %dma_wait3A_258 = tpu.memref_slice %arg3[%cond3A, %dma_wait3A_256, %dma_wait3A_257] : memref<2x2500x128xi32, #tpu.memory_space<hbm>> -> memref<1x2500x128xi32, #tpu.memory_space<hbm>>
        %dma_wait3A_259 = tpu.memref_squeeze %dma_wait3A_258 : memref<1x2500x128xi32, #tpu.memory_space<hbm>> -> memref<2500x128xi32, #tpu.memory_space<hbm>>
        %dma_wait3A_260 = arith.constant 0 : i32
        %dma_wait3A_261 = tpu.memref_slice %dma_wait3A_259[%add3A_10, %dma_wait3A_260] : memref<2500x128xi32, #tpu.memory_space<hbm>> -> memref<79x128xi32, #tpu.memory_space<hbm>>
        tpu.wait_dma2 semaphore(%run_scoped3A : memref<!tpu.dma_semaphore, #tpu.memory_space<semaphore_mem>>) src(%dma_wait3A_261 : memref<79x128xi32, #tpu.memory_space<hbm>>) dst(%arg6 : memref<79x128xi32, #tpu.memory_space<vmem>>)
        tpu.yield
      }) : () -> ()
    } else {
    }
    %ge3A = arith.constant 4 : i32
    %ge3A_14 = arith.cmpi sge, %add3A, %ge3A : i32
    %convert_element_type3A_15 = arith.extui %ge3A_14 : i1 to i32
    %cond3A_16 = arith.constant 0 : i32
    %cond3A_17 = arith.constant 0 : i32
    %cond3A_18 = arith.cmpi ne, %convert_element_type3A_15, %cond3A_17 : i32
    scf.if %cond3A_18 {
      "tpu.region"() ({
        %run_scoped3A = tpu.sem_alloc : memref<!tpu.dma_semaphore, #tpu.memory_space<semaphore_mem>>
        %dma_start3A_239 = arith.constant 0 : i32
        %dma_start3A_240 = arith.constant 0 : i32
        %dma_start3A_241 = tpu.memref_slice %arg6[%dma_start3A_239, %dma_start3A_240] : memref<79x128xi32, #tpu.memory_space<vmem>> -> memref<78x128xi32, #tpu.memory_space<vmem>>
        %dma_start3A_242 = arith.constant 0 : i32
        %dma_start3A_243 = arith.constant 0 : i32
        %dma_start3A_244 = tpu.memref_slice %arg3[%cond3A_16, %dma_start3A_242, %dma_start3A_243] : memref<2x2500x128xi32, #tpu.memory_space<hbm>> -> memref<1x2500x128xi32, #tpu.memory_space<hbm>>
        %dma_start3A_245 = tpu.memref_squeeze %dma_start3A_244 : memref<1x2500x128xi32, #tpu.memory_space<hbm>> -> memref<2500x128xi32, #tpu.memory_space<hbm>>
        %dma_start3A_246 = arith.constant 0 : i32
        %dma_start3A_247 = tpu.memref_slice %dma_start3A_245[%add3A_10, %dma_start3A_246] : memref<2500x128xi32, #tpu.memory_space<hbm>> -> memref<78x128xi32, #tpu.memory_space<hbm>>
        %dma_start3A_248 = arith.constant 0 : i32
        %dma_start3A_249 = arith.constant 0 : i32
        %dma_start3A_250 = tpu.memref_slice %arg6[%dma_start3A_248, %dma_start3A_249] : memref<79x128xi32, #tpu.memory_space<vmem>> -> memref<78x128xi32, #tpu.memory_space<vmem>>
        %dma_start3A_251 = arith.constant 0 : i32
        %dma_start3A_252 = arith.constant 0 : i32
        %dma_start3A_253 = tpu.memref_slice %arg3[%cond3A_16, %dma_start3A_251, %dma_start3A_252] : memref<2x2500x128xi32, #tpu.memory_space<hbm>> -> memref<1x2500x128xi32, #tpu.memory_space<hbm>>
        %dma_start3A_254 = tpu.memref_squeeze %dma_start3A_253 : memref<1x2500x128xi32, #tpu.memory_space<hbm>> -> memref<2500x128xi32, #tpu.memory_space<hbm>>
        %dma_start3A_255 = arith.constant 0 : i32
        %dma_start3A_256 = tpu.memref_slice %dma_start3A_254[%add3A_10, %dma_start3A_255] : memref<2500x128xi32, #tpu.memory_space<hbm>> -> memref<78x128xi32, #tpu.memory_space<hbm>>
        tpu.enqueue_dma source(%dma_start3A_256 : memref<78x128xi32, #tpu.memory_space<hbm>>) target(%dma_start3A_250 : memref<78x128xi32, #tpu.memory_space<vmem>>) target_semaphore(%run_scoped3A : memref<!tpu.dma_semaphore, #tpu.memory_space<semaphore_mem>>)
        %dma_wait3A = arith.constant 0 : i32
        %dma_wait3A_257 = arith.constant 0 : i32
        %dma_wait3A_258 = tpu.memref_slice %arg6[%dma_wait3A, %dma_wait3A_257] : memref<79x128xi32, #tpu.memory_space<vmem>> -> memref<78x128xi32, #tpu.memory_space<vmem>>
        %dma_wait3A_259 = arith.constant 0 : i32
        %dma_wait3A_260 = arith.constant 0 : i32
        %dma_wait3A_261 = tpu.memref_slice %arg3[%cond3A_16, %dma_wait3A_259, %dma_wait3A_260] : memref<2x2500x128xi32, #tpu.memory_space<hbm>> -> memref<1x2500x128xi32, #tpu.memory_space<hbm>>
        %dma_wait3A_262 = tpu.memref_squeeze %dma_wait3A_261 : memref<1x2500x128xi32, #tpu.memory_space<hbm>> -> memref<2500x128xi32, #tpu.memory_space<hbm>>
        %dma_wait3A_263 = arith.constant 0 : i32
        %dma_wait3A_264 = tpu.memref_slice %dma_wait3A_262[%add3A_10, %dma_wait3A_263] : memref<2500x128xi32, #tpu.memory_space<hbm>> -> memref<78x128xi32, #tpu.memory_space<hbm>>
        %dma_wait3A_265 = arith.constant 0 : i32
        %dma_wait3A_266 = arith.constant 0 : i32
        %dma_wait3A_267 = tpu.memref_slice %arg6[%dma_wait3A_265, %dma_wait3A_266] : memref<79x128xi32, #tpu.memory_space<vmem>> -> memref<78x128xi32, #tpu.memory_space<vmem>>
        %dma_wait3A_268 = arith.constant 0 : i32
        %dma_wait3A_269 = arith.constant 0 : i32
        %dma_wait3A_270 = tpu.memref_slice %arg3[%cond3A_16, %dma_wait3A_268, %dma_wait3A_269] : memref<2x2500x128xi32, #tpu.memory_space<hbm>> -> memref<1x2500x128xi32, #tpu.memory_space<hbm>>
        %dma_wait3A_271 = tpu.memref_squeeze %dma_wait3A_270 : memref<1x2500x128xi32, #tpu.memory_space<hbm>> -> memref<2500x128xi32, #tpu.memory_space<hbm>>
        %dma_wait3A_272 = arith.constant 0 : i32
        %dma_wait3A_273 = tpu.memref_slice %dma_wait3A_271[%add3A_10, %dma_wait3A_272] : memref<2500x128xi32, #tpu.memory_space<hbm>> -> memref<78x128xi32, #tpu.memory_space<hbm>>
        tpu.wait_dma2 semaphore(%run_scoped3A : memref<!tpu.dma_semaphore, #tpu.memory_space<semaphore_mem>>) src(%dma_wait3A_273 : memref<78x128xi32, #tpu.memory_space<hbm>>) dst(%dma_wait3A_267 : memref<78x128xi32, #tpu.memory_space<vmem>>)
        tpu.yield
      }) : () -> ()
    } else {
    }
    %lt3A_19 = arith.constant 4 : i32
    %lt3A_20 = arith.cmpi slt, %add3A, %lt3A_19 : i32
    %convert_element_type3A_21 = arith.extui %lt3A_20 : i1 to i32
    %cond3A_22 = arith.constant 1 : i32
    %cond3A_23 = arith.constant 0 : i32
    %cond3A_24 = arith.cmpi ne, %convert_element_type3A_21, %cond3A_23 : i32
    scf.if %cond3A_24 {
      "tpu.region"() ({
        %run_scoped3A = tpu.sem_alloc : memref<!tpu.dma_semaphore, #tpu.memory_space<semaphore_mem>>
        %dma_start3A_239 = arith.constant 0 : i32
        %dma_start3A_240 = arith.constant 0 : i32
        %dma_start3A_241 = tpu.memref_slice %arg3[%cond3A_22, %dma_start3A_239, %dma_start3A_240] : memref<2x2500x128xi32, #tpu.memory_space<hbm>> -> memref<1x2500x128xi32, #tpu.memory_space<hbm>>
        %dma_start3A_242 = tpu.memref_squeeze %dma_start3A_241 : memref<1x2500x128xi32, #tpu.memory_space<hbm>> -> memref<2500x128xi32, #tpu.memory_space<hbm>>
        %dma_start3A_243 = arith.constant 0 : i32
        %dma_start3A_244 = tpu.memref_slice %dma_start3A_242[%add3A_10, %dma_start3A_243] : memref<2500x128xi32, #tpu.memory_space<hbm>> -> memref<79x128xi32, #tpu.memory_space<hbm>>
        %dma_start3A_245 = arith.constant 0 : i32
        %dma_start3A_246 = arith.constant 0 : i32
        %dma_start3A_247 = tpu.memref_slice %arg3[%cond3A_22, %dma_start3A_245, %dma_start3A_246] : memref<2x2500x128xi32, #tpu.memory_space<hbm>> -> memref<1x2500x128xi32, #tpu.memory_space<hbm>>
        %dma_start3A_248 = tpu.memref_squeeze %dma_start3A_247 : memref<1x2500x128xi32, #tpu.memory_space<hbm>> -> memref<2500x128xi32, #tpu.memory_space<hbm>>
        %dma_start3A_249 = arith.constant 0 : i32
        %dma_start3A_250 = tpu.memref_slice %dma_start3A_248[%add3A_10, %dma_start3A_249] : memref<2500x128xi32, #tpu.memory_space<hbm>> -> memref<79x128xi32, #tpu.memory_space<hbm>>
        tpu.enqueue_dma source(%dma_start3A_250 : memref<79x128xi32, #tpu.memory_space<hbm>>) target(%arg7 : memref<79x128xi32, #tpu.memory_space<vmem>>) target_semaphore(%run_scoped3A : memref<!tpu.dma_semaphore, #tpu.memory_space<semaphore_mem>>)
        %dma_wait3A = arith.constant 0 : i32
        %dma_wait3A_251 = arith.constant 0 : i32
        %dma_wait3A_252 = tpu.memref_slice %arg3[%cond3A_22, %dma_wait3A, %dma_wait3A_251] : memref<2x2500x128xi32, #tpu.memory_space<hbm>> -> memref<1x2500x128xi32, #tpu.memory_space<hbm>>
        %dma_wait3A_253 = tpu.memref_squeeze %dma_wait3A_252 : memref<1x2500x128xi32, #tpu.memory_space<hbm>> -> memref<2500x128xi32, #tpu.memory_space<hbm>>
        %dma_wait3A_254 = arith.constant 0 : i32
        %dma_wait3A_255 = tpu.memref_slice %dma_wait3A_253[%add3A_10, %dma_wait3A_254] : memref<2500x128xi32, #tpu.memory_space<hbm>> -> memref<79x128xi32, #tpu.memory_space<hbm>>
        %dma_wait3A_256 = arith.constant 0 : i32
        %dma_wait3A_257 = arith.constant 0 : i32
        %dma_wait3A_258 = tpu.memref_slice %arg3[%cond3A_22, %dma_wait3A_256, %dma_wait3A_257] : memref<2x2500x128xi32, #tpu.memory_space<hbm>> -> memref<1x2500x128xi32, #tpu.memory_space<hbm>>
        %dma_wait3A_259 = tpu.memref_squeeze %dma_wait3A_258 : memref<1x2500x128xi32, #tpu.memory_space<hbm>> -> memref<2500x128xi32, #tpu.memory_space<hbm>>
        %dma_wait3A_260 = arith.constant 0 : i32
        %dma_wait3A_261 = tpu.memref_slice %dma_wait3A_259[%add3A_10, %dma_wait3A_260] : memref<2500x128xi32, #tpu.memory_space<hbm>> -> memref<79x128xi32, #tpu.memory_space<hbm>>
        tpu.wait_dma2 semaphore(%run_scoped3A : memref<!tpu.dma_semaphore, #tpu.memory_space<semaphore_mem>>) src(%dma_wait3A_261 : memref<79x128xi32, #tpu.memory_space<hbm>>) dst(%arg7 : memref<79x128xi32, #tpu.memory_space<vmem>>)
        tpu.yield
      }) : () -> ()
    } else {
    }
    %ge3A_25 = arith.constant 4 : i32
    %ge3A_26 = arith.cmpi sge, %add3A, %ge3A_25 : i32
    %convert_element_type3A_27 = arith.extui %ge3A_26 : i1 to i32
    %cond3A_28 = arith.constant 1 : i32
    %cond3A_29 = arith.constant 0 : i32
    %cond3A_30 = arith.cmpi ne, %convert_element_type3A_27, %cond3A_29 : i32
    scf.if %cond3A_30 {
      "tpu.region"() ({
        %run_scoped3A = tpu.sem_alloc : memref<!tpu.dma_semaphore, #tpu.memory_space<semaphore_mem>>
        %dma_start3A_239 = arith.constant 0 : i32
        %dma_start3A_240 = arith.constant 0 : i32
        %dma_start3A_241 = tpu.memref_slice %arg7[%dma_start3A_239, %dma_start3A_240] : memref<79x128xi32, #tpu.memory_space<vmem>> -> memref<78x128xi32, #tpu.memory_space<vmem>>
        %dma_start3A_242 = arith.constant 0 : i32
        %dma_start3A_243 = arith.constant 0 : i32
        %dma_start3A_244 = tpu.memref_slice %arg3[%cond3A_28, %dma_start3A_242, %dma_start3A_243] : memref<2x2500x128xi32, #tpu.memory_space<hbm>> -> memref<1x2500x128xi32, #tpu.memory_space<hbm>>
        %dma_start3A_245 = tpu.memref_squeeze %dma_start3A_244 : memref<1x2500x128xi32, #tpu.memory_space<hbm>> -> memref<2500x128xi32, #tpu.memory_space<hbm>>
        %dma_start3A_246 = arith.constant 0 : i32
        %dma_start3A_247 = tpu.memref_slice %dma_start3A_245[%add3A_10, %dma_start3A_246] : memref<2500x128xi32, #tpu.memory_space<hbm>> -> memref<78x128xi32, #tpu.memory_space<hbm>>
        %dma_start3A_248 = arith.constant 0 : i32
        %dma_start3A_249 = arith.constant 0 : i32
        %dma_start3A_250 = tpu.memref_slice %arg7[%dma_start3A_248, %dma_start3A_249] : memref<79x128xi32, #tpu.memory_space<vmem>> -> memref<78x128xi32, #tpu.memory_space<vmem>>
        %dma_start3A_251 = arith.constant 0 : i32
        %dma_start3A_252 = arith.constant 0 : i32
        %dma_start3A_253 = tpu.memref_slice %arg3[%cond3A_28, %dma_start3A_251, %dma_start3A_252] : memref<2x2500x128xi32, #tpu.memory_space<hbm>> -> memref<1x2500x128xi32, #tpu.memory_space<hbm>>
        %dma_start3A_254 = tpu.memref_squeeze %dma_start3A_253 : memref<1x2500x128xi32, #tpu.memory_space<hbm>> -> memref<2500x128xi32, #tpu.memory_space<hbm>>
        %dma_start3A_255 = arith.constant 0 : i32
        %dma_start3A_256 = tpu.memref_slice %dma_start3A_254[%add3A_10, %dma_start3A_255] : memref<2500x128xi32, #tpu.memory_space<hbm>> -> memref<78x128xi32, #tpu.memory_space<hbm>>
        tpu.enqueue_dma source(%dma_start3A_256 : memref<78x128xi32, #tpu.memory_space<hbm>>) target(%dma_start3A_250 : memref<78x128xi32, #tpu.memory_space<vmem>>) target_semaphore(%run_scoped3A : memref<!tpu.dma_semaphore, #tpu.memory_space<semaphore_mem>>)
        %dma_wait3A = arith.constant 0 : i32
        %dma_wait3A_257 = arith.constant 0 : i32
        %dma_wait3A_258 = tpu.memref_slice %arg7[%dma_wait3A, %dma_wait3A_257] : memref<79x128xi32, #tpu.memory_space<vmem>> -> memref<78x128xi32, #tpu.memory_space<vmem>>
        %dma_wait3A_259 = arith.constant 0 : i32
        %dma_wait3A_260 = arith.constant 0 : i32
        %dma_wait3A_261 = tpu.memref_slice %arg3[%cond3A_28, %dma_wait3A_259, %dma_wait3A_260] : memref<2x2500x128xi32, #tpu.memory_space<hbm>> -> memref<1x2500x128xi32, #tpu.memory_space<hbm>>
        %dma_wait3A_262 = tpu.memref_squeeze %dma_wait3A_261 : memref<1x2500x128xi32, #tpu.memory_space<hbm>> -> memref<2500x128xi32, #tpu.memory_space<hbm>>
        %dma_wait3A_263 = arith.constant 0 : i32
        %dma_wait3A_264 = tpu.memref_slice %dma_wait3A_262[%add3A_10, %dma_wait3A_263] : memref<2500x128xi32, #tpu.memory_space<hbm>> -> memref<78x128xi32, #tpu.memory_space<hbm>>
        %dma_wait3A_265 = arith.constant 0 : i32
        %dma_wait3A_266 = arith.constant 0 : i32
        %dma_wait3A_267 = tpu.memref_slice %arg7[%dma_wait3A_265, %dma_wait3A_266] : memref<79x128xi32, #tpu.memory_space<vmem>> -> memref<78x128xi32, #tpu.memory_space<vmem>>
        %dma_wait3A_268 = arith.constant 0 : i32
        %dma_wait3A_269 = arith.constant 0 : i32
        %dma_wait3A_270 = tpu.memref_slice %arg3[%cond3A_28, %dma_wait3A_268, %dma_wait3A_269] : memref<2x2500x128xi32, #tpu.memory_space<hbm>> -> memref<1x2500x128xi32, #tpu.memory_space<hbm>>
        %dma_wait3A_271 = tpu.memref_squeeze %dma_wait3A_270 : memref<1x2500x128xi32, #tpu.memory_space<hbm>> -> memref<2500x128xi32, #tpu.memory_space<hbm>>
        %dma_wait3A_272 = arith.constant 0 : i32
        %dma_wait3A_273 = tpu.memref_slice %dma_wait3A_271[%add3A_10, %dma_wait3A_272] : memref<2500x128xi32, #tpu.memory_space<hbm>> -> memref<78x128xi32, #tpu.memory_space<hbm>>
        tpu.wait_dma2 semaphore(%run_scoped3A : memref<!tpu.dma_semaphore, #tpu.memory_space<semaphore_mem>>) src(%dma_wait3A_273 : memref<78x128xi32, #tpu.memory_space<hbm>>) dst(%dma_wait3A_267 : memref<78x128xi32, #tpu.memory_space<vmem>>)
        tpu.yield
      }) : () -> ()
    } else {
    }
    %barrier3A = arith.constant 0 : index
    tpu.barrier barrier_id(%barrier3A)
    %dma_start3A = arith.constant 0 : i32
    %dma_start3A_31 = arith.constant 0 : i32
    %dma_start3A_32 = arith.constant 0 : i32
    %dma_start3A_33 = arith.constant 0 : i32
    %dma_start3A_34 = arith.constant 0 : i32
    %dma_start3A_35 = tpu.memref_slice %arg8[%dma_start3A_31, %dma_start3A_33, %dma_start3A_34] : memref<13x128x8xf32, #tpu.memory_space<vmem>> -> memref<1x128x8xf32, #tpu.memory_space<vmem>>
    %dma_start3A_36 = tpu.memref_squeeze %dma_start3A_35 : memref<1x128x8xf32, #tpu.memory_space<vmem>> -> memref<128x8xf32, #tpu.memory_space<vmem>>
    %dma_start3A_37 = arith.constant 0 : i32
    %dma_start3A_38 = tpu.memref_slice %arg6[%dma_start3A, %dma_start3A_37] : memref<79x128xi32, #tpu.memory_space<vmem>> -> memref<1x128xi32, #tpu.memory_space<vmem>>
    %dma_start3A_39 = tpu.memref_squeeze %dma_start3A_38 : memref<1x128xi32, #tpu.memory_space<vmem>> -> memref<128xi32, #tpu.memory_space<vmem>>
    %dma_start3A_40 = arith.constant 0 : i32
    %dma_start3A_41 = arith.constant 0 : i32
    %dma_start3A_42 = tpu.memref_slice %arg10[%dma_start3A_40, %dma_start3A_41] : memref<10000x8xf32, #tpu.memory_space<vmem_shared>> -> memref<10000x8xf32, #tpu.memory_space<vmem_shared>>
    %dma_start3A_43 = tpu.memref_slice %arg11[%dma_start3A_32] : memref<13x!tpu.dma_semaphore, #tpu.memory_space<semaphore_mem>> -> memref<1x!tpu.dma_semaphore, #tpu.memory_space<semaphore_mem>>
    %dma_start3A_44 = tpu.memref_squeeze %dma_start3A_43 : memref<1x!tpu.dma_semaphore, #tpu.memory_space<semaphore_mem>> -> memref<!tpu.dma_semaphore, #tpu.memory_space<semaphore_mem>>
    tpu.enqueue_indirect_dma source(%dma_start3A_42 : memref<10000x8xf32, #tpu.memory_space<vmem_shared>>) target(%dma_start3A_36 : memref<128x8xf32, #tpu.memory_space<vmem>>) offsets(%dma_start3A_39 : memref<128xi32, #tpu.memory_space<vmem>>) semaphore(%dma_start3A_44 : memref<!tpu.dma_semaphore, #tpu.memory_space<semaphore_mem>>)
    %dma_start3A_45 = arith.constant 1 : i32
    %dma_start3A_46 = arith.constant 1 : i32
    %dma_start3A_47 = arith.constant 1 : i32
    %dma_start3A_48 = arith.constant 0 : i32
    %dma_start3A_49 = arith.constant 0 : i32
    %dma_start3A_50 = tpu.memref_slice %arg8[%dma_start3A_46, %dma_start3A_48, %dma_start3A_49] : memref<13x128x8xf32, #tpu.memory_space<vmem>> -> memref<1x128x8xf32, #tpu.memory_space<vmem>>
    %dma_start3A_51 = tpu.memref_squeeze %dma_start3A_50 : memref<1x128x8xf32, #tpu.memory_space<vmem>> -> memref<128x8xf32, #tpu.memory_space<vmem>>
    %dma_start3A_52 = arith.constant 0 : i32
    %dma_start3A_53 = tpu.memref_slice %arg6[%dma_start3A_45, %dma_start3A_52] : memref<79x128xi32, #tpu.memory_space<vmem>> -> memref<1x128xi32, #tpu.memory_space<vmem>>
    %dma_start3A_54 = tpu.memref_squeeze %dma_start3A_53 : memref<1x128xi32, #tpu.memory_space<vmem>> -> memref<128xi32, #tpu.memory_space<vmem>>
    %dma_start3A_55 = arith.constant 0 : i32
    %dma_start3A_56 = arith.constant 0 : i32
    %dma_start3A_57 = tpu.memref_slice %arg10[%dma_start3A_55, %dma_start3A_56] : memref<10000x8xf32, #tpu.memory_space<vmem_shared>> -> memref<10000x8xf32, #tpu.memory_space<vmem_shared>>
    %dma_start3A_58 = tpu.memref_slice %arg11[%dma_start3A_47] : memref<13x!tpu.dma_semaphore, #tpu.memory_space<semaphore_mem>> -> memref<1x!tpu.dma_semaphore, #tpu.memory_space<semaphore_mem>>
    %dma_start3A_59 = tpu.memref_squeeze %dma_start3A_58 : memref<1x!tpu.dma_semaphore, #tpu.memory_space<semaphore_mem>> -> memref<!tpu.dma_semaphore, #tpu.memory_space<semaphore_mem>>
    tpu.enqueue_indirect_dma source(%dma_start3A_57 : memref<10000x8xf32, #tpu.memory_space<vmem_shared>>) target(%dma_start3A_51 : memref<128x8xf32, #tpu.memory_space<vmem>>) offsets(%dma_start3A_54 : memref<128xi32, #tpu.memory_space<vmem>>) semaphore(%dma_start3A_59 : memref<!tpu.dma_semaphore, #tpu.memory_space<semaphore_mem>>)
    %dma_start3A_60 = arith.constant 2 : i32
    %dma_start3A_61 = arith.constant 2 : i32
    %dma_start3A_62 = arith.constant 2 : i32
    %dma_start3A_63 = arith.constant 0 : i32
    %dma_start3A_64 = arith.constant 0 : i32
    %dma_start3A_65 = tpu.memref_slice %arg8[%dma_start3A_61, %dma_start3A_63, %dma_start3A_64] : memref<13x128x8xf32, #tpu.memory_space<vmem>> -> memref<1x128x8xf32, #tpu.memory_space<vmem>>
    %dma_start3A_66 = tpu.memref_squeeze %dma_start3A_65 : memref<1x128x8xf32, #tpu.memory_space<vmem>> -> memref<128x8xf32, #tpu.memory_space<vmem>>
    %dma_start3A_67 = arith.constant 0 : i32
    %dma_start3A_68 = tpu.memref_slice %arg6[%dma_start3A_60, %dma_start3A_67] : memref<79x128xi32, #tpu.memory_space<vmem>> -> memref<1x128xi32, #tpu.memory_space<vmem>>
    %dma_start3A_69 = tpu.memref_squeeze %dma_start3A_68 : memref<1x128xi32, #tpu.memory_space<vmem>> -> memref<128xi32, #tpu.memory_space<vmem>>
    %dma_start3A_70 = arith.constant 0 : i32
    %dma_start3A_71 = arith.constant 0 : i32
    %dma_start3A_72 = tpu.memref_slice %arg10[%dma_start3A_70, %dma_start3A_71] : memref<10000x8xf32, #tpu.memory_space<vmem_shared>> -> memref<10000x8xf32, #tpu.memory_space<vmem_shared>>
    %dma_start3A_73 = tpu.memref_slice %arg11[%dma_start3A_62] : memref<13x!tpu.dma_semaphore, #tpu.memory_space<semaphore_mem>> -> memref<1x!tpu.dma_semaphore, #tpu.memory_space<semaphore_mem>>
    %dma_start3A_74 = tpu.memref_squeeze %dma_start3A_73 : memref<1x!tpu.dma_semaphore, #tpu.memory_space<semaphore_mem>> -> memref<!tpu.dma_semaphore, #tpu.memory_space<semaphore_mem>>
    tpu.enqueue_indirect_dma source(%dma_start3A_72 : memref<10000x8xf32, #tpu.memory_space<vmem_shared>>) target(%dma_start3A_66 : memref<128x8xf32, #tpu.memory_space<vmem>>) offsets(%dma_start3A_69 : memref<128xi32, #tpu.memory_space<vmem>>) semaphore(%dma_start3A_74 : memref<!tpu.dma_semaphore, #tpu.memory_space<semaphore_mem>>)
    %dma_start3A_75 = arith.constant 3 : i32
    %dma_start3A_76 = arith.constant 3 : i32
    %dma_start3A_77 = arith.constant 3 : i32
    %dma_start3A_78 = arith.constant 0 : i32
    %dma_start3A_79 = arith.constant 0 : i32
    %dma_start3A_80 = tpu.memref_slice %arg8[%dma_start3A_76, %dma_start3A_78, %dma_start3A_79] : memref<13x128x8xf32, #tpu.memory_space<vmem>> -> memref<1x128x8xf32, #tpu.memory_space<vmem>>
    %dma_start3A_81 = tpu.memref_squeeze %dma_start3A_80 : memref<1x128x8xf32, #tpu.memory_space<vmem>> -> memref<128x8xf32, #tpu.memory_space<vmem>>
    %dma_start3A_82 = arith.constant 0 : i32
    %dma_start3A_83 = tpu.memref_slice %arg6[%dma_start3A_75, %dma_start3A_82] : memref<79x128xi32, #tpu.memory_space<vmem>> -> memref<1x128xi32, #tpu.memory_space<vmem>>
    %dma_start3A_84 = tpu.memref_squeeze %dma_start3A_83 : memref<1x128xi32, #tpu.memory_space<vmem>> -> memref<128xi32, #tpu.memory_space<vmem>>
    %dma_start3A_85 = arith.constant 0 : i32
    %dma_start3A_86 = arith.constant 0 : i32
    %dma_start3A_87 = tpu.memref_slice %arg10[%dma_start3A_85, %dma_start3A_86] : memref<10000x8xf32, #tpu.memory_space<vmem_shared>> -> memref<10000x8xf32, #tpu.memory_space<vmem_shared>>
    %dma_start3A_88 = tpu.memref_slice %arg11[%dma_start3A_77] : memref<13x!tpu.dma_semaphore, #tpu.memory_space<semaphore_mem>> -> memref<1x!tpu.dma_semaphore, #tpu.memory_space<semaphore_mem>>
    %dma_start3A_89 = tpu.memref_squeeze %dma_start3A_88 : memref<1x!tpu.dma_semaphore, #tpu.memory_space<semaphore_mem>> -> memref<!tpu.dma_semaphore, #tpu.memory_space<semaphore_mem>>
    tpu.enqueue_indirect_dma source(%dma_start3A_87 : memref<10000x8xf32, #tpu.memory_space<vmem_shared>>) target(%dma_start3A_81 : memref<128x8xf32, #tpu.memory_space<vmem>>) offsets(%dma_start3A_84 : memref<128xi32, #tpu.memory_space<vmem>>) semaphore(%dma_start3A_89 : memref<!tpu.dma_semaphore, #tpu.memory_space<semaphore_mem>>)
    %dma_start3A_90 = arith.constant 4 : i32
    %dma_start3A_91 = arith.constant 4 : i32
    %dma_start3A_92 = arith.constant 4 : i32
    %dma_start3A_93 = arith.constant 0 : i32
    %dma_start3A_94 = arith.constant 0 : i32
    %dma_start3A_95 = tpu.memref_slice %arg8[%dma_start3A_91, %dma_start3A_93, %dma_start3A_94] : memref<13x128x8xf32, #tpu.memory_space<vmem>> -> memref<1x128x8xf32, #tpu.memory_space<vmem>>
    %dma_start3A_96 = tpu.memref_squeeze %dma_start3A_95 : memref<1x128x8xf32, #tpu.memory_space<vmem>> -> memref<128x8xf32, #tpu.memory_space<vmem>>
    %dma_start3A_97 = arith.constant 0 : i32
    %dma_start3A_98 = tpu.memref_slice %arg6[%dma_start3A_90, %dma_start3A_97] : memref<79x128xi32, #tpu.memory_space<vmem>> -> memref<1x128xi32, #tpu.memory_space<vmem>>
    %dma_start3A_99 = tpu.memref_squeeze %dma_start3A_98 : memref<1x128xi32, #tpu.memory_space<vmem>> -> memref<128xi32, #tpu.memory_space<vmem>>
    %dma_start3A_100 = arith.constant 0 : i32
    %dma_start3A_101 = arith.constant 0 : i32
    %dma_start3A_102 = tpu.memref_slice %arg10[%dma_start3A_100, %dma_start3A_101] : memref<10000x8xf32, #tpu.memory_space<vmem_shared>> -> memref<10000x8xf32, #tpu.memory_space<vmem_shared>>
    %dma_start3A_103 = tpu.memref_slice %arg11[%dma_start3A_92] : memref<13x!tpu.dma_semaphore, #tpu.memory_space<semaphore_mem>> -> memref<1x!tpu.dma_semaphore, #tpu.memory_space<semaphore_mem>>
    %dma_start3A_104 = tpu.memref_squeeze %dma_start3A_103 : memref<1x!tpu.dma_semaphore, #tpu.memory_space<semaphore_mem>> -> memref<!tpu.dma_semaphore, #tpu.memory_space<semaphore_mem>>
    tpu.enqueue_indirect_dma source(%dma_start3A_102 : memref<10000x8xf32, #tpu.memory_space<vmem_shared>>) target(%dma_start3A_96 : memref<128x8xf32, #tpu.memory_space<vmem>>) offsets(%dma_start3A_99 : memref<128xi32, #tpu.memory_space<vmem>>) semaphore(%dma_start3A_104 : memref<!tpu.dma_semaphore, #tpu.memory_space<semaphore_mem>>)
    %dma_start3A_105 = arith.constant 5 : i32
    %dma_start3A_106 = arith.constant 5 : i32
    %dma_start3A_107 = arith.constant 5 : i32
    %dma_start3A_108 = arith.constant 0 : i32
    %dma_start3A_109 = arith.constant 0 : i32
    %dma_start3A_110 = tpu.memref_slice %arg8[%dma_start3A_106, %dma_start3A_108, %dma_start3A_109] : memref<13x128x8xf32, #tpu.memory_space<vmem>> -> memref<1x128x8xf32, #tpu.memory_space<vmem>>
    %dma_start3A_111 = tpu.memref_squeeze %dma_start3A_110 : memref<1x128x8xf32, #tpu.memory_space<vmem>> -> memref<128x8xf32, #tpu.memory_space<vmem>>
    %dma_start3A_112 = arith.constant 0 : i32
    %dma_start3A_113 = tpu.memref_slice %arg6[%dma_start3A_105, %dma_start3A_112] : memref<79x128xi32, #tpu.memory_space<vmem>> -> memref<1x128xi32, #tpu.memory_space<vmem>>
    %dma_start3A_114 = tpu.memref_squeeze %dma_start3A_113 : memref<1x128xi32, #tpu.memory_space<vmem>> -> memref<128xi32, #tpu.memory_space<vmem>>
    %dma_start3A_115 = arith.constant 0 : i32
    %dma_start3A_116 = arith.constant 0 : i32
    %dma_start3A_117 = tpu.memref_slice %arg10[%dma_start3A_115, %dma_start3A_116] : memref<10000x8xf32, #tpu.memory_space<vmem_shared>> -> memref<10000x8xf32, #tpu.memory_space<vmem_shared>>
    %dma_start3A_118 = tpu.memref_slice %arg11[%dma_start3A_107] : memref<13x!tpu.dma_semaphore, #tpu.memory_space<semaphore_mem>> -> memref<1x!tpu.dma_semaphore, #tpu.memory_space<semaphore_mem>>
    %dma_start3A_119 = tpu.memref_squeeze %dma_start3A_118 : memref<1x!tpu.dma_semaphore, #tpu.memory_space<semaphore_mem>> -> memref<!tpu.dma_semaphore, #tpu.memory_space<semaphore_mem>>
    tpu.enqueue_indirect_dma source(%dma_start3A_117 : memref<10000x8xf32, #tpu.memory_space<vmem_shared>>) target(%dma_start3A_111 : memref<128x8xf32, #tpu.memory_space<vmem>>) offsets(%dma_start3A_114 : memref<128xi32, #tpu.memory_space<vmem>>) semaphore(%dma_start3A_119 : memref<!tpu.dma_semaphore, #tpu.memory_space<semaphore_mem>>)
    %dma_start3A_120 = arith.constant 6 : i32
    %dma_start3A_121 = arith.constant 6 : i32
    %dma_start3A_122 = arith.constant 6 : i32
    %dma_start3A_123 = arith.constant 0 : i32
    %dma_start3A_124 = arith.constant 0 : i32
    %dma_start3A_125 = tpu.memref_slice %arg8[%dma_start3A_121, %dma_start3A_123, %dma_start3A_124] : memref<13x128x8xf32, #tpu.memory_space<vmem>> -> memref<1x128x8xf32, #tpu.memory_space<vmem>>
    %dma_start3A_126 = tpu.memref_squeeze %dma_start3A_125 : memref<1x128x8xf32, #tpu.memory_space<vmem>> -> memref<128x8xf32, #tpu.memory_space<vmem>>
    %dma_start3A_127 = arith.constant 0 : i32
    %dma_start3A_128 = tpu.memref_slice %arg6[%dma_start3A_120, %dma_start3A_127] : memref<79x128xi32, #tpu.memory_space<vmem>> -> memref<1x128xi32, #tpu.memory_space<vmem>>
    %dma_start3A_129 = tpu.memref_squeeze %dma_start3A_128 : memref<1x128xi32, #tpu.memory_space<vmem>> -> memref<128xi32, #tpu.memory_space<vmem>>
    %dma_start3A_130 = arith.constant 0 : i32
    %dma_start3A_131 = arith.constant 0 : i32
    %dma_start3A_132 = tpu.memref_slice %arg10[%dma_start3A_130, %dma_start3A_131] : memref<10000x8xf32, #tpu.memory_space<vmem_shared>> -> memref<10000x8xf32, #tpu.memory_space<vmem_shared>>
    %dma_start3A_133 = tpu.memref_slice %arg11[%dma_start3A_122] : memref<13x!tpu.dma_semaphore, #tpu.memory_space<semaphore_mem>> -> memref<1x!tpu.dma_semaphore, #tpu.memory_space<semaphore_mem>>
    %dma_start3A_134 = tpu.memref_squeeze %dma_start3A_133 : memref<1x!tpu.dma_semaphore, #tpu.memory_space<semaphore_mem>> -> memref<!tpu.dma_semaphore, #tpu.memory_space<semaphore_mem>>
    tpu.enqueue_indirect_dma source(%dma_start3A_132 : memref<10000x8xf32, #tpu.memory_space<vmem_shared>>) target(%dma_start3A_126 : memref<128x8xf32, #tpu.memory_space<vmem>>) offsets(%dma_start3A_129 : memref<128xi32, #tpu.memory_space<vmem>>) semaphore(%dma_start3A_134 : memref<!tpu.dma_semaphore, #tpu.memory_space<semaphore_mem>>)
    %dma_start3A_135 = arith.constant 7 : i32
    %dma_start3A_136 = arith.constant 7 : i32
    %dma_start3A_137 = arith.constant 7 : i32
    %dma_start3A_138 = arith.constant 0 : i32
    %dma_start3A_139 = arith.constant 0 : i32
    %dma_start3A_140 = tpu.memref_slice %arg8[%dma_start3A_136, %dma_start3A_138, %dma_start3A_139] : memref<13x128x8xf32, #tpu.memory_space<vmem>> -> memref<1x128x8xf32, #tpu.memory_space<vmem>>
    %dma_start3A_141 = tpu.memref_squeeze %dma_start3A_140 : memref<1x128x8xf32, #tpu.memory_space<vmem>> -> memref<128x8xf32, #tpu.memory_space<vmem>>
    %dma_start3A_142 = arith.constant 0 : i32
    %dma_start3A_143 = tpu.memref_slice %arg6[%dma_start3A_135, %dma_start3A_142] : memref<79x128xi32, #tpu.memory_space<vmem>> -> memref<1x128xi32, #tpu.memory_space<vmem>>
    %dma_start3A_144 = tpu.memref_squeeze %dma_start3A_143 : memref<1x128xi32, #tpu.memory_space<vmem>> -> memref<128xi32, #tpu.memory_space<vmem>>
    %dma_start3A_145 = arith.constant 0 : i32
    %dma_start3A_146 = arith.constant 0 : i32
    %dma_start3A_147 = tpu.memref_slice %arg10[%dma_start3A_145, %dma_start3A_146] : memref<10000x8xf32, #tpu.memory_space<vmem_shared>> -> memref<10000x8xf32, #tpu.memory_space<vmem_shared>>
    %dma_start3A_148 = tpu.memref_slice %arg11[%dma_start3A_137] : memref<13x!tpu.dma_semaphore, #tpu.memory_space<semaphore_mem>> -> memref<1x!tpu.dma_semaphore, #tpu.memory_space<semaphore_mem>>
    %dma_start3A_149 = tpu.memref_squeeze %dma_start3A_148 : memref<1x!tpu.dma_semaphore, #tpu.memory_space<semaphore_mem>> -> memref<!tpu.dma_semaphore, #tpu.memory_space<semaphore_mem>>
    tpu.enqueue_indirect_dma source(%dma_start3A_147 : memref<10000x8xf32, #tpu.memory_space<vmem_shared>>) target(%dma_start3A_141 : memref<128x8xf32, #tpu.memory_space<vmem>>) offsets(%dma_start3A_144 : memref<128xi32, #tpu.memory_space<vmem>>) semaphore(%dma_start3A_149 : memref<!tpu.dma_semaphore, #tpu.memory_space<semaphore_mem>>)
    %dma_start3A_150 = arith.constant 8 : i32
    %dma_start3A_151 = arith.constant 8 : i32
    %dma_start3A_152 = arith.constant 8 : i32
    %dma_start3A_153 = arith.constant 0 : i32
    %dma_start3A_154 = arith.constant 0 : i32
    %dma_start3A_155 = tpu.memref_slice %arg8[%dma_start3A_151, %dma_start3A_153, %dma_start3A_154] : memref<13x128x8xf32, #tpu.memory_space<vmem>> -> memref<1x128x8xf32, #tpu.memory_space<vmem>>
    %dma_start3A_156 = tpu.memref_squeeze %dma_start3A_155 : memref<1x128x8xf32, #tpu.memory_space<vmem>> -> memref<128x8xf32, #tpu.memory_space<vmem>>
    %dma_start3A_157 = arith.constant 0 : i32
    %dma_start3A_158 = tpu.memref_slice %arg6[%dma_start3A_150, %dma_start3A_157] : memref<79x128xi32, #tpu.memory_space<vmem>> -> memref<1x128xi32, #tpu.memory_space<vmem>>
    %dma_start3A_159 = tpu.memref_squeeze %dma_start3A_158 : memref<1x128xi32, #tpu.memory_space<vmem>> -> memref<128xi32, #tpu.memory_space<vmem>>
    %dma_start3A_160 = arith.constant 0 : i32
    %dma_start3A_161 = arith.constant 0 : i32
    %dma_start3A_162 = tpu.memref_slice %arg10[%dma_start3A_160, %dma_start3A_161] : memref<10000x8xf32, #tpu.memory_space<vmem_shared>> -> memref<10000x8xf32, #tpu.memory_space<vmem_shared>>
    %dma_start3A_163 = tpu.memref_slice %arg11[%dma_start3A_152] : memref<13x!tpu.dma_semaphore, #tpu.memory_space<semaphore_mem>> -> memref<1x!tpu.dma_semaphore, #tpu.memory_space<semaphore_mem>>
    %dma_start3A_164 = tpu.memref_squeeze %dma_start3A_163 : memref<1x!tpu.dma_semaphore, #tpu.memory_space<semaphore_mem>> -> memref<!tpu.dma_semaphore, #tpu.memory_space<semaphore_mem>>
    tpu.enqueue_indirect_dma source(%dma_start3A_162 : memref<10000x8xf32, #tpu.memory_space<vmem_shared>>) target(%dma_start3A_156 : memref<128x8xf32, #tpu.memory_space<vmem>>) offsets(%dma_start3A_159 : memref<128xi32, #tpu.memory_space<vmem>>) semaphore(%dma_start3A_164 : memref<!tpu.dma_semaphore, #tpu.memory_space<semaphore_mem>>)
    %dma_start3A_165 = arith.constant 9 : i32
    %dma_start3A_166 = arith.constant 9 : i32
    %dma_start3A_167 = arith.constant 9 : i32
    %dma_start3A_168 = arith.constant 0 : i32
    %dma_start3A_169 = arith.constant 0 : i32
    %dma_start3A_170 = tpu.memref_slice %arg8[%dma_start3A_166, %dma_start3A_168, %dma_start3A_169] : memref<13x128x8xf32, #tpu.memory_space<vmem>> -> memref<1x128x8xf32, #tpu.memory_space<vmem>>
    %dma_start3A_171 = tpu.memref_squeeze %dma_start3A_170 : memref<1x128x8xf32, #tpu.memory_space<vmem>> -> memref<128x8xf32, #tpu.memory_space<vmem>>
    %dma_start3A_172 = arith.constant 0 : i32
    %dma_start3A_173 = tpu.memref_slice %arg6[%dma_start3A_165, %dma_start3A_172] : memref<79x128xi32, #tpu.memory_space<vmem>> -> memref<1x128xi32, #tpu.memory_space<vmem>>
    %dma_start3A_174 = tpu.memref_squeeze %dma_start3A_173 : memref<1x128xi32, #tpu.memory_space<vmem>> -> memref<128xi32, #tpu.memory_space<vmem>>
    %dma_start3A_175 = arith.constant 0 : i32
    %dma_start3A_176 = arith.constant 0 : i32
    %dma_start3A_177 = tpu.memref_slice %arg10[%dma_start3A_175, %dma_start3A_176] : memref<10000x8xf32, #tpu.memory_space<vmem_shared>> -> memref<10000x8xf32, #tpu.memory_space<vmem_shared>>
    %dma_start3A_178 = tpu.memref_slice %arg11[%dma_start3A_167] : memref<13x!tpu.dma_semaphore, #tpu.memory_space<semaphore_mem>> -> memref<1x!tpu.dma_semaphore, #tpu.memory_space<semaphore_mem>>
    %dma_start3A_179 = tpu.memref_squeeze %dma_start3A_178 : memref<1x!tpu.dma_semaphore, #tpu.memory_space<semaphore_mem>> -> memref<!tpu.dma_semaphore, #tpu.memory_space<semaphore_mem>>
    tpu.enqueue_indirect_dma source(%dma_start3A_177 : memref<10000x8xf32, #tpu.memory_space<vmem_shared>>) target(%dma_start3A_171 : memref<128x8xf32, #tpu.memory_space<vmem>>) offsets(%dma_start3A_174 : memref<128xi32, #tpu.memory_space<vmem>>) semaphore(%dma_start3A_179 : memref<!tpu.dma_semaphore, #tpu.memory_space<semaphore_mem>>)
    %dma_start3A_180 = arith.constant 10 : i32
    %dma_start3A_181 = arith.constant 10 : i32
    %dma_start3A_182 = arith.constant 10 : i32
    %dma_start3A_183 = arith.constant 0 : i32
    %dma_start3A_184 = arith.constant 0 : i32
    %dma_start3A_185 = tpu.memref_slice %arg8[%dma_start3A_181, %dma_start3A_183, %dma_start3A_184] : memref<13x128x8xf32, #tpu.memory_space<vmem>> -> memref<1x128x8xf32, #tpu.memory_space<vmem>>
    %dma_start3A_186 = tpu.memref_squeeze %dma_start3A_185 : memref<1x128x8xf32, #tpu.memory_space<vmem>> -> memref<128x8xf32, #tpu.memory_space<vmem>>
    %dma_start3A_187 = arith.constant 0 : i32
    %dma_start3A_188 = tpu.memref_slice %arg6[%dma_start3A_180, %dma_start3A_187] : memref<79x128xi32, #tpu.memory_space<vmem>> -> memref<1x128xi32, #tpu.memory_space<vmem>>
    %dma_start3A_189 = tpu.memref_squeeze %dma_start3A_188 : memref<1x128xi32, #tpu.memory_space<vmem>> -> memref<128xi32, #tpu.memory_space<vmem>>
    %dma_start3A_190 = arith.constant 0 : i32
    %dma_start3A_191 = arith.constant 0 : i32
    %dma_start3A_192 = tpu.memref_slice %arg10[%dma_start3A_190, %dma_start3A_191] : memref<10000x8xf32, #tpu.memory_space<vmem_shared>> -> memref<10000x8xf32, #tpu.memory_space<vmem_shared>>
    %dma_start3A_193 = tpu.memref_slice %arg11[%dma_start3A_182] : memref<13x!tpu.dma_semaphore, #tpu.memory_space<semaphore_mem>> -> memref<1x!tpu.dma_semaphore, #tpu.memory_space<semaphore_mem>>
    %dma_start3A_194 = tpu.memref_squeeze %dma_start3A_193 : memref<1x!tpu.dma_semaphore, #tpu.memory_space<semaphore_mem>> -> memref<!tpu.dma_semaphore, #tpu.memory_space<semaphore_mem>>
    tpu.enqueue_indirect_dma source(%dma_start3A_192 : memref<10000x8xf32, #tpu.memory_space<vmem_shared>>) target(%dma_start3A_186 : memref<128x8xf32, #tpu.memory_space<vmem>>) offsets(%dma_start3A_189 : memref<128xi32, #tpu.memory_space<vmem>>) semaphore(%dma_start3A_194 : memref<!tpu.dma_semaphore, #tpu.memory_space<semaphore_mem>>)
    %dma_start3A_195 = arith.constant 11 : i32
    %dma_start3A_196 = arith.constant 11 : i32
    %dma_start3A_197 = arith.constant 11 : i32
    %dma_start3A_198 = arith.constant 0 : i32
    %dma_start3A_199 = arith.constant 0 : i32
    %dma_start3A_200 = tpu.memref_slice %arg8[%dma_start3A_196, %dma_start3A_198, %dma_start3A_199] : memref<13x128x8xf32, #tpu.memory_space<vmem>> -> memref<1x128x8xf32, #tpu.memory_space<vmem>>
    %dma_start3A_201 = tpu.memref_squeeze %dma_start3A_200 : memref<1x128x8xf32, #tpu.memory_space<vmem>> -> memref<128x8xf32, #tpu.memory_space<vmem>>
    %dma_start3A_202 = arith.constant 0 : i32
    %dma_start3A_203 = tpu.memref_slice %arg6[%dma_start3A_195, %dma_start3A_202] : memref<79x128xi32, #tpu.memory_space<vmem>> -> memref<1x128xi32, #tpu.memory_space<vmem>>
    %dma_start3A_204 = tpu.memref_squeeze %dma_start3A_203 : memref<1x128xi32, #tpu.memory_space<vmem>> -> memref<128xi32, #tpu.memory_space<vmem>>
    %dma_start3A_205 = arith.constant 0 : i32
    %dma_start3A_206 = arith.constant 0 : i32
    %dma_start3A_207 = tpu.memref_slice %arg10[%dma_start3A_205, %dma_start3A_206] : memref<10000x8xf32, #tpu.memory_space<vmem_shared>> -> memref<10000x8xf32, #tpu.memory_space<vmem_shared>>
    %dma_start3A_208 = tpu.memref_slice %arg11[%dma_start3A_197] : memref<13x!tpu.dma_semaphore, #tpu.memory_space<semaphore_mem>> -> memref<1x!tpu.dma_semaphore, #tpu.memory_space<semaphore_mem>>
    %dma_start3A_209 = tpu.memref_squeeze %dma_start3A_208 : memref<1x!tpu.dma_semaphore, #tpu.memory_space<semaphore_mem>> -> memref<!tpu.dma_semaphore, #tpu.memory_space<semaphore_mem>>
    tpu.enqueue_indirect_dma source(%dma_start3A_207 : memref<10000x8xf32, #tpu.memory_space<vmem_shared>>) target(%dma_start3A_201 : memref<128x8xf32, #tpu.memory_space<vmem>>) offsets(%dma_start3A_204 : memref<128xi32, #tpu.memory_space<vmem>>) semaphore(%dma_start3A_209 : memref<!tpu.dma_semaphore, #tpu.memory_space<semaphore_mem>>)
    %dma_start3A_210 = arith.constant 12 : i32
    %dma_start3A_211 = arith.constant 12 : i32
    %dma_start3A_212 = arith.constant 12 : i32
    %dma_start3A_213 = arith.constant 0 : i32
    %dma_start3A_214 = arith.constant 0 : i32
    %dma_start3A_215 = tpu.memref_slice %arg8[%dma_start3A_211, %dma_start3A_213, %dma_start3A_214] : memref<13x128x8xf32, #tpu.memory_space<vmem>> -> memref<1x128x8xf32, #tpu.memory_space<vmem>>
    %dma_start3A_216 = tpu.memref_squeeze %dma_start3A_215 : memref<1x128x8xf32, #tpu.memory_space<vmem>> -> memref<128x8xf32, #tpu.memory_space<vmem>>
    %dma_start3A_217 = arith.constant 0 : i32
    %dma_start3A_218 = tpu.memref_slice %arg6[%dma_start3A_210, %dma_start3A_217] : memref<79x128xi32, #tpu.memory_space<vmem>> -> memref<1x128xi32, #tpu.memory_space<vmem>>
    %dma_start3A_219 = tpu.memref_squeeze %dma_start3A_218 : memref<1x128xi32, #tpu.memory_space<vmem>> -> memref<128xi32, #tpu.memory_space<vmem>>
    %dma_start3A_220 = arith.constant 0 : i32
    %dma_start3A_221 = arith.constant 0 : i32
    %dma_start3A_222 = tpu.memref_slice %arg10[%dma_start3A_220, %dma_start3A_221] : memref<10000x8xf32, #tpu.memory_space<vmem_shared>> -> memref<10000x8xf32, #tpu.memory_space<vmem_shared>>
    %dma_start3A_223 = tpu.memref_slice %arg11[%dma_start3A_212] : memref<13x!tpu.dma_semaphore, #tpu.memory_space<semaphore_mem>> -> memref<1x!tpu.dma_semaphore, #tpu.memory_space<semaphore_mem>>
    %dma_start3A_224 = tpu.memref_squeeze %dma_start3A_223 : memref<1x!tpu.dma_semaphore, #tpu.memory_space<semaphore_mem>> -> memref<!tpu.dma_semaphore, #tpu.memory_space<semaphore_mem>>
    tpu.enqueue_indirect_dma source(%dma_start3A_222 : memref<10000x8xf32, #tpu.memory_space<vmem_shared>>) target(%dma_start3A_216 : memref<128x8xf32, #tpu.memory_space<vmem>>) offsets(%dma_start3A_219 : memref<128xi32, #tpu.memory_space<vmem>>) semaphore(%dma_start3A_224 : memref<!tpu.dma_semaphore, #tpu.memory_space<semaphore_mem>>)
    %scan3A = arith.constant 0 : i32
    %scan3A_225 = arith.constant 6 : i32
    %scan3A_226 = arith.addi %scan3A, %scan3A_225 : i32
    %scan3A_227 = arith.constant 1 : i32
    scf.for %scan3A_239 = %scan3A to %scan3A_226 step %scan3A_227  : i32 {
      %mul3A_240 = arith.constant 13 : i32
      %mul3A_241 = arith.muli %scan3A_239, %mul3A_240 : i32
      %add3A_242 = arith.constant 0 : i32
      %add3A_243 = arith.addi %add3A_242, %mul3A_241 : i32
      %add3A_244 = arith.constant 0 : i32
      %add3A_245 = arith.addi %add3A_243, %add3A_244 : i32
      %dma_wait3A = arith.constant 0 : i32
      %dma_wait3A_246 = arith.constant 0 : i32
      %dma_wait3A_247 = arith.constant 0 : i32
      %dma_wait3A_248 = arith.constant 0 : i32
      %dma_wait3A_249 = tpu.memref_slice %arg8[%dma_wait3A, %dma_wait3A_247, %dma_wait3A_248] : memref<13x128x8xf32, #tpu.memory_space<vmem>> -> memref<1x128x8xf32, #tpu.memory_space<vmem>>
      %dma_wait3A_250 = tpu.memref_squeeze %dma_wait3A_249 : memref<1x128x8xf32, #tpu.memory_space<vmem>> -> memref<128x8xf32, #tpu.memory_space<vmem>>
      %dma_wait3A_251 = arith.constant 0 : i32
      %dma_wait3A_252 = tpu.memref_slice %arg6[%add3A_245, %dma_wait3A_251] : memref<79x128xi32, #tpu.memory_space<vmem>> -> memref<1x128xi32, #tpu.memory_space<vmem>>
      %dma_wait3A_253 = tpu.memref_squeeze %dma_wait3A_252 : memref<1x128xi32, #tpu.memory_space<vmem>> -> memref<128xi32, #tpu.memory_space<vmem>>
      %dma_wait3A_254 = arith.constant 0 : i32
      %dma_wait3A_255 = arith.constant 0 : i32
      %dma_wait3A_256 = tpu.memref_slice %arg10[%dma_wait3A_254, %dma_wait3A_255] : memref<10000x8xf32, #tpu.memory_space<vmem_shared>> -> memref<10000x8xf32, #tpu.memory_space<vmem_shared>>
      %dma_wait3A_257 = tpu.memref_slice %arg11[%dma_wait3A_246] : memref<13x!tpu.dma_semaphore, #tpu.memory_space<semaphore_mem>> -> memref<1x!tpu.dma_semaphore, #tpu.memory_space<semaphore_mem>>
      %dma_wait3A_258 = tpu.memref_squeeze %dma_wait3A_257 : memref<1x!tpu.dma_semaphore, #tpu.memory_space<semaphore_mem>> -> memref<!tpu.dma_semaphore, #tpu.memory_space<semaphore_mem>>
      tpu.wait_indirect_dma semaphore(%dma_wait3A_258 : memref<!tpu.dma_semaphore, #tpu.memory_space<semaphore_mem>>) src(%dma_wait3A_256 : memref<10000x8xf32, #tpu.memory_space<vmem_shared>>) dst(%dma_wait3A_250 : memref<128x8xf32, #tpu.memory_space<vmem>>)
      %add3A_259 = arith.constant 0 : i32
      %add3A_260 = arith.addi %add3A_243, %add3A_259 : i32
      %dma_start3A_261 = arith.constant 0 : i32
      %dma_start3A_262 = arith.constant 0 : i32
      %dma_start3A_263 = arith.constant 0 : i32
      %dma_start3A_264 = arith.constant 0 : i32
      %dma_start3A_265 = tpu.memref_slice %arg8[%dma_start3A_261, %dma_start3A_263, %dma_start3A_264] : memref<13x128x8xf32, #tpu.memory_space<vmem>> -> memref<1x128x8xf32, #tpu.memory_space<vmem>>
      %dma_start3A_266 = tpu.memref_squeeze %dma_start3A_265 : memref<1x128x8xf32, #tpu.memory_space<vmem>> -> memref<128x8xf32, #tpu.memory_space<vmem>>
      %dma_start3A_267 = arith.constant 0 : i32
      %dma_start3A_268 = tpu.memref_slice %arg7[%add3A_260, %dma_start3A_267] : memref<79x128xi32, #tpu.memory_space<vmem>> -> memref<1x128xi32, #tpu.memory_space<vmem>>
      %dma_start3A_269 = tpu.memref_squeeze %dma_start3A_268 : memref<1x128xi32, #tpu.memory_space<vmem>> -> memref<128xi32, #tpu.memory_space<vmem>>
      %dma_start3A_270 = arith.constant 0 : i32
      %dma_start3A_271 = arith.constant 0 : i32
      %dma_start3A_272 = tpu.memref_slice %arg9[%dma_start3A_270, %dma_start3A_271] : memref<10000x8xf32, #tpu.memory_space<vmem_shared>> -> memref<10000x8xf32, #tpu.memory_space<vmem_shared>>
      %dma_start3A_273 = tpu.memref_slice %arg12[%dma_start3A_262] : memref<13x!tpu.dma_semaphore, #tpu.memory_space<semaphore_mem>> -> memref<1x!tpu.dma_semaphore, #tpu.memory_space<semaphore_mem>>
      %dma_start3A_274 = tpu.memref_squeeze %dma_start3A_273 : memref<1x!tpu.dma_semaphore, #tpu.memory_space<semaphore_mem>> -> memref<!tpu.dma_semaphore, #tpu.memory_space<semaphore_mem>>
      tpu.enqueue_indirect_dma source(%dma_start3A_266 : memref<128x8xf32, #tpu.memory_space<vmem>>) target(%dma_start3A_272 : memref<10000x8xf32, #tpu.memory_space<vmem_shared>>) offsets(%dma_start3A_269 : memref<128xi32, #tpu.memory_space<vmem>>) semaphore(%dma_start3A_274 : memref<!tpu.dma_semaphore, #tpu.memory_space<semaphore_mem>>) {add = true}
      %add3A_275 = arith.constant 1 : i32
      %add3A_276 = arith.addi %add3A_243, %add3A_275 : i32
      %dma_wait3A_277 = arith.constant 1 : i32
      %dma_wait3A_278 = arith.constant 1 : i32
      %dma_wait3A_279 = arith.constant 0 : i32
      %dma_wait3A_280 = arith.constant 0 : i32
      %dma_wait3A_281 = tpu.memref_slice %arg8[%dma_wait3A_277, %dma_wait3A_279, %dma_wait3A_280] : memref<13x128x8xf32, #tpu.memory_space<vmem>> -> memref<1x128x8xf32, #tpu.memory_space<vmem>>
      %dma_wait3A_282 = tpu.memref_squeeze %dma_wait3A_281 : memref<1x128x8xf32, #tpu.memory_space<vmem>> -> memref<128x8xf32, #tpu.memory_space<vmem>>
      %dma_wait3A_283 = arith.constant 0 : i32
      %dma_wait3A_284 = tpu.memref_slice %arg6[%add3A_276, %dma_wait3A_283] : memref<79x128xi32, #tpu.memory_space<vmem>> -> memref<1x128xi32, #tpu.memory_space<vmem>>
      %dma_wait3A_285 = tpu.memref_squeeze %dma_wait3A_284 : memref<1x128xi32, #tpu.memory_space<vmem>> -> memref<128xi32, #tpu.memory_space<vmem>>
      %dma_wait3A_286 = arith.constant 0 : i32
      %dma_wait3A_287 = arith.constant 0 : i32
      %dma_wait3A_288 = tpu.memref_slice %arg10[%dma_wait3A_286, %dma_wait3A_287] : memref<10000x8xf32, #tpu.memory_space<vmem_shared>> -> memref<10000x8xf32, #tpu.memory_space<vmem_shared>>
      %dma_wait3A_289 = tpu.memref_slice %arg11[%dma_wait3A_278] : memref<13x!tpu.dma_semaphore, #tpu.memory_space<semaphore_mem>> -> memref<1x!tpu.dma_semaphore, #tpu.memory_space<semaphore_mem>>
      %dma_wait3A_290 = tpu.memref_squeeze %dma_wait3A_289 : memref<1x!tpu.dma_semaphore, #tpu.memory_space<semaphore_mem>> -> memref<!tpu.dma_semaphore, #tpu.memory_space<semaphore_mem>>
      tpu.wait_indirect_dma semaphore(%dma_wait3A_290 : memref<!tpu.dma_semaphore, #tpu.memory_space<semaphore_mem>>) src(%dma_wait3A_288 : memref<10000x8xf32, #tpu.memory_space<vmem_shared>>) dst(%dma_wait3A_282 : memref<128x8xf32, #tpu.memory_space<vmem>>)
      %add3A_291 = arith.constant 1 : i32
      %add3A_292 = arith.addi %add3A_243, %add3A_291 : i32
      %dma_start3A_293 = arith.constant 1 : i32
      %dma_start3A_294 = arith.constant 1 : i32
      %dma_start3A_295 = arith.constant 0 : i32
      %dma_start3A_296 = arith.constant 0 : i32
      %dma_start3A_297 = tpu.memref_slice %arg8[%dma_start3A_293, %dma_start3A_295, %dma_start3A_296] : memref<13x128x8xf32, #tpu.memory_space<vmem>> -> memref<1x128x8xf32, #tpu.memory_space<vmem>>
      %dma_start3A_298 = tpu.memref_squeeze %dma_start3A_297 : memref<1x128x8xf32, #tpu.memory_space<vmem>> -> memref<128x8xf32, #tpu.memory_space<vmem>>
      %dma_start3A_299 = arith.constant 0 : i32
      %dma_start3A_300 = tpu.memref_slice %arg7[%add3A_292, %dma_start3A_299] : memref<79x128xi32, #tpu.memory_space<vmem>> -> memref<1x128xi32, #tpu.memory_space<vmem>>
      %dma_start3A_301 = tpu.memref_squeeze %dma_start3A_300 : memref<1x128xi32, #tpu.memory_space<vmem>> -> memref<128xi32, #tpu.memory_space<vmem>>
      %dma_start3A_302 = arith.constant 0 : i32
      %dma_start3A_303 = arith.constant 0 : i32
      %dma_start3A_304 = tpu.memref_slice %arg9[%dma_start3A_302, %dma_start3A_303] : memref<10000x8xf32, #tpu.memory_space<vmem_shared>> -> memref<10000x8xf32, #tpu.memory_space<vmem_shared>>
      %dma_start3A_305 = tpu.memref_slice %arg12[%dma_start3A_294] : memref<13x!tpu.dma_semaphore, #tpu.memory_space<semaphore_mem>> -> memref<1x!tpu.dma_semaphore, #tpu.memory_space<semaphore_mem>>
      %dma_start3A_306 = tpu.memref_squeeze %dma_start3A_305 : memref<1x!tpu.dma_semaphore, #tpu.memory_space<semaphore_mem>> -> memref<!tpu.dma_semaphore, #tpu.memory_space<semaphore_mem>>
      tpu.enqueue_indirect_dma source(%dma_start3A_298 : memref<128x8xf32, #tpu.memory_space<vmem>>) target(%dma_start3A_304 : memref<10000x8xf32, #tpu.memory_space<vmem_shared>>) offsets(%dma_start3A_301 : memref<128xi32, #tpu.memory_space<vmem>>) semaphore(%dma_start3A_306 : memref<!tpu.dma_semaphore, #tpu.memory_space<semaphore_mem>>) {add = true}
      %add3A_307 = arith.constant 2 : i32
      %add3A_308 = arith.addi %add3A_243, %add3A_307 : i32
      %dma_wait3A_309 = arith.constant 2 : i32
      %dma_wait3A_310 = arith.constant 2 : i32
      %dma_wait3A_311 = arith.constant 0 : i32
      %dma_wait3A_312 = arith.constant 0 : i32
      %dma_wait3A_313 = tpu.memref_slice %arg8[%dma_wait3A_309, %dma_wait3A_311, %dma_wait3A_312] : memref<13x128x8xf32, #tpu.memory_space<vmem>> -> memref<1x128x8xf32, #tpu.memory_space<vmem>>
      %dma_wait3A_314 = tpu.memref_squeeze %dma_wait3A_313 : memref<1x128x8xf32, #tpu.memory_space<vmem>> -> memref<128x8xf32, #tpu.memory_space<vmem>>
      %dma_wait3A_315 = arith.constant 0 : i32
      %dma_wait3A_316 = tpu.memref_slice %arg6[%add3A_308, %dma_wait3A_315] : memref<79x128xi32, #tpu.memory_space<vmem>> -> memref<1x128xi32, #tpu.memory_space<vmem>>
      %dma_wait3A_317 = tpu.memref_squeeze %dma_wait3A_316 : memref<1x128xi32, #tpu.memory_space<vmem>> -> memref<128xi32, #tpu.memory_space<vmem>>
      %dma_wait3A_318 = arith.constant 0 : i32
      %dma_wait3A_319 = arith.constant 0 : i32
      %dma_wait3A_320 = tpu.memref_slice %arg10[%dma_wait3A_318, %dma_wait3A_319] : memref<10000x8xf32, #tpu.memory_space<vmem_shared>> -> memref<10000x8xf32, #tpu.memory_space<vmem_shared>>
      %dma_wait3A_321 = tpu.memref_slice %arg11[%dma_wait3A_310] : memref<13x!tpu.dma_semaphore, #tpu.memory_space<semaphore_mem>> -> memref<1x!tpu.dma_semaphore, #tpu.memory_space<semaphore_mem>>
      %dma_wait3A_322 = tpu.memref_squeeze %dma_wait3A_321 : memref<1x!tpu.dma_semaphore, #tpu.memory_space<semaphore_mem>> -> memref<!tpu.dma_semaphore, #tpu.memory_space<semaphore_mem>>
      tpu.wait_indirect_dma semaphore(%dma_wait3A_322 : memref<!tpu.dma_semaphore, #tpu.memory_space<semaphore_mem>>) src(%dma_wait3A_320 : memref<10000x8xf32, #tpu.memory_space<vmem_shared>>) dst(%dma_wait3A_314 : memref<128x8xf32, #tpu.memory_space<vmem>>)
      %add3A_323 = arith.constant 2 : i32
      %add3A_324 = arith.addi %add3A_243, %add3A_323 : i32
      %dma_start3A_325 = arith.constant 2 : i32
      %dma_start3A_326 = arith.constant 2 : i32
      %dma_start3A_327 = arith.constant 0 : i32
      %dma_start3A_328 = arith.constant 0 : i32
      %dma_start3A_329 = tpu.memref_slice %arg8[%dma_start3A_325, %dma_start3A_327, %dma_start3A_328] : memref<13x128x8xf32, #tpu.memory_space<vmem>> -> memref<1x128x8xf32, #tpu.memory_space<vmem>>
      %dma_start3A_330 = tpu.memref_squeeze %dma_start3A_329 : memref<1x128x8xf32, #tpu.memory_space<vmem>> -> memref<128x8xf32, #tpu.memory_space<vmem>>
      %dma_start3A_331 = arith.constant 0 : i32
      %dma_start3A_332 = tpu.memref_slice %arg7[%add3A_324, %dma_start3A_331] : memref<79x128xi32, #tpu.memory_space<vmem>> -> memref<1x128xi32, #tpu.memory_space<vmem>>
      %dma_start3A_333 = tpu.memref_squeeze %dma_start3A_332 : memref<1x128xi32, #tpu.memory_space<vmem>> -> memref<128xi32, #tpu.memory_space<vmem>>
      %dma_start3A_334 = arith.constant 0 : i32
      %dma_start3A_335 = arith.constant 0 : i32
      %dma_start3A_336 = tpu.memref_slice %arg9[%dma_start3A_334, %dma_start3A_335] : memref<10000x8xf32, #tpu.memory_space<vmem_shared>> -> memref<10000x8xf32, #tpu.memory_space<vmem_shared>>
      %dma_start3A_337 = tpu.memref_slice %arg12[%dma_start3A_326] : memref<13x!tpu.dma_semaphore, #tpu.memory_space<semaphore_mem>> -> memref<1x!tpu.dma_semaphore, #tpu.memory_space<semaphore_mem>>
      %dma_start3A_338 = tpu.memref_squeeze %dma_start3A_337 : memref<1x!tpu.dma_semaphore, #tpu.memory_space<semaphore_mem>> -> memref<!tpu.dma_semaphore, #tpu.memory_space<semaphore_mem>>
      tpu.enqueue_indirect_dma source(%dma_start3A_330 : memref<128x8xf32, #tpu.memory_space<vmem>>) target(%dma_start3A_336 : memref<10000x8xf32, #tpu.memory_space<vmem_shared>>) offsets(%dma_start3A_333 : memref<128xi32, #tpu.memory_space<vmem>>) semaphore(%dma_start3A_338 : memref<!tpu.dma_semaphore, #tpu.memory_space<semaphore_mem>>) {add = true}
      %add3A_339 = arith.constant 3 : i32
      %add3A_340 = arith.addi %add3A_243, %add3A_339 : i32
      %dma_wait3A_341 = arith.constant 3 : i32
      %dma_wait3A_342 = arith.constant 3 : i32
      %dma_wait3A_343 = arith.constant 0 : i32
      %dma_wait3A_344 = arith.constant 0 : i32
      %dma_wait3A_345 = tpu.memref_slice %arg8[%dma_wait3A_341, %dma_wait3A_343, %dma_wait3A_344] : memref<13x128x8xf32, #tpu.memory_space<vmem>> -> memref<1x128x8xf32, #tpu.memory_space<vmem>>
      %dma_wait3A_346 = tpu.memref_squeeze %dma_wait3A_345 : memref<1x128x8xf32, #tpu.memory_space<vmem>> -> memref<128x8xf32, #tpu.memory_space<vmem>>
      %dma_wait3A_347 = arith.constant 0 : i32
      %dma_wait3A_348 = tpu.memref_slice %arg6[%add3A_340, %dma_wait3A_347] : memref<79x128xi32, #tpu.memory_space<vmem>> -> memref<1x128xi32, #tpu.memory_space<vmem>>
      %dma_wait3A_349 = tpu.memref_squeeze %dma_wait3A_348 : memref<1x128xi32, #tpu.memory_space<vmem>> -> memref<128xi32, #tpu.memory_space<vmem>>
      %dma_wait3A_350 = arith.constant 0 : i32
      %dma_wait3A_351 = arith.constant 0 : i32
      %dma_wait3A_352 = tpu.memref_slice %arg10[%dma_wait3A_350, %dma_wait3A_351] : memref<10000x8xf32, #tpu.memory_space<vmem_shared>> -> memref<10000x8xf32, #tpu.memory_space<vmem_shared>>
      %dma_wait3A_353 = tpu.memref_slice %arg11[%dma_wait3A_342] : memref<13x!tpu.dma_semaphore, #tpu.memory_space<semaphore_mem>> -> memref<1x!tpu.dma_semaphore, #tpu.memory_space<semaphore_mem>>
      %dma_wait3A_354 = tpu.memref_squeeze %dma_wait3A_353 : memref<1x!tpu.dma_semaphore, #tpu.memory_space<semaphore_mem>> -> memref<!tpu.dma_semaphore, #tpu.memory_space<semaphore_mem>>
      tpu.wait_indirect_dma semaphore(%dma_wait3A_354 : memref<!tpu.dma_semaphore, #tpu.memory_space<semaphore_mem>>) src(%dma_wait3A_352 : memref<10000x8xf32, #tpu.memory_space<vmem_shared>>) dst(%dma_wait3A_346 : memref<128x8xf32, #tpu.memory_space<vmem>>)
      %add3A_355 = arith.constant 3 : i32
      %add3A_356 = arith.addi %add3A_243, %add3A_355 : i32
      %dma_start3A_357 = arith.constant 3 : i32
      %dma_start3A_358 = arith.constant 3 : i32
      %dma_start3A_359 = arith.constant 0 : i32
      %dma_start3A_360 = arith.constant 0 : i32
      %dma_start3A_361 = tpu.memref_slice %arg8[%dma_start3A_357, %dma_start3A_359, %dma_start3A_360] : memref<13x128x8xf32, #tpu.memory_space<vmem>> -> memref<1x128x8xf32, #tpu.memory_space<vmem>>
      %dma_start3A_362 = tpu.memref_squeeze %dma_start3A_361 : memref<1x128x8xf32, #tpu.memory_space<vmem>> -> memref<128x8xf32, #tpu.memory_space<vmem>>
      %dma_start3A_363 = arith.constant 0 : i32
      %dma_start3A_364 = tpu.memref_slice %arg7[%add3A_356, %dma_start3A_363] : memref<79x128xi32, #tpu.memory_space<vmem>> -> memref<1x128xi32, #tpu.memory_space<vmem>>
      %dma_start3A_365 = tpu.memref_squeeze %dma_start3A_364 : memref<1x128xi32, #tpu.memory_space<vmem>> -> memref<128xi32, #tpu.memory_space<vmem>>
      %dma_start3A_366 = arith.constant 0 : i32
      %dma_start3A_367 = arith.constant 0 : i32
      %dma_start3A_368 = tpu.memref_slice %arg9[%dma_start3A_366, %dma_start3A_367] : memref<10000x8xf32, #tpu.memory_space<vmem_shared>> -> memref<10000x8xf32, #tpu.memory_space<vmem_shared>>
      %dma_start3A_369 = tpu.memref_slice %arg12[%dma_start3A_358] : memref<13x!tpu.dma_semaphore, #tpu.memory_space<semaphore_mem>> -> memref<1x!tpu.dma_semaphore, #tpu.memory_space<semaphore_mem>>
      %dma_start3A_370 = tpu.memref_squeeze %dma_start3A_369 : memref<1x!tpu.dma_semaphore, #tpu.memory_space<semaphore_mem>> -> memref<!tpu.dma_semaphore, #tpu.memory_space<semaphore_mem>>
      tpu.enqueue_indirect_dma source(%dma_start3A_362 : memref<128x8xf32, #tpu.memory_space<vmem>>) target(%dma_start3A_368 : memref<10000x8xf32, #tpu.memory_space<vmem_shared>>) offsets(%dma_start3A_365 : memref<128xi32, #tpu.memory_space<vmem>>) semaphore(%dma_start3A_370 : memref<!tpu.dma_semaphore, #tpu.memory_space<semaphore_mem>>) {add = true}
      %add3A_371 = arith.constant 4 : i32
      %add3A_372 = arith.addi %add3A_243, %add3A_371 : i32
      %dma_wait3A_373 = arith.constant 4 : i32
      %dma_wait3A_374 = arith.constant 4 : i32
      %dma_wait3A_375 = arith.constant 0 : i32
      %dma_wait3A_376 = arith.constant 0 : i32
      %dma_wait3A_377 = tpu.memref_slice %arg8[%dma_wait3A_373, %dma_wait3A_375, %dma_wait3A_376] : memref<13x128x8xf32, #tpu.memory_space<vmem>> -> memref<1x128x8xf32, #tpu.memory_space<vmem>>
      %dma_wait3A_378 = tpu.memref_squeeze %dma_wait3A_377 : memref<1x128x8xf32, #tpu.memory_space<vmem>> -> memref<128x8xf32, #tpu.memory_space<vmem>>
      %dma_wait3A_379 = arith.constant 0 : i32
      %dma_wait3A_380 = tpu.memref_slice %arg6[%add3A_372, %dma_wait3A_379] : memref<79x128xi32, #tpu.memory_space<vmem>> -> memref<1x128xi32, #tpu.memory_space<vmem>>
      %dma_wait3A_381 = tpu.memref_squeeze %dma_wait3A_380 : memref<1x128xi32, #tpu.memory_space<vmem>> -> memref<128xi32, #tpu.memory_space<vmem>>
      %dma_wait3A_382 = arith.constant 0 : i32
      %dma_wait3A_383 = arith.constant 0 : i32
      %dma_wait3A_384 = tpu.memref_slice %arg10[%dma_wait3A_382, %dma_wait3A_383] : memref<10000x8xf32, #tpu.memory_space<vmem_shared>> -> memref<10000x8xf32, #tpu.memory_space<vmem_shared>>
      %dma_wait3A_385 = tpu.memref_slice %arg11[%dma_wait3A_374] : memref<13x!tpu.dma_semaphore, #tpu.memory_space<semaphore_mem>> -> memref<1x!tpu.dma_semaphore, #tpu.memory_space<semaphore_mem>>
      %dma_wait3A_386 = tpu.memref_squeeze %dma_wait3A_385 : memref<1x!tpu.dma_semaphore, #tpu.memory_space<semaphore_mem>> -> memref<!tpu.dma_semaphore, #tpu.memory_space<semaphore_mem>>
      tpu.wait_indirect_dma semaphore(%dma_wait3A_386 : memref<!tpu.dma_semaphore, #tpu.memory_space<semaphore_mem>>) src(%dma_wait3A_384 : memref<10000x8xf32, #tpu.memory_space<vmem_shared>>) dst(%dma_wait3A_378 : memref<128x8xf32, #tpu.memory_space<vmem>>)
      %add3A_387 = arith.constant 4 : i32
      %add3A_388 = arith.addi %add3A_243, %add3A_387 : i32
      %dma_start3A_389 = arith.constant 4 : i32
      %dma_start3A_390 = arith.constant 4 : i32
      %dma_start3A_391 = arith.constant 0 : i32
      %dma_start3A_392 = arith.constant 0 : i32
      %dma_start3A_393 = tpu.memref_slice %arg8[%dma_start3A_389, %dma_start3A_391, %dma_start3A_392] : memref<13x128x8xf32, #tpu.memory_space<vmem>> -> memref<1x128x8xf32, #tpu.memory_space<vmem>>
      %dma_start3A_394 = tpu.memref_squeeze %dma_start3A_393 : memref<1x128x8xf32, #tpu.memory_space<vmem>> -> memref<128x8xf32, #tpu.memory_space<vmem>>
      %dma_start3A_395 = arith.constant 0 : i32
      %dma_start3A_396 = tpu.memref_slice %arg7[%add3A_388, %dma_start3A_395] : memref<79x128xi32, #tpu.memory_space<vmem>> -> memref<1x128xi32, #tpu.memory_space<vmem>>
      %dma_start3A_397 = tpu.memref_squeeze %dma_start3A_396 : memref<1x128xi32, #tpu.memory_space<vmem>> -> memref<128xi32, #tpu.memory_space<vmem>>
      %dma_start3A_398 = arith.constant 0 : i32
      %dma_start3A_399 = arith.constant 0 : i32
      %dma_start3A_400 = tpu.memref_slice %arg9[%dma_start3A_398, %dma_start3A_399] : memref<10000x8xf32, #tpu.memory_space<vmem_shared>> -> memref<10000x8xf32, #tpu.memory_space<vmem_shared>>
      %dma_start3A_401 = tpu.memref_slice %arg12[%dma_start3A_390] : memref<13x!tpu.dma_semaphore, #tpu.memory_space<semaphore_mem>> -> memref<1x!tpu.dma_semaphore, #tpu.memory_space<semaphore_mem>>
      %dma_start3A_402 = tpu.memref_squeeze %dma_start3A_401 : memref<1x!tpu.dma_semaphore, #tpu.memory_space<semaphore_mem>> -> memref<!tpu.dma_semaphore, #tpu.memory_space<semaphore_mem>>
      tpu.enqueue_indirect_dma source(%dma_start3A_394 : memref<128x8xf32, #tpu.memory_space<vmem>>) target(%dma_start3A_400 : memref<10000x8xf32, #tpu.memory_space<vmem_shared>>) offsets(%dma_start3A_397 : memref<128xi32, #tpu.memory_space<vmem>>) semaphore(%dma_start3A_402 : memref<!tpu.dma_semaphore, #tpu.memory_space<semaphore_mem>>) {add = true}
      %add3A_403 = arith.constant 5 : i32
      %add3A_404 = arith.addi %add3A_243, %add3A_403 : i32
      %dma_wait3A_405 = arith.constant 5 : i32
      %dma_wait3A_406 = arith.constant 5 : i32
      %dma_wait3A_407 = arith.constant 0 : i32
      %dma_wait3A_408 = arith.constant 0 : i32
      %dma_wait3A_409 = tpu.memref_slice %arg8[%dma_wait3A_405, %dma_wait3A_407, %dma_wait3A_408] : memref<13x128x8xf32, #tpu.memory_space<vmem>> -> memref<1x128x8xf32, #tpu.memory_space<vmem>>
      %dma_wait3A_410 = tpu.memref_squeeze %dma_wait3A_409 : memref<1x128x8xf32, #tpu.memory_space<vmem>> -> memref<128x8xf32, #tpu.memory_space<vmem>>
      %dma_wait3A_411 = arith.constant 0 : i32
      %dma_wait3A_412 = tpu.memref_slice %arg6[%add3A_404, %dma_wait3A_411] : memref<79x128xi32, #tpu.memory_space<vmem>> -> memref<1x128xi32, #tpu.memory_space<vmem>>
      %dma_wait3A_413 = tpu.memref_squeeze %dma_wait3A_412 : memref<1x128xi32, #tpu.memory_space<vmem>> -> memref<128xi32, #tpu.memory_space<vmem>>
      %dma_wait3A_414 = arith.constant 0 : i32
      %dma_wait3A_415 = arith.constant 0 : i32
      %dma_wait3A_416 = tpu.memref_slice %arg10[%dma_wait3A_414, %dma_wait3A_415] : memref<10000x8xf32, #tpu.memory_space<vmem_shared>> -> memref<10000x8xf32, #tpu.memory_space<vmem_shared>>
      %dma_wait3A_417 = tpu.memref_slice %arg11[%dma_wait3A_406] : memref<13x!tpu.dma_semaphore, #tpu.memory_space<semaphore_mem>> -> memref<1x!tpu.dma_semaphore, #tpu.memory_space<semaphore_mem>>
      %dma_wait3A_418 = tpu.memref_squeeze %dma_wait3A_417 : memref<1x!tpu.dma_semaphore, #tpu.memory_space<semaphore_mem>> -> memref<!tpu.dma_semaphore, #tpu.memory_space<semaphore_mem>>
      tpu.wait_indirect_dma semaphore(%dma_wait3A_418 : memref<!tpu.dma_semaphore, #tpu.memory_space<semaphore_mem>>) src(%dma_wait3A_416 : memref<10000x8xf32, #tpu.memory_space<vmem_shared>>) dst(%dma_wait3A_410 : memref<128x8xf32, #tpu.memory_space<vmem>>)
      %add3A_419 = arith.constant 5 : i32
      %add3A_420 = arith.addi %add3A_243, %add3A_419 : i32
      %dma_start3A_421 = arith.constant 5 : i32
      %dma_start3A_422 = arith.constant 5 : i32
      %dma_start3A_423 = arith.constant 0 : i32
      %dma_start3A_424 = arith.constant 0 : i32
      %dma_start3A_425 = tpu.memref_slice %arg8[%dma_start3A_421, %dma_start3A_423, %dma_start3A_424] : memref<13x128x8xf32, #tpu.memory_space<vmem>> -> memref<1x128x8xf32, #tpu.memory_space<vmem>>
      %dma_start3A_426 = tpu.memref_squeeze %dma_start3A_425 : memref<1x128x8xf32, #tpu.memory_space<vmem>> -> memref<128x8xf32, #tpu.memory_space<vmem>>
      %dma_start3A_427 = arith.constant 0 : i32
      %dma_start3A_428 = tpu.memref_slice %arg7[%add3A_420, %dma_start3A_427] : memref<79x128xi32, #tpu.memory_space<vmem>> -> memref<1x128xi32, #tpu.memory_space<vmem>>
      %dma_start3A_429 = tpu.memref_squeeze %dma_start3A_428 : memref<1x128xi32, #tpu.memory_space<vmem>> -> memref<128xi32, #tpu.memory_space<vmem>>
      %dma_start3A_430 = arith.constant 0 : i32
      %dma_start3A_431 = arith.constant 0 : i32
      %dma_start3A_432 = tpu.memref_slice %arg9[%dma_start3A_430, %dma_start3A_431] : memref<10000x8xf32, #tpu.memory_space<vmem_shared>> -> memref<10000x8xf32, #tpu.memory_space<vmem_shared>>
      %dma_start3A_433 = tpu.memref_slice %arg12[%dma_start3A_422] : memref<13x!tpu.dma_semaphore, #tpu.memory_space<semaphore_mem>> -> memref<1x!tpu.dma_semaphore, #tpu.memory_space<semaphore_mem>>
      %dma_start3A_434 = tpu.memref_squeeze %dma_start3A_433 : memref<1x!tpu.dma_semaphore, #tpu.memory_space<semaphore_mem>> -> memref<!tpu.dma_semaphore, #tpu.memory_space<semaphore_mem>>
      tpu.enqueue_indirect_dma source(%dma_start3A_426 : memref<128x8xf32, #tpu.memory_space<vmem>>) target(%dma_start3A_432 : memref<10000x8xf32, #tpu.memory_space<vmem_shared>>) offsets(%dma_start3A_429 : memref<128xi32, #tpu.memory_space<vmem>>) semaphore(%dma_start3A_434 : memref<!tpu.dma_semaphore, #tpu.memory_space<semaphore_mem>>) {add = true}
      %add3A_435 = arith.constant 6 : i32
      %add3A_436 = arith.addi %add3A_243, %add3A_435 : i32
      %dma_wait3A_437 = arith.constant 6 : i32
      %dma_wait3A_438 = arith.constant 6 : i32
      %dma_wait3A_439 = arith.constant 0 : i32
      %dma_wait3A_440 = arith.constant 0 : i32
      %dma_wait3A_441 = tpu.memref_slice %arg8[%dma_wait3A_437, %dma_wait3A_439, %dma_wait3A_440] : memref<13x128x8xf32, #tpu.memory_space<vmem>> -> memref<1x128x8xf32, #tpu.memory_space<vmem>>
      %dma_wait3A_442 = tpu.memref_squeeze %dma_wait3A_441 : memref<1x128x8xf32, #tpu.memory_space<vmem>> -> memref<128x8xf32, #tpu.memory_space<vmem>>
      %dma_wait3A_443 = arith.constant 0 : i32
      %dma_wait3A_444 = tpu.memref_slice %arg6[%add3A_436, %dma_wait3A_443] : memref<79x128xi32, #tpu.memory_space<vmem>> -> memref<1x128xi32, #tpu.memory_space<vmem>>
      %dma_wait3A_445 = tpu.memref_squeeze %dma_wait3A_444 : memref<1x128xi32, #tpu.memory_space<vmem>> -> memref<128xi32, #tpu.memory_space<vmem>>
      %dma_wait3A_446 = arith.constant 0 : i32
      %dma_wait3A_447 = arith.constant 0 : i32
      %dma_wait3A_448 = tpu.memref_slice %arg10[%dma_wait3A_446, %dma_wait3A_447] : memref<10000x8xf32, #tpu.memory_space<vmem_shared>> -> memref<10000x8xf32, #tpu.memory_space<vmem_shared>>
      %dma_wait3A_449 = tpu.memref_slice %arg11[%dma_wait3A_438] : memref<13x!tpu.dma_semaphore, #tpu.memory_space<semaphore_mem>> -> memref<1x!tpu.dma_semaphore, #tpu.memory_space<semaphore_mem>>
      %dma_wait3A_450 = tpu.memref_squeeze %dma_wait3A_449 : memref<1x!tpu.dma_semaphore, #tpu.memory_space<semaphore_mem>> -> memref<!tpu.dma_semaphore, #tpu.memory_space<semaphore_mem>>
      tpu.wait_indirect_dma semaphore(%dma_wait3A_450 : memref<!tpu.dma_semaphore, #tpu.memory_space<semaphore_mem>>) src(%dma_wait3A_448 : memref<10000x8xf32, #tpu.memory_space<vmem_shared>>) dst(%dma_wait3A_442 : memref<128x8xf32, #tpu.memory_space<vmem>>)
      %add3A_451 = arith.constant 6 : i32
      %add3A_452 = arith.addi %add3A_243, %add3A_451 : i32
      %dma_start3A_453 = arith.constant 6 : i32
      %dma_start3A_454 = arith.constant 6 : i32
      %dma_start3A_455 = arith.constant 0 : i32
      %dma_start3A_456 = arith.constant 0 : i32
      %dma_start3A_457 = tpu.memref_slice %arg8[%dma_start3A_453, %dma_start3A_455, %dma_start3A_456] : memref<13x128x8xf32, #tpu.memory_space<vmem>> -> memref<1x128x8xf32, #tpu.memory_space<vmem>>
      %dma_start3A_458 = tpu.memref_squeeze %dma_start3A_457 : memref<1x128x8xf32, #tpu.memory_space<vmem>> -> memref<128x8xf32, #tpu.memory_space<vmem>>
      %dma_start3A_459 = arith.constant 0 : i32
      %dma_start3A_460 = tpu.memref_slice %arg7[%add3A_452, %dma_start3A_459] : memref<79x128xi32, #tpu.memory_space<vmem>> -> memref<1x128xi32, #tpu.memory_space<vmem>>
      %dma_start3A_461 = tpu.memref_squeeze %dma_start3A_460 : memref<1x128xi32, #tpu.memory_space<vmem>> -> memref<128xi32, #tpu.memory_space<vmem>>
      %dma_start3A_462 = arith.constant 0 : i32
      %dma_start3A_463 = arith.constant 0 : i32
      %dma_start3A_464 = tpu.memref_slice %arg9[%dma_start3A_462, %dma_start3A_463] : memref<10000x8xf32, #tpu.memory_space<vmem_shared>> -> memref<10000x8xf32, #tpu.memory_space<vmem_shared>>
      %dma_start3A_465 = tpu.memref_slice %arg12[%dma_start3A_454] : memref<13x!tpu.dma_semaphore, #tpu.memory_space<semaphore_mem>> -> memref<1x!tpu.dma_semaphore, #tpu.memory_space<semaphore_mem>>
      %dma_start3A_466 = tpu.memref_squeeze %dma_start3A_465 : memref<1x!tpu.dma_semaphore, #tpu.memory_space<semaphore_mem>> -> memref<!tpu.dma_semaphore, #tpu.memory_space<semaphore_mem>>
      tpu.enqueue_indirect_dma source(%dma_start3A_458 : memref<128x8xf32, #tpu.memory_space<vmem>>) target(%dma_start3A_464 : memref<10000x8xf32, #tpu.memory_space<vmem_shared>>) offsets(%dma_start3A_461 : memref<128xi32, #tpu.memory_space<vmem>>) semaphore(%dma_start3A_466 : memref<!tpu.dma_semaphore, #tpu.memory_space<semaphore_mem>>) {add = true}
      %add3A_467 = arith.constant 7 : i32
      %add3A_468 = arith.addi %add3A_243, %add3A_467 : i32
      %dma_wait3A_469 = arith.constant 7 : i32
      %dma_wait3A_470 = arith.constant 7 : i32
      %dma_wait3A_471 = arith.constant 0 : i32
      %dma_wait3A_472 = arith.constant 0 : i32
      %dma_wait3A_473 = tpu.memref_slice %arg8[%dma_wait3A_469, %dma_wait3A_471, %dma_wait3A_472] : memref<13x128x8xf32, #tpu.memory_space<vmem>> -> memref<1x128x8xf32, #tpu.memory_space<vmem>>
      %dma_wait3A_474 = tpu.memref_squeeze %dma_wait3A_473 : memref<1x128x8xf32, #tpu.memory_space<vmem>> -> memref<128x8xf32, #tpu.memory_space<vmem>>
      %dma_wait3A_475 = arith.constant 0 : i32
      %dma_wait3A_476 = tpu.memref_slice %arg6[%add3A_468, %dma_wait3A_475] : memref<79x128xi32, #tpu.memory_space<vmem>> -> memref<1x128xi32, #tpu.memory_space<vmem>>
      %dma_wait3A_477 = tpu.memref_squeeze %dma_wait3A_476 : memref<1x128xi32, #tpu.memory_space<vmem>> -> memref<128xi32, #tpu.memory_space<vmem>>
      %dma_wait3A_478 = arith.constant 0 : i32
      %dma_wait3A_479 = arith.constant 0 : i32
      %dma_wait3A_480 = tpu.memref_slice %arg10[%dma_wait3A_478, %dma_wait3A_479] : memref<10000x8xf32, #tpu.memory_space<vmem_shared>> -> memref<10000x8xf32, #tpu.memory_space<vmem_shared>>
      %dma_wait3A_481 = tpu.memref_slice %arg11[%dma_wait3A_470] : memref<13x!tpu.dma_semaphore, #tpu.memory_space<semaphore_mem>> -> memref<1x!tpu.dma_semaphore, #tpu.memory_space<semaphore_mem>>
      %dma_wait3A_482 = tpu.memref_squeeze %dma_wait3A_481 : memref<1x!tpu.dma_semaphore, #tpu.memory_space<semaphore_mem>> -> memref<!tpu.dma_semaphore, #tpu.memory_space<semaphore_mem>>
      tpu.wait_indirect_dma semaphore(%dma_wait3A_482 : memref<!tpu.dma_semaphore, #tpu.memory_space<semaphore_mem>>) src(%dma_wait3A_480 : memref<10000x8xf32, #tpu.memory_space<vmem_shared>>) dst(%dma_wait3A_474 : memref<128x8xf32, #tpu.memory_space<vmem>>)
      %add3A_483 = arith.constant 7 : i32
      %add3A_484 = arith.addi %add3A_243, %add3A_483 : i32
      %dma_start3A_485 = arith.constant 7 : i32
      %dma_start3A_486 = arith.constant 7 : i32
      %dma_start3A_487 = arith.constant 0 : i32
      %dma_start3A_488 = arith.constant 0 : i32
      %dma_start3A_489 = tpu.memref_slice %arg8[%dma_start3A_485, %dma_start3A_487, %dma_start3A_488] : memref<13x128x8xf32, #tpu.memory_space<vmem>> -> memref<1x128x8xf32, #tpu.memory_space<vmem>>
      %dma_start3A_490 = tpu.memref_squeeze %dma_start3A_489 : memref<1x128x8xf32, #tpu.memory_space<vmem>> -> memref<128x8xf32, #tpu.memory_space<vmem>>
      %dma_start3A_491 = arith.constant 0 : i32
      %dma_start3A_492 = tpu.memref_slice %arg7[%add3A_484, %dma_start3A_491] : memref<79x128xi32, #tpu.memory_space<vmem>> -> memref<1x128xi32, #tpu.memory_space<vmem>>
      %dma_start3A_493 = tpu.memref_squeeze %dma_start3A_492 : memref<1x128xi32, #tpu.memory_space<vmem>> -> memref<128xi32, #tpu.memory_space<vmem>>
      %dma_start3A_494 = arith.constant 0 : i32
      %dma_start3A_495 = arith.constant 0 : i32
      %dma_start3A_496 = tpu.memref_slice %arg9[%dma_start3A_494, %dma_start3A_495] : memref<10000x8xf32, #tpu.memory_space<vmem_shared>> -> memref<10000x8xf32, #tpu.memory_space<vmem_shared>>
      %dma_start3A_497 = tpu.memref_slice %arg12[%dma_start3A_486] : memref<13x!tpu.dma_semaphore, #tpu.memory_space<semaphore_mem>> -> memref<1x!tpu.dma_semaphore, #tpu.memory_space<semaphore_mem>>
      %dma_start3A_498 = tpu.memref_squeeze %dma_start3A_497 : memref<1x!tpu.dma_semaphore, #tpu.memory_space<semaphore_mem>> -> memref<!tpu.dma_semaphore, #tpu.memory_space<semaphore_mem>>
      tpu.enqueue_indirect_dma source(%dma_start3A_490 : memref<128x8xf32, #tpu.memory_space<vmem>>) target(%dma_start3A_496 : memref<10000x8xf32, #tpu.memory_space<vmem_shared>>) offsets(%dma_start3A_493 : memref<128xi32, #tpu.memory_space<vmem>>) semaphore(%dma_start3A_498 : memref<!tpu.dma_semaphore, #tpu.memory_space<semaphore_mem>>) {add = true}
      %add3A_499 = arith.constant 8 : i32
      %add3A_500 = arith.addi %add3A_243, %add3A_499 : i32
      %dma_wait3A_501 = arith.constant 8 : i32
      %dma_wait3A_502 = arith.constant 8 : i32
      %dma_wait3A_503 = arith.constant 0 : i32
      %dma_wait3A_504 = arith.constant 0 : i32
      %dma_wait3A_505 = tpu.memref_slice %arg8[%dma_wait3A_501, %dma_wait3A_503, %dma_wait3A_504] : memref<13x128x8xf32, #tpu.memory_space<vmem>> -> memref<1x128x8xf32, #tpu.memory_space<vmem>>
      %dma_wait3A_506 = tpu.memref_squeeze %dma_wait3A_505 : memref<1x128x8xf32, #tpu.memory_space<vmem>> -> memref<128x8xf32, #tpu.memory_space<vmem>>
      %dma_wait3A_507 = arith.constant 0 : i32
      %dma_wait3A_508 = tpu.memref_slice %arg6[%add3A_500, %dma_wait3A_507] : memref<79x128xi32, #tpu.memory_space<vmem>> -> memref<1x128xi32, #tpu.memory_space<vmem>>
      %dma_wait3A_509 = tpu.memref_squeeze %dma_wait3A_508 : memref<1x128xi32, #tpu.memory_space<vmem>> -> memref<128xi32, #tpu.memory_space<vmem>>
      %dma_wait3A_510 = arith.constant 0 : i32
      %dma_wait3A_511 = arith.constant 0 : i32
      %dma_wait3A_512 = tpu.memref_slice %arg10[%dma_wait3A_510, %dma_wait3A_511] : memref<10000x8xf32, #tpu.memory_space<vmem_shared>> -> memref<10000x8xf32, #tpu.memory_space<vmem_shared>>
      %dma_wait3A_513 = tpu.memref_slice %arg11[%dma_wait3A_502] : memref<13x!tpu.dma_semaphore, #tpu.memory_space<semaphore_mem>> -> memref<1x!tpu.dma_semaphore, #tpu.memory_space<semaphore_mem>>
      %dma_wait3A_514 = tpu.memref_squeeze %dma_wait3A_513 : memref<1x!tpu.dma_semaphore, #tpu.memory_space<semaphore_mem>> -> memref<!tpu.dma_semaphore, #tpu.memory_space<semaphore_mem>>
      tpu.wait_indirect_dma semaphore(%dma_wait3A_514 : memref<!tpu.dma_semaphore, #tpu.memory_space<semaphore_mem>>) src(%dma_wait3A_512 : memref<10000x8xf32, #tpu.memory_space<vmem_shared>>) dst(%dma_wait3A_506 : memref<128x8xf32, #tpu.memory_space<vmem>>)
      %add3A_515 = arith.constant 8 : i32
      %add3A_516 = arith.addi %add3A_243, %add3A_515 : i32
      %dma_start3A_517 = arith.constant 8 : i32
      %dma_start3A_518 = arith.constant 8 : i32
      %dma_start3A_519 = arith.constant 0 : i32
      %dma_start3A_520 = arith.constant 0 : i32
      %dma_start3A_521 = tpu.memref_slice %arg8[%dma_start3A_517, %dma_start3A_519, %dma_start3A_520] : memref<13x128x8xf32, #tpu.memory_space<vmem>> -> memref<1x128x8xf32, #tpu.memory_space<vmem>>
      %dma_start3A_522 = tpu.memref_squeeze %dma_start3A_521 : memref<1x128x8xf32, #tpu.memory_space<vmem>> -> memref<128x8xf32, #tpu.memory_space<vmem>>
      %dma_start3A_523 = arith.constant 0 : i32
      %dma_start3A_524 = tpu.memref_slice %arg7[%add3A_516, %dma_start3A_523] : memref<79x128xi32, #tpu.memory_space<vmem>> -> memref<1x128xi32, #tpu.memory_space<vmem>>
      %dma_start3A_525 = tpu.memref_squeeze %dma_start3A_524 : memref<1x128xi32, #tpu.memory_space<vmem>> -> memref<128xi32, #tpu.memory_space<vmem>>
      %dma_start3A_526 = arith.constant 0 : i32
      %dma_start3A_527 = arith.constant 0 : i32
      %dma_start3A_528 = tpu.memref_slice %arg9[%dma_start3A_526, %dma_start3A_527] : memref<10000x8xf32, #tpu.memory_space<vmem_shared>> -> memref<10000x8xf32, #tpu.memory_space<vmem_shared>>
      %dma_start3A_529 = tpu.memref_slice %arg12[%dma_start3A_518] : memref<13x!tpu.dma_semaphore, #tpu.memory_space<semaphore_mem>> -> memref<1x!tpu.dma_semaphore, #tpu.memory_space<semaphore_mem>>
      %dma_start3A_530 = tpu.memref_squeeze %dma_start3A_529 : memref<1x!tpu.dma_semaphore, #tpu.memory_space<semaphore_mem>> -> memref<!tpu.dma_semaphore, #tpu.memory_space<semaphore_mem>>
      tpu.enqueue_indirect_dma source(%dma_start3A_522 : memref<128x8xf32, #tpu.memory_space<vmem>>) target(%dma_start3A_528 : memref<10000x8xf32, #tpu.memory_space<vmem_shared>>) offsets(%dma_start3A_525 : memref<128xi32, #tpu.memory_space<vmem>>) semaphore(%dma_start3A_530 : memref<!tpu.dma_semaphore, #tpu.memory_space<semaphore_mem>>) {add = true}
      %add3A_531 = arith.constant 9 : i32
      %add3A_532 = arith.addi %add3A_243, %add3A_531 : i32
      %dma_wait3A_533 = arith.constant 9 : i32
      %dma_wait3A_534 = arith.constant 9 : i32
      %dma_wait3A_535 = arith.constant 0 : i32
      %dma_wait3A_536 = arith.constant 0 : i32
      %dma_wait3A_537 = tpu.memref_slice %arg8[%dma_wait3A_533, %dma_wait3A_535, %dma_wait3A_536] : memref<13x128x8xf32, #tpu.memory_space<vmem>> -> memref<1x128x8xf32, #tpu.memory_space<vmem>>
      %dma_wait3A_538 = tpu.memref_squeeze %dma_wait3A_537 : memref<1x128x8xf32, #tpu.memory_space<vmem>> -> memref<128x8xf32, #tpu.memory_space<vmem>>
      %dma_wait3A_539 = arith.constant 0 : i32
      %dma_wait3A_540 = tpu.memref_slice %arg6[%add3A_532, %dma_wait3A_539] : memref<79x128xi32, #tpu.memory_space<vmem>> -> memref<1x128xi32, #tpu.memory_space<vmem>>
      %dma_wait3A_541 = tpu.memref_squeeze %dma_wait3A_540 : memref<1x128xi32, #tpu.memory_space<vmem>> -> memref<128xi32, #tpu.memory_space<vmem>>
      %dma_wait3A_542 = arith.constant 0 : i32
      %dma_wait3A_543 = arith.constant 0 : i32
      %dma_wait3A_544 = tpu.memref_slice %arg10[%dma_wait3A_542, %dma_wait3A_543] : memref<10000x8xf32, #tpu.memory_space<vmem_shared>> -> memref<10000x8xf32, #tpu.memory_space<vmem_shared>>
      %dma_wait3A_545 = tpu.memref_slice %arg11[%dma_wait3A_534] : memref<13x!tpu.dma_semaphore, #tpu.memory_space<semaphore_mem>> -> memref<1x!tpu.dma_semaphore, #tpu.memory_space<semaphore_mem>>
      %dma_wait3A_546 = tpu.memref_squeeze %dma_wait3A_545 : memref<1x!tpu.dma_semaphore, #tpu.memory_space<semaphore_mem>> -> memref<!tpu.dma_semaphore, #tpu.memory_space<semaphore_mem>>
      tpu.wait_indirect_dma semaphore(%dma_wait3A_546 : memref<!tpu.dma_semaphore, #tpu.memory_space<semaphore_mem>>) src(%dma_wait3A_544 : memref<10000x8xf32, #tpu.memory_space<vmem_shared>>) dst(%dma_wait3A_538 : memref<128x8xf32, #tpu.memory_space<vmem>>)
      %add3A_547 = arith.constant 9 : i32
      %add3A_548 = arith.addi %add3A_243, %add3A_547 : i32
      %dma_start3A_549 = arith.constant 9 : i32
      %dma_start3A_550 = arith.constant 9 : i32
      %dma_start3A_551 = arith.constant 0 : i32
      %dma_start3A_552 = arith.constant 0 : i32
      %dma_start3A_553 = tpu.memref_slice %arg8[%dma_start3A_549, %dma_start3A_551, %dma_start3A_552] : memref<13x128x8xf32, #tpu.memory_space<vmem>> -> memref<1x128x8xf32, #tpu.memory_space<vmem>>
      %dma_start3A_554 = tpu.memref_squeeze %dma_start3A_553 : memref<1x128x8xf32, #tpu.memory_space<vmem>> -> memref<128x8xf32, #tpu.memory_space<vmem>>
      %dma_start3A_555 = arith.constant 0 : i32
      %dma_start3A_556 = tpu.memref_slice %arg7[%add3A_548, %dma_start3A_555] : memref<79x128xi32, #tpu.memory_space<vmem>> -> memref<1x128xi32, #tpu.memory_space<vmem>>
      %dma_start3A_557 = tpu.memref_squeeze %dma_start3A_556 : memref<1x128xi32, #tpu.memory_space<vmem>> -> memref<128xi32, #tpu.memory_space<vmem>>
      %dma_start3A_558 = arith.constant 0 : i32
      %dma_start3A_559 = arith.constant 0 : i32
      %dma_start3A_560 = tpu.memref_slice %arg9[%dma_start3A_558, %dma_start3A_559] : memref<10000x8xf32, #tpu.memory_space<vmem_shared>> -> memref<10000x8xf32, #tpu.memory_space<vmem_shared>>
      %dma_start3A_561 = tpu.memref_slice %arg12[%dma_start3A_550] : memref<13x!tpu.dma_semaphore, #tpu.memory_space<semaphore_mem>> -> memref<1x!tpu.dma_semaphore, #tpu.memory_space<semaphore_mem>>
      %dma_start3A_562 = tpu.memref_squeeze %dma_start3A_561 : memref<1x!tpu.dma_semaphore, #tpu.memory_space<semaphore_mem>> -> memref<!tpu.dma_semaphore, #tpu.memory_space<semaphore_mem>>
      tpu.enqueue_indirect_dma source(%dma_start3A_554 : memref<128x8xf32, #tpu.memory_space<vmem>>) target(%dma_start3A_560 : memref<10000x8xf32, #tpu.memory_space<vmem_shared>>) offsets(%dma_start3A_557 : memref<128xi32, #tpu.memory_space<vmem>>) semaphore(%dma_start3A_562 : memref<!tpu.dma_semaphore, #tpu.memory_space<semaphore_mem>>) {add = true}
      %add3A_563 = arith.constant 10 : i32
      %add3A_564 = arith.addi %add3A_243, %add3A_563 : i32
      %dma_wait3A_565 = arith.constant 10 : i32
      %dma_wait3A_566 = arith.constant 10 : i32
      %dma_wait3A_567 = arith.constant 0 : i32
      %dma_wait3A_568 = arith.constant 0 : i32
      %dma_wait3A_569 = tpu.memref_slice %arg8[%dma_wait3A_565, %dma_wait3A_567, %dma_wait3A_568] : memref<13x128x8xf32, #tpu.memory_space<vmem>> -> memref<1x128x8xf32, #tpu.memory_space<vmem>>
      %dma_wait3A_570 = tpu.memref_squeeze %dma_wait3A_569 : memref<1x128x8xf32, #tpu.memory_space<vmem>> -> memref<128x8xf32, #tpu.memory_space<vmem>>
      %dma_wait3A_571 = arith.constant 0 : i32
      %dma_wait3A_572 = tpu.memref_slice %arg6[%add3A_564, %dma_wait3A_571] : memref<79x128xi32, #tpu.memory_space<vmem>> -> memref<1x128xi32, #tpu.memory_space<vmem>>
      %dma_wait3A_573 = tpu.memref_squeeze %dma_wait3A_572 : memref<1x128xi32, #tpu.memory_space<vmem>> -> memref<128xi32, #tpu.memory_space<vmem>>
      %dma_wait3A_574 = arith.constant 0 : i32
      %dma_wait3A_575 = arith.constant 0 : i32
      %dma_wait3A_576 = tpu.memref_slice %arg10[%dma_wait3A_574, %dma_wait3A_575] : memref<10000x8xf32, #tpu.memory_space<vmem_shared>> -> memref<10000x8xf32, #tpu.memory_space<vmem_shared>>
      %dma_wait3A_577 = tpu.memref_slice %arg11[%dma_wait3A_566] : memref<13x!tpu.dma_semaphore, #tpu.memory_space<semaphore_mem>> -> memref<1x!tpu.dma_semaphore, #tpu.memory_space<semaphore_mem>>
      %dma_wait3A_578 = tpu.memref_squeeze %dma_wait3A_577 : memref<1x!tpu.dma_semaphore, #tpu.memory_space<semaphore_mem>> -> memref<!tpu.dma_semaphore, #tpu.memory_space<semaphore_mem>>
      tpu.wait_indirect_dma semaphore(%dma_wait3A_578 : memref<!tpu.dma_semaphore, #tpu.memory_space<semaphore_mem>>) src(%dma_wait3A_576 : memref<10000x8xf32, #tpu.memory_space<vmem_shared>>) dst(%dma_wait3A_570 : memref<128x8xf32, #tpu.memory_space<vmem>>)
      %add3A_579 = arith.constant 10 : i32
      %add3A_580 = arith.addi %add3A_243, %add3A_579 : i32
      %dma_start3A_581 = arith.constant 10 : i32
      %dma_start3A_582 = arith.constant 10 : i32
      %dma_start3A_583 = arith.constant 0 : i32
      %dma_start3A_584 = arith.constant 0 : i32
      %dma_start3A_585 = tpu.memref_slice %arg8[%dma_start3A_581, %dma_start3A_583, %dma_start3A_584] : memref<13x128x8xf32, #tpu.memory_space<vmem>> -> memref<1x128x8xf32, #tpu.memory_space<vmem>>
      %dma_start3A_586 = tpu.memref_squeeze %dma_start3A_585 : memref<1x128x8xf32, #tpu.memory_space<vmem>> -> memref<128x8xf32, #tpu.memory_space<vmem>>
      %dma_start3A_587 = arith.constant 0 : i32
      %dma_start3A_588 = tpu.memref_slice %arg7[%add3A_580, %dma_start3A_587] : memref<79x128xi32, #tpu.memory_space<vmem>> -> memref<1x128xi32, #tpu.memory_space<vmem>>
      %dma_start3A_589 = tpu.memref_squeeze %dma_start3A_588 : memref<1x128xi32, #tpu.memory_space<vmem>> -> memref<128xi32, #tpu.memory_space<vmem>>
      %dma_start3A_590 = arith.constant 0 : i32
      %dma_start3A_591 = arith.constant 0 : i32
      %dma_start3A_592 = tpu.memref_slice %arg9[%dma_start3A_590, %dma_start3A_591] : memref<10000x8xf32, #tpu.memory_space<vmem_shared>> -> memref<10000x8xf32, #tpu.memory_space<vmem_shared>>
      %dma_start3A_593 = tpu.memref_slice %arg12[%dma_start3A_582] : memref<13x!tpu.dma_semaphore, #tpu.memory_space<semaphore_mem>> -> memref<1x!tpu.dma_semaphore, #tpu.memory_space<semaphore_mem>>
      %dma_start3A_594 = tpu.memref_squeeze %dma_start3A_593 : memref<1x!tpu.dma_semaphore, #tpu.memory_space<semaphore_mem>> -> memref<!tpu.dma_semaphore, #tpu.memory_space<semaphore_mem>>
      tpu.enqueue_indirect_dma source(%dma_start3A_586 : memref<128x8xf32, #tpu.memory_space<vmem>>) target(%dma_start3A_592 : memref<10000x8xf32, #tpu.memory_space<vmem_shared>>) offsets(%dma_start3A_589 : memref<128xi32, #tpu.memory_space<vmem>>) semaphore(%dma_start3A_594 : memref<!tpu.dma_semaphore, #tpu.memory_space<semaphore_mem>>) {add = true}
      %add3A_595 = arith.constant 11 : i32
      %add3A_596 = arith.addi %add3A_243, %add3A_595 : i32
      %dma_wait3A_597 = arith.constant 11 : i32
      %dma_wait3A_598 = arith.constant 11 : i32
      %dma_wait3A_599 = arith.constant 0 : i32
      %dma_wait3A_600 = arith.constant 0 : i32
      %dma_wait3A_601 = tpu.memref_slice %arg8[%dma_wait3A_597, %dma_wait3A_599, %dma_wait3A_600] : memref<13x128x8xf32, #tpu.memory_space<vmem>> -> memref<1x128x8xf32, #tpu.memory_space<vmem>>
      %dma_wait3A_602 = tpu.memref_squeeze %dma_wait3A_601 : memref<1x128x8xf32, #tpu.memory_space<vmem>> -> memref<128x8xf32, #tpu.memory_space<vmem>>
      %dma_wait3A_603 = arith.constant 0 : i32
      %dma_wait3A_604 = tpu.memref_slice %arg6[%add3A_596, %dma_wait3A_603] : memref<79x128xi32, #tpu.memory_space<vmem>> -> memref<1x128xi32, #tpu.memory_space<vmem>>
      %dma_wait3A_605 = tpu.memref_squeeze %dma_wait3A_604 : memref<1x128xi32, #tpu.memory_space<vmem>> -> memref<128xi32, #tpu.memory_space<vmem>>
      %dma_wait3A_606 = arith.constant 0 : i32
      %dma_wait3A_607 = arith.constant 0 : i32
      %dma_wait3A_608 = tpu.memref_slice %arg10[%dma_wait3A_606, %dma_wait3A_607] : memref<10000x8xf32, #tpu.memory_space<vmem_shared>> -> memref<10000x8xf32, #tpu.memory_space<vmem_shared>>
      %dma_wait3A_609 = tpu.memref_slice %arg11[%dma_wait3A_598] : memref<13x!tpu.dma_semaphore, #tpu.memory_space<semaphore_mem>> -> memref<1x!tpu.dma_semaphore, #tpu.memory_space<semaphore_mem>>
      %dma_wait3A_610 = tpu.memref_squeeze %dma_wait3A_609 : memref<1x!tpu.dma_semaphore, #tpu.memory_space<semaphore_mem>> -> memref<!tpu.dma_semaphore, #tpu.memory_space<semaphore_mem>>
      tpu.wait_indirect_dma semaphore(%dma_wait3A_610 : memref<!tpu.dma_semaphore, #tpu.memory_space<semaphore_mem>>) src(%dma_wait3A_608 : memref<10000x8xf32, #tpu.memory_space<vmem_shared>>) dst(%dma_wait3A_602 : memref<128x8xf32, #tpu.memory_space<vmem>>)
      %add3A_611 = arith.constant 11 : i32
      %add3A_612 = arith.addi %add3A_243, %add3A_611 : i32
      %dma_start3A_613 = arith.constant 11 : i32
      %dma_start3A_614 = arith.constant 11 : i32
      %dma_start3A_615 = arith.constant 0 : i32
      %dma_start3A_616 = arith.constant 0 : i32
      %dma_start3A_617 = tpu.memref_slice %arg8[%dma_start3A_613, %dma_start3A_615, %dma_start3A_616] : memref<13x128x8xf32, #tpu.memory_space<vmem>> -> memref<1x128x8xf32, #tpu.memory_space<vmem>>
      %dma_start3A_618 = tpu.memref_squeeze %dma_start3A_617 : memref<1x128x8xf32, #tpu.memory_space<vmem>> -> memref<128x8xf32, #tpu.memory_space<vmem>>
      %dma_start3A_619 = arith.constant 0 : i32
      %dma_start3A_620 = tpu.memref_slice %arg7[%add3A_612, %dma_start3A_619] : memref<79x128xi32, #tpu.memory_space<vmem>> -> memref<1x128xi32, #tpu.memory_space<vmem>>
      %dma_start3A_621 = tpu.memref_squeeze %dma_start3A_620 : memref<1x128xi32, #tpu.memory_space<vmem>> -> memref<128xi32, #tpu.memory_space<vmem>>
      %dma_start3A_622 = arith.constant 0 : i32
      %dma_start3A_623 = arith.constant 0 : i32
      %dma_start3A_624 = tpu.memref_slice %arg9[%dma_start3A_622, %dma_start3A_623] : memref<10000x8xf32, #tpu.memory_space<vmem_shared>> -> memref<10000x8xf32, #tpu.memory_space<vmem_shared>>
      %dma_start3A_625 = tpu.memref_slice %arg12[%dma_start3A_614] : memref<13x!tpu.dma_semaphore, #tpu.memory_space<semaphore_mem>> -> memref<1x!tpu.dma_semaphore, #tpu.memory_space<semaphore_mem>>
      %dma_start3A_626 = tpu.memref_squeeze %dma_start3A_625 : memref<1x!tpu.dma_semaphore, #tpu.memory_space<semaphore_mem>> -> memref<!tpu.dma_semaphore, #tpu.memory_space<semaphore_mem>>
      tpu.enqueue_indirect_dma source(%dma_start3A_618 : memref<128x8xf32, #tpu.memory_space<vmem>>) target(%dma_start3A_624 : memref<10000x8xf32, #tpu.memory_space<vmem_shared>>) offsets(%dma_start3A_621 : memref<128xi32, #tpu.memory_space<vmem>>) semaphore(%dma_start3A_626 : memref<!tpu.dma_semaphore, #tpu.memory_space<semaphore_mem>>) {add = true}
      %add3A_627 = arith.constant 12 : i32
      %add3A_628 = arith.addi %add3A_243, %add3A_627 : i32
      %dma_wait3A_629 = arith.constant 12 : i32
      %dma_wait3A_630 = arith.constant 12 : i32
      %dma_wait3A_631 = arith.constant 0 : i32
      %dma_wait3A_632 = arith.constant 0 : i32
      %dma_wait3A_633 = tpu.memref_slice %arg8[%dma_wait3A_629, %dma_wait3A_631, %dma_wait3A_632] : memref<13x128x8xf32, #tpu.memory_space<vmem>> -> memref<1x128x8xf32, #tpu.memory_space<vmem>>
      %dma_wait3A_634 = tpu.memref_squeeze %dma_wait3A_633 : memref<1x128x8xf32, #tpu.memory_space<vmem>> -> memref<128x8xf32, #tpu.memory_space<vmem>>
      %dma_wait3A_635 = arith.constant 0 : i32
      %dma_wait3A_636 = tpu.memref_slice %arg6[%add3A_628, %dma_wait3A_635] : memref<79x128xi32, #tpu.memory_space<vmem>> -> memref<1x128xi32, #tpu.memory_space<vmem>>
      %dma_wait3A_637 = tpu.memref_squeeze %dma_wait3A_636 : memref<1x128xi32, #tpu.memory_space<vmem>> -> memref<128xi32, #tpu.memory_space<vmem>>
      %dma_wait3A_638 = arith.constant 0 : i32
      %dma_wait3A_639 = arith.constant 0 : i32
      %dma_wait3A_640 = tpu.memref_slice %arg10[%dma_wait3A_638, %dma_wait3A_639] : memref<10000x8xf32, #tpu.memory_space<vmem_shared>> -> memref<10000x8xf32, #tpu.memory_space<vmem_shared>>
      %dma_wait3A_641 = tpu.memref_slice %arg11[%dma_wait3A_630] : memref<13x!tpu.dma_semaphore, #tpu.memory_space<semaphore_mem>> -> memref<1x!tpu.dma_semaphore, #tpu.memory_space<semaphore_mem>>
      %dma_wait3A_642 = tpu.memref_squeeze %dma_wait3A_641 : memref<1x!tpu.dma_semaphore, #tpu.memory_space<semaphore_mem>> -> memref<!tpu.dma_semaphore, #tpu.memory_space<semaphore_mem>>
      tpu.wait_indirect_dma semaphore(%dma_wait3A_642 : memref<!tpu.dma_semaphore, #tpu.memory_space<semaphore_mem>>) src(%dma_wait3A_640 : memref<10000x8xf32, #tpu.memory_space<vmem_shared>>) dst(%dma_wait3A_634 : memref<128x8xf32, #tpu.memory_space<vmem>>)
      %add3A_643 = arith.constant 12 : i32
      %add3A_644 = arith.addi %add3A_243, %add3A_643 : i32
      %dma_start3A_645 = arith.constant 12 : i32
      %dma_start3A_646 = arith.constant 12 : i32
      %dma_start3A_647 = arith.constant 0 : i32
      %dma_start3A_648 = arith.constant 0 : i32
      %dma_start3A_649 = tpu.memref_slice %arg8[%dma_start3A_645, %dma_start3A_647, %dma_start3A_648] : memref<13x128x8xf32, #tpu.memory_space<vmem>> -> memref<1x128x8xf32, #tpu.memory_space<vmem>>
      %dma_start3A_650 = tpu.memref_squeeze %dma_start3A_649 : memref<1x128x8xf32, #tpu.memory_space<vmem>> -> memref<128x8xf32, #tpu.memory_space<vmem>>
      %dma_start3A_651 = arith.constant 0 : i32
      %dma_start3A_652 = tpu.memref_slice %arg7[%add3A_644, %dma_start3A_651] : memref<79x128xi32, #tpu.memory_space<vmem>> -> memref<1x128xi32, #tpu.memory_space<vmem>>
      %dma_start3A_653 = tpu.memref_squeeze %dma_start3A_652 : memref<1x128xi32, #tpu.memory_space<vmem>> -> memref<128xi32, #tpu.memory_space<vmem>>
      %dma_start3A_654 = arith.constant 0 : i32
      %dma_start3A_655 = arith.constant 0 : i32
      %dma_start3A_656 = tpu.memref_slice %arg9[%dma_start3A_654, %dma_start3A_655] : memref<10000x8xf32, #tpu.memory_space<vmem_shared>> -> memref<10000x8xf32, #tpu.memory_space<vmem_shared>>
      %dma_start3A_657 = tpu.memref_slice %arg12[%dma_start3A_646] : memref<13x!tpu.dma_semaphore, #tpu.memory_space<semaphore_mem>> -> memref<1x!tpu.dma_semaphore, #tpu.memory_space<semaphore_mem>>
      %dma_start3A_658 = tpu.memref_squeeze %dma_start3A_657 : memref<1x!tpu.dma_semaphore, #tpu.memory_space<semaphore_mem>> -> memref<!tpu.dma_semaphore, #tpu.memory_space<semaphore_mem>>
      tpu.enqueue_indirect_dma source(%dma_start3A_650 : memref<128x8xf32, #tpu.memory_space<vmem>>) target(%dma_start3A_656 : memref<10000x8xf32, #tpu.memory_space<vmem_shared>>) offsets(%dma_start3A_653 : memref<128xi32, #tpu.memory_space<vmem>>) semaphore(%dma_start3A_658 : memref<!tpu.dma_semaphore, #tpu.memory_space<semaphore_mem>>) {add = true}
      %add3A_659 = arith.constant 13 : i32
      %add3A_660 = arith.addi %add3A_243, %add3A_659 : i32
      %add3A_661 = arith.constant 0 : i32
      %add3A_662 = arith.addi %add3A_660, %add3A_661 : i32
      %dma_wait3A_663 = arith.constant 0 : i32
      %dma_wait3A_664 = arith.constant 0 : i32
      %dma_wait3A_665 = arith.constant 0 : i32
      %dma_wait3A_666 = arith.constant 0 : i32
      %dma_wait3A_667 = tpu.memref_slice %arg8[%dma_wait3A_663, %dma_wait3A_665, %dma_wait3A_666] : memref<13x128x8xf32, #tpu.memory_space<vmem>> -> memref<1x128x8xf32, #tpu.memory_space<vmem>>
      %dma_wait3A_668 = tpu.memref_squeeze %dma_wait3A_667 : memref<1x128x8xf32, #tpu.memory_space<vmem>> -> memref<128x8xf32, #tpu.memory_space<vmem>>
      %dma_wait3A_669 = arith.constant 0 : i32
      %dma_wait3A_670 = arith.constant 0 : i32
      %dma_wait3A_671 = tpu.memref_slice %arg9[%dma_wait3A_669, %dma_wait3A_670] : memref<10000x8xf32, #tpu.memory_space<vmem_shared>> -> memref<128x8xf32, #tpu.memory_space<vmem_shared>>
      %dma_wait3A_672 = tpu.memref_slice %arg12[%dma_wait3A_664] : memref<13x!tpu.dma_semaphore, #tpu.memory_space<semaphore_mem>> -> memref<1x!tpu.dma_semaphore, #tpu.memory_space<semaphore_mem>>
      %dma_wait3A_673 = tpu.memref_squeeze %dma_wait3A_672 : memref<1x!tpu.dma_semaphore, #tpu.memory_space<semaphore_mem>> -> memref<!tpu.dma_semaphore, #tpu.memory_space<semaphore_mem>>
      %dma_wait3A_674 = arith.constant 0 : i32
      %dma_wait3A_675 = arith.constant 0 : i32
      %dma_wait3A_676 = tpu.memref_slice %arg9[%dma_wait3A_674, %dma_wait3A_675] : memref<10000x8xf32, #tpu.memory_space<vmem_shared>> -> memref<128x8xf32, #tpu.memory_space<vmem_shared>>
      %dma_wait3A_677 = arith.constant 0 : i32
      %dma_wait3A_678 = arith.constant 0 : i32
      %dma_wait3A_679 = tpu.memref_slice %arg8[%dma_wait3A_663, %dma_wait3A_677, %dma_wait3A_678] : memref<13x128x8xf32, #tpu.memory_space<vmem>> -> memref<1x128x8xf32, #tpu.memory_space<vmem>>
      %dma_wait3A_680 = tpu.memref_squeeze %dma_wait3A_679 : memref<1x128x8xf32, #tpu.memory_space<vmem>> -> memref<128x8xf32, #tpu.memory_space<vmem>>
      tpu.wait_dma2 semaphore(%dma_wait3A_673 : memref<!tpu.dma_semaphore, #tpu.memory_space<semaphore_mem>>) src(%dma_wait3A_680 : memref<128x8xf32, #tpu.memory_space<vmem>>) dst(%dma_wait3A_676 : memref<128x8xf32, #tpu.memory_space<vmem_shared>>)
      %lt3A_681 = arith.constant 4 : i32
      %lt3A_682 = arith.cmpi slt, %add3A, %lt3A_681 : i32
      %jit3A = arith.constant 1 : i32
      %jit3A_683 = arith.constant 0 : i32
      %select_n3A = arith.select %lt3A_682, %jit3A, %jit3A_683 : i32
      %add3A_684 = arith.constant 78 : i32
      %add3A_685 = arith.addi %add3A_684, %select_n3A : i32
      %lt3A_686 = arith.cmpi slt, %add3A_662, %add3A_685 : i32
      %convert_element_type3A_687 = arith.extui %lt3A_686 : i1 to i32
      %cond3A_688 = arith.constant 0 : i32
      %cond3A_689 = arith.cmpi ne, %convert_element_type3A_687, %cond3A_688 : i32
      scf.if %cond3A_689 {
        %dma_start3A_1086 = arith.constant 0 : i32
        %dma_start3A_1087 = arith.constant 0 : i32
        %dma_start3A_1088 = arith.constant 0 : i32
        %dma_start3A_1089 = arith.constant 0 : i32
        %dma_start3A_1090 = tpu.memref_slice %arg8[%dma_start3A_1086, %dma_start3A_1088, %dma_start3A_1089] : memref<13x128x8xf32, #tpu.memory_space<vmem>> -> memref<1x128x8xf32, #tpu.memory_space<vmem>>
        %dma_start3A_1091 = tpu.memref_squeeze %dma_start3A_1090 : memref<1x128x8xf32, #tpu.memory_space<vmem>> -> memref<128x8xf32, #tpu.memory_space<vmem>>
        %dma_start3A_1092 = arith.constant 0 : i32
        %dma_start3A_1093 = tpu.memref_slice %arg6[%add3A_662, %dma_start3A_1092] : memref<79x128xi32, #tpu.memory_space<vmem>> -> memref<1x128xi32, #tpu.memory_space<vmem>>
        %dma_start3A_1094 = tpu.memref_squeeze %dma_start3A_1093 : memref<1x128xi32, #tpu.memory_space<vmem>> -> memref<128xi32, #tpu.memory_space<vmem>>
        %dma_start3A_1095 = arith.constant 0 : i32
        %dma_start3A_1096 = arith.constant 0 : i32
        %dma_start3A_1097 = tpu.memref_slice %arg10[%dma_start3A_1095, %dma_start3A_1096] : memref<10000x8xf32, #tpu.memory_space<vmem_shared>> -> memref<10000x8xf32, #tpu.memory_space<vmem_shared>>
        %dma_start3A_1098 = tpu.memref_slice %arg11[%dma_start3A_1087] : memref<13x!tpu.dma_semaphore, #tpu.memory_space<semaphore_mem>> -> memref<1x!tpu.dma_semaphore, #tpu.memory_space<semaphore_mem>>
        %dma_start3A_1099 = tpu.memref_squeeze %dma_start3A_1098 : memref<1x!tpu.dma_semaphore, #tpu.memory_space<semaphore_mem>> -> memref<!tpu.dma_semaphore, #tpu.memory_space<semaphore_mem>>
        tpu.enqueue_indirect_dma source(%dma_start3A_1097 : memref<10000x8xf32, #tpu.memory_space<vmem_shared>>) target(%dma_start3A_1091 : memref<128x8xf32, #tpu.memory_space<vmem>>) offsets(%dma_start3A_1094 : memref<128xi32, #tpu.memory_space<vmem>>) semaphore(%dma_start3A_1099 : memref<!tpu.dma_semaphore, #tpu.memory_space<semaphore_mem>>)
      } else {
      }
      %add3A_690 = arith.constant 13 : i32
      %add3A_691 = arith.addi %add3A_243, %add3A_690 : i32
      %add3A_692 = arith.constant 1 : i32
      %add3A_693 = arith.addi %add3A_691, %add3A_692 : i32
      %dma_wait3A_694 = arith.constant 1 : i32
      %dma_wait3A_695 = arith.constant 1 : i32
      %dma_wait3A_696 = arith.constant 0 : i32
      %dma_wait3A_697 = arith.constant 0 : i32
      %dma_wait3A_698 = tpu.memref_slice %arg8[%dma_wait3A_694, %dma_wait3A_696, %dma_wait3A_697] : memref<13x128x8xf32, #tpu.memory_space<vmem>> -> memref<1x128x8xf32, #tpu.memory_space<vmem>>
      %dma_wait3A_699 = tpu.memref_squeeze %dma_wait3A_698 : memref<1x128x8xf32, #tpu.memory_space<vmem>> -> memref<128x8xf32, #tpu.memory_space<vmem>>
      %dma_wait3A_700 = arith.constant 0 : i32
      %dma_wait3A_701 = arith.constant 0 : i32
      %dma_wait3A_702 = tpu.memref_slice %arg9[%dma_wait3A_700, %dma_wait3A_701] : memref<10000x8xf32, #tpu.memory_space<vmem_shared>> -> memref<128x8xf32, #tpu.memory_space<vmem_shared>>
      %dma_wait3A_703 = tpu.memref_slice %arg12[%dma_wait3A_695] : memref<13x!tpu.dma_semaphore, #tpu.memory_space<semaphore_mem>> -> memref<1x!tpu.dma_semaphore, #tpu.memory_space<semaphore_mem>>
      %dma_wait3A_704 = tpu.memref_squeeze %dma_wait3A_703 : memref<1x!tpu.dma_semaphore, #tpu.memory_space<semaphore_mem>> -> memref<!tpu.dma_semaphore, #tpu.memory_space<semaphore_mem>>
      %dma_wait3A_705 = arith.constant 0 : i32
      %dma_wait3A_706 = arith.constant 0 : i32
      %dma_wait3A_707 = tpu.memref_slice %arg9[%dma_wait3A_705, %dma_wait3A_706] : memref<10000x8xf32, #tpu.memory_space<vmem_shared>> -> memref<128x8xf32, #tpu.memory_space<vmem_shared>>
      %dma_wait3A_708 = arith.constant 0 : i32
      %dma_wait3A_709 = arith.constant 0 : i32
      %dma_wait3A_710 = tpu.memref_slice %arg8[%dma_wait3A_694, %dma_wait3A_708, %dma_wait3A_709] : memref<13x128x8xf32, #tpu.memory_space<vmem>> -> memref<1x128x8xf32, #tpu.memory_space<vmem>>
      %dma_wait3A_711 = tpu.memref_squeeze %dma_wait3A_710 : memref<1x128x8xf32, #tpu.memory_space<vmem>> -> memref<128x8xf32, #tpu.memory_space<vmem>>
      tpu.wait_dma2 semaphore(%dma_wait3A_704 : memref<!tpu.dma_semaphore, #tpu.memory_space<semaphore_mem>>) src(%dma_wait3A_711 : memref<128x8xf32, #tpu.memory_space<vmem>>) dst(%dma_wait3A_707 : memref<128x8xf32, #tpu.memory_space<vmem_shared>>)
      %lt3A_712 = arith.constant 4 : i32
      %lt3A_713 = arith.cmpi slt, %add3A, %lt3A_712 : i32
      %jit3A_714 = arith.constant 1 : i32
      %jit3A_715 = arith.constant 0 : i32
      %select_n3A_716 = arith.select %lt3A_713, %jit3A_714, %jit3A_715 : i32
      %add3A_717 = arith.constant 78 : i32
      %add3A_718 = arith.addi %add3A_717, %select_n3A_716 : i32
      %lt3A_719 = arith.cmpi slt, %add3A_693, %add3A_718 : i32
      %convert_element_type3A_720 = arith.extui %lt3A_719 : i1 to i32
      %cond3A_721 = arith.constant 0 : i32
      %cond3A_722 = arith.cmpi ne, %convert_element_type3A_720, %cond3A_721 : i32
      scf.if %cond3A_722 {
        %dma_start3A_1086 = arith.constant 1 : i32
        %dma_start3A_1087 = arith.constant 1 : i32
        %dma_start3A_1088 = arith.constant 0 : i32
        %dma_start3A_1089 = arith.constant 0 : i32
        %dma_start3A_1090 = tpu.memref_slice %arg8[%dma_start3A_1086, %dma_start3A_1088, %dma_start3A_1089] : memref<13x128x8xf32, #tpu.memory_space<vmem>> -> memref<1x128x8xf32, #tpu.memory_space<vmem>>
        %dma_start3A_1091 = tpu.memref_squeeze %dma_start3A_1090 : memref<1x128x8xf32, #tpu.memory_space<vmem>> -> memref<128x8xf32, #tpu.memory_space<vmem>>
        %dma_start3A_1092 = arith.constant 0 : i32
        %dma_start3A_1093 = tpu.memref_slice %arg6[%add3A_693, %dma_start3A_1092] : memref<79x128xi32, #tpu.memory_space<vmem>> -> memref<1x128xi32, #tpu.memory_space<vmem>>
        %dma_start3A_1094 = tpu.memref_squeeze %dma_start3A_1093 : memref<1x128xi32, #tpu.memory_space<vmem>> -> memref<128xi32, #tpu.memory_space<vmem>>
        %dma_start3A_1095 = arith.constant 0 : i32
        %dma_start3A_1096 = arith.constant 0 : i32
        %dma_start3A_1097 = tpu.memref_slice %arg10[%dma_start3A_1095, %dma_start3A_1096] : memref<10000x8xf32, #tpu.memory_space<vmem_shared>> -> memref<10000x8xf32, #tpu.memory_space<vmem_shared>>
        %dma_start3A_1098 = tpu.memref_slice %arg11[%dma_start3A_1087] : memref<13x!tpu.dma_semaphore, #tpu.memory_space<semaphore_mem>> -> memref<1x!tpu.dma_semaphore, #tpu.memory_space<semaphore_mem>>
        %dma_start3A_1099 = tpu.memref_squeeze %dma_start3A_1098 : memref<1x!tpu.dma_semaphore, #tpu.memory_space<semaphore_mem>> -> memref<!tpu.dma_semaphore, #tpu.memory_space<semaphore_mem>>
        tpu.enqueue_indirect_dma source(%dma_start3A_1097 : memref<10000x8xf32, #tpu.memory_space<vmem_shared>>) target(%dma_start3A_1091 : memref<128x8xf32, #tpu.memory_space<vmem>>) offsets(%dma_start3A_1094 : memref<128xi32, #tpu.memory_space<vmem>>) semaphore(%dma_start3A_1099 : memref<!tpu.dma_semaphore, #tpu.memory_space<semaphore_mem>>)
      } else {
      }
      %add3A_723 = arith.constant 13 : i32
      %add3A_724 = arith.addi %add3A_243, %add3A_723 : i32
      %add3A_725 = arith.constant 2 : i32
      %add3A_726 = arith.addi %add3A_724, %add3A_725 : i32
      %dma_wait3A_727 = arith.constant 2 : i32
      %dma_wait3A_728 = arith.constant 2 : i32
      %dma_wait3A_729 = arith.constant 0 : i32
      %dma_wait3A_730 = arith.constant 0 : i32
      %dma_wait3A_731 = tpu.memref_slice %arg8[%dma_wait3A_727, %dma_wait3A_729, %dma_wait3A_730] : memref<13x128x8xf32, #tpu.memory_space<vmem>> -> memref<1x128x8xf32, #tpu.memory_space<vmem>>
      %dma_wait3A_732 = tpu.memref_squeeze %dma_wait3A_731 : memref<1x128x8xf32, #tpu.memory_space<vmem>> -> memref<128x8xf32, #tpu.memory_space<vmem>>
      %dma_wait3A_733 = arith.constant 0 : i32
      %dma_wait3A_734 = arith.constant 0 : i32
      %dma_wait3A_735 = tpu.memref_slice %arg9[%dma_wait3A_733, %dma_wait3A_734] : memref<10000x8xf32, #tpu.memory_space<vmem_shared>> -> memref<128x8xf32, #tpu.memory_space<vmem_shared>>
      %dma_wait3A_736 = tpu.memref_slice %arg12[%dma_wait3A_728] : memref<13x!tpu.dma_semaphore, #tpu.memory_space<semaphore_mem>> -> memref<1x!tpu.dma_semaphore, #tpu.memory_space<semaphore_mem>>
      %dma_wait3A_737 = tpu.memref_squeeze %dma_wait3A_736 : memref<1x!tpu.dma_semaphore, #tpu.memory_space<semaphore_mem>> -> memref<!tpu.dma_semaphore, #tpu.memory_space<semaphore_mem>>
      %dma_wait3A_738 = arith.constant 0 : i32
      %dma_wait3A_739 = arith.constant 0 : i32
      %dma_wait3A_740 = tpu.memref_slice %arg9[%dma_wait3A_738, %dma_wait3A_739] : memref<10000x8xf32, #tpu.memory_space<vmem_shared>> -> memref<128x8xf32, #tpu.memory_space<vmem_shared>>
      %dma_wait3A_741 = arith.constant 0 : i32
      %dma_wait3A_742 = arith.constant 0 : i32
      %dma_wait3A_743 = tpu.memref_slice %arg8[%dma_wait3A_727, %dma_wait3A_741, %dma_wait3A_742] : memref<13x128x8xf32, #tpu.memory_space<vmem>> -> memref<1x128x8xf32, #tpu.memory_space<vmem>>
      %dma_wait3A_744 = tpu.memref_squeeze %dma_wait3A_743 : memref<1x128x8xf32, #tpu.memory_space<vmem>> -> memref<128x8xf32, #tpu.memory_space<vmem>>
      tpu.wait_dma2 semaphore(%dma_wait3A_737 : memref<!tpu.dma_semaphore, #tpu.memory_space<semaphore_mem>>) src(%dma_wait3A_744 : memref<128x8xf32, #tpu.memory_space<vmem>>) dst(%dma_wait3A_740 : memref<128x8xf32, #tpu.memory_space<vmem_shared>>)
      %lt3A_745 = arith.constant 4 : i32
      %lt3A_746 = arith.cmpi slt, %add3A, %lt3A_745 : i32
      %jit3A_747 = arith.constant 1 : i32
      %jit3A_748 = arith.constant 0 : i32
      %select_n3A_749 = arith.select %lt3A_746, %jit3A_747, %jit3A_748 : i32
      %add3A_750 = arith.constant 78 : i32
      %add3A_751 = arith.addi %add3A_750, %select_n3A_749 : i32
      %lt3A_752 = arith.cmpi slt, %add3A_726, %add3A_751 : i32
      %convert_element_type3A_753 = arith.extui %lt3A_752 : i1 to i32
      %cond3A_754 = arith.constant 0 : i32
      %cond3A_755 = arith.cmpi ne, %convert_element_type3A_753, %cond3A_754 : i32
      scf.if %cond3A_755 {
        %dma_start3A_1086 = arith.constant 2 : i32
        %dma_start3A_1087 = arith.constant 2 : i32
        %dma_start3A_1088 = arith.constant 0 : i32
        %dma_start3A_1089 = arith.constant 0 : i32
        %dma_start3A_1090 = tpu.memref_slice %arg8[%dma_start3A_1086, %dma_start3A_1088, %dma_start3A_1089] : memref<13x128x8xf32, #tpu.memory_space<vmem>> -> memref<1x128x8xf32, #tpu.memory_space<vmem>>
        %dma_start3A_1091 = tpu.memref_squeeze %dma_start3A_1090 : memref<1x128x8xf32, #tpu.memory_space<vmem>> -> memref<128x8xf32, #tpu.memory_space<vmem>>
        %dma_start3A_1092 = arith.constant 0 : i32
        %dma_start3A_1093 = tpu.memref_slice %arg6[%add3A_726, %dma_start3A_1092] : memref<79x128xi32, #tpu.memory_space<vmem>> -> memref<1x128xi32, #tpu.memory_space<vmem>>
        %dma_start3A_1094 = tpu.memref_squeeze %dma_start3A_1093 : memref<1x128xi32, #tpu.memory_space<vmem>> -> memref<128xi32, #tpu.memory_space<vmem>>
        %dma_start3A_1095 = arith.constant 0 : i32
        %dma_start3A_1096 = arith.constant 0 : i32
        %dma_start3A_1097 = tpu.memref_slice %arg10[%dma_start3A_1095, %dma_start3A_1096] : memref<10000x8xf32, #tpu.memory_space<vmem_shared>> -> memref<10000x8xf32, #tpu.memory_space<vmem_shared>>
        %dma_start3A_1098 = tpu.memref_slice %arg11[%dma_start3A_1087] : memref<13x!tpu.dma_semaphore, #tpu.memory_space<semaphore_mem>> -> memref<1x!tpu.dma_semaphore, #tpu.memory_space<semaphore_mem>>
        %dma_start3A_1099 = tpu.memref_squeeze %dma_start3A_1098 : memref<1x!tpu.dma_semaphore, #tpu.memory_space<semaphore_mem>> -> memref<!tpu.dma_semaphore, #tpu.memory_space<semaphore_mem>>
        tpu.enqueue_indirect_dma source(%dma_start3A_1097 : memref<10000x8xf32, #tpu.memory_space<vmem_shared>>) target(%dma_start3A_1091 : memref<128x8xf32, #tpu.memory_space<vmem>>) offsets(%dma_start3A_1094 : memref<128xi32, #tpu.memory_space<vmem>>) semaphore(%dma_start3A_1099 : memref<!tpu.dma_semaphore, #tpu.memory_space<semaphore_mem>>)
      } else {
      }
      %add3A_756 = arith.constant 13 : i32
      %add3A_757 = arith.addi %add3A_243, %add3A_756 : i32
      %add3A_758 = arith.constant 3 : i32
      %add3A_759 = arith.addi %add3A_757, %add3A_758 : i32
      %dma_wait3A_760 = arith.constant 3 : i32
      %dma_wait3A_761 = arith.constant 3 : i32
      %dma_wait3A_762 = arith.constant 0 : i32
      %dma_wait3A_763 = arith.constant 0 : i32
      %dma_wait3A_764 = tpu.memref_slice %arg8[%dma_wait3A_760, %dma_wait3A_762, %dma_wait3A_763] : memref<13x128x8xf32, #tpu.memory_space<vmem>> -> memref<1x128x8xf32, #tpu.memory_space<vmem>>
      %dma_wait3A_765 = tpu.memref_squeeze %dma_wait3A_764 : memref<1x128x8xf32, #tpu.memory_space<vmem>> -> memref<128x8xf32, #tpu.memory_space<vmem>>
      %dma_wait3A_766 = arith.constant 0 : i32
      %dma_wait3A_767 = arith.constant 0 : i32
      %dma_wait3A_768 = tpu.memref_slice %arg9[%dma_wait3A_766, %dma_wait3A_767] : memref<10000x8xf32, #tpu.memory_space<vmem_shared>> -> memref<128x8xf32, #tpu.memory_space<vmem_shared>>
      %dma_wait3A_769 = tpu.memref_slice %arg12[%dma_wait3A_761] : memref<13x!tpu.dma_semaphore, #tpu.memory_space<semaphore_mem>> -> memref<1x!tpu.dma_semaphore, #tpu.memory_space<semaphore_mem>>
      %dma_wait3A_770 = tpu.memref_squeeze %dma_wait3A_769 : memref<1x!tpu.dma_semaphore, #tpu.memory_space<semaphore_mem>> -> memref<!tpu.dma_semaphore, #tpu.memory_space<semaphore_mem>>
      %dma_wait3A_771 = arith.constant 0 : i32
      %dma_wait3A_772 = arith.constant 0 : i32
      %dma_wait3A_773 = tpu.memref_slice %arg9[%dma_wait3A_771, %dma_wait3A_772] : memref<10000x8xf32, #tpu.memory_space<vmem_shared>> -> memref<128x8xf32, #tpu.memory_space<vmem_shared>>
      %dma_wait3A_774 = arith.constant 0 : i32
      %dma_wait3A_775 = arith.constant 0 : i32
      %dma_wait3A_776 = tpu.memref_slice %arg8[%dma_wait3A_760, %dma_wait3A_774, %dma_wait3A_775] : memref<13x128x8xf32, #tpu.memory_space<vmem>> -> memref<1x128x8xf32, #tpu.memory_space<vmem>>
      %dma_wait3A_777 = tpu.memref_squeeze %dma_wait3A_776 : memref<1x128x8xf32, #tpu.memory_space<vmem>> -> memref<128x8xf32, #tpu.memory_space<vmem>>
      tpu.wait_dma2 semaphore(%dma_wait3A_770 : memref<!tpu.dma_semaphore, #tpu.memory_space<semaphore_mem>>) src(%dma_wait3A_777 : memref<128x8xf32, #tpu.memory_space<vmem>>) dst(%dma_wait3A_773 : memref<128x8xf32, #tpu.memory_space<vmem_shared>>)
      %lt3A_778 = arith.constant 4 : i32
      %lt3A_779 = arith.cmpi slt, %add3A, %lt3A_778 : i32
      %jit3A_780 = arith.constant 1 : i32
      %jit3A_781 = arith.constant 0 : i32
      %select_n3A_782 = arith.select %lt3A_779, %jit3A_780, %jit3A_781 : i32
      %add3A_783 = arith.constant 78 : i32
      %add3A_784 = arith.addi %add3A_783, %select_n3A_782 : i32
      %lt3A_785 = arith.cmpi slt, %add3A_759, %add3A_784 : i32
      %convert_element_type3A_786 = arith.extui %lt3A_785 : i1 to i32
      %cond3A_787 = arith.constant 0 : i32
      %cond3A_788 = arith.cmpi ne, %convert_element_type3A_786, %cond3A_787 : i32
      scf.if %cond3A_788 {
        %dma_start3A_1086 = arith.constant 3 : i32
        %dma_start3A_1087 = arith.constant 3 : i32
        %dma_start3A_1088 = arith.constant 0 : i32
        %dma_start3A_1089 = arith.constant 0 : i32
        %dma_start3A_1090 = tpu.memref_slice %arg8[%dma_start3A_1086, %dma_start3A_1088, %dma_start3A_1089] : memref<13x128x8xf32, #tpu.memory_space<vmem>> -> memref<1x128x8xf32, #tpu.memory_space<vmem>>
        %dma_start3A_1091 = tpu.memref_squeeze %dma_start3A_1090 : memref<1x128x8xf32, #tpu.memory_space<vmem>> -> memref<128x8xf32, #tpu.memory_space<vmem>>
        %dma_start3A_1092 = arith.constant 0 : i32
        %dma_start3A_1093 = tpu.memref_slice %arg6[%add3A_759, %dma_start3A_1092] : memref<79x128xi32, #tpu.memory_space<vmem>> -> memref<1x128xi32, #tpu.memory_space<vmem>>
        %dma_start3A_1094 = tpu.memref_squeeze %dma_start3A_1093 : memref<1x128xi32, #tpu.memory_space<vmem>> -> memref<128xi32, #tpu.memory_space<vmem>>
        %dma_start3A_1095 = arith.constant 0 : i32
        %dma_start3A_1096 = arith.constant 0 : i32
        %dma_start3A_1097 = tpu.memref_slice %arg10[%dma_start3A_1095, %dma_start3A_1096] : memref<10000x8xf32, #tpu.memory_space<vmem_shared>> -> memref<10000x8xf32, #tpu.memory_space<vmem_shared>>
        %dma_start3A_1098 = tpu.memref_slice %arg11[%dma_start3A_1087] : memref<13x!tpu.dma_semaphore, #tpu.memory_space<semaphore_mem>> -> memref<1x!tpu.dma_semaphore, #tpu.memory_space<semaphore_mem>>
        %dma_start3A_1099 = tpu.memref_squeeze %dma_start3A_1098 : memref<1x!tpu.dma_semaphore, #tpu.memory_space<semaphore_mem>> -> memref<!tpu.dma_semaphore, #tpu.memory_space<semaphore_mem>>
        tpu.enqueue_indirect_dma source(%dma_start3A_1097 : memref<10000x8xf32, #tpu.memory_space<vmem_shared>>) target(%dma_start3A_1091 : memref<128x8xf32, #tpu.memory_space<vmem>>) offsets(%dma_start3A_1094 : memref<128xi32, #tpu.memory_space<vmem>>) semaphore(%dma_start3A_1099 : memref<!tpu.dma_semaphore, #tpu.memory_space<semaphore_mem>>)
      } else {
      }
      %add3A_789 = arith.constant 13 : i32
      %add3A_790 = arith.addi %add3A_243, %add3A_789 : i32
      %add3A_791 = arith.constant 4 : i32
      %add3A_792 = arith.addi %add3A_790, %add3A_791 : i32
      %dma_wait3A_793 = arith.constant 4 : i32
      %dma_wait3A_794 = arith.constant 4 : i32
      %dma_wait3A_795 = arith.constant 0 : i32
      %dma_wait3A_796 = arith.constant 0 : i32
      %dma_wait3A_797 = tpu.memref_slice %arg8[%dma_wait3A_793, %dma_wait3A_795, %dma_wait3A_796] : memref<13x128x8xf32, #tpu.memory_space<vmem>> -> memref<1x128x8xf32, #tpu.memory_space<vmem>>
      %dma_wait3A_798 = tpu.memref_squeeze %dma_wait3A_797 : memref<1x128x8xf32, #tpu.memory_space<vmem>> -> memref<128x8xf32, #tpu.memory_space<vmem>>
      %dma_wait3A_799 = arith.constant 0 : i32
      %dma_wait3A_800 = arith.constant 0 : i32
      %dma_wait3A_801 = tpu.memref_slice %arg9[%dma_wait3A_799, %dma_wait3A_800] : memref<10000x8xf32, #tpu.memory_space<vmem_shared>> -> memref<128x8xf32, #tpu.memory_space<vmem_shared>>
      %dma_wait3A_802 = tpu.memref_slice %arg12[%dma_wait3A_794] : memref<13x!tpu.dma_semaphore, #tpu.memory_space<semaphore_mem>> -> memref<1x!tpu.dma_semaphore, #tpu.memory_space<semaphore_mem>>
      %dma_wait3A_803 = tpu.memref_squeeze %dma_wait3A_802 : memref<1x!tpu.dma_semaphore, #tpu.memory_space<semaphore_mem>> -> memref<!tpu.dma_semaphore, #tpu.memory_space<semaphore_mem>>
      %dma_wait3A_804 = arith.constant 0 : i32
      %dma_wait3A_805 = arith.constant 0 : i32
      %dma_wait3A_806 = tpu.memref_slice %arg9[%dma_wait3A_804, %dma_wait3A_805] : memref<10000x8xf32, #tpu.memory_space<vmem_shared>> -> memref<128x8xf32, #tpu.memory_space<vmem_shared>>
      %dma_wait3A_807 = arith.constant 0 : i32
      %dma_wait3A_808 = arith.constant 0 : i32
      %dma_wait3A_809 = tpu.memref_slice %arg8[%dma_wait3A_793, %dma_wait3A_807, %dma_wait3A_808] : memref<13x128x8xf32, #tpu.memory_space<vmem>> -> memref<1x128x8xf32, #tpu.memory_space<vmem>>
      %dma_wait3A_810 = tpu.memref_squeeze %dma_wait3A_809 : memref<1x128x8xf32, #tpu.memory_space<vmem>> -> memref<128x8xf32, #tpu.memory_space<vmem>>
      tpu.wait_dma2 semaphore(%dma_wait3A_803 : memref<!tpu.dma_semaphore, #tpu.memory_space<semaphore_mem>>) src(%dma_wait3A_810 : memref<128x8xf32, #tpu.memory_space<vmem>>) dst(%dma_wait3A_806 : memref<128x8xf32, #tpu.memory_space<vmem_shared>>)
      %lt3A_811 = arith.constant 4 : i32
      %lt3A_812 = arith.cmpi slt, %add3A, %lt3A_811 : i32
      %jit3A_813 = arith.constant 1 : i32
      %jit3A_814 = arith.constant 0 : i32
      %select_n3A_815 = arith.select %lt3A_812, %jit3A_813, %jit3A_814 : i32
      %add3A_816 = arith.constant 78 : i32
      %add3A_817 = arith.addi %add3A_816, %select_n3A_815 : i32
      %lt3A_818 = arith.cmpi slt, %add3A_792, %add3A_817 : i32
      %convert_element_type3A_819 = arith.extui %lt3A_818 : i1 to i32
      %cond3A_820 = arith.constant 0 : i32
      %cond3A_821 = arith.cmpi ne, %convert_element_type3A_819, %cond3A_820 : i32
      scf.if %cond3A_821 {
        %dma_start3A_1086 = arith.constant 4 : i32
        %dma_start3A_1087 = arith.constant 4 : i32
        %dma_start3A_1088 = arith.constant 0 : i32
        %dma_start3A_1089 = arith.constant 0 : i32
        %dma_start3A_1090 = tpu.memref_slice %arg8[%dma_start3A_1086, %dma_start3A_1088, %dma_start3A_1089] : memref<13x128x8xf32, #tpu.memory_space<vmem>> -> memref<1x128x8xf32, #tpu.memory_space<vmem>>
        %dma_start3A_1091 = tpu.memref_squeeze %dma_start3A_1090 : memref<1x128x8xf32, #tpu.memory_space<vmem>> -> memref<128x8xf32, #tpu.memory_space<vmem>>
        %dma_start3A_1092 = arith.constant 0 : i32
        %dma_start3A_1093 = tpu.memref_slice %arg6[%add3A_792, %dma_start3A_1092] : memref<79x128xi32, #tpu.memory_space<vmem>> -> memref<1x128xi32, #tpu.memory_space<vmem>>
        %dma_start3A_1094 = tpu.memref_squeeze %dma_start3A_1093 : memref<1x128xi32, #tpu.memory_space<vmem>> -> memref<128xi32, #tpu.memory_space<vmem>>
        %dma_start3A_1095 = arith.constant 0 : i32
        %dma_start3A_1096 = arith.constant 0 : i32
        %dma_start3A_1097 = tpu.memref_slice %arg10[%dma_start3A_1095, %dma_start3A_1096] : memref<10000x8xf32, #tpu.memory_space<vmem_shared>> -> memref<10000x8xf32, #tpu.memory_space<vmem_shared>>
        %dma_start3A_1098 = tpu.memref_slice %arg11[%dma_start3A_1087] : memref<13x!tpu.dma_semaphore, #tpu.memory_space<semaphore_mem>> -> memref<1x!tpu.dma_semaphore, #tpu.memory_space<semaphore_mem>>
        %dma_start3A_1099 = tpu.memref_squeeze %dma_start3A_1098 : memref<1x!tpu.dma_semaphore, #tpu.memory_space<semaphore_mem>> -> memref<!tpu.dma_semaphore, #tpu.memory_space<semaphore_mem>>
        tpu.enqueue_indirect_dma source(%dma_start3A_1097 : memref<10000x8xf32, #tpu.memory_space<vmem_shared>>) target(%dma_start3A_1091 : memref<128x8xf32, #tpu.memory_space<vmem>>) offsets(%dma_start3A_1094 : memref<128xi32, #tpu.memory_space<vmem>>) semaphore(%dma_start3A_1099 : memref<!tpu.dma_semaphore, #tpu.memory_space<semaphore_mem>>)
      } else {
      }
      %add3A_822 = arith.constant 13 : i32
      %add3A_823 = arith.addi %add3A_243, %add3A_822 : i32
      %add3A_824 = arith.constant 5 : i32
      %add3A_825 = arith.addi %add3A_823, %add3A_824 : i32
      %dma_wait3A_826 = arith.constant 5 : i32
      %dma_wait3A_827 = arith.constant 5 : i32
      %dma_wait3A_828 = arith.constant 0 : i32
      %dma_wait3A_829 = arith.constant 0 : i32
      %dma_wait3A_830 = tpu.memref_slice %arg8[%dma_wait3A_826, %dma_wait3A_828, %dma_wait3A_829] : memref<13x128x8xf32, #tpu.memory_space<vmem>> -> memref<1x128x8xf32, #tpu.memory_space<vmem>>
      %dma_wait3A_831 = tpu.memref_squeeze %dma_wait3A_830 : memref<1x128x8xf32, #tpu.memory_space<vmem>> -> memref<128x8xf32, #tpu.memory_space<vmem>>
      %dma_wait3A_832 = arith.constant 0 : i32
      %dma_wait3A_833 = arith.constant 0 : i32
      %dma_wait3A_834 = tpu.memref_slice %arg9[%dma_wait3A_832, %dma_wait3A_833] : memref<10000x8xf32, #tpu.memory_space<vmem_shared>> -> memref<128x8xf32, #tpu.memory_space<vmem_shared>>
      %dma_wait3A_835 = tpu.memref_slice %arg12[%dma_wait3A_827] : memref<13x!tpu.dma_semaphore, #tpu.memory_space<semaphore_mem>> -> memref<1x!tpu.dma_semaphore, #tpu.memory_space<semaphore_mem>>
      %dma_wait3A_836 = tpu.memref_squeeze %dma_wait3A_835 : memref<1x!tpu.dma_semaphore, #tpu.memory_space<semaphore_mem>> -> memref<!tpu.dma_semaphore, #tpu.memory_space<semaphore_mem>>
      %dma_wait3A_837 = arith.constant 0 : i32
      %dma_wait3A_838 = arith.constant 0 : i32
      %dma_wait3A_839 = tpu.memref_slice %arg9[%dma_wait3A_837, %dma_wait3A_838] : memref<10000x8xf32, #tpu.memory_space<vmem_shared>> -> memref<128x8xf32, #tpu.memory_space<vmem_shared>>
      %dma_wait3A_840 = arith.constant 0 : i32
      %dma_wait3A_841 = arith.constant 0 : i32
      %dma_wait3A_842 = tpu.memref_slice %arg8[%dma_wait3A_826, %dma_wait3A_840, %dma_wait3A_841] : memref<13x128x8xf32, #tpu.memory_space<vmem>> -> memref<1x128x8xf32, #tpu.memory_space<vmem>>
      %dma_wait3A_843 = tpu.memref_squeeze %dma_wait3A_842 : memref<1x128x8xf32, #tpu.memory_space<vmem>> -> memref<128x8xf32, #tpu.memory_space<vmem>>
      tpu.wait_dma2 semaphore(%dma_wait3A_836 : memref<!tpu.dma_semaphore, #tpu.memory_space<semaphore_mem>>) src(%dma_wait3A_843 : memref<128x8xf32, #tpu.memory_space<vmem>>) dst(%dma_wait3A_839 : memref<128x8xf32, #tpu.memory_space<vmem_shared>>)
      %lt3A_844 = arith.constant 4 : i32
      %lt3A_845 = arith.cmpi slt, %add3A, %lt3A_844 : i32
      %jit3A_846 = arith.constant 1 : i32
      %jit3A_847 = arith.constant 0 : i32
      %select_n3A_848 = arith.select %lt3A_845, %jit3A_846, %jit3A_847 : i32
      %add3A_849 = arith.constant 78 : i32
      %add3A_850 = arith.addi %add3A_849, %select_n3A_848 : i32
      %lt3A_851 = arith.cmpi slt, %add3A_825, %add3A_850 : i32
      %convert_element_type3A_852 = arith.extui %lt3A_851 : i1 to i32
      %cond3A_853 = arith.constant 0 : i32
      %cond3A_854 = arith.cmpi ne, %convert_element_type3A_852, %cond3A_853 : i32
      scf.if %cond3A_854 {
        %dma_start3A_1086 = arith.constant 5 : i32
        %dma_start3A_1087 = arith.constant 5 : i32
        %dma_start3A_1088 = arith.constant 0 : i32
        %dma_start3A_1089 = arith.constant 0 : i32
        %dma_start3A_1090 = tpu.memref_slice %arg8[%dma_start3A_1086, %dma_start3A_1088, %dma_start3A_1089] : memref<13x128x8xf32, #tpu.memory_space<vmem>> -> memref<1x128x8xf32, #tpu.memory_space<vmem>>
        %dma_start3A_1091 = tpu.memref_squeeze %dma_start3A_1090 : memref<1x128x8xf32, #tpu.memory_space<vmem>> -> memref<128x8xf32, #tpu.memory_space<vmem>>
        %dma_start3A_1092 = arith.constant 0 : i32
        %dma_start3A_1093 = tpu.memref_slice %arg6[%add3A_825, %dma_start3A_1092] : memref<79x128xi32, #tpu.memory_space<vmem>> -> memref<1x128xi32, #tpu.memory_space<vmem>>
        %dma_start3A_1094 = tpu.memref_squeeze %dma_start3A_1093 : memref<1x128xi32, #tpu.memory_space<vmem>> -> memref<128xi32, #tpu.memory_space<vmem>>
        %dma_start3A_1095 = arith.constant 0 : i32
        %dma_start3A_1096 = arith.constant 0 : i32
        %dma_start3A_1097 = tpu.memref_slice %arg10[%dma_start3A_1095, %dma_start3A_1096] : memref<10000x8xf32, #tpu.memory_space<vmem_shared>> -> memref<10000x8xf32, #tpu.memory_space<vmem_shared>>
        %dma_start3A_1098 = tpu.memref_slice %arg11[%dma_start3A_1087] : memref<13x!tpu.dma_semaphore, #tpu.memory_space<semaphore_mem>> -> memref<1x!tpu.dma_semaphore, #tpu.memory_space<semaphore_mem>>
        %dma_start3A_1099 = tpu.memref_squeeze %dma_start3A_1098 : memref<1x!tpu.dma_semaphore, #tpu.memory_space<semaphore_mem>> -> memref<!tpu.dma_semaphore, #tpu.memory_space<semaphore_mem>>
        tpu.enqueue_indirect_dma source(%dma_start3A_1097 : memref<10000x8xf32, #tpu.memory_space<vmem_shared>>) target(%dma_start3A_1091 : memref<128x8xf32, #tpu.memory_space<vmem>>) offsets(%dma_start3A_1094 : memref<128xi32, #tpu.memory_space<vmem>>) semaphore(%dma_start3A_1099 : memref<!tpu.dma_semaphore, #tpu.memory_space<semaphore_mem>>)
      } else {
      }
      %add3A_855 = arith.constant 13 : i32
      %add3A_856 = arith.addi %add3A_243, %add3A_855 : i32
      %add3A_857 = arith.constant 6 : i32
      %add3A_858 = arith.addi %add3A_856, %add3A_857 : i32
      %dma_wait3A_859 = arith.constant 6 : i32
      %dma_wait3A_860 = arith.constant 6 : i32
      %dma_wait3A_861 = arith.constant 0 : i32
      %dma_wait3A_862 = arith.constant 0 : i32
      %dma_wait3A_863 = tpu.memref_slice %arg8[%dma_wait3A_859, %dma_wait3A_861, %dma_wait3A_862] : memref<13x128x8xf32, #tpu.memory_space<vmem>> -> memref<1x128x8xf32, #tpu.memory_space<vmem>>
      %dma_wait3A_864 = tpu.memref_squeeze %dma_wait3A_863 : memref<1x128x8xf32, #tpu.memory_space<vmem>> -> memref<128x8xf32, #tpu.memory_space<vmem>>
      %dma_wait3A_865 = arith.constant 0 : i32
      %dma_wait3A_866 = arith.constant 0 : i32
      %dma_wait3A_867 = tpu.memref_slice %arg9[%dma_wait3A_865, %dma_wait3A_866] : memref<10000x8xf32, #tpu.memory_space<vmem_shared>> -> memref<128x8xf32, #tpu.memory_space<vmem_shared>>
      %dma_wait3A_868 = tpu.memref_slice %arg12[%dma_wait3A_860] : memref<13x!tpu.dma_semaphore, #tpu.memory_space<semaphore_mem>> -> memref<1x!tpu.dma_semaphore, #tpu.memory_space<semaphore_mem>>
      %dma_wait3A_869 = tpu.memref_squeeze %dma_wait3A_868 : memref<1x!tpu.dma_semaphore, #tpu.memory_space<semaphore_mem>> -> memref<!tpu.dma_semaphore, #tpu.memory_space<semaphore_mem>>
      %dma_wait3A_870 = arith.constant 0 : i32
      %dma_wait3A_871 = arith.constant 0 : i32
      %dma_wait3A_872 = tpu.memref_slice %arg9[%dma_wait3A_870, %dma_wait3A_871] : memref<10000x8xf32, #tpu.memory_space<vmem_shared>> -> memref<128x8xf32, #tpu.memory_space<vmem_shared>>
      %dma_wait3A_873 = arith.constant 0 : i32
      %dma_wait3A_874 = arith.constant 0 : i32
      %dma_wait3A_875 = tpu.memref_slice %arg8[%dma_wait3A_859, %dma_wait3A_873, %dma_wait3A_874] : memref<13x128x8xf32, #tpu.memory_space<vmem>> -> memref<1x128x8xf32, #tpu.memory_space<vmem>>
      %dma_wait3A_876 = tpu.memref_squeeze %dma_wait3A_875 : memref<1x128x8xf32, #tpu.memory_space<vmem>> -> memref<128x8xf32, #tpu.memory_space<vmem>>
      tpu.wait_dma2 semaphore(%dma_wait3A_869 : memref<!tpu.dma_semaphore, #tpu.memory_space<semaphore_mem>>) src(%dma_wait3A_876 : memref<128x8xf32, #tpu.memory_space<vmem>>) dst(%dma_wait3A_872 : memref<128x8xf32, #tpu.memory_space<vmem_shared>>)
      %lt3A_877 = arith.constant 4 : i32
      %lt3A_878 = arith.cmpi slt, %add3A, %lt3A_877 : i32
      %jit3A_879 = arith.constant 1 : i32
      %jit3A_880 = arith.constant 0 : i32
      %select_n3A_881 = arith.select %lt3A_878, %jit3A_879, %jit3A_880 : i32
      %add3A_882 = arith.constant 78 : i32
      %add3A_883 = arith.addi %add3A_882, %select_n3A_881 : i32
      %lt3A_884 = arith.cmpi slt, %add3A_858, %add3A_883 : i32
      %convert_element_type3A_885 = arith.extui %lt3A_884 : i1 to i32
      %cond3A_886 = arith.constant 0 : i32
      %cond3A_887 = arith.cmpi ne, %convert_element_type3A_885, %cond3A_886 : i32
      scf.if %cond3A_887 {
        %dma_start3A_1086 = arith.constant 6 : i32
        %dma_start3A_1087 = arith.constant 6 : i32
        %dma_start3A_1088 = arith.constant 0 : i32
        %dma_start3A_1089 = arith.constant 0 : i32
        %dma_start3A_1090 = tpu.memref_slice %arg8[%dma_start3A_1086, %dma_start3A_1088, %dma_start3A_1089] : memref<13x128x8xf32, #tpu.memory_space<vmem>> -> memref<1x128x8xf32, #tpu.memory_space<vmem>>
        %dma_start3A_1091 = tpu.memref_squeeze %dma_start3A_1090 : memref<1x128x8xf32, #tpu.memory_space<vmem>> -> memref<128x8xf32, #tpu.memory_space<vmem>>
        %dma_start3A_1092 = arith.constant 0 : i32
        %dma_start3A_1093 = tpu.memref_slice %arg6[%add3A_858, %dma_start3A_1092] : memref<79x128xi32, #tpu.memory_space<vmem>> -> memref<1x128xi32, #tpu.memory_space<vmem>>
        %dma_start3A_1094 = tpu.memref_squeeze %dma_start3A_1093 : memref<1x128xi32, #tpu.memory_space<vmem>> -> memref<128xi32, #tpu.memory_space<vmem>>
        %dma_start3A_1095 = arith.constant 0 : i32
        %dma_start3A_1096 = arith.constant 0 : i32
        %dma_start3A_1097 = tpu.memref_slice %arg10[%dma_start3A_1095, %dma_start3A_1096] : memref<10000x8xf32, #tpu.memory_space<vmem_shared>> -> memref<10000x8xf32, #tpu.memory_space<vmem_shared>>
        %dma_start3A_1098 = tpu.memref_slice %arg11[%dma_start3A_1087] : memref<13x!tpu.dma_semaphore, #tpu.memory_space<semaphore_mem>> -> memref<1x!tpu.dma_semaphore, #tpu.memory_space<semaphore_mem>>
        %dma_start3A_1099 = tpu.memref_squeeze %dma_start3A_1098 : memref<1x!tpu.dma_semaphore, #tpu.memory_space<semaphore_mem>> -> memref<!tpu.dma_semaphore, #tpu.memory_space<semaphore_mem>>
        tpu.enqueue_indirect_dma source(%dma_start3A_1097 : memref<10000x8xf32, #tpu.memory_space<vmem_shared>>) target(%dma_start3A_1091 : memref<128x8xf32, #tpu.memory_space<vmem>>) offsets(%dma_start3A_1094 : memref<128xi32, #tpu.memory_space<vmem>>) semaphore(%dma_start3A_1099 : memref<!tpu.dma_semaphore, #tpu.memory_space<semaphore_mem>>)
      } else {
      }
      %add3A_888 = arith.constant 13 : i32
      %add3A_889 = arith.addi %add3A_243, %add3A_888 : i32
      %add3A_890 = arith.constant 7 : i32
      %add3A_891 = arith.addi %add3A_889, %add3A_890 : i32
      %dma_wait3A_892 = arith.constant 7 : i32
      %dma_wait3A_893 = arith.constant 7 : i32
      %dma_wait3A_894 = arith.constant 0 : i32
      %dma_wait3A_895 = arith.constant 0 : i32
      %dma_wait3A_896 = tpu.memref_slice %arg8[%dma_wait3A_892, %dma_wait3A_894, %dma_wait3A_895] : memref<13x128x8xf32, #tpu.memory_space<vmem>> -> memref<1x128x8xf32, #tpu.memory_space<vmem>>
      %dma_wait3A_897 = tpu.memref_squeeze %dma_wait3A_896 : memref<1x128x8xf32, #tpu.memory_space<vmem>> -> memref<128x8xf32, #tpu.memory_space<vmem>>
      %dma_wait3A_898 = arith.constant 0 : i32
      %dma_wait3A_899 = arith.constant 0 : i32
      %dma_wait3A_900 = tpu.memref_slice %arg9[%dma_wait3A_898, %dma_wait3A_899] : memref<10000x8xf32, #tpu.memory_space<vmem_shared>> -> memref<128x8xf32, #tpu.memory_space<vmem_shared>>
      %dma_wait3A_901 = tpu.memref_slice %arg12[%dma_wait3A_893] : memref<13x!tpu.dma_semaphore, #tpu.memory_space<semaphore_mem>> -> memref<1x!tpu.dma_semaphore, #tpu.memory_space<semaphore_mem>>
      %dma_wait3A_902 = tpu.memref_squeeze %dma_wait3A_901 : memref<1x!tpu.dma_semaphore, #tpu.memory_space<semaphore_mem>> -> memref<!tpu.dma_semaphore, #tpu.memory_space<semaphore_mem>>
      %dma_wait3A_903 = arith.constant 0 : i32
      %dma_wait3A_904 = arith.constant 0 : i32
      %dma_wait3A_905 = tpu.memref_slice %arg9[%dma_wait3A_903, %dma_wait3A_904] : memref<10000x8xf32, #tpu.memory_space<vmem_shared>> -> memref<128x8xf32, #tpu.memory_space<vmem_shared>>
      %dma_wait3A_906 = arith.constant 0 : i32
      %dma_wait3A_907 = arith.constant 0 : i32
      %dma_wait3A_908 = tpu.memref_slice %arg8[%dma_wait3A_892, %dma_wait3A_906, %dma_wait3A_907] : memref<13x128x8xf32, #tpu.memory_space<vmem>> -> memref<1x128x8xf32, #tpu.memory_space<vmem>>
      %dma_wait3A_909 = tpu.memref_squeeze %dma_wait3A_908 : memref<1x128x8xf32, #tpu.memory_space<vmem>> -> memref<128x8xf32, #tpu.memory_space<vmem>>
      tpu.wait_dma2 semaphore(%dma_wait3A_902 : memref<!tpu.dma_semaphore, #tpu.memory_space<semaphore_mem>>) src(%dma_wait3A_909 : memref<128x8xf32, #tpu.memory_space<vmem>>) dst(%dma_wait3A_905 : memref<128x8xf32, #tpu.memory_space<vmem_shared>>)
      %lt3A_910 = arith.constant 4 : i32
      %lt3A_911 = arith.cmpi slt, %add3A, %lt3A_910 : i32
      %jit3A_912 = arith.constant 1 : i32
      %jit3A_913 = arith.constant 0 : i32
      %select_n3A_914 = arith.select %lt3A_911, %jit3A_912, %jit3A_913 : i32
      %add3A_915 = arith.constant 78 : i32
      %add3A_916 = arith.addi %add3A_915, %select_n3A_914 : i32
      %lt3A_917 = arith.cmpi slt, %add3A_891, %add3A_916 : i32
      %convert_element_type3A_918 = arith.extui %lt3A_917 : i1 to i32
      %cond3A_919 = arith.constant 0 : i32
      %cond3A_920 = arith.cmpi ne, %convert_element_type3A_918, %cond3A_919 : i32
      scf.if %cond3A_920 {
        %dma_start3A_1086 = arith.constant 7 : i32
        %dma_start3A_1087 = arith.constant 7 : i32
        %dma_start3A_1088 = arith.constant 0 : i32
        %dma_start3A_1089 = arith.constant 0 : i32
        %dma_start3A_1090 = tpu.memref_slice %arg8[%dma_start3A_1086, %dma_start3A_1088, %dma_start3A_1089] : memref<13x128x8xf32, #tpu.memory_space<vmem>> -> memref<1x128x8xf32, #tpu.memory_space<vmem>>
        %dma_start3A_1091 = tpu.memref_squeeze %dma_start3A_1090 : memref<1x128x8xf32, #tpu.memory_space<vmem>> -> memref<128x8xf32, #tpu.memory_space<vmem>>
        %dma_start3A_1092 = arith.constant 0 : i32
        %dma_start3A_1093 = tpu.memref_slice %arg6[%add3A_891, %dma_start3A_1092] : memref<79x128xi32, #tpu.memory_space<vmem>> -> memref<1x128xi32, #tpu.memory_space<vmem>>
        %dma_start3A_1094 = tpu.memref_squeeze %dma_start3A_1093 : memref<1x128xi32, #tpu.memory_space<vmem>> -> memref<128xi32, #tpu.memory_space<vmem>>
        %dma_start3A_1095 = arith.constant 0 : i32
        %dma_start3A_1096 = arith.constant 0 : i32
        %dma_start3A_1097 = tpu.memref_slice %arg10[%dma_start3A_1095, %dma_start3A_1096] : memref<10000x8xf32, #tpu.memory_space<vmem_shared>> -> memref<10000x8xf32, #tpu.memory_space<vmem_shared>>
        %dma_start3A_1098 = tpu.memref_slice %arg11[%dma_start3A_1087] : memref<13x!tpu.dma_semaphore, #tpu.memory_space<semaphore_mem>> -> memref<1x!tpu.dma_semaphore, #tpu.memory_space<semaphore_mem>>
        %dma_start3A_1099 = tpu.memref_squeeze %dma_start3A_1098 : memref<1x!tpu.dma_semaphore, #tpu.memory_space<semaphore_mem>> -> memref<!tpu.dma_semaphore, #tpu.memory_space<semaphore_mem>>
        tpu.enqueue_indirect_dma source(%dma_start3A_1097 : memref<10000x8xf32, #tpu.memory_space<vmem_shared>>) target(%dma_start3A_1091 : memref<128x8xf32, #tpu.memory_space<vmem>>) offsets(%dma_start3A_1094 : memref<128xi32, #tpu.memory_space<vmem>>) semaphore(%dma_start3A_1099 : memref<!tpu.dma_semaphore, #tpu.memory_space<semaphore_mem>>)
      } else {
      }
      %add3A_921 = arith.constant 13 : i32
      %add3A_922 = arith.addi %add3A_243, %add3A_921 : i32
      %add3A_923 = arith.constant 8 : i32
      %add3A_924 = arith.addi %add3A_922, %add3A_923 : i32
      %dma_wait3A_925 = arith.constant 8 : i32
      %dma_wait3A_926 = arith.constant 8 : i32
      %dma_wait3A_927 = arith.constant 0 : i32
      %dma_wait3A_928 = arith.constant 0 : i32
      %dma_wait3A_929 = tpu.memref_slice %arg8[%dma_wait3A_925, %dma_wait3A_927, %dma_wait3A_928] : memref<13x128x8xf32, #tpu.memory_space<vmem>> -> memref<1x128x8xf32, #tpu.memory_space<vmem>>
      %dma_wait3A_930 = tpu.memref_squeeze %dma_wait3A_929 : memref<1x128x8xf32, #tpu.memory_space<vmem>> -> memref<128x8xf32, #tpu.memory_space<vmem>>
      %dma_wait3A_931 = arith.constant 0 : i32
      %dma_wait3A_932 = arith.constant 0 : i32
      %dma_wait3A_933 = tpu.memref_slice %arg9[%dma_wait3A_931, %dma_wait3A_932] : memref<10000x8xf32, #tpu.memory_space<vmem_shared>> -> memref<128x8xf32, #tpu.memory_space<vmem_shared>>
      %dma_wait3A_934 = tpu.memref_slice %arg12[%dma_wait3A_926] : memref<13x!tpu.dma_semaphore, #tpu.memory_space<semaphore_mem>> -> memref<1x!tpu.dma_semaphore, #tpu.memory_space<semaphore_mem>>
      %dma_wait3A_935 = tpu.memref_squeeze %dma_wait3A_934 : memref<1x!tpu.dma_semaphore, #tpu.memory_space<semaphore_mem>> -> memref<!tpu.dma_semaphore, #tpu.memory_space<semaphore_mem>>
      %dma_wait3A_936 = arith.constant 0 : i32
      %dma_wait3A_937 = arith.constant 0 : i32
      %dma_wait3A_938 = tpu.memref_slice %arg9[%dma_wait3A_936, %dma_wait3A_937] : memref<10000x8xf32, #tpu.memory_space<vmem_shared>> -> memref<128x8xf32, #tpu.memory_space<vmem_shared>>
      %dma_wait3A_939 = arith.constant 0 : i32
      %dma_wait3A_940 = arith.constant 0 : i32
      %dma_wait3A_941 = tpu.memref_slice %arg8[%dma_wait3A_925, %dma_wait3A_939, %dma_wait3A_940] : memref<13x128x8xf32, #tpu.memory_space<vmem>> -> memref<1x128x8xf32, #tpu.memory_space<vmem>>
      %dma_wait3A_942 = tpu.memref_squeeze %dma_wait3A_941 : memref<1x128x8xf32, #tpu.memory_space<vmem>> -> memref<128x8xf32, #tpu.memory_space<vmem>>
      tpu.wait_dma2 semaphore(%dma_wait3A_935 : memref<!tpu.dma_semaphore, #tpu.memory_space<semaphore_mem>>) src(%dma_wait3A_942 : memref<128x8xf32, #tpu.memory_space<vmem>>) dst(%dma_wait3A_938 : memref<128x8xf32, #tpu.memory_space<vmem_shared>>)
      %lt3A_943 = arith.constant 4 : i32
      %lt3A_944 = arith.cmpi slt, %add3A, %lt3A_943 : i32
      %jit3A_945 = arith.constant 1 : i32
      %jit3A_946 = arith.constant 0 : i32
      %select_n3A_947 = arith.select %lt3A_944, %jit3A_945, %jit3A_946 : i32
      %add3A_948 = arith.constant 78 : i32
      %add3A_949 = arith.addi %add3A_948, %select_n3A_947 : i32
      %lt3A_950 = arith.cmpi slt, %add3A_924, %add3A_949 : i32
      %convert_element_type3A_951 = arith.extui %lt3A_950 : i1 to i32
      %cond3A_952 = arith.constant 0 : i32
      %cond3A_953 = arith.cmpi ne, %convert_element_type3A_951, %cond3A_952 : i32
      scf.if %cond3A_953 {
        %dma_start3A_1086 = arith.constant 8 : i32
        %dma_start3A_1087 = arith.constant 8 : i32
        %dma_start3A_1088 = arith.constant 0 : i32
        %dma_start3A_1089 = arith.constant 0 : i32
        %dma_start3A_1090 = tpu.memref_slice %arg8[%dma_start3A_1086, %dma_start3A_1088, %dma_start3A_1089] : memref<13x128x8xf32, #tpu.memory_space<vmem>> -> memref<1x128x8xf32, #tpu.memory_space<vmem>>
        %dma_start3A_1091 = tpu.memref_squeeze %dma_start3A_1090 : memref<1x128x8xf32, #tpu.memory_space<vmem>> -> memref<128x8xf32, #tpu.memory_space<vmem>>
        %dma_start3A_1092 = arith.constant 0 : i32
        %dma_start3A_1093 = tpu.memref_slice %arg6[%add3A_924, %dma_start3A_1092] : memref<79x128xi32, #tpu.memory_space<vmem>> -> memref<1x128xi32, #tpu.memory_space<vmem>>
        %dma_start3A_1094 = tpu.memref_squeeze %dma_start3A_1093 : memref<1x128xi32, #tpu.memory_space<vmem>> -> memref<128xi32, #tpu.memory_space<vmem>>
        %dma_start3A_1095 = arith.constant 0 : i32
        %dma_start3A_1096 = arith.constant 0 : i32
        %dma_start3A_1097 = tpu.memref_slice %arg10[%dma_start3A_1095, %dma_start3A_1096] : memref<10000x8xf32, #tpu.memory_space<vmem_shared>> -> memref<10000x8xf32, #tpu.memory_space<vmem_shared>>
        %dma_start3A_1098 = tpu.memref_slice %arg11[%dma_start3A_1087] : memref<13x!tpu.dma_semaphore, #tpu.memory_space<semaphore_mem>> -> memref<1x!tpu.dma_semaphore, #tpu.memory_space<semaphore_mem>>
        %dma_start3A_1099 = tpu.memref_squeeze %dma_start3A_1098 : memref<1x!tpu.dma_semaphore, #tpu.memory_space<semaphore_mem>> -> memref<!tpu.dma_semaphore, #tpu.memory_space<semaphore_mem>>
        tpu.enqueue_indirect_dma source(%dma_start3A_1097 : memref<10000x8xf32, #tpu.memory_space<vmem_shared>>) target(%dma_start3A_1091 : memref<128x8xf32, #tpu.memory_space<vmem>>) offsets(%dma_start3A_1094 : memref<128xi32, #tpu.memory_space<vmem>>) semaphore(%dma_start3A_1099 : memref<!tpu.dma_semaphore, #tpu.memory_space<semaphore_mem>>)
      } else {
      }
      %add3A_954 = arith.constant 13 : i32
      %add3A_955 = arith.addi %add3A_243, %add3A_954 : i32
      %add3A_956 = arith.constant 9 : i32
      %add3A_957 = arith.addi %add3A_955, %add3A_956 : i32
      %dma_wait3A_958 = arith.constant 9 : i32
      %dma_wait3A_959 = arith.constant 9 : i32
      %dma_wait3A_960 = arith.constant 0 : i32
      %dma_wait3A_961 = arith.constant 0 : i32
      %dma_wait3A_962 = tpu.memref_slice %arg8[%dma_wait3A_958, %dma_wait3A_960, %dma_wait3A_961] : memref<13x128x8xf32, #tpu.memory_space<vmem>> -> memref<1x128x8xf32, #tpu.memory_space<vmem>>
      %dma_wait3A_963 = tpu.memref_squeeze %dma_wait3A_962 : memref<1x128x8xf32, #tpu.memory_space<vmem>> -> memref<128x8xf32, #tpu.memory_space<vmem>>
      %dma_wait3A_964 = arith.constant 0 : i32
      %dma_wait3A_965 = arith.constant 0 : i32
      %dma_wait3A_966 = tpu.memref_slice %arg9[%dma_wait3A_964, %dma_wait3A_965] : memref<10000x8xf32, #tpu.memory_space<vmem_shared>> -> memref<128x8xf32, #tpu.memory_space<vmem_shared>>
      %dma_wait3A_967 = tpu.memref_slice %arg12[%dma_wait3A_959] : memref<13x!tpu.dma_semaphore, #tpu.memory_space<semaphore_mem>> -> memref<1x!tpu.dma_semaphore, #tpu.memory_space<semaphore_mem>>
      %dma_wait3A_968 = tpu.memref_squeeze %dma_wait3A_967 : memref<1x!tpu.dma_semaphore, #tpu.memory_space<semaphore_mem>> -> memref<!tpu.dma_semaphore, #tpu.memory_space<semaphore_mem>>
      %dma_wait3A_969 = arith.constant 0 : i32
      %dma_wait3A_970 = arith.constant 0 : i32
      %dma_wait3A_971 = tpu.memref_slice %arg9[%dma_wait3A_969, %dma_wait3A_970] : memref<10000x8xf32, #tpu.memory_space<vmem_shared>> -> memref<128x8xf32, #tpu.memory_space<vmem_shared>>
      %dma_wait3A_972 = arith.constant 0 : i32
      %dma_wait3A_973 = arith.constant 0 : i32
      %dma_wait3A_974 = tpu.memref_slice %arg8[%dma_wait3A_958, %dma_wait3A_972, %dma_wait3A_973] : memref<13x128x8xf32, #tpu.memory_space<vmem>> -> memref<1x128x8xf32, #tpu.memory_space<vmem>>
      %dma_wait3A_975 = tpu.memref_squeeze %dma_wait3A_974 : memref<1x128x8xf32, #tpu.memory_space<vmem>> -> memref<128x8xf32, #tpu.memory_space<vmem>>
      tpu.wait_dma2 semaphore(%dma_wait3A_968 : memref<!tpu.dma_semaphore, #tpu.memory_space<semaphore_mem>>) src(%dma_wait3A_975 : memref<128x8xf32, #tpu.memory_space<vmem>>) dst(%dma_wait3A_971 : memref<128x8xf32, #tpu.memory_space<vmem_shared>>)
      %lt3A_976 = arith.constant 4 : i32
      %lt3A_977 = arith.cmpi slt, %add3A, %lt3A_976 : i32
      %jit3A_978 = arith.constant 1 : i32
      %jit3A_979 = arith.constant 0 : i32
      %select_n3A_980 = arith.select %lt3A_977, %jit3A_978, %jit3A_979 : i32
      %add3A_981 = arith.constant 78 : i32
      %add3A_982 = arith.addi %add3A_981, %select_n3A_980 : i32
      %lt3A_983 = arith.cmpi slt, %add3A_957, %add3A_982 : i32
      %convert_element_type3A_984 = arith.extui %lt3A_983 : i1 to i32
      %cond3A_985 = arith.constant 0 : i32
      %cond3A_986 = arith.cmpi ne, %convert_element_type3A_984, %cond3A_985 : i32
      scf.if %cond3A_986 {
        %dma_start3A_1086 = arith.constant 9 : i32
        %dma_start3A_1087 = arith.constant 9 : i32
        %dma_start3A_1088 = arith.constant 0 : i32
        %dma_start3A_1089 = arith.constant 0 : i32
        %dma_start3A_1090 = tpu.memref_slice %arg8[%dma_start3A_1086, %dma_start3A_1088, %dma_start3A_1089] : memref<13x128x8xf32, #tpu.memory_space<vmem>> -> memref<1x128x8xf32, #tpu.memory_space<vmem>>
        %dma_start3A_1091 = tpu.memref_squeeze %dma_start3A_1090 : memref<1x128x8xf32, #tpu.memory_space<vmem>> -> memref<128x8xf32, #tpu.memory_space<vmem>>
        %dma_start3A_1092 = arith.constant 0 : i32
        %dma_start3A_1093 = tpu.memref_slice %arg6[%add3A_957, %dma_start3A_1092] : memref<79x128xi32, #tpu.memory_space<vmem>> -> memref<1x128xi32, #tpu.memory_space<vmem>>
        %dma_start3A_1094 = tpu.memref_squeeze %dma_start3A_1093 : memref<1x128xi32, #tpu.memory_space<vmem>> -> memref<128xi32, #tpu.memory_space<vmem>>
        %dma_start3A_1095 = arith.constant 0 : i32
        %dma_start3A_1096 = arith.constant 0 : i32
        %dma_start3A_1097 = tpu.memref_slice %arg10[%dma_start3A_1095, %dma_start3A_1096] : memref<10000x8xf32, #tpu.memory_space<vmem_shared>> -> memref<10000x8xf32, #tpu.memory_space<vmem_shared>>
        %dma_start3A_1098 = tpu.memref_slice %arg11[%dma_start3A_1087] : memref<13x!tpu.dma_semaphore, #tpu.memory_space<semaphore_mem>> -> memref<1x!tpu.dma_semaphore, #tpu.memory_space<semaphore_mem>>
        %dma_start3A_1099 = tpu.memref_squeeze %dma_start3A_1098 : memref<1x!tpu.dma_semaphore, #tpu.memory_space<semaphore_mem>> -> memref<!tpu.dma_semaphore, #tpu.memory_space<semaphore_mem>>
        tpu.enqueue_indirect_dma source(%dma_start3A_1097 : memref<10000x8xf32, #tpu.memory_space<vmem_shared>>) target(%dma_start3A_1091 : memref<128x8xf32, #tpu.memory_space<vmem>>) offsets(%dma_start3A_1094 : memref<128xi32, #tpu.memory_space<vmem>>) semaphore(%dma_start3A_1099 : memref<!tpu.dma_semaphore, #tpu.memory_space<semaphore_mem>>)
      } else {
      }
      %add3A_987 = arith.constant 13 : i32
      %add3A_988 = arith.addi %add3A_243, %add3A_987 : i32
      %add3A_989 = arith.constant 10 : i32
      %add3A_990 = arith.addi %add3A_988, %add3A_989 : i32
      %dma_wait3A_991 = arith.constant 10 : i32
      %dma_wait3A_992 = arith.constant 10 : i32
      %dma_wait3A_993 = arith.constant 0 : i32
      %dma_wait3A_994 = arith.constant 0 : i32
      %dma_wait3A_995 = tpu.memref_slice %arg8[%dma_wait3A_991, %dma_wait3A_993, %dma_wait3A_994] : memref<13x128x8xf32, #tpu.memory_space<vmem>> -> memref<1x128x8xf32, #tpu.memory_space<vmem>>
      %dma_wait3A_996 = tpu.memref_squeeze %dma_wait3A_995 : memref<1x128x8xf32, #tpu.memory_space<vmem>> -> memref<128x8xf32, #tpu.memory_space<vmem>>
      %dma_wait3A_997 = arith.constant 0 : i32
      %dma_wait3A_998 = arith.constant 0 : i32
      %dma_wait3A_999 = tpu.memref_slice %arg9[%dma_wait3A_997, %dma_wait3A_998] : memref<10000x8xf32, #tpu.memory_space<vmem_shared>> -> memref<128x8xf32, #tpu.memory_space<vmem_shared>>
      %dma_wait3A_1000 = tpu.memref_slice %arg12[%dma_wait3A_992] : memref<13x!tpu.dma_semaphore, #tpu.memory_space<semaphore_mem>> -> memref<1x!tpu.dma_semaphore, #tpu.memory_space<semaphore_mem>>
      %dma_wait3A_1001 = tpu.memref_squeeze %dma_wait3A_1000 : memref<1x!tpu.dma_semaphore, #tpu.memory_space<semaphore_mem>> -> memref<!tpu.dma_semaphore, #tpu.memory_space<semaphore_mem>>
      %dma_wait3A_1002 = arith.constant 0 : i32
      %dma_wait3A_1003 = arith.constant 0 : i32
      %dma_wait3A_1004 = tpu.memref_slice %arg9[%dma_wait3A_1002, %dma_wait3A_1003] : memref<10000x8xf32, #tpu.memory_space<vmem_shared>> -> memref<128x8xf32, #tpu.memory_space<vmem_shared>>
      %dma_wait3A_1005 = arith.constant 0 : i32
      %dma_wait3A_1006 = arith.constant 0 : i32
      %dma_wait3A_1007 = tpu.memref_slice %arg8[%dma_wait3A_991, %dma_wait3A_1005, %dma_wait3A_1006] : memref<13x128x8xf32, #tpu.memory_space<vmem>> -> memref<1x128x8xf32, #tpu.memory_space<vmem>>
      %dma_wait3A_1008 = tpu.memref_squeeze %dma_wait3A_1007 : memref<1x128x8xf32, #tpu.memory_space<vmem>> -> memref<128x8xf32, #tpu.memory_space<vmem>>
      tpu.wait_dma2 semaphore(%dma_wait3A_1001 : memref<!tpu.dma_semaphore, #tpu.memory_space<semaphore_mem>>) src(%dma_wait3A_1008 : memref<128x8xf32, #tpu.memory_space<vmem>>) dst(%dma_wait3A_1004 : memref<128x8xf32, #tpu.memory_space<vmem_shared>>)
      %lt3A_1009 = arith.constant 4 : i32
      %lt3A_1010 = arith.cmpi slt, %add3A, %lt3A_1009 : i32
      %jit3A_1011 = arith.constant 1 : i32
      %jit3A_1012 = arith.constant 0 : i32
      %select_n3A_1013 = arith.select %lt3A_1010, %jit3A_1011, %jit3A_1012 : i32
      %add3A_1014 = arith.constant 78 : i32
      %add3A_1015 = arith.addi %add3A_1014, %select_n3A_1013 : i32
      %lt3A_1016 = arith.cmpi slt, %add3A_990, %add3A_1015 : i32
      %convert_element_type3A_1017 = arith.extui %lt3A_1016 : i1 to i32
      %cond3A_1018 = arith.constant 0 : i32
      %cond3A_1019 = arith.cmpi ne, %convert_element_type3A_1017, %cond3A_1018 : i32
      scf.if %cond3A_1019 {
        %dma_start3A_1086 = arith.constant 10 : i32
        %dma_start3A_1087 = arith.constant 10 : i32
        %dma_start3A_1088 = arith.constant 0 : i32
        %dma_start3A_1089 = arith.constant 0 : i32
        %dma_start3A_1090 = tpu.memref_slice %arg8[%dma_start3A_1086, %dma_start3A_1088, %dma_start3A_1089] : memref<13x128x8xf32, #tpu.memory_space<vmem>> -> memref<1x128x8xf32, #tpu.memory_space<vmem>>
        %dma_start3A_1091 = tpu.memref_squeeze %dma_start3A_1090 : memref<1x128x8xf32, #tpu.memory_space<vmem>> -> memref<128x8xf32, #tpu.memory_space<vmem>>
        %dma_start3A_1092 = arith.constant 0 : i32
        %dma_start3A_1093 = tpu.memref_slice %arg6[%add3A_990, %dma_start3A_1092] : memref<79x128xi32, #tpu.memory_space<vmem>> -> memref<1x128xi32, #tpu.memory_space<vmem>>
        %dma_start3A_1094 = tpu.memref_squeeze %dma_start3A_1093 : memref<1x128xi32, #tpu.memory_space<vmem>> -> memref<128xi32, #tpu.memory_space<vmem>>
        %dma_start3A_1095 = arith.constant 0 : i32
        %dma_start3A_1096 = arith.constant 0 : i32
        %dma_start3A_1097 = tpu.memref_slice %arg10[%dma_start3A_1095, %dma_start3A_1096] : memref<10000x8xf32, #tpu.memory_space<vmem_shared>> -> memref<10000x8xf32, #tpu.memory_space<vmem_shared>>
        %dma_start3A_1098 = tpu.memref_slice %arg11[%dma_start3A_1087] : memref<13x!tpu.dma_semaphore, #tpu.memory_space<semaphore_mem>> -> memref<1x!tpu.dma_semaphore, #tpu.memory_space<semaphore_mem>>
        %dma_start3A_1099 = tpu.memref_squeeze %dma_start3A_1098 : memref<1x!tpu.dma_semaphore, #tpu.memory_space<semaphore_mem>> -> memref<!tpu.dma_semaphore, #tpu.memory_space<semaphore_mem>>
        tpu.enqueue_indirect_dma source(%dma_start3A_1097 : memref<10000x8xf32, #tpu.memory_space<vmem_shared>>) target(%dma_start3A_1091 : memref<128x8xf32, #tpu.memory_space<vmem>>) offsets(%dma_start3A_1094 : memref<128xi32, #tpu.memory_space<vmem>>) semaphore(%dma_start3A_1099 : memref<!tpu.dma_semaphore, #tpu.memory_space<semaphore_mem>>)
      } else {
      }
      %add3A_1020 = arith.constant 13 : i32
      %add3A_1021 = arith.addi %add3A_243, %add3A_1020 : i32
      %add3A_1022 = arith.constant 11 : i32
      %add3A_1023 = arith.addi %add3A_1021, %add3A_1022 : i32
      %dma_wait3A_1024 = arith.constant 11 : i32
      %dma_wait3A_1025 = arith.constant 11 : i32
      %dma_wait3A_1026 = arith.constant 0 : i32
      %dma_wait3A_1027 = arith.constant 0 : i32
      %dma_wait3A_1028 = tpu.memref_slice %arg8[%dma_wait3A_1024, %dma_wait3A_1026, %dma_wait3A_1027] : memref<13x128x8xf32, #tpu.memory_space<vmem>> -> memref<1x128x8xf32, #tpu.memory_space<vmem>>
      %dma_wait3A_1029 = tpu.memref_squeeze %dma_wait3A_1028 : memref<1x128x8xf32, #tpu.memory_space<vmem>> -> memref<128x8xf32, #tpu.memory_space<vmem>>
      %dma_wait3A_1030 = arith.constant 0 : i32
      %dma_wait3A_1031 = arith.constant 0 : i32
      %dma_wait3A_1032 = tpu.memref_slice %arg9[%dma_wait3A_1030, %dma_wait3A_1031] : memref<10000x8xf32, #tpu.memory_space<vmem_shared>> -> memref<128x8xf32, #tpu.memory_space<vmem_shared>>
      %dma_wait3A_1033 = tpu.memref_slice %arg12[%dma_wait3A_1025] : memref<13x!tpu.dma_semaphore, #tpu.memory_space<semaphore_mem>> -> memref<1x!tpu.dma_semaphore, #tpu.memory_space<semaphore_mem>>
      %dma_wait3A_1034 = tpu.memref_squeeze %dma_wait3A_1033 : memref<1x!tpu.dma_semaphore, #tpu.memory_space<semaphore_mem>> -> memref<!tpu.dma_semaphore, #tpu.memory_space<semaphore_mem>>
      %dma_wait3A_1035 = arith.constant 0 : i32
      %dma_wait3A_1036 = arith.constant 0 : i32
      %dma_wait3A_1037 = tpu.memref_slice %arg9[%dma_wait3A_1035, %dma_wait3A_1036] : memref<10000x8xf32, #tpu.memory_space<vmem_shared>> -> memref<128x8xf32, #tpu.memory_space<vmem_shared>>
      %dma_wait3A_1038 = arith.constant 0 : i32
      %dma_wait3A_1039 = arith.constant 0 : i32
      %dma_wait3A_1040 = tpu.memref_slice %arg8[%dma_wait3A_1024, %dma_wait3A_1038, %dma_wait3A_1039] : memref<13x128x8xf32, #tpu.memory_space<vmem>> -> memref<1x128x8xf32, #tpu.memory_space<vmem>>
      %dma_wait3A_1041 = tpu.memref_squeeze %dma_wait3A_1040 : memref<1x128x8xf32, #tpu.memory_space<vmem>> -> memref<128x8xf32, #tpu.memory_space<vmem>>
      tpu.wait_dma2 semaphore(%dma_wait3A_1034 : memref<!tpu.dma_semaphore, #tpu.memory_space<semaphore_mem>>) src(%dma_wait3A_1041 : memref<128x8xf32, #tpu.memory_space<vmem>>) dst(%dma_wait3A_1037 : memref<128x8xf32, #tpu.memory_space<vmem_shared>>)
      %lt3A_1042 = arith.constant 4 : i32
      %lt3A_1043 = arith.cmpi slt, %add3A, %lt3A_1042 : i32
      %jit3A_1044 = arith.constant 1 : i32
      %jit3A_1045 = arith.constant 0 : i32
      %select_n3A_1046 = arith.select %lt3A_1043, %jit3A_1044, %jit3A_1045 : i32
      %add3A_1047 = arith.constant 78 : i32
      %add3A_1048 = arith.addi %add3A_1047, %select_n3A_1046 : i32
      %lt3A_1049 = arith.cmpi slt, %add3A_1023, %add3A_1048 : i32
      %convert_element_type3A_1050 = arith.extui %lt3A_1049 : i1 to i32
      %cond3A_1051 = arith.constant 0 : i32
      %cond3A_1052 = arith.cmpi ne, %convert_element_type3A_1050, %cond3A_1051 : i32
      scf.if %cond3A_1052 {
        %dma_start3A_1086 = arith.constant 11 : i32
        %dma_start3A_1087 = arith.constant 11 : i32
        %dma_start3A_1088 = arith.constant 0 : i32
        %dma_start3A_1089 = arith.constant 0 : i32
        %dma_start3A_1090 = tpu.memref_slice %arg8[%dma_start3A_1086, %dma_start3A_1088, %dma_start3A_1089] : memref<13x128x8xf32, #tpu.memory_space<vmem>> -> memref<1x128x8xf32, #tpu.memory_space<vmem>>
        %dma_start3A_1091 = tpu.memref_squeeze %dma_start3A_1090 : memref<1x128x8xf32, #tpu.memory_space<vmem>> -> memref<128x8xf32, #tpu.memory_space<vmem>>
        %dma_start3A_1092 = arith.constant 0 : i32
        %dma_start3A_1093 = tpu.memref_slice %arg6[%add3A_1023, %dma_start3A_1092] : memref<79x128xi32, #tpu.memory_space<vmem>> -> memref<1x128xi32, #tpu.memory_space<vmem>>
        %dma_start3A_1094 = tpu.memref_squeeze %dma_start3A_1093 : memref<1x128xi32, #tpu.memory_space<vmem>> -> memref<128xi32, #tpu.memory_space<vmem>>
        %dma_start3A_1095 = arith.constant 0 : i32
        %dma_start3A_1096 = arith.constant 0 : i32
        %dma_start3A_1097 = tpu.memref_slice %arg10[%dma_start3A_1095, %dma_start3A_1096] : memref<10000x8xf32, #tpu.memory_space<vmem_shared>> -> memref<10000x8xf32, #tpu.memory_space<vmem_shared>>
        %dma_start3A_1098 = tpu.memref_slice %arg11[%dma_start3A_1087] : memref<13x!tpu.dma_semaphore, #tpu.memory_space<semaphore_mem>> -> memref<1x!tpu.dma_semaphore, #tpu.memory_space<semaphore_mem>>
        %dma_start3A_1099 = tpu.memref_squeeze %dma_start3A_1098 : memref<1x!tpu.dma_semaphore, #tpu.memory_space<semaphore_mem>> -> memref<!tpu.dma_semaphore, #tpu.memory_space<semaphore_mem>>
        tpu.enqueue_indirect_dma source(%dma_start3A_1097 : memref<10000x8xf32, #tpu.memory_space<vmem_shared>>) target(%dma_start3A_1091 : memref<128x8xf32, #tpu.memory_space<vmem>>) offsets(%dma_start3A_1094 : memref<128xi32, #tpu.memory_space<vmem>>) semaphore(%dma_start3A_1099 : memref<!tpu.dma_semaphore, #tpu.memory_space<semaphore_mem>>)
      } else {
      }
      %add3A_1053 = arith.constant 13 : i32
      %add3A_1054 = arith.addi %add3A_243, %add3A_1053 : i32
      %add3A_1055 = arith.constant 12 : i32
      %add3A_1056 = arith.addi %add3A_1054, %add3A_1055 : i32
      %dma_wait3A_1057 = arith.constant 12 : i32
      %dma_wait3A_1058 = arith.constant 12 : i32
      %dma_wait3A_1059 = arith.constant 0 : i32
      %dma_wait3A_1060 = arith.constant 0 : i32
      %dma_wait3A_1061 = tpu.memref_slice %arg8[%dma_wait3A_1057, %dma_wait3A_1059, %dma_wait3A_1060] : memref<13x128x8xf32, #tpu.memory_space<vmem>> -> memref<1x128x8xf32, #tpu.memory_space<vmem>>
      %dma_wait3A_1062 = tpu.memref_squeeze %dma_wait3A_1061 : memref<1x128x8xf32, #tpu.memory_space<vmem>> -> memref<128x8xf32, #tpu.memory_space<vmem>>
      %dma_wait3A_1063 = arith.constant 0 : i32
      %dma_wait3A_1064 = arith.constant 0 : i32
      %dma_wait3A_1065 = tpu.memref_slice %arg9[%dma_wait3A_1063, %dma_wait3A_1064] : memref<10000x8xf32, #tpu.memory_space<vmem_shared>> -> memref<128x8xf32, #tpu.memory_space<vmem_shared>>
      %dma_wait3A_1066 = tpu.memref_slice %arg12[%dma_wait3A_1058] : memref<13x!tpu.dma_semaphore, #tpu.memory_space<semaphore_mem>> -> memref<1x!tpu.dma_semaphore, #tpu.memory_space<semaphore_mem>>
      %dma_wait3A_1067 = tpu.memref_squeeze %dma_wait3A_1066 : memref<1x!tpu.dma_semaphore, #tpu.memory_space<semaphore_mem>> -> memref<!tpu.dma_semaphore, #tpu.memory_space<semaphore_mem>>
      %dma_wait3A_1068 = arith.constant 0 : i32
      %dma_wait3A_1069 = arith.constant 0 : i32
      %dma_wait3A_1070 = tpu.memref_slice %arg9[%dma_wait3A_1068, %dma_wait3A_1069] : memref<10000x8xf32, #tpu.memory_space<vmem_shared>> -> memref<128x8xf32, #tpu.memory_space<vmem_shared>>
      %dma_wait3A_1071 = arith.constant 0 : i32
      %dma_wait3A_1072 = arith.constant 0 : i32
      %dma_wait3A_1073 = tpu.memref_slice %arg8[%dma_wait3A_1057, %dma_wait3A_1071, %dma_wait3A_1072] : memref<13x128x8xf32, #tpu.memory_space<vmem>> -> memref<1x128x8xf32, #tpu.memory_space<vmem>>
      %dma_wait3A_1074 = tpu.memref_squeeze %dma_wait3A_1073 : memref<1x128x8xf32, #tpu.memory_space<vmem>> -> memref<128x8xf32, #tpu.memory_space<vmem>>
      tpu.wait_dma2 semaphore(%dma_wait3A_1067 : memref<!tpu.dma_semaphore, #tpu.memory_space<semaphore_mem>>) src(%dma_wait3A_1074 : memref<128x8xf32, #tpu.memory_space<vmem>>) dst(%dma_wait3A_1070 : memref<128x8xf32, #tpu.memory_space<vmem_shared>>)
      %lt3A_1075 = arith.constant 4 : i32
      %lt3A_1076 = arith.cmpi slt, %add3A, %lt3A_1075 : i32
      %jit3A_1077 = arith.constant 1 : i32
      %jit3A_1078 = arith.constant 0 : i32
      %select_n3A_1079 = arith.select %lt3A_1076, %jit3A_1077, %jit3A_1078 : i32
      %add3A_1080 = arith.constant 78 : i32
      %add3A_1081 = arith.addi %add3A_1080, %select_n3A_1079 : i32
      %lt3A_1082 = arith.cmpi slt, %add3A_1056, %add3A_1081 : i32
      %convert_element_type3A_1083 = arith.extui %lt3A_1082 : i1 to i32
      %cond3A_1084 = arith.constant 0 : i32
      %cond3A_1085 = arith.cmpi ne, %convert_element_type3A_1083, %cond3A_1084 : i32
      scf.if %cond3A_1085 {
        %dma_start3A_1086 = arith.constant 12 : i32
        %dma_start3A_1087 = arith.constant 12 : i32
        %dma_start3A_1088 = arith.constant 0 : i32
        %dma_start3A_1089 = arith.constant 0 : i32
        %dma_start3A_1090 = tpu.memref_slice %arg8[%dma_start3A_1086, %dma_start3A_1088, %dma_start3A_1089] : memref<13x128x8xf32, #tpu.memory_space<vmem>> -> memref<1x128x8xf32, #tpu.memory_space<vmem>>
        %dma_start3A_1091 = tpu.memref_squeeze %dma_start3A_1090 : memref<1x128x8xf32, #tpu.memory_space<vmem>> -> memref<128x8xf32, #tpu.memory_space<vmem>>
        %dma_start3A_1092 = arith.constant 0 : i32
        %dma_start3A_1093 = tpu.memref_slice %arg6[%add3A_1056, %dma_start3A_1092] : memref<79x128xi32, #tpu.memory_space<vmem>> -> memref<1x128xi32, #tpu.memory_space<vmem>>
        %dma_start3A_1094 = tpu.memref_squeeze %dma_start3A_1093 : memref<1x128xi32, #tpu.memory_space<vmem>> -> memref<128xi32, #tpu.memory_space<vmem>>
        %dma_start3A_1095 = arith.constant 0 : i32
        %dma_start3A_1096 = arith.constant 0 : i32
        %dma_start3A_1097 = tpu.memref_slice %arg10[%dma_start3A_1095, %dma_start3A_1096] : memref<10000x8xf32, #tpu.memory_space<vmem_shared>> -> memref<10000x8xf32, #tpu.memory_space<vmem_shared>>
        %dma_start3A_1098 = tpu.memref_slice %arg11[%dma_start3A_1087] : memref<13x!tpu.dma_semaphore, #tpu.memory_space<semaphore_mem>> -> memref<1x!tpu.dma_semaphore, #tpu.memory_space<semaphore_mem>>
        %dma_start3A_1099 = tpu.memref_squeeze %dma_start3A_1098 : memref<1x!tpu.dma_semaphore, #tpu.memory_space<semaphore_mem>> -> memref<!tpu.dma_semaphore, #tpu.memory_space<semaphore_mem>>
        tpu.enqueue_indirect_dma source(%dma_start3A_1097 : memref<10000x8xf32, #tpu.memory_space<vmem_shared>>) target(%dma_start3A_1091 : memref<128x8xf32, #tpu.memory_space<vmem>>) offsets(%dma_start3A_1094 : memref<128xi32, #tpu.memory_space<vmem>>) semaphore(%dma_start3A_1099 : memref<!tpu.dma_semaphore, #tpu.memory_space<semaphore_mem>>)
      } else {
      }
    }
    %scan3A_228 = arith.constant 6 : i32
    %lt3A_229 = arith.constant 4 : i32
    %lt3A_230 = arith.cmpi slt, %add3A, %lt3A_229 : i32
    %convert_element_type3A_231 = arith.extui %lt3A_230 : i1 to i32
    %cond3A_232 = arith.constant 0 : i32
    %cond3A_233 = arith.cmpi ne, %convert_element_type3A_231, %cond3A_232 : i32
    scf.if %cond3A_233 {
      %dma_wait3A = arith.constant 78 : i32
      %dma_wait3A_239 = arith.constant 0 : i32
      %dma_wait3A_240 = arith.constant 0 : i32
      %dma_wait3A_241 = arith.constant 0 : i32
      %dma_wait3A_242 = arith.constant 0 : i32
      %dma_wait3A_243 = tpu.memref_slice %arg8[%dma_wait3A_239, %dma_wait3A_241, %dma_wait3A_242] : memref<13x128x8xf32, #tpu.memory_space<vmem>> -> memref<1x128x8xf32, #tpu.memory_space<vmem>>
      %dma_wait3A_244 = tpu.memref_squeeze %dma_wait3A_243 : memref<1x128x8xf32, #tpu.memory_space<vmem>> -> memref<128x8xf32, #tpu.memory_space<vmem>>
      %dma_wait3A_245 = arith.constant 0 : i32
      %dma_wait3A_246 = tpu.memref_slice %arg6[%dma_wait3A, %dma_wait3A_245] : memref<79x128xi32, #tpu.memory_space<vmem>> -> memref<1x128xi32, #tpu.memory_space<vmem>>
      %dma_wait3A_247 = tpu.memref_squeeze %dma_wait3A_246 : memref<1x128xi32, #tpu.memory_space<vmem>> -> memref<128xi32, #tpu.memory_space<vmem>>
      %dma_wait3A_248 = arith.constant 0 : i32
      %dma_wait3A_249 = arith.constant 0 : i32
      %dma_wait3A_250 = tpu.memref_slice %arg10[%dma_wait3A_248, %dma_wait3A_249] : memref<10000x8xf32, #tpu.memory_space<vmem_shared>> -> memref<10000x8xf32, #tpu.memory_space<vmem_shared>>
      %dma_wait3A_251 = tpu.memref_slice %arg11[%dma_wait3A_240] : memref<13x!tpu.dma_semaphore, #tpu.memory_space<semaphore_mem>> -> memref<1x!tpu.dma_semaphore, #tpu.memory_space<semaphore_mem>>
      %dma_wait3A_252 = tpu.memref_squeeze %dma_wait3A_251 : memref<1x!tpu.dma_semaphore, #tpu.memory_space<semaphore_mem>> -> memref<!tpu.dma_semaphore, #tpu.memory_space<semaphore_mem>>
      tpu.wait_indirect_dma semaphore(%dma_wait3A_252 : memref<!tpu.dma_semaphore, #tpu.memory_space<semaphore_mem>>) src(%dma_wait3A_250 : memref<10000x8xf32, #tpu.memory_space<vmem_shared>>) dst(%dma_wait3A_244 : memref<128x8xf32, #tpu.memory_space<vmem>>)
      %dma_start3A_253 = arith.constant 0 : i32
      %dma_start3A_254 = arith.constant 78 : i32
      %dma_start3A_255 = arith.constant 0 : i32
      %dma_start3A_256 = arith.constant 0 : i32
      %dma_start3A_257 = arith.constant 0 : i32
      %dma_start3A_258 = tpu.memref_slice %arg8[%dma_start3A_253, %dma_start3A_256, %dma_start3A_257] : memref<13x128x8xf32, #tpu.memory_space<vmem>> -> memref<1x128x8xf32, #tpu.memory_space<vmem>>
      %dma_start3A_259 = tpu.memref_squeeze %dma_start3A_258 : memref<1x128x8xf32, #tpu.memory_space<vmem>> -> memref<128x8xf32, #tpu.memory_space<vmem>>
      %dma_start3A_260 = arith.constant 0 : i32
      %dma_start3A_261 = tpu.memref_slice %arg7[%dma_start3A_254, %dma_start3A_260] : memref<79x128xi32, #tpu.memory_space<vmem>> -> memref<1x128xi32, #tpu.memory_space<vmem>>
      %dma_start3A_262 = tpu.memref_squeeze %dma_start3A_261 : memref<1x128xi32, #tpu.memory_space<vmem>> -> memref<128xi32, #tpu.memory_space<vmem>>
      %dma_start3A_263 = arith.constant 0 : i32
      %dma_start3A_264 = arith.constant 0 : i32
      %dma_start3A_265 = tpu.memref_slice %arg9[%dma_start3A_263, %dma_start3A_264] : memref<10000x8xf32, #tpu.memory_space<vmem_shared>> -> memref<10000x8xf32, #tpu.memory_space<vmem_shared>>
      %dma_start3A_266 = tpu.memref_slice %arg12[%dma_start3A_255] : memref<13x!tpu.dma_semaphore, #tpu.memory_space<semaphore_mem>> -> memref<1x!tpu.dma_semaphore, #tpu.memory_space<semaphore_mem>>
      %dma_start3A_267 = tpu.memref_squeeze %dma_start3A_266 : memref<1x!tpu.dma_semaphore, #tpu.memory_space<semaphore_mem>> -> memref<!tpu.dma_semaphore, #tpu.memory_space<semaphore_mem>>
      tpu.enqueue_indirect_dma source(%dma_start3A_259 : memref<128x8xf32, #tpu.memory_space<vmem>>) target(%dma_start3A_265 : memref<10000x8xf32, #tpu.memory_space<vmem_shared>>) offsets(%dma_start3A_262 : memref<128xi32, #tpu.memory_space<vmem>>) semaphore(%dma_start3A_267 : memref<!tpu.dma_semaphore, #tpu.memory_space<semaphore_mem>>) {add = true}
      %dma_wait3A_268 = arith.constant 0 : i32
      %dma_wait3A_269 = arith.constant 0 : i32
      %dma_wait3A_270 = arith.constant 0 : i32
      %dma_wait3A_271 = arith.constant 0 : i32
      %dma_wait3A_272 = tpu.memref_slice %arg8[%dma_wait3A_268, %dma_wait3A_270, %dma_wait3A_271] : memref<13x128x8xf32, #tpu.memory_space<vmem>> -> memref<1x128x8xf32, #tpu.memory_space<vmem>>
      %dma_wait3A_273 = tpu.memref_squeeze %dma_wait3A_272 : memref<1x128x8xf32, #tpu.memory_space<vmem>> -> memref<128x8xf32, #tpu.memory_space<vmem>>
      %dma_wait3A_274 = arith.constant 0 : i32
      %dma_wait3A_275 = arith.constant 0 : i32
      %dma_wait3A_276 = tpu.memref_slice %arg9[%dma_wait3A_274, %dma_wait3A_275] : memref<10000x8xf32, #tpu.memory_space<vmem_shared>> -> memref<128x8xf32, #tpu.memory_space<vmem_shared>>
      %dma_wait3A_277 = tpu.memref_slice %arg12[%dma_wait3A_269] : memref<13x!tpu.dma_semaphore, #tpu.memory_space<semaphore_mem>> -> memref<1x!tpu.dma_semaphore, #tpu.memory_space<semaphore_mem>>
      %dma_wait3A_278 = tpu.memref_squeeze %dma_wait3A_277 : memref<1x!tpu.dma_semaphore, #tpu.memory_space<semaphore_mem>> -> memref<!tpu.dma_semaphore, #tpu.memory_space<semaphore_mem>>
      %dma_wait3A_279 = arith.constant 0 : i32
      %dma_wait3A_280 = arith.constant 0 : i32
      %dma_wait3A_281 = tpu.memref_slice %arg9[%dma_wait3A_279, %dma_wait3A_280] : memref<10000x8xf32, #tpu.memory_space<vmem_shared>> -> memref<128x8xf32, #tpu.memory_space<vmem_shared>>
      %dma_wait3A_282 = arith.constant 0 : i32
      %dma_wait3A_283 = arith.constant 0 : i32
      %dma_wait3A_284 = tpu.memref_slice %arg8[%dma_wait3A_268, %dma_wait3A_282, %dma_wait3A_283] : memref<13x128x8xf32, #tpu.memory_space<vmem>> -> memref<1x128x8xf32, #tpu.memory_space<vmem>>
      %dma_wait3A_285 = tpu.memref_squeeze %dma_wait3A_284 : memref<1x128x8xf32, #tpu.memory_space<vmem>> -> memref<128x8xf32, #tpu.memory_space<vmem>>
      tpu.wait_dma2 semaphore(%dma_wait3A_278 : memref<!tpu.dma_semaphore, #tpu.memory_space<semaphore_mem>>) src(%dma_wait3A_285 : memref<128x8xf32, #tpu.memory_space<vmem>>) dst(%dma_wait3A_281 : memref<128x8xf32, #tpu.memory_space<vmem_shared>>)
    } else {
    }
    %barrier3A_234 = arith.constant 0 : index
    tpu.barrier barrier_id(%barrier3A_234)
    %mul3A_235 = arith.constant 625 : i32
    %mul3A_236 = arith.muli %arg1, %mul3A_235 : i32
    %mul3A_237 = arith.constant 625 : i32
    %mul3A_238 = arith.muli %arg1, %mul3A_237 : i32
    "tpu.region"() ({
      %run_scoped3A = tpu.sem_alloc : memref<!tpu.dma_semaphore, #tpu.memory_space<semaphore_mem>>
      %dma_start3A_239 = arith.constant 0 : i32
      %dma_start3A_240 = tpu.memref_slice %arg5[%arg0, %mul3A_238, %dma_start3A_239] : memref<2x10000x8xf32, #tpu.memory_space<hbm>> -> memref<1x625x8xf32, #tpu.memory_space<hbm>>
      %dma_start3A_241 = tpu.memref_squeeze %dma_start3A_240 : memref<1x625x8xf32, #tpu.memory_space<hbm>> -> memref<625x8xf32, #tpu.memory_space<hbm>>
      %dma_start3A_242 = arith.constant 0 : i32
      %dma_start3A_243 = tpu.memref_slice %arg9[%mul3A_236, %dma_start3A_242] : memref<10000x8xf32, #tpu.memory_space<vmem_shared>> -> memref<625x8xf32, #tpu.memory_space<vmem_shared>>
      tpu.enqueue_dma source(%dma_start3A_243 : memref<625x8xf32, #tpu.memory_space<vmem_shared>>) target(%dma_start3A_241 : memref<625x8xf32, #tpu.memory_space<hbm>>) target_semaphore(%run_scoped3A : memref<!tpu.dma_semaphore, #tpu.memory_space<semaphore_mem>>)
      %dma_wait3A = arith.constant 0 : i32
      %dma_wait3A_244 = tpu.memref_slice %arg5[%arg0, %mul3A_238, %dma_wait3A] : memref<2x10000x8xf32, #tpu.memory_space<hbm>> -> memref<1x625x8xf32, #tpu.memory_space<hbm>>
      %dma_wait3A_245 = tpu.memref_squeeze %dma_wait3A_244 : memref<1x625x8xf32, #tpu.memory_space<hbm>> -> memref<625x8xf32, #tpu.memory_space<hbm>>
      %dma_wait3A_246 = arith.constant 0 : i32
      %dma_wait3A_247 = tpu.memref_slice %arg9[%mul3A_236, %dma_wait3A_246] : memref<10000x8xf32, #tpu.memory_space<vmem_shared>> -> memref<625x8xf32, #tpu.memory_space<vmem_shared>>
      tpu.wait_dma2 semaphore(%run_scoped3A : memref<!tpu.dma_semaphore, #tpu.memory_space<semaphore_mem>>) src(%dma_wait3A_247 : memref<625x8xf32, #tpu.memory_space<vmem_shared>>) dst(%dma_wait3A_245 : memref<625x8xf32, #tpu.memory_space<hbm>>)
      tpu.yield
    }) : () -> ()
    return
  }
}

#map = affine_map<(d0, d1) -> (0, 0)>
#map1 = affine_map<(d0, d1) -> (0, 0, 0)>
module attributes {stable_mosaic.version = 14 : i64} {
  func.func @agg_kernel(%arg0: i32, %arg1: i32, %arg2: memref<10000x16xf32, #tpu.memory_space<hbm>>, %arg3: memref<2x2500x128xi32, #tpu.memory_space<hbm>>, %arg4: memref<625x16xf32, #tpu.memory_space<hbm>>, %arg5: memref<2x10000x16xf32, #tpu.memory_space<hbm>>, %arg6: memref<79x128xi32, #tpu.memory_space<vmem>>, %arg7: memref<79x128xi32, #tpu.memory_space<vmem>>, %arg8: memref<13x128x16xf32, #tpu.memory_space<vmem>>, %arg9: memref<10000x16xf32, #tpu.memory_space<vmem_shared>>, %arg10: memref<10000x16xf32, #tpu.memory_space<vmem_shared>>, %arg11: memref<13x!tpu.dma_semaphore, #tpu.memory_space<semaphore_mem>>, %arg12: memref<13x!tpu.dma_semaphore, #tpu.memory_space<semaphore_mem>>) attributes {dimension_semantics = [#tpu.dimension_semantics<core_parallel>, #tpu.dimension_semantics<subcore_parallel>], iteration_bounds = array<i64: 2, 16>, scalar_prefetch = 0 : i64, scratch_operands = 7 : i64, tpu.core_type = #tpu.core_type<sc_vector_subcore>, window_params = [{transform_indices = #map}, {transform_indices = #map1}, {transform_indices = #map}, {transform_indices = #map1}]} {
    %mul3A = arith.constant 16 : i32
    %mul3A_0 = arith.muli %arg0, %mul3A : i32
    %add3A = arith.addi %mul3A_0, %arg1 : i32
    %mul3A_1 = arith.constant 625 : i32
    %mul3A_2 = arith.muli %arg1, %mul3A_1 : i32
    "tpu.region"() ({
      %run_scoped3A = tpu.sem_alloc : memref<!tpu.dma_semaphore, #tpu.memory_space<semaphore_mem>>
      %dma_start3A_239 = arith.constant 0 : i32
      %dma_start3A_240 = tpu.memref_slice %arg9[%mul3A_2, %dma_start3A_239] : memref<10000x16xf32, #tpu.memory_space<vmem_shared>> -> memref<625x16xf32, #tpu.memory_space<vmem_shared>>
      tpu.enqueue_dma source(%arg4 : memref<625x16xf32, #tpu.memory_space<hbm>>) target(%dma_start3A_240 : memref<625x16xf32, #tpu.memory_space<vmem_shared>>) target_semaphore(%run_scoped3A : memref<!tpu.dma_semaphore, #tpu.memory_space<semaphore_mem>>)
      %dma_wait3A = arith.constant 0 : i32
      %dma_wait3A_241 = tpu.memref_slice %arg9[%mul3A_2, %dma_wait3A] : memref<10000x16xf32, #tpu.memory_space<vmem_shared>> -> memref<625x16xf32, #tpu.memory_space<vmem_shared>>
      tpu.wait_dma2 semaphore(%run_scoped3A : memref<!tpu.dma_semaphore, #tpu.memory_space<semaphore_mem>>) src(%arg4 : memref<625x16xf32, #tpu.memory_space<hbm>>) dst(%dma_wait3A_241 : memref<625x16xf32, #tpu.memory_space<vmem_shared>>)
      tpu.yield
    }) : () -> ()
    %mul3A_3 = arith.constant 625 : i32
    %mul3A_4 = arith.muli %arg1, %mul3A_3 : i32
    %mul3A_5 = arith.constant 625 : i32
    %mul3A_6 = arith.muli %arg1, %mul3A_5 : i32
    "tpu.region"() ({
      %run_scoped3A = tpu.sem_alloc : memref<!tpu.dma_semaphore, #tpu.memory_space<semaphore_mem>>
      %dma_start3A_239 = arith.constant 0 : i32
      %dma_start3A_240 = tpu.memref_slice %arg10[%mul3A_6, %dma_start3A_239] : memref<10000x16xf32, #tpu.memory_space<vmem_shared>> -> memref<625x16xf32, #tpu.memory_space<vmem_shared>>
      %dma_start3A_241 = arith.constant 0 : i32
      %dma_start3A_242 = tpu.memref_slice %arg2[%mul3A_4, %dma_start3A_241] : memref<10000x16xf32, #tpu.memory_space<hbm>> -> memref<625x16xf32, #tpu.memory_space<hbm>>
      tpu.enqueue_dma source(%dma_start3A_242 : memref<625x16xf32, #tpu.memory_space<hbm>>) target(%dma_start3A_240 : memref<625x16xf32, #tpu.memory_space<vmem_shared>>) target_semaphore(%run_scoped3A : memref<!tpu.dma_semaphore, #tpu.memory_space<semaphore_mem>>)
      %dma_wait3A = arith.constant 0 : i32
      %dma_wait3A_243 = tpu.memref_slice %arg10[%mul3A_6, %dma_wait3A] : memref<10000x16xf32, #tpu.memory_space<vmem_shared>> -> memref<625x16xf32, #tpu.memory_space<vmem_shared>>
      %dma_wait3A_244 = arith.constant 0 : i32
      %dma_wait3A_245 = tpu.memref_slice %arg2[%mul3A_4, %dma_wait3A_244] : memref<10000x16xf32, #tpu.memory_space<hbm>> -> memref<625x16xf32, #tpu.memory_space<hbm>>
      tpu.wait_dma2 semaphore(%run_scoped3A : memref<!tpu.dma_semaphore, #tpu.memory_space<semaphore_mem>>) src(%dma_wait3A_245 : memref<625x16xf32, #tpu.memory_space<hbm>>) dst(%dma_wait3A_243 : memref<625x16xf32, #tpu.memory_space<vmem_shared>>)
      tpu.yield
    }) : () -> ()
    %mul3A_7 = arith.constant 78 : i32
    %mul3A_8 = arith.muli %mul3A_7, %add3A : i32
    %min3A = arith.constant 4 : i32
    %min3A_9 = arith.minsi %add3A, %min3A : i32
    %add3A_10 = arith.addi %mul3A_8, %min3A_9 : i32
    %lt3A = arith.constant 4 : i32
    %lt3A_11 = arith.cmpi slt, %add3A, %lt3A : i32
    %convert_element_type3A = arith.extui %lt3A_11 : i1 to i32
    %cond3A = arith.constant 0 : i32
    %cond3A_12 = arith.constant 0 : i32
    %cond3A_13 = arith.cmpi ne, %convert_element_type3A, %cond3A_12 : i32
    scf.if %cond3A_13 {
      "tpu.region"() ({
        %run_scoped3A = tpu.sem_alloc : memref<!tpu.dma_semaphore, #tpu.memory_space<semaphore_mem>>
        %dma_start3A_239 = arith.constant 0 : i32
        %dma_start3A_240 = arith.constant 0 : i32
        %dma_start3A_241 = tpu.memref_slice %arg3[%cond3A, %dma_start3A_239, %dma_start3A_240] : memref<2x2500x128xi32, #tpu.memory_space<hbm>> -> memref<1x2500x128xi32, #tpu.memory_space<hbm>>
        %dma_start3A_242 = tpu.memref_squeeze %dma_start3A_241 : memref<1x2500x128xi32, #tpu.memory_space<hbm>> -> memref<2500x128xi32, #tpu.memory_space<hbm>>
        %dma_start3A_243 = arith.constant 0 : i32
        %dma_start3A_244 = tpu.memref_slice %dma_start3A_242[%add3A_10, %dma_start3A_243] : memref<2500x128xi32, #tpu.memory_space<hbm>> -> memref<79x128xi32, #tpu.memory_space<hbm>>
        %dma_start3A_245 = arith.constant 0 : i32
        %dma_start3A_246 = arith.constant 0 : i32
        %dma_start3A_247 = tpu.memref_slice %arg3[%cond3A, %dma_start3A_245, %dma_start3A_246] : memref<2x2500x128xi32, #tpu.memory_space<hbm>> -> memref<1x2500x128xi32, #tpu.memory_space<hbm>>
        %dma_start3A_248 = tpu.memref_squeeze %dma_start3A_247 : memref<1x2500x128xi32, #tpu.memory_space<hbm>> -> memref<2500x128xi32, #tpu.memory_space<hbm>>
        %dma_start3A_249 = arith.constant 0 : i32
        %dma_start3A_250 = tpu.memref_slice %dma_start3A_248[%add3A_10, %dma_start3A_249] : memref<2500x128xi32, #tpu.memory_space<hbm>> -> memref<79x128xi32, #tpu.memory_space<hbm>>
        tpu.enqueue_dma source(%dma_start3A_250 : memref<79x128xi32, #tpu.memory_space<hbm>>) target(%arg6 : memref<79x128xi32, #tpu.memory_space<vmem>>) target_semaphore(%run_scoped3A : memref<!tpu.dma_semaphore, #tpu.memory_space<semaphore_mem>>)
        %dma_wait3A = arith.constant 0 : i32
        %dma_wait3A_251 = arith.constant 0 : i32
        %dma_wait3A_252 = tpu.memref_slice %arg3[%cond3A, %dma_wait3A, %dma_wait3A_251] : memref<2x2500x128xi32, #tpu.memory_space<hbm>> -> memref<1x2500x128xi32, #tpu.memory_space<hbm>>
        %dma_wait3A_253 = tpu.memref_squeeze %dma_wait3A_252 : memref<1x2500x128xi32, #tpu.memory_space<hbm>> -> memref<2500x128xi32, #tpu.memory_space<hbm>>
        %dma_wait3A_254 = arith.constant 0 : i32
        %dma_wait3A_255 = tpu.memref_slice %dma_wait3A_253[%add3A_10, %dma_wait3A_254] : memref<2500x128xi32, #tpu.memory_space<hbm>> -> memref<79x128xi32, #tpu.memory_space<hbm>>
        %dma_wait3A_256 = arith.constant 0 : i32
        %dma_wait3A_257 = arith.constant 0 : i32
        %dma_wait3A_258 = tpu.memref_slice %arg3[%cond3A, %dma_wait3A_256, %dma_wait3A_257] : memref<2x2500x128xi32, #tpu.memory_space<hbm>> -> memref<1x2500x128xi32, #tpu.memory_space<hbm>>
        %dma_wait3A_259 = tpu.memref_squeeze %dma_wait3A_258 : memref<1x2500x128xi32, #tpu.memory_space<hbm>> -> memref<2500x128xi32, #tpu.memory_space<hbm>>
        %dma_wait3A_260 = arith.constant 0 : i32
        %dma_wait3A_261 = tpu.memref_slice %dma_wait3A_259[%add3A_10, %dma_wait3A_260] : memref<2500x128xi32, #tpu.memory_space<hbm>> -> memref<79x128xi32, #tpu.memory_space<hbm>>
        tpu.wait_dma2 semaphore(%run_scoped3A : memref<!tpu.dma_semaphore, #tpu.memory_space<semaphore_mem>>) src(%dma_wait3A_261 : memref<79x128xi32, #tpu.memory_space<hbm>>) dst(%arg6 : memref<79x128xi32, #tpu.memory_space<vmem>>)
        tpu.yield
      }) : () -> ()
    } else {
    }
    %ge3A = arith.constant 4 : i32
    %ge3A_14 = arith.cmpi sge, %add3A, %ge3A : i32
    %convert_element_type3A_15 = arith.extui %ge3A_14 : i1 to i32
    %cond3A_16 = arith.constant 0 : i32
    %cond3A_17 = arith.constant 0 : i32
    %cond3A_18 = arith.cmpi ne, %convert_element_type3A_15, %cond3A_17 : i32
    scf.if %cond3A_18 {
      "tpu.region"() ({
        %run_scoped3A = tpu.sem_alloc : memref<!tpu.dma_semaphore, #tpu.memory_space<semaphore_mem>>
        %dma_start3A_239 = arith.constant 0 : i32
        %dma_start3A_240 = arith.constant 0 : i32
        %dma_start3A_241 = tpu.memref_slice %arg6[%dma_start3A_239, %dma_start3A_240] : memref<79x128xi32, #tpu.memory_space<vmem>> -> memref<78x128xi32, #tpu.memory_space<vmem>>
        %dma_start3A_242 = arith.constant 0 : i32
        %dma_start3A_243 = arith.constant 0 : i32
        %dma_start3A_244 = tpu.memref_slice %arg3[%cond3A_16, %dma_start3A_242, %dma_start3A_243] : memref<2x2500x128xi32, #tpu.memory_space<hbm>> -> memref<1x2500x128xi32, #tpu.memory_space<hbm>>
        %dma_start3A_245 = tpu.memref_squeeze %dma_start3A_244 : memref<1x2500x128xi32, #tpu.memory_space<hbm>> -> memref<2500x128xi32, #tpu.memory_space<hbm>>
        %dma_start3A_246 = arith.constant 0 : i32
        %dma_start3A_247 = tpu.memref_slice %dma_start3A_245[%add3A_10, %dma_start3A_246] : memref<2500x128xi32, #tpu.memory_space<hbm>> -> memref<78x128xi32, #tpu.memory_space<hbm>>
        %dma_start3A_248 = arith.constant 0 : i32
        %dma_start3A_249 = arith.constant 0 : i32
        %dma_start3A_250 = tpu.memref_slice %arg6[%dma_start3A_248, %dma_start3A_249] : memref<79x128xi32, #tpu.memory_space<vmem>> -> memref<78x128xi32, #tpu.memory_space<vmem>>
        %dma_start3A_251 = arith.constant 0 : i32
        %dma_start3A_252 = arith.constant 0 : i32
        %dma_start3A_253 = tpu.memref_slice %arg3[%cond3A_16, %dma_start3A_251, %dma_start3A_252] : memref<2x2500x128xi32, #tpu.memory_space<hbm>> -> memref<1x2500x128xi32, #tpu.memory_space<hbm>>
        %dma_start3A_254 = tpu.memref_squeeze %dma_start3A_253 : memref<1x2500x128xi32, #tpu.memory_space<hbm>> -> memref<2500x128xi32, #tpu.memory_space<hbm>>
        %dma_start3A_255 = arith.constant 0 : i32
        %dma_start3A_256 = tpu.memref_slice %dma_start3A_254[%add3A_10, %dma_start3A_255] : memref<2500x128xi32, #tpu.memory_space<hbm>> -> memref<78x128xi32, #tpu.memory_space<hbm>>
        tpu.enqueue_dma source(%dma_start3A_256 : memref<78x128xi32, #tpu.memory_space<hbm>>) target(%dma_start3A_250 : memref<78x128xi32, #tpu.memory_space<vmem>>) target_semaphore(%run_scoped3A : memref<!tpu.dma_semaphore, #tpu.memory_space<semaphore_mem>>)
        %dma_wait3A = arith.constant 0 : i32
        %dma_wait3A_257 = arith.constant 0 : i32
        %dma_wait3A_258 = tpu.memref_slice %arg6[%dma_wait3A, %dma_wait3A_257] : memref<79x128xi32, #tpu.memory_space<vmem>> -> memref<78x128xi32, #tpu.memory_space<vmem>>
        %dma_wait3A_259 = arith.constant 0 : i32
        %dma_wait3A_260 = arith.constant 0 : i32
        %dma_wait3A_261 = tpu.memref_slice %arg3[%cond3A_16, %dma_wait3A_259, %dma_wait3A_260] : memref<2x2500x128xi32, #tpu.memory_space<hbm>> -> memref<1x2500x128xi32, #tpu.memory_space<hbm>>
        %dma_wait3A_262 = tpu.memref_squeeze %dma_wait3A_261 : memref<1x2500x128xi32, #tpu.memory_space<hbm>> -> memref<2500x128xi32, #tpu.memory_space<hbm>>
        %dma_wait3A_263 = arith.constant 0 : i32
        %dma_wait3A_264 = tpu.memref_slice %dma_wait3A_262[%add3A_10, %dma_wait3A_263] : memref<2500x128xi32, #tpu.memory_space<hbm>> -> memref<78x128xi32, #tpu.memory_space<hbm>>
        %dma_wait3A_265 = arith.constant 0 : i32
        %dma_wait3A_266 = arith.constant 0 : i32
        %dma_wait3A_267 = tpu.memref_slice %arg6[%dma_wait3A_265, %dma_wait3A_266] : memref<79x128xi32, #tpu.memory_space<vmem>> -> memref<78x128xi32, #tpu.memory_space<vmem>>
        %dma_wait3A_268 = arith.constant 0 : i32
        %dma_wait3A_269 = arith.constant 0 : i32
        %dma_wait3A_270 = tpu.memref_slice %arg3[%cond3A_16, %dma_wait3A_268, %dma_wait3A_269] : memref<2x2500x128xi32, #tpu.memory_space<hbm>> -> memref<1x2500x128xi32, #tpu.memory_space<hbm>>
        %dma_wait3A_271 = tpu.memref_squeeze %dma_wait3A_270 : memref<1x2500x128xi32, #tpu.memory_space<hbm>> -> memref<2500x128xi32, #tpu.memory_space<hbm>>
        %dma_wait3A_272 = arith.constant 0 : i32
        %dma_wait3A_273 = tpu.memref_slice %dma_wait3A_271[%add3A_10, %dma_wait3A_272] : memref<2500x128xi32, #tpu.memory_space<hbm>> -> memref<78x128xi32, #tpu.memory_space<hbm>>
        tpu.wait_dma2 semaphore(%run_scoped3A : memref<!tpu.dma_semaphore, #tpu.memory_space<semaphore_mem>>) src(%dma_wait3A_273 : memref<78x128xi32, #tpu.memory_space<hbm>>) dst(%dma_wait3A_267 : memref<78x128xi32, #tpu.memory_space<vmem>>)
        tpu.yield
      }) : () -> ()
    } else {
    }
    %lt3A_19 = arith.constant 4 : i32
    %lt3A_20 = arith.cmpi slt, %add3A, %lt3A_19 : i32
    %convert_element_type3A_21 = arith.extui %lt3A_20 : i1 to i32
    %cond3A_22 = arith.constant 1 : i32
    %cond3A_23 = arith.constant 0 : i32
    %cond3A_24 = arith.cmpi ne, %convert_element_type3A_21, %cond3A_23 : i32
    scf.if %cond3A_24 {
      "tpu.region"() ({
        %run_scoped3A = tpu.sem_alloc : memref<!tpu.dma_semaphore, #tpu.memory_space<semaphore_mem>>
        %dma_start3A_239 = arith.constant 0 : i32
        %dma_start3A_240 = arith.constant 0 : i32
        %dma_start3A_241 = tpu.memref_slice %arg3[%cond3A_22, %dma_start3A_239, %dma_start3A_240] : memref<2x2500x128xi32, #tpu.memory_space<hbm>> -> memref<1x2500x128xi32, #tpu.memory_space<hbm>>
        %dma_start3A_242 = tpu.memref_squeeze %dma_start3A_241 : memref<1x2500x128xi32, #tpu.memory_space<hbm>> -> memref<2500x128xi32, #tpu.memory_space<hbm>>
        %dma_start3A_243 = arith.constant 0 : i32
        %dma_start3A_244 = tpu.memref_slice %dma_start3A_242[%add3A_10, %dma_start3A_243] : memref<2500x128xi32, #tpu.memory_space<hbm>> -> memref<79x128xi32, #tpu.memory_space<hbm>>
        %dma_start3A_245 = arith.constant 0 : i32
        %dma_start3A_246 = arith.constant 0 : i32
        %dma_start3A_247 = tpu.memref_slice %arg3[%cond3A_22, %dma_start3A_245, %dma_start3A_246] : memref<2x2500x128xi32, #tpu.memory_space<hbm>> -> memref<1x2500x128xi32, #tpu.memory_space<hbm>>
        %dma_start3A_248 = tpu.memref_squeeze %dma_start3A_247 : memref<1x2500x128xi32, #tpu.memory_space<hbm>> -> memref<2500x128xi32, #tpu.memory_space<hbm>>
        %dma_start3A_249 = arith.constant 0 : i32
        %dma_start3A_250 = tpu.memref_slice %dma_start3A_248[%add3A_10, %dma_start3A_249] : memref<2500x128xi32, #tpu.memory_space<hbm>> -> memref<79x128xi32, #tpu.memory_space<hbm>>
        tpu.enqueue_dma source(%dma_start3A_250 : memref<79x128xi32, #tpu.memory_space<hbm>>) target(%arg7 : memref<79x128xi32, #tpu.memory_space<vmem>>) target_semaphore(%run_scoped3A : memref<!tpu.dma_semaphore, #tpu.memory_space<semaphore_mem>>)
        %dma_wait3A = arith.constant 0 : i32
        %dma_wait3A_251 = arith.constant 0 : i32
        %dma_wait3A_252 = tpu.memref_slice %arg3[%cond3A_22, %dma_wait3A, %dma_wait3A_251] : memref<2x2500x128xi32, #tpu.memory_space<hbm>> -> memref<1x2500x128xi32, #tpu.memory_space<hbm>>
        %dma_wait3A_253 = tpu.memref_squeeze %dma_wait3A_252 : memref<1x2500x128xi32, #tpu.memory_space<hbm>> -> memref<2500x128xi32, #tpu.memory_space<hbm>>
        %dma_wait3A_254 = arith.constant 0 : i32
        %dma_wait3A_255 = tpu.memref_slice %dma_wait3A_253[%add3A_10, %dma_wait3A_254] : memref<2500x128xi32, #tpu.memory_space<hbm>> -> memref<79x128xi32, #tpu.memory_space<hbm>>
        %dma_wait3A_256 = arith.constant 0 : i32
        %dma_wait3A_257 = arith.constant 0 : i32
        %dma_wait3A_258 = tpu.memref_slice %arg3[%cond3A_22, %dma_wait3A_256, %dma_wait3A_257] : memref<2x2500x128xi32, #tpu.memory_space<hbm>> -> memref<1x2500x128xi32, #tpu.memory_space<hbm>>
        %dma_wait3A_259 = tpu.memref_squeeze %dma_wait3A_258 : memref<1x2500x128xi32, #tpu.memory_space<hbm>> -> memref<2500x128xi32, #tpu.memory_space<hbm>>
        %dma_wait3A_260 = arith.constant 0 : i32
        %dma_wait3A_261 = tpu.memref_slice %dma_wait3A_259[%add3A_10, %dma_wait3A_260] : memref<2500x128xi32, #tpu.memory_space<hbm>> -> memref<79x128xi32, #tpu.memory_space<hbm>>
        tpu.wait_dma2 semaphore(%run_scoped3A : memref<!tpu.dma_semaphore, #tpu.memory_space<semaphore_mem>>) src(%dma_wait3A_261 : memref<79x128xi32, #tpu.memory_space<hbm>>) dst(%arg7 : memref<79x128xi32, #tpu.memory_space<vmem>>)
        tpu.yield
      }) : () -> ()
    } else {
    }
    %ge3A_25 = arith.constant 4 : i32
    %ge3A_26 = arith.cmpi sge, %add3A, %ge3A_25 : i32
    %convert_element_type3A_27 = arith.extui %ge3A_26 : i1 to i32
    %cond3A_28 = arith.constant 1 : i32
    %cond3A_29 = arith.constant 0 : i32
    %cond3A_30 = arith.cmpi ne, %convert_element_type3A_27, %cond3A_29 : i32
    scf.if %cond3A_30 {
      "tpu.region"() ({
        %run_scoped3A = tpu.sem_alloc : memref<!tpu.dma_semaphore, #tpu.memory_space<semaphore_mem>>
        %dma_start3A_239 = arith.constant 0 : i32
        %dma_start3A_240 = arith.constant 0 : i32
        %dma_start3A_241 = tpu.memref_slice %arg7[%dma_start3A_239, %dma_start3A_240] : memref<79x128xi32, #tpu.memory_space<vmem>> -> memref<78x128xi32, #tpu.memory_space<vmem>>
        %dma_start3A_242 = arith.constant 0 : i32
        %dma_start3A_243 = arith.constant 0 : i32
        %dma_start3A_244 = tpu.memref_slice %arg3[%cond3A_28, %dma_start3A_242, %dma_start3A_243] : memref<2x2500x128xi32, #tpu.memory_space<hbm>> -> memref<1x2500x128xi32, #tpu.memory_space<hbm>>
        %dma_start3A_245 = tpu.memref_squeeze %dma_start3A_244 : memref<1x2500x128xi32, #tpu.memory_space<hbm>> -> memref<2500x128xi32, #tpu.memory_space<hbm>>
        %dma_start3A_246 = arith.constant 0 : i32
        %dma_start3A_247 = tpu.memref_slice %dma_start3A_245[%add3A_10, %dma_start3A_246] : memref<2500x128xi32, #tpu.memory_space<hbm>> -> memref<78x128xi32, #tpu.memory_space<hbm>>
        %dma_start3A_248 = arith.constant 0 : i32
        %dma_start3A_249 = arith.constant 0 : i32
        %dma_start3A_250 = tpu.memref_slice %arg7[%dma_start3A_248, %dma_start3A_249] : memref<79x128xi32, #tpu.memory_space<vmem>> -> memref<78x128xi32, #tpu.memory_space<vmem>>
        %dma_start3A_251 = arith.constant 0 : i32
        %dma_start3A_252 = arith.constant 0 : i32
        %dma_start3A_253 = tpu.memref_slice %arg3[%cond3A_28, %dma_start3A_251, %dma_start3A_252] : memref<2x2500x128xi32, #tpu.memory_space<hbm>> -> memref<1x2500x128xi32, #tpu.memory_space<hbm>>
        %dma_start3A_254 = tpu.memref_squeeze %dma_start3A_253 : memref<1x2500x128xi32, #tpu.memory_space<hbm>> -> memref<2500x128xi32, #tpu.memory_space<hbm>>
        %dma_start3A_255 = arith.constant 0 : i32
        %dma_start3A_256 = tpu.memref_slice %dma_start3A_254[%add3A_10, %dma_start3A_255] : memref<2500x128xi32, #tpu.memory_space<hbm>> -> memref<78x128xi32, #tpu.memory_space<hbm>>
        tpu.enqueue_dma source(%dma_start3A_256 : memref<78x128xi32, #tpu.memory_space<hbm>>) target(%dma_start3A_250 : memref<78x128xi32, #tpu.memory_space<vmem>>) target_semaphore(%run_scoped3A : memref<!tpu.dma_semaphore, #tpu.memory_space<semaphore_mem>>)
        %dma_wait3A = arith.constant 0 : i32
        %dma_wait3A_257 = arith.constant 0 : i32
        %dma_wait3A_258 = tpu.memref_slice %arg7[%dma_wait3A, %dma_wait3A_257] : memref<79x128xi32, #tpu.memory_space<vmem>> -> memref<78x128xi32, #tpu.memory_space<vmem>>
        %dma_wait3A_259 = arith.constant 0 : i32
        %dma_wait3A_260 = arith.constant 0 : i32
        %dma_wait3A_261 = tpu.memref_slice %arg3[%cond3A_28, %dma_wait3A_259, %dma_wait3A_260] : memref<2x2500x128xi32, #tpu.memory_space<hbm>> -> memref<1x2500x128xi32, #tpu.memory_space<hbm>>
        %dma_wait3A_262 = tpu.memref_squeeze %dma_wait3A_261 : memref<1x2500x128xi32, #tpu.memory_space<hbm>> -> memref<2500x128xi32, #tpu.memory_space<hbm>>
        %dma_wait3A_263 = arith.constant 0 : i32
        %dma_wait3A_264 = tpu.memref_slice %dma_wait3A_262[%add3A_10, %dma_wait3A_263] : memref<2500x128xi32, #tpu.memory_space<hbm>> -> memref<78x128xi32, #tpu.memory_space<hbm>>
        %dma_wait3A_265 = arith.constant 0 : i32
        %dma_wait3A_266 = arith.constant 0 : i32
        %dma_wait3A_267 = tpu.memref_slice %arg7[%dma_wait3A_265, %dma_wait3A_266] : memref<79x128xi32, #tpu.memory_space<vmem>> -> memref<78x128xi32, #tpu.memory_space<vmem>>
        %dma_wait3A_268 = arith.constant 0 : i32
        %dma_wait3A_269 = arith.constant 0 : i32
        %dma_wait3A_270 = tpu.memref_slice %arg3[%cond3A_28, %dma_wait3A_268, %dma_wait3A_269] : memref<2x2500x128xi32, #tpu.memory_space<hbm>> -> memref<1x2500x128xi32, #tpu.memory_space<hbm>>
        %dma_wait3A_271 = tpu.memref_squeeze %dma_wait3A_270 : memref<1x2500x128xi32, #tpu.memory_space<hbm>> -> memref<2500x128xi32, #tpu.memory_space<hbm>>
        %dma_wait3A_272 = arith.constant 0 : i32
        %dma_wait3A_273 = tpu.memref_slice %dma_wait3A_271[%add3A_10, %dma_wait3A_272] : memref<2500x128xi32, #tpu.memory_space<hbm>> -> memref<78x128xi32, #tpu.memory_space<hbm>>
        tpu.wait_dma2 semaphore(%run_scoped3A : memref<!tpu.dma_semaphore, #tpu.memory_space<semaphore_mem>>) src(%dma_wait3A_273 : memref<78x128xi32, #tpu.memory_space<hbm>>) dst(%dma_wait3A_267 : memref<78x128xi32, #tpu.memory_space<vmem>>)
        tpu.yield
      }) : () -> ()
    } else {
    }
    %barrier3A = arith.constant 0 : index
    tpu.barrier barrier_id(%barrier3A)
    %dma_start3A = arith.constant 0 : i32
    %dma_start3A_31 = arith.constant 0 : i32
    %dma_start3A_32 = arith.constant 0 : i32
    %dma_start3A_33 = arith.constant 0 : i32
    %dma_start3A_34 = arith.constant 0 : i32
    %dma_start3A_35 = tpu.memref_slice %arg8[%dma_start3A_31, %dma_start3A_33, %dma_start3A_34] : memref<13x128x16xf32, #tpu.memory_space<vmem>> -> memref<1x128x16xf32, #tpu.memory_space<vmem>>
    %dma_start3A_36 = tpu.memref_squeeze %dma_start3A_35 : memref<1x128x16xf32, #tpu.memory_space<vmem>> -> memref<128x16xf32, #tpu.memory_space<vmem>>
    %dma_start3A_37 = arith.constant 0 : i32
    %dma_start3A_38 = tpu.memref_slice %arg6[%dma_start3A, %dma_start3A_37] : memref<79x128xi32, #tpu.memory_space<vmem>> -> memref<1x128xi32, #tpu.memory_space<vmem>>
    %dma_start3A_39 = tpu.memref_squeeze %dma_start3A_38 : memref<1x128xi32, #tpu.memory_space<vmem>> -> memref<128xi32, #tpu.memory_space<vmem>>
    %dma_start3A_40 = arith.constant 0 : i32
    %dma_start3A_41 = arith.constant 0 : i32
    %dma_start3A_42 = tpu.memref_slice %arg2[%dma_start3A_40, %dma_start3A_41] : memref<10000x16xf32, #tpu.memory_space<hbm>> -> memref<10000x16xf32, #tpu.memory_space<hbm>>
    %dma_start3A_43 = tpu.memref_slice %arg11[%dma_start3A_32] : memref<13x!tpu.dma_semaphore, #tpu.memory_space<semaphore_mem>> -> memref<1x!tpu.dma_semaphore, #tpu.memory_space<semaphore_mem>>
    %dma_start3A_44 = tpu.memref_squeeze %dma_start3A_43 : memref<1x!tpu.dma_semaphore, #tpu.memory_space<semaphore_mem>> -> memref<!tpu.dma_semaphore, #tpu.memory_space<semaphore_mem>>
    tpu.enqueue_indirect_dma source(%dma_start3A_42 : memref<10000x16xf32, #tpu.memory_space<hbm>>) target(%dma_start3A_36 : memref<128x16xf32, #tpu.memory_space<vmem>>) offsets(%dma_start3A_39 : memref<128xi32, #tpu.memory_space<vmem>>) semaphore(%dma_start3A_44 : memref<!tpu.dma_semaphore, #tpu.memory_space<semaphore_mem>>)
    %dma_start3A_45 = arith.constant 1 : i32
    %dma_start3A_46 = arith.constant 1 : i32
    %dma_start3A_47 = arith.constant 1 : i32
    %dma_start3A_48 = arith.constant 0 : i32
    %dma_start3A_49 = arith.constant 0 : i32
    %dma_start3A_50 = tpu.memref_slice %arg8[%dma_start3A_46, %dma_start3A_48, %dma_start3A_49] : memref<13x128x16xf32, #tpu.memory_space<vmem>> -> memref<1x128x16xf32, #tpu.memory_space<vmem>>
    %dma_start3A_51 = tpu.memref_squeeze %dma_start3A_50 : memref<1x128x16xf32, #tpu.memory_space<vmem>> -> memref<128x16xf32, #tpu.memory_space<vmem>>
    %dma_start3A_52 = arith.constant 0 : i32
    %dma_start3A_53 = tpu.memref_slice %arg6[%dma_start3A_45, %dma_start3A_52] : memref<79x128xi32, #tpu.memory_space<vmem>> -> memref<1x128xi32, #tpu.memory_space<vmem>>
    %dma_start3A_54 = tpu.memref_squeeze %dma_start3A_53 : memref<1x128xi32, #tpu.memory_space<vmem>> -> memref<128xi32, #tpu.memory_space<vmem>>
    %dma_start3A_55 = arith.constant 0 : i32
    %dma_start3A_56 = arith.constant 0 : i32
    %dma_start3A_57 = tpu.memref_slice %arg10[%dma_start3A_55, %dma_start3A_56] : memref<10000x16xf32, #tpu.memory_space<vmem_shared>> -> memref<10000x16xf32, #tpu.memory_space<vmem_shared>>
    %dma_start3A_58 = tpu.memref_slice %arg11[%dma_start3A_47] : memref<13x!tpu.dma_semaphore, #tpu.memory_space<semaphore_mem>> -> memref<1x!tpu.dma_semaphore, #tpu.memory_space<semaphore_mem>>
    %dma_start3A_59 = tpu.memref_squeeze %dma_start3A_58 : memref<1x!tpu.dma_semaphore, #tpu.memory_space<semaphore_mem>> -> memref<!tpu.dma_semaphore, #tpu.memory_space<semaphore_mem>>
    tpu.enqueue_indirect_dma source(%dma_start3A_57 : memref<10000x16xf32, #tpu.memory_space<vmem_shared>>) target(%dma_start3A_51 : memref<128x16xf32, #tpu.memory_space<vmem>>) offsets(%dma_start3A_54 : memref<128xi32, #tpu.memory_space<vmem>>) semaphore(%dma_start3A_59 : memref<!tpu.dma_semaphore, #tpu.memory_space<semaphore_mem>>)
    %dma_start3A_60 = arith.constant 2 : i32
    %dma_start3A_61 = arith.constant 2 : i32
    %dma_start3A_62 = arith.constant 2 : i32
    %dma_start3A_63 = arith.constant 0 : i32
    %dma_start3A_64 = arith.constant 0 : i32
    %dma_start3A_65 = tpu.memref_slice %arg8[%dma_start3A_61, %dma_start3A_63, %dma_start3A_64] : memref<13x128x16xf32, #tpu.memory_space<vmem>> -> memref<1x128x16xf32, #tpu.memory_space<vmem>>
    %dma_start3A_66 = tpu.memref_squeeze %dma_start3A_65 : memref<1x128x16xf32, #tpu.memory_space<vmem>> -> memref<128x16xf32, #tpu.memory_space<vmem>>
    %dma_start3A_67 = arith.constant 0 : i32
    %dma_start3A_68 = tpu.memref_slice %arg6[%dma_start3A_60, %dma_start3A_67] : memref<79x128xi32, #tpu.memory_space<vmem>> -> memref<1x128xi32, #tpu.memory_space<vmem>>
    %dma_start3A_69 = tpu.memref_squeeze %dma_start3A_68 : memref<1x128xi32, #tpu.memory_space<vmem>> -> memref<128xi32, #tpu.memory_space<vmem>>
    %dma_start3A_70 = arith.constant 0 : i32
    %dma_start3A_71 = arith.constant 0 : i32
    %dma_start3A_72 = tpu.memref_slice %arg2[%dma_start3A_70, %dma_start3A_71] : memref<10000x16xf32, #tpu.memory_space<hbm>> -> memref<10000x16xf32, #tpu.memory_space<hbm>>
    %dma_start3A_73 = tpu.memref_slice %arg11[%dma_start3A_62] : memref<13x!tpu.dma_semaphore, #tpu.memory_space<semaphore_mem>> -> memref<1x!tpu.dma_semaphore, #tpu.memory_space<semaphore_mem>>
    %dma_start3A_74 = tpu.memref_squeeze %dma_start3A_73 : memref<1x!tpu.dma_semaphore, #tpu.memory_space<semaphore_mem>> -> memref<!tpu.dma_semaphore, #tpu.memory_space<semaphore_mem>>
    tpu.enqueue_indirect_dma source(%dma_start3A_72 : memref<10000x16xf32, #tpu.memory_space<hbm>>) target(%dma_start3A_66 : memref<128x16xf32, #tpu.memory_space<vmem>>) offsets(%dma_start3A_69 : memref<128xi32, #tpu.memory_space<vmem>>) semaphore(%dma_start3A_74 : memref<!tpu.dma_semaphore, #tpu.memory_space<semaphore_mem>>)
    %dma_start3A_75 = arith.constant 3 : i32
    %dma_start3A_76 = arith.constant 3 : i32
    %dma_start3A_77 = arith.constant 3 : i32
    %dma_start3A_78 = arith.constant 0 : i32
    %dma_start3A_79 = arith.constant 0 : i32
    %dma_start3A_80 = tpu.memref_slice %arg8[%dma_start3A_76, %dma_start3A_78, %dma_start3A_79] : memref<13x128x16xf32, #tpu.memory_space<vmem>> -> memref<1x128x16xf32, #tpu.memory_space<vmem>>
    %dma_start3A_81 = tpu.memref_squeeze %dma_start3A_80 : memref<1x128x16xf32, #tpu.memory_space<vmem>> -> memref<128x16xf32, #tpu.memory_space<vmem>>
    %dma_start3A_82 = arith.constant 0 : i32
    %dma_start3A_83 = tpu.memref_slice %arg6[%dma_start3A_75, %dma_start3A_82] : memref<79x128xi32, #tpu.memory_space<vmem>> -> memref<1x128xi32, #tpu.memory_space<vmem>>
    %dma_start3A_84 = tpu.memref_squeeze %dma_start3A_83 : memref<1x128xi32, #tpu.memory_space<vmem>> -> memref<128xi32, #tpu.memory_space<vmem>>
    %dma_start3A_85 = arith.constant 0 : i32
    %dma_start3A_86 = arith.constant 0 : i32
    %dma_start3A_87 = tpu.memref_slice %arg10[%dma_start3A_85, %dma_start3A_86] : memref<10000x16xf32, #tpu.memory_space<vmem_shared>> -> memref<10000x16xf32, #tpu.memory_space<vmem_shared>>
    %dma_start3A_88 = tpu.memref_slice %arg11[%dma_start3A_77] : memref<13x!tpu.dma_semaphore, #tpu.memory_space<semaphore_mem>> -> memref<1x!tpu.dma_semaphore, #tpu.memory_space<semaphore_mem>>
    %dma_start3A_89 = tpu.memref_squeeze %dma_start3A_88 : memref<1x!tpu.dma_semaphore, #tpu.memory_space<semaphore_mem>> -> memref<!tpu.dma_semaphore, #tpu.memory_space<semaphore_mem>>
    tpu.enqueue_indirect_dma source(%dma_start3A_87 : memref<10000x16xf32, #tpu.memory_space<vmem_shared>>) target(%dma_start3A_81 : memref<128x16xf32, #tpu.memory_space<vmem>>) offsets(%dma_start3A_84 : memref<128xi32, #tpu.memory_space<vmem>>) semaphore(%dma_start3A_89 : memref<!tpu.dma_semaphore, #tpu.memory_space<semaphore_mem>>)
    %dma_start3A_90 = arith.constant 4 : i32
    %dma_start3A_91 = arith.constant 4 : i32
    %dma_start3A_92 = arith.constant 4 : i32
    %dma_start3A_93 = arith.constant 0 : i32
    %dma_start3A_94 = arith.constant 0 : i32
    %dma_start3A_95 = tpu.memref_slice %arg8[%dma_start3A_91, %dma_start3A_93, %dma_start3A_94] : memref<13x128x16xf32, #tpu.memory_space<vmem>> -> memref<1x128x16xf32, #tpu.memory_space<vmem>>
    %dma_start3A_96 = tpu.memref_squeeze %dma_start3A_95 : memref<1x128x16xf32, #tpu.memory_space<vmem>> -> memref<128x16xf32, #tpu.memory_space<vmem>>
    %dma_start3A_97 = arith.constant 0 : i32
    %dma_start3A_98 = tpu.memref_slice %arg6[%dma_start3A_90, %dma_start3A_97] : memref<79x128xi32, #tpu.memory_space<vmem>> -> memref<1x128xi32, #tpu.memory_space<vmem>>
    %dma_start3A_99 = tpu.memref_squeeze %dma_start3A_98 : memref<1x128xi32, #tpu.memory_space<vmem>> -> memref<128xi32, #tpu.memory_space<vmem>>
    %dma_start3A_100 = arith.constant 0 : i32
    %dma_start3A_101 = arith.constant 0 : i32
    %dma_start3A_102 = tpu.memref_slice %arg2[%dma_start3A_100, %dma_start3A_101] : memref<10000x16xf32, #tpu.memory_space<hbm>> -> memref<10000x16xf32, #tpu.memory_space<hbm>>
    %dma_start3A_103 = tpu.memref_slice %arg11[%dma_start3A_92] : memref<13x!tpu.dma_semaphore, #tpu.memory_space<semaphore_mem>> -> memref<1x!tpu.dma_semaphore, #tpu.memory_space<semaphore_mem>>
    %dma_start3A_104 = tpu.memref_squeeze %dma_start3A_103 : memref<1x!tpu.dma_semaphore, #tpu.memory_space<semaphore_mem>> -> memref<!tpu.dma_semaphore, #tpu.memory_space<semaphore_mem>>
    tpu.enqueue_indirect_dma source(%dma_start3A_102 : memref<10000x16xf32, #tpu.memory_space<hbm>>) target(%dma_start3A_96 : memref<128x16xf32, #tpu.memory_space<vmem>>) offsets(%dma_start3A_99 : memref<128xi32, #tpu.memory_space<vmem>>) semaphore(%dma_start3A_104 : memref<!tpu.dma_semaphore, #tpu.memory_space<semaphore_mem>>)
    %dma_start3A_105 = arith.constant 5 : i32
    %dma_start3A_106 = arith.constant 5 : i32
    %dma_start3A_107 = arith.constant 5 : i32
    %dma_start3A_108 = arith.constant 0 : i32
    %dma_start3A_109 = arith.constant 0 : i32
    %dma_start3A_110 = tpu.memref_slice %arg8[%dma_start3A_106, %dma_start3A_108, %dma_start3A_109] : memref<13x128x16xf32, #tpu.memory_space<vmem>> -> memref<1x128x16xf32, #tpu.memory_space<vmem>>
    %dma_start3A_111 = tpu.memref_squeeze %dma_start3A_110 : memref<1x128x16xf32, #tpu.memory_space<vmem>> -> memref<128x16xf32, #tpu.memory_space<vmem>>
    %dma_start3A_112 = arith.constant 0 : i32
    %dma_start3A_113 = tpu.memref_slice %arg6[%dma_start3A_105, %dma_start3A_112] : memref<79x128xi32, #tpu.memory_space<vmem>> -> memref<1x128xi32, #tpu.memory_space<vmem>>
    %dma_start3A_114 = tpu.memref_squeeze %dma_start3A_113 : memref<1x128xi32, #tpu.memory_space<vmem>> -> memref<128xi32, #tpu.memory_space<vmem>>
    %dma_start3A_115 = arith.constant 0 : i32
    %dma_start3A_116 = arith.constant 0 : i32
    %dma_start3A_117 = tpu.memref_slice %arg10[%dma_start3A_115, %dma_start3A_116] : memref<10000x16xf32, #tpu.memory_space<vmem_shared>> -> memref<10000x16xf32, #tpu.memory_space<vmem_shared>>
    %dma_start3A_118 = tpu.memref_slice %arg11[%dma_start3A_107] : memref<13x!tpu.dma_semaphore, #tpu.memory_space<semaphore_mem>> -> memref<1x!tpu.dma_semaphore, #tpu.memory_space<semaphore_mem>>
    %dma_start3A_119 = tpu.memref_squeeze %dma_start3A_118 : memref<1x!tpu.dma_semaphore, #tpu.memory_space<semaphore_mem>> -> memref<!tpu.dma_semaphore, #tpu.memory_space<semaphore_mem>>
    tpu.enqueue_indirect_dma source(%dma_start3A_117 : memref<10000x16xf32, #tpu.memory_space<vmem_shared>>) target(%dma_start3A_111 : memref<128x16xf32, #tpu.memory_space<vmem>>) offsets(%dma_start3A_114 : memref<128xi32, #tpu.memory_space<vmem>>) semaphore(%dma_start3A_119 : memref<!tpu.dma_semaphore, #tpu.memory_space<semaphore_mem>>)
    %dma_start3A_120 = arith.constant 6 : i32
    %dma_start3A_121 = arith.constant 6 : i32
    %dma_start3A_122 = arith.constant 6 : i32
    %dma_start3A_123 = arith.constant 0 : i32
    %dma_start3A_124 = arith.constant 0 : i32
    %dma_start3A_125 = tpu.memref_slice %arg8[%dma_start3A_121, %dma_start3A_123, %dma_start3A_124] : memref<13x128x16xf32, #tpu.memory_space<vmem>> -> memref<1x128x16xf32, #tpu.memory_space<vmem>>
    %dma_start3A_126 = tpu.memref_squeeze %dma_start3A_125 : memref<1x128x16xf32, #tpu.memory_space<vmem>> -> memref<128x16xf32, #tpu.memory_space<vmem>>
    %dma_start3A_127 = arith.constant 0 : i32
    %dma_start3A_128 = tpu.memref_slice %arg6[%dma_start3A_120, %dma_start3A_127] : memref<79x128xi32, #tpu.memory_space<vmem>> -> memref<1x128xi32, #tpu.memory_space<vmem>>
    %dma_start3A_129 = tpu.memref_squeeze %dma_start3A_128 : memref<1x128xi32, #tpu.memory_space<vmem>> -> memref<128xi32, #tpu.memory_space<vmem>>
    %dma_start3A_130 = arith.constant 0 : i32
    %dma_start3A_131 = arith.constant 0 : i32
    %dma_start3A_132 = tpu.memref_slice %arg2[%dma_start3A_130, %dma_start3A_131] : memref<10000x16xf32, #tpu.memory_space<hbm>> -> memref<10000x16xf32, #tpu.memory_space<hbm>>
    %dma_start3A_133 = tpu.memref_slice %arg11[%dma_start3A_122] : memref<13x!tpu.dma_semaphore, #tpu.memory_space<semaphore_mem>> -> memref<1x!tpu.dma_semaphore, #tpu.memory_space<semaphore_mem>>
    %dma_start3A_134 = tpu.memref_squeeze %dma_start3A_133 : memref<1x!tpu.dma_semaphore, #tpu.memory_space<semaphore_mem>> -> memref<!tpu.dma_semaphore, #tpu.memory_space<semaphore_mem>>
    tpu.enqueue_indirect_dma source(%dma_start3A_132 : memref<10000x16xf32, #tpu.memory_space<hbm>>) target(%dma_start3A_126 : memref<128x16xf32, #tpu.memory_space<vmem>>) offsets(%dma_start3A_129 : memref<128xi32, #tpu.memory_space<vmem>>) semaphore(%dma_start3A_134 : memref<!tpu.dma_semaphore, #tpu.memory_space<semaphore_mem>>)
    %dma_start3A_135 = arith.constant 7 : i32
    %dma_start3A_136 = arith.constant 7 : i32
    %dma_start3A_137 = arith.constant 7 : i32
    %dma_start3A_138 = arith.constant 0 : i32
    %dma_start3A_139 = arith.constant 0 : i32
    %dma_start3A_140 = tpu.memref_slice %arg8[%dma_start3A_136, %dma_start3A_138, %dma_start3A_139] : memref<13x128x16xf32, #tpu.memory_space<vmem>> -> memref<1x128x16xf32, #tpu.memory_space<vmem>>
    %dma_start3A_141 = tpu.memref_squeeze %dma_start3A_140 : memref<1x128x16xf32, #tpu.memory_space<vmem>> -> memref<128x16xf32, #tpu.memory_space<vmem>>
    %dma_start3A_142 = arith.constant 0 : i32
    %dma_start3A_143 = tpu.memref_slice %arg6[%dma_start3A_135, %dma_start3A_142] : memref<79x128xi32, #tpu.memory_space<vmem>> -> memref<1x128xi32, #tpu.memory_space<vmem>>
    %dma_start3A_144 = tpu.memref_squeeze %dma_start3A_143 : memref<1x128xi32, #tpu.memory_space<vmem>> -> memref<128xi32, #tpu.memory_space<vmem>>
    %dma_start3A_145 = arith.constant 0 : i32
    %dma_start3A_146 = arith.constant 0 : i32
    %dma_start3A_147 = tpu.memref_slice %arg10[%dma_start3A_145, %dma_start3A_146] : memref<10000x16xf32, #tpu.memory_space<vmem_shared>> -> memref<10000x16xf32, #tpu.memory_space<vmem_shared>>
    %dma_start3A_148 = tpu.memref_slice %arg11[%dma_start3A_137] : memref<13x!tpu.dma_semaphore, #tpu.memory_space<semaphore_mem>> -> memref<1x!tpu.dma_semaphore, #tpu.memory_space<semaphore_mem>>
    %dma_start3A_149 = tpu.memref_squeeze %dma_start3A_148 : memref<1x!tpu.dma_semaphore, #tpu.memory_space<semaphore_mem>> -> memref<!tpu.dma_semaphore, #tpu.memory_space<semaphore_mem>>
    tpu.enqueue_indirect_dma source(%dma_start3A_147 : memref<10000x16xf32, #tpu.memory_space<vmem_shared>>) target(%dma_start3A_141 : memref<128x16xf32, #tpu.memory_space<vmem>>) offsets(%dma_start3A_144 : memref<128xi32, #tpu.memory_space<vmem>>) semaphore(%dma_start3A_149 : memref<!tpu.dma_semaphore, #tpu.memory_space<semaphore_mem>>)
    %dma_start3A_150 = arith.constant 8 : i32
    %dma_start3A_151 = arith.constant 8 : i32
    %dma_start3A_152 = arith.constant 8 : i32
    %dma_start3A_153 = arith.constant 0 : i32
    %dma_start3A_154 = arith.constant 0 : i32
    %dma_start3A_155 = tpu.memref_slice %arg8[%dma_start3A_151, %dma_start3A_153, %dma_start3A_154] : memref<13x128x16xf32, #tpu.memory_space<vmem>> -> memref<1x128x16xf32, #tpu.memory_space<vmem>>
    %dma_start3A_156 = tpu.memref_squeeze %dma_start3A_155 : memref<1x128x16xf32, #tpu.memory_space<vmem>> -> memref<128x16xf32, #tpu.memory_space<vmem>>
    %dma_start3A_157 = arith.constant 0 : i32
    %dma_start3A_158 = tpu.memref_slice %arg6[%dma_start3A_150, %dma_start3A_157] : memref<79x128xi32, #tpu.memory_space<vmem>> -> memref<1x128xi32, #tpu.memory_space<vmem>>
    %dma_start3A_159 = tpu.memref_squeeze %dma_start3A_158 : memref<1x128xi32, #tpu.memory_space<vmem>> -> memref<128xi32, #tpu.memory_space<vmem>>
    %dma_start3A_160 = arith.constant 0 : i32
    %dma_start3A_161 = arith.constant 0 : i32
    %dma_start3A_162 = tpu.memref_slice %arg2[%dma_start3A_160, %dma_start3A_161] : memref<10000x16xf32, #tpu.memory_space<hbm>> -> memref<10000x16xf32, #tpu.memory_space<hbm>>
    %dma_start3A_163 = tpu.memref_slice %arg11[%dma_start3A_152] : memref<13x!tpu.dma_semaphore, #tpu.memory_space<semaphore_mem>> -> memref<1x!tpu.dma_semaphore, #tpu.memory_space<semaphore_mem>>
    %dma_start3A_164 = tpu.memref_squeeze %dma_start3A_163 : memref<1x!tpu.dma_semaphore, #tpu.memory_space<semaphore_mem>> -> memref<!tpu.dma_semaphore, #tpu.memory_space<semaphore_mem>>
    tpu.enqueue_indirect_dma source(%dma_start3A_162 : memref<10000x16xf32, #tpu.memory_space<hbm>>) target(%dma_start3A_156 : memref<128x16xf32, #tpu.memory_space<vmem>>) offsets(%dma_start3A_159 : memref<128xi32, #tpu.memory_space<vmem>>) semaphore(%dma_start3A_164 : memref<!tpu.dma_semaphore, #tpu.memory_space<semaphore_mem>>)
    %dma_start3A_165 = arith.constant 9 : i32
    %dma_start3A_166 = arith.constant 9 : i32
    %dma_start3A_167 = arith.constant 9 : i32
    %dma_start3A_168 = arith.constant 0 : i32
    %dma_start3A_169 = arith.constant 0 : i32
    %dma_start3A_170 = tpu.memref_slice %arg8[%dma_start3A_166, %dma_start3A_168, %dma_start3A_169] : memref<13x128x16xf32, #tpu.memory_space<vmem>> -> memref<1x128x16xf32, #tpu.memory_space<vmem>>
    %dma_start3A_171 = tpu.memref_squeeze %dma_start3A_170 : memref<1x128x16xf32, #tpu.memory_space<vmem>> -> memref<128x16xf32, #tpu.memory_space<vmem>>
    %dma_start3A_172 = arith.constant 0 : i32
    %dma_start3A_173 = tpu.memref_slice %arg6[%dma_start3A_165, %dma_start3A_172] : memref<79x128xi32, #tpu.memory_space<vmem>> -> memref<1x128xi32, #tpu.memory_space<vmem>>
    %dma_start3A_174 = tpu.memref_squeeze %dma_start3A_173 : memref<1x128xi32, #tpu.memory_space<vmem>> -> memref<128xi32, #tpu.memory_space<vmem>>
    %dma_start3A_175 = arith.constant 0 : i32
    %dma_start3A_176 = arith.constant 0 : i32
    %dma_start3A_177 = tpu.memref_slice %arg10[%dma_start3A_175, %dma_start3A_176] : memref<10000x16xf32, #tpu.memory_space<vmem_shared>> -> memref<10000x16xf32, #tpu.memory_space<vmem_shared>>
    %dma_start3A_178 = tpu.memref_slice %arg11[%dma_start3A_167] : memref<13x!tpu.dma_semaphore, #tpu.memory_space<semaphore_mem>> -> memref<1x!tpu.dma_semaphore, #tpu.memory_space<semaphore_mem>>
    %dma_start3A_179 = tpu.memref_squeeze %dma_start3A_178 : memref<1x!tpu.dma_semaphore, #tpu.memory_space<semaphore_mem>> -> memref<!tpu.dma_semaphore, #tpu.memory_space<semaphore_mem>>
    tpu.enqueue_indirect_dma source(%dma_start3A_177 : memref<10000x16xf32, #tpu.memory_space<vmem_shared>>) target(%dma_start3A_171 : memref<128x16xf32, #tpu.memory_space<vmem>>) offsets(%dma_start3A_174 : memref<128xi32, #tpu.memory_space<vmem>>) semaphore(%dma_start3A_179 : memref<!tpu.dma_semaphore, #tpu.memory_space<semaphore_mem>>)
    %dma_start3A_180 = arith.constant 10 : i32
    %dma_start3A_181 = arith.constant 10 : i32
    %dma_start3A_182 = arith.constant 10 : i32
    %dma_start3A_183 = arith.constant 0 : i32
    %dma_start3A_184 = arith.constant 0 : i32
    %dma_start3A_185 = tpu.memref_slice %arg8[%dma_start3A_181, %dma_start3A_183, %dma_start3A_184] : memref<13x128x16xf32, #tpu.memory_space<vmem>> -> memref<1x128x16xf32, #tpu.memory_space<vmem>>
    %dma_start3A_186 = tpu.memref_squeeze %dma_start3A_185 : memref<1x128x16xf32, #tpu.memory_space<vmem>> -> memref<128x16xf32, #tpu.memory_space<vmem>>
    %dma_start3A_187 = arith.constant 0 : i32
    %dma_start3A_188 = tpu.memref_slice %arg6[%dma_start3A_180, %dma_start3A_187] : memref<79x128xi32, #tpu.memory_space<vmem>> -> memref<1x128xi32, #tpu.memory_space<vmem>>
    %dma_start3A_189 = tpu.memref_squeeze %dma_start3A_188 : memref<1x128xi32, #tpu.memory_space<vmem>> -> memref<128xi32, #tpu.memory_space<vmem>>
    %dma_start3A_190 = arith.constant 0 : i32
    %dma_start3A_191 = arith.constant 0 : i32
    %dma_start3A_192 = tpu.memref_slice %arg2[%dma_start3A_190, %dma_start3A_191] : memref<10000x16xf32, #tpu.memory_space<hbm>> -> memref<10000x16xf32, #tpu.memory_space<hbm>>
    %dma_start3A_193 = tpu.memref_slice %arg11[%dma_start3A_182] : memref<13x!tpu.dma_semaphore, #tpu.memory_space<semaphore_mem>> -> memref<1x!tpu.dma_semaphore, #tpu.memory_space<semaphore_mem>>
    %dma_start3A_194 = tpu.memref_squeeze %dma_start3A_193 : memref<1x!tpu.dma_semaphore, #tpu.memory_space<semaphore_mem>> -> memref<!tpu.dma_semaphore, #tpu.memory_space<semaphore_mem>>
    tpu.enqueue_indirect_dma source(%dma_start3A_192 : memref<10000x16xf32, #tpu.memory_space<hbm>>) target(%dma_start3A_186 : memref<128x16xf32, #tpu.memory_space<vmem>>) offsets(%dma_start3A_189 : memref<128xi32, #tpu.memory_space<vmem>>) semaphore(%dma_start3A_194 : memref<!tpu.dma_semaphore, #tpu.memory_space<semaphore_mem>>)
    %dma_start3A_195 = arith.constant 11 : i32
    %dma_start3A_196 = arith.constant 11 : i32
    %dma_start3A_197 = arith.constant 11 : i32
    %dma_start3A_198 = arith.constant 0 : i32
    %dma_start3A_199 = arith.constant 0 : i32
    %dma_start3A_200 = tpu.memref_slice %arg8[%dma_start3A_196, %dma_start3A_198, %dma_start3A_199] : memref<13x128x16xf32, #tpu.memory_space<vmem>> -> memref<1x128x16xf32, #tpu.memory_space<vmem>>
    %dma_start3A_201 = tpu.memref_squeeze %dma_start3A_200 : memref<1x128x16xf32, #tpu.memory_space<vmem>> -> memref<128x16xf32, #tpu.memory_space<vmem>>
    %dma_start3A_202 = arith.constant 0 : i32
    %dma_start3A_203 = tpu.memref_slice %arg6[%dma_start3A_195, %dma_start3A_202] : memref<79x128xi32, #tpu.memory_space<vmem>> -> memref<1x128xi32, #tpu.memory_space<vmem>>
    %dma_start3A_204 = tpu.memref_squeeze %dma_start3A_203 : memref<1x128xi32, #tpu.memory_space<vmem>> -> memref<128xi32, #tpu.memory_space<vmem>>
    %dma_start3A_205 = arith.constant 0 : i32
    %dma_start3A_206 = arith.constant 0 : i32
    %dma_start3A_207 = tpu.memref_slice %arg10[%dma_start3A_205, %dma_start3A_206] : memref<10000x16xf32, #tpu.memory_space<vmem_shared>> -> memref<10000x16xf32, #tpu.memory_space<vmem_shared>>
    %dma_start3A_208 = tpu.memref_slice %arg11[%dma_start3A_197] : memref<13x!tpu.dma_semaphore, #tpu.memory_space<semaphore_mem>> -> memref<1x!tpu.dma_semaphore, #tpu.memory_space<semaphore_mem>>
    %dma_start3A_209 = tpu.memref_squeeze %dma_start3A_208 : memref<1x!tpu.dma_semaphore, #tpu.memory_space<semaphore_mem>> -> memref<!tpu.dma_semaphore, #tpu.memory_space<semaphore_mem>>
    tpu.enqueue_indirect_dma source(%dma_start3A_207 : memref<10000x16xf32, #tpu.memory_space<vmem_shared>>) target(%dma_start3A_201 : memref<128x16xf32, #tpu.memory_space<vmem>>) offsets(%dma_start3A_204 : memref<128xi32, #tpu.memory_space<vmem>>) semaphore(%dma_start3A_209 : memref<!tpu.dma_semaphore, #tpu.memory_space<semaphore_mem>>)
    %dma_start3A_210 = arith.constant 12 : i32
    %dma_start3A_211 = arith.constant 12 : i32
    %dma_start3A_212 = arith.constant 12 : i32
    %dma_start3A_213 = arith.constant 0 : i32
    %dma_start3A_214 = arith.constant 0 : i32
    %dma_start3A_215 = tpu.memref_slice %arg8[%dma_start3A_211, %dma_start3A_213, %dma_start3A_214] : memref<13x128x16xf32, #tpu.memory_space<vmem>> -> memref<1x128x16xf32, #tpu.memory_space<vmem>>
    %dma_start3A_216 = tpu.memref_squeeze %dma_start3A_215 : memref<1x128x16xf32, #tpu.memory_space<vmem>> -> memref<128x16xf32, #tpu.memory_space<vmem>>
    %dma_start3A_217 = arith.constant 0 : i32
    %dma_start3A_218 = tpu.memref_slice %arg6[%dma_start3A_210, %dma_start3A_217] : memref<79x128xi32, #tpu.memory_space<vmem>> -> memref<1x128xi32, #tpu.memory_space<vmem>>
    %dma_start3A_219 = tpu.memref_squeeze %dma_start3A_218 : memref<1x128xi32, #tpu.memory_space<vmem>> -> memref<128xi32, #tpu.memory_space<vmem>>
    %dma_start3A_220 = arith.constant 0 : i32
    %dma_start3A_221 = arith.constant 0 : i32
    %dma_start3A_222 = tpu.memref_slice %arg2[%dma_start3A_220, %dma_start3A_221] : memref<10000x16xf32, #tpu.memory_space<hbm>> -> memref<10000x16xf32, #tpu.memory_space<hbm>>
    %dma_start3A_223 = tpu.memref_slice %arg11[%dma_start3A_212] : memref<13x!tpu.dma_semaphore, #tpu.memory_space<semaphore_mem>> -> memref<1x!tpu.dma_semaphore, #tpu.memory_space<semaphore_mem>>
    %dma_start3A_224 = tpu.memref_squeeze %dma_start3A_223 : memref<1x!tpu.dma_semaphore, #tpu.memory_space<semaphore_mem>> -> memref<!tpu.dma_semaphore, #tpu.memory_space<semaphore_mem>>
    tpu.enqueue_indirect_dma source(%dma_start3A_222 : memref<10000x16xf32, #tpu.memory_space<hbm>>) target(%dma_start3A_216 : memref<128x16xf32, #tpu.memory_space<vmem>>) offsets(%dma_start3A_219 : memref<128xi32, #tpu.memory_space<vmem>>) semaphore(%dma_start3A_224 : memref<!tpu.dma_semaphore, #tpu.memory_space<semaphore_mem>>)
    %scan3A = arith.constant 0 : i32
    %scan3A_225 = arith.constant 6 : i32
    %scan3A_226 = arith.addi %scan3A, %scan3A_225 : i32
    %scan3A_227 = arith.constant 1 : i32
    scf.for %scan3A_239 = %scan3A to %scan3A_226 step %scan3A_227  : i32 {
      %mul3A_240 = arith.constant 13 : i32
      %mul3A_241 = arith.muli %scan3A_239, %mul3A_240 : i32
      %add3A_242 = arith.constant 0 : i32
      %add3A_243 = arith.addi %add3A_242, %mul3A_241 : i32
      %add3A_244 = arith.constant 0 : i32
      %add3A_245 = arith.addi %add3A_243, %add3A_244 : i32
      %dma_wait3A = arith.constant 0 : i32
      %dma_wait3A_246 = arith.constant 0 : i32
      %dma_wait3A_247 = arith.constant 0 : i32
      %dma_wait3A_248 = arith.constant 0 : i32
      %dma_wait3A_249 = tpu.memref_slice %arg8[%dma_wait3A, %dma_wait3A_247, %dma_wait3A_248] : memref<13x128x16xf32, #tpu.memory_space<vmem>> -> memref<1x128x16xf32, #tpu.memory_space<vmem>>
      %dma_wait3A_250 = tpu.memref_squeeze %dma_wait3A_249 : memref<1x128x16xf32, #tpu.memory_space<vmem>> -> memref<128x16xf32, #tpu.memory_space<vmem>>
      %dma_wait3A_251 = arith.constant 0 : i32
      %dma_wait3A_252 = tpu.memref_slice %arg6[%add3A_245, %dma_wait3A_251] : memref<79x128xi32, #tpu.memory_space<vmem>> -> memref<1x128xi32, #tpu.memory_space<vmem>>
      %dma_wait3A_253 = tpu.memref_squeeze %dma_wait3A_252 : memref<1x128xi32, #tpu.memory_space<vmem>> -> memref<128xi32, #tpu.memory_space<vmem>>
      %dma_wait3A_254 = arith.constant 0 : i32
      %dma_wait3A_255 = arith.constant 0 : i32
      %dma_wait3A_256 = tpu.memref_slice %arg2[%dma_wait3A_254, %dma_wait3A_255] : memref<10000x16xf32, #tpu.memory_space<hbm>> -> memref<10000x16xf32, #tpu.memory_space<hbm>>
      %dma_wait3A_257 = tpu.memref_slice %arg11[%dma_wait3A_246] : memref<13x!tpu.dma_semaphore, #tpu.memory_space<semaphore_mem>> -> memref<1x!tpu.dma_semaphore, #tpu.memory_space<semaphore_mem>>
      %dma_wait3A_258 = tpu.memref_squeeze %dma_wait3A_257 : memref<1x!tpu.dma_semaphore, #tpu.memory_space<semaphore_mem>> -> memref<!tpu.dma_semaphore, #tpu.memory_space<semaphore_mem>>
      tpu.wait_indirect_dma semaphore(%dma_wait3A_258 : memref<!tpu.dma_semaphore, #tpu.memory_space<semaphore_mem>>) src(%dma_wait3A_256 : memref<10000x16xf32, #tpu.memory_space<hbm>>) dst(%dma_wait3A_250 : memref<128x16xf32, #tpu.memory_space<vmem>>)
      %add3A_259 = arith.constant 0 : i32
      %add3A_260 = arith.addi %add3A_243, %add3A_259 : i32
      %dma_start3A_261 = arith.constant 0 : i32
      %dma_start3A_262 = arith.constant 0 : i32
      %dma_start3A_263 = arith.constant 0 : i32
      %dma_start3A_264 = arith.constant 0 : i32
      %dma_start3A_265 = tpu.memref_slice %arg8[%dma_start3A_261, %dma_start3A_263, %dma_start3A_264] : memref<13x128x16xf32, #tpu.memory_space<vmem>> -> memref<1x128x16xf32, #tpu.memory_space<vmem>>
      %dma_start3A_266 = tpu.memref_squeeze %dma_start3A_265 : memref<1x128x16xf32, #tpu.memory_space<vmem>> -> memref<128x16xf32, #tpu.memory_space<vmem>>
      %dma_start3A_267 = arith.constant 0 : i32
      %dma_start3A_268 = tpu.memref_slice %arg7[%add3A_260, %dma_start3A_267] : memref<79x128xi32, #tpu.memory_space<vmem>> -> memref<1x128xi32, #tpu.memory_space<vmem>>
      %dma_start3A_269 = tpu.memref_squeeze %dma_start3A_268 : memref<1x128xi32, #tpu.memory_space<vmem>> -> memref<128xi32, #tpu.memory_space<vmem>>
      %dma_start3A_270 = arith.constant 0 : i32
      %dma_start3A_271 = arith.constant 0 : i32
      %dma_start3A_272 = tpu.memref_slice %arg9[%dma_start3A_270, %dma_start3A_271] : memref<10000x16xf32, #tpu.memory_space<vmem_shared>> -> memref<10000x16xf32, #tpu.memory_space<vmem_shared>>
      %dma_start3A_273 = tpu.memref_slice %arg12[%dma_start3A_262] : memref<13x!tpu.dma_semaphore, #tpu.memory_space<semaphore_mem>> -> memref<1x!tpu.dma_semaphore, #tpu.memory_space<semaphore_mem>>
      %dma_start3A_274 = tpu.memref_squeeze %dma_start3A_273 : memref<1x!tpu.dma_semaphore, #tpu.memory_space<semaphore_mem>> -> memref<!tpu.dma_semaphore, #tpu.memory_space<semaphore_mem>>
      tpu.enqueue_indirect_dma source(%dma_start3A_266 : memref<128x16xf32, #tpu.memory_space<vmem>>) target(%dma_start3A_272 : memref<10000x16xf32, #tpu.memory_space<vmem_shared>>) offsets(%dma_start3A_269 : memref<128xi32, #tpu.memory_space<vmem>>) semaphore(%dma_start3A_274 : memref<!tpu.dma_semaphore, #tpu.memory_space<semaphore_mem>>) {add = true}
      %add3A_275 = arith.constant 1 : i32
      %add3A_276 = arith.addi %add3A_243, %add3A_275 : i32
      %dma_wait3A_277 = arith.constant 1 : i32
      %dma_wait3A_278 = arith.constant 1 : i32
      %dma_wait3A_279 = arith.constant 0 : i32
      %dma_wait3A_280 = arith.constant 0 : i32
      %dma_wait3A_281 = tpu.memref_slice %arg8[%dma_wait3A_277, %dma_wait3A_279, %dma_wait3A_280] : memref<13x128x16xf32, #tpu.memory_space<vmem>> -> memref<1x128x16xf32, #tpu.memory_space<vmem>>
      %dma_wait3A_282 = tpu.memref_squeeze %dma_wait3A_281 : memref<1x128x16xf32, #tpu.memory_space<vmem>> -> memref<128x16xf32, #tpu.memory_space<vmem>>
      %dma_wait3A_283 = arith.constant 0 : i32
      %dma_wait3A_284 = tpu.memref_slice %arg6[%add3A_276, %dma_wait3A_283] : memref<79x128xi32, #tpu.memory_space<vmem>> -> memref<1x128xi32, #tpu.memory_space<vmem>>
      %dma_wait3A_285 = tpu.memref_squeeze %dma_wait3A_284 : memref<1x128xi32, #tpu.memory_space<vmem>> -> memref<128xi32, #tpu.memory_space<vmem>>
      %dma_wait3A_286 = arith.constant 0 : i32
      %dma_wait3A_287 = arith.constant 0 : i32
      %dma_wait3A_288 = tpu.memref_slice %arg10[%dma_wait3A_286, %dma_wait3A_287] : memref<10000x16xf32, #tpu.memory_space<vmem_shared>> -> memref<10000x16xf32, #tpu.memory_space<vmem_shared>>
      %dma_wait3A_289 = tpu.memref_slice %arg11[%dma_wait3A_278] : memref<13x!tpu.dma_semaphore, #tpu.memory_space<semaphore_mem>> -> memref<1x!tpu.dma_semaphore, #tpu.memory_space<semaphore_mem>>
      %dma_wait3A_290 = tpu.memref_squeeze %dma_wait3A_289 : memref<1x!tpu.dma_semaphore, #tpu.memory_space<semaphore_mem>> -> memref<!tpu.dma_semaphore, #tpu.memory_space<semaphore_mem>>
      tpu.wait_indirect_dma semaphore(%dma_wait3A_290 : memref<!tpu.dma_semaphore, #tpu.memory_space<semaphore_mem>>) src(%dma_wait3A_288 : memref<10000x16xf32, #tpu.memory_space<vmem_shared>>) dst(%dma_wait3A_282 : memref<128x16xf32, #tpu.memory_space<vmem>>)
      %add3A_291 = arith.constant 1 : i32
      %add3A_292 = arith.addi %add3A_243, %add3A_291 : i32
      %dma_start3A_293 = arith.constant 1 : i32
      %dma_start3A_294 = arith.constant 1 : i32
      %dma_start3A_295 = arith.constant 0 : i32
      %dma_start3A_296 = arith.constant 0 : i32
      %dma_start3A_297 = tpu.memref_slice %arg8[%dma_start3A_293, %dma_start3A_295, %dma_start3A_296] : memref<13x128x16xf32, #tpu.memory_space<vmem>> -> memref<1x128x16xf32, #tpu.memory_space<vmem>>
      %dma_start3A_298 = tpu.memref_squeeze %dma_start3A_297 : memref<1x128x16xf32, #tpu.memory_space<vmem>> -> memref<128x16xf32, #tpu.memory_space<vmem>>
      %dma_start3A_299 = arith.constant 0 : i32
      %dma_start3A_300 = tpu.memref_slice %arg7[%add3A_292, %dma_start3A_299] : memref<79x128xi32, #tpu.memory_space<vmem>> -> memref<1x128xi32, #tpu.memory_space<vmem>>
      %dma_start3A_301 = tpu.memref_squeeze %dma_start3A_300 : memref<1x128xi32, #tpu.memory_space<vmem>> -> memref<128xi32, #tpu.memory_space<vmem>>
      %dma_start3A_302 = arith.constant 0 : i32
      %dma_start3A_303 = arith.constant 0 : i32
      %dma_start3A_304 = tpu.memref_slice %arg9[%dma_start3A_302, %dma_start3A_303] : memref<10000x16xf32, #tpu.memory_space<vmem_shared>> -> memref<10000x16xf32, #tpu.memory_space<vmem_shared>>
      %dma_start3A_305 = tpu.memref_slice %arg12[%dma_start3A_294] : memref<13x!tpu.dma_semaphore, #tpu.memory_space<semaphore_mem>> -> memref<1x!tpu.dma_semaphore, #tpu.memory_space<semaphore_mem>>
      %dma_start3A_306 = tpu.memref_squeeze %dma_start3A_305 : memref<1x!tpu.dma_semaphore, #tpu.memory_space<semaphore_mem>> -> memref<!tpu.dma_semaphore, #tpu.memory_space<semaphore_mem>>
      tpu.enqueue_indirect_dma source(%dma_start3A_298 : memref<128x16xf32, #tpu.memory_space<vmem>>) target(%dma_start3A_304 : memref<10000x16xf32, #tpu.memory_space<vmem_shared>>) offsets(%dma_start3A_301 : memref<128xi32, #tpu.memory_space<vmem>>) semaphore(%dma_start3A_306 : memref<!tpu.dma_semaphore, #tpu.memory_space<semaphore_mem>>) {add = true}
      %add3A_307 = arith.constant 2 : i32
      %add3A_308 = arith.addi %add3A_243, %add3A_307 : i32
      %dma_wait3A_309 = arith.constant 2 : i32
      %dma_wait3A_310 = arith.constant 2 : i32
      %dma_wait3A_311 = arith.constant 0 : i32
      %dma_wait3A_312 = arith.constant 0 : i32
      %dma_wait3A_313 = tpu.memref_slice %arg8[%dma_wait3A_309, %dma_wait3A_311, %dma_wait3A_312] : memref<13x128x16xf32, #tpu.memory_space<vmem>> -> memref<1x128x16xf32, #tpu.memory_space<vmem>>
      %dma_wait3A_314 = tpu.memref_squeeze %dma_wait3A_313 : memref<1x128x16xf32, #tpu.memory_space<vmem>> -> memref<128x16xf32, #tpu.memory_space<vmem>>
      %dma_wait3A_315 = arith.constant 0 : i32
      %dma_wait3A_316 = tpu.memref_slice %arg6[%add3A_308, %dma_wait3A_315] : memref<79x128xi32, #tpu.memory_space<vmem>> -> memref<1x128xi32, #tpu.memory_space<vmem>>
      %dma_wait3A_317 = tpu.memref_squeeze %dma_wait3A_316 : memref<1x128xi32, #tpu.memory_space<vmem>> -> memref<128xi32, #tpu.memory_space<vmem>>
      %dma_wait3A_318 = arith.constant 0 : i32
      %dma_wait3A_319 = arith.constant 0 : i32
      %dma_wait3A_320 = tpu.memref_slice %arg2[%dma_wait3A_318, %dma_wait3A_319] : memref<10000x16xf32, #tpu.memory_space<hbm>> -> memref<10000x16xf32, #tpu.memory_space<hbm>>
      %dma_wait3A_321 = tpu.memref_slice %arg11[%dma_wait3A_310] : memref<13x!tpu.dma_semaphore, #tpu.memory_space<semaphore_mem>> -> memref<1x!tpu.dma_semaphore, #tpu.memory_space<semaphore_mem>>
      %dma_wait3A_322 = tpu.memref_squeeze %dma_wait3A_321 : memref<1x!tpu.dma_semaphore, #tpu.memory_space<semaphore_mem>> -> memref<!tpu.dma_semaphore, #tpu.memory_space<semaphore_mem>>
      tpu.wait_indirect_dma semaphore(%dma_wait3A_322 : memref<!tpu.dma_semaphore, #tpu.memory_space<semaphore_mem>>) src(%dma_wait3A_320 : memref<10000x16xf32, #tpu.memory_space<hbm>>) dst(%dma_wait3A_314 : memref<128x16xf32, #tpu.memory_space<vmem>>)
      %add3A_323 = arith.constant 2 : i32
      %add3A_324 = arith.addi %add3A_243, %add3A_323 : i32
      %dma_start3A_325 = arith.constant 2 : i32
      %dma_start3A_326 = arith.constant 2 : i32
      %dma_start3A_327 = arith.constant 0 : i32
      %dma_start3A_328 = arith.constant 0 : i32
      %dma_start3A_329 = tpu.memref_slice %arg8[%dma_start3A_325, %dma_start3A_327, %dma_start3A_328] : memref<13x128x16xf32, #tpu.memory_space<vmem>> -> memref<1x128x16xf32, #tpu.memory_space<vmem>>
      %dma_start3A_330 = tpu.memref_squeeze %dma_start3A_329 : memref<1x128x16xf32, #tpu.memory_space<vmem>> -> memref<128x16xf32, #tpu.memory_space<vmem>>
      %dma_start3A_331 = arith.constant 0 : i32
      %dma_start3A_332 = tpu.memref_slice %arg7[%add3A_324, %dma_start3A_331] : memref<79x128xi32, #tpu.memory_space<vmem>> -> memref<1x128xi32, #tpu.memory_space<vmem>>
      %dma_start3A_333 = tpu.memref_squeeze %dma_start3A_332 : memref<1x128xi32, #tpu.memory_space<vmem>> -> memref<128xi32, #tpu.memory_space<vmem>>
      %dma_start3A_334 = arith.constant 0 : i32
      %dma_start3A_335 = arith.constant 0 : i32
      %dma_start3A_336 = tpu.memref_slice %arg9[%dma_start3A_334, %dma_start3A_335] : memref<10000x16xf32, #tpu.memory_space<vmem_shared>> -> memref<10000x16xf32, #tpu.memory_space<vmem_shared>>
      %dma_start3A_337 = tpu.memref_slice %arg12[%dma_start3A_326] : memref<13x!tpu.dma_semaphore, #tpu.memory_space<semaphore_mem>> -> memref<1x!tpu.dma_semaphore, #tpu.memory_space<semaphore_mem>>
      %dma_start3A_338 = tpu.memref_squeeze %dma_start3A_337 : memref<1x!tpu.dma_semaphore, #tpu.memory_space<semaphore_mem>> -> memref<!tpu.dma_semaphore, #tpu.memory_space<semaphore_mem>>
      tpu.enqueue_indirect_dma source(%dma_start3A_330 : memref<128x16xf32, #tpu.memory_space<vmem>>) target(%dma_start3A_336 : memref<10000x16xf32, #tpu.memory_space<vmem_shared>>) offsets(%dma_start3A_333 : memref<128xi32, #tpu.memory_space<vmem>>) semaphore(%dma_start3A_338 : memref<!tpu.dma_semaphore, #tpu.memory_space<semaphore_mem>>) {add = true}
      %add3A_339 = arith.constant 3 : i32
      %add3A_340 = arith.addi %add3A_243, %add3A_339 : i32
      %dma_wait3A_341 = arith.constant 3 : i32
      %dma_wait3A_342 = arith.constant 3 : i32
      %dma_wait3A_343 = arith.constant 0 : i32
      %dma_wait3A_344 = arith.constant 0 : i32
      %dma_wait3A_345 = tpu.memref_slice %arg8[%dma_wait3A_341, %dma_wait3A_343, %dma_wait3A_344] : memref<13x128x16xf32, #tpu.memory_space<vmem>> -> memref<1x128x16xf32, #tpu.memory_space<vmem>>
      %dma_wait3A_346 = tpu.memref_squeeze %dma_wait3A_345 : memref<1x128x16xf32, #tpu.memory_space<vmem>> -> memref<128x16xf32, #tpu.memory_space<vmem>>
      %dma_wait3A_347 = arith.constant 0 : i32
      %dma_wait3A_348 = tpu.memref_slice %arg6[%add3A_340, %dma_wait3A_347] : memref<79x128xi32, #tpu.memory_space<vmem>> -> memref<1x128xi32, #tpu.memory_space<vmem>>
      %dma_wait3A_349 = tpu.memref_squeeze %dma_wait3A_348 : memref<1x128xi32, #tpu.memory_space<vmem>> -> memref<128xi32, #tpu.memory_space<vmem>>
      %dma_wait3A_350 = arith.constant 0 : i32
      %dma_wait3A_351 = arith.constant 0 : i32
      %dma_wait3A_352 = tpu.memref_slice %arg10[%dma_wait3A_350, %dma_wait3A_351] : memref<10000x16xf32, #tpu.memory_space<vmem_shared>> -> memref<10000x16xf32, #tpu.memory_space<vmem_shared>>
      %dma_wait3A_353 = tpu.memref_slice %arg11[%dma_wait3A_342] : memref<13x!tpu.dma_semaphore, #tpu.memory_space<semaphore_mem>> -> memref<1x!tpu.dma_semaphore, #tpu.memory_space<semaphore_mem>>
      %dma_wait3A_354 = tpu.memref_squeeze %dma_wait3A_353 : memref<1x!tpu.dma_semaphore, #tpu.memory_space<semaphore_mem>> -> memref<!tpu.dma_semaphore, #tpu.memory_space<semaphore_mem>>
      tpu.wait_indirect_dma semaphore(%dma_wait3A_354 : memref<!tpu.dma_semaphore, #tpu.memory_space<semaphore_mem>>) src(%dma_wait3A_352 : memref<10000x16xf32, #tpu.memory_space<vmem_shared>>) dst(%dma_wait3A_346 : memref<128x16xf32, #tpu.memory_space<vmem>>)
      %add3A_355 = arith.constant 3 : i32
      %add3A_356 = arith.addi %add3A_243, %add3A_355 : i32
      %dma_start3A_357 = arith.constant 3 : i32
      %dma_start3A_358 = arith.constant 3 : i32
      %dma_start3A_359 = arith.constant 0 : i32
      %dma_start3A_360 = arith.constant 0 : i32
      %dma_start3A_361 = tpu.memref_slice %arg8[%dma_start3A_357, %dma_start3A_359, %dma_start3A_360] : memref<13x128x16xf32, #tpu.memory_space<vmem>> -> memref<1x128x16xf32, #tpu.memory_space<vmem>>
      %dma_start3A_362 = tpu.memref_squeeze %dma_start3A_361 : memref<1x128x16xf32, #tpu.memory_space<vmem>> -> memref<128x16xf32, #tpu.memory_space<vmem>>
      %dma_start3A_363 = arith.constant 0 : i32
      %dma_start3A_364 = tpu.memref_slice %arg7[%add3A_356, %dma_start3A_363] : memref<79x128xi32, #tpu.memory_space<vmem>> -> memref<1x128xi32, #tpu.memory_space<vmem>>
      %dma_start3A_365 = tpu.memref_squeeze %dma_start3A_364 : memref<1x128xi32, #tpu.memory_space<vmem>> -> memref<128xi32, #tpu.memory_space<vmem>>
      %dma_start3A_366 = arith.constant 0 : i32
      %dma_start3A_367 = arith.constant 0 : i32
      %dma_start3A_368 = tpu.memref_slice %arg9[%dma_start3A_366, %dma_start3A_367] : memref<10000x16xf32, #tpu.memory_space<vmem_shared>> -> memref<10000x16xf32, #tpu.memory_space<vmem_shared>>
      %dma_start3A_369 = tpu.memref_slice %arg12[%dma_start3A_358] : memref<13x!tpu.dma_semaphore, #tpu.memory_space<semaphore_mem>> -> memref<1x!tpu.dma_semaphore, #tpu.memory_space<semaphore_mem>>
      %dma_start3A_370 = tpu.memref_squeeze %dma_start3A_369 : memref<1x!tpu.dma_semaphore, #tpu.memory_space<semaphore_mem>> -> memref<!tpu.dma_semaphore, #tpu.memory_space<semaphore_mem>>
      tpu.enqueue_indirect_dma source(%dma_start3A_362 : memref<128x16xf32, #tpu.memory_space<vmem>>) target(%dma_start3A_368 : memref<10000x16xf32, #tpu.memory_space<vmem_shared>>) offsets(%dma_start3A_365 : memref<128xi32, #tpu.memory_space<vmem>>) semaphore(%dma_start3A_370 : memref<!tpu.dma_semaphore, #tpu.memory_space<semaphore_mem>>) {add = true}
      %add3A_371 = arith.constant 4 : i32
      %add3A_372 = arith.addi %add3A_243, %add3A_371 : i32
      %dma_wait3A_373 = arith.constant 4 : i32
      %dma_wait3A_374 = arith.constant 4 : i32
      %dma_wait3A_375 = arith.constant 0 : i32
      %dma_wait3A_376 = arith.constant 0 : i32
      %dma_wait3A_377 = tpu.memref_slice %arg8[%dma_wait3A_373, %dma_wait3A_375, %dma_wait3A_376] : memref<13x128x16xf32, #tpu.memory_space<vmem>> -> memref<1x128x16xf32, #tpu.memory_space<vmem>>
      %dma_wait3A_378 = tpu.memref_squeeze %dma_wait3A_377 : memref<1x128x16xf32, #tpu.memory_space<vmem>> -> memref<128x16xf32, #tpu.memory_space<vmem>>
      %dma_wait3A_379 = arith.constant 0 : i32
      %dma_wait3A_380 = tpu.memref_slice %arg6[%add3A_372, %dma_wait3A_379] : memref<79x128xi32, #tpu.memory_space<vmem>> -> memref<1x128xi32, #tpu.memory_space<vmem>>
      %dma_wait3A_381 = tpu.memref_squeeze %dma_wait3A_380 : memref<1x128xi32, #tpu.memory_space<vmem>> -> memref<128xi32, #tpu.memory_space<vmem>>
      %dma_wait3A_382 = arith.constant 0 : i32
      %dma_wait3A_383 = arith.constant 0 : i32
      %dma_wait3A_384 = tpu.memref_slice %arg2[%dma_wait3A_382, %dma_wait3A_383] : memref<10000x16xf32, #tpu.memory_space<hbm>> -> memref<10000x16xf32, #tpu.memory_space<hbm>>
      %dma_wait3A_385 = tpu.memref_slice %arg11[%dma_wait3A_374] : memref<13x!tpu.dma_semaphore, #tpu.memory_space<semaphore_mem>> -> memref<1x!tpu.dma_semaphore, #tpu.memory_space<semaphore_mem>>
      %dma_wait3A_386 = tpu.memref_squeeze %dma_wait3A_385 : memref<1x!tpu.dma_semaphore, #tpu.memory_space<semaphore_mem>> -> memref<!tpu.dma_semaphore, #tpu.memory_space<semaphore_mem>>
      tpu.wait_indirect_dma semaphore(%dma_wait3A_386 : memref<!tpu.dma_semaphore, #tpu.memory_space<semaphore_mem>>) src(%dma_wait3A_384 : memref<10000x16xf32, #tpu.memory_space<hbm>>) dst(%dma_wait3A_378 : memref<128x16xf32, #tpu.memory_space<vmem>>)
      %add3A_387 = arith.constant 4 : i32
      %add3A_388 = arith.addi %add3A_243, %add3A_387 : i32
      %dma_start3A_389 = arith.constant 4 : i32
      %dma_start3A_390 = arith.constant 4 : i32
      %dma_start3A_391 = arith.constant 0 : i32
      %dma_start3A_392 = arith.constant 0 : i32
      %dma_start3A_393 = tpu.memref_slice %arg8[%dma_start3A_389, %dma_start3A_391, %dma_start3A_392] : memref<13x128x16xf32, #tpu.memory_space<vmem>> -> memref<1x128x16xf32, #tpu.memory_space<vmem>>
      %dma_start3A_394 = tpu.memref_squeeze %dma_start3A_393 : memref<1x128x16xf32, #tpu.memory_space<vmem>> -> memref<128x16xf32, #tpu.memory_space<vmem>>
      %dma_start3A_395 = arith.constant 0 : i32
      %dma_start3A_396 = tpu.memref_slice %arg7[%add3A_388, %dma_start3A_395] : memref<79x128xi32, #tpu.memory_space<vmem>> -> memref<1x128xi32, #tpu.memory_space<vmem>>
      %dma_start3A_397 = tpu.memref_squeeze %dma_start3A_396 : memref<1x128xi32, #tpu.memory_space<vmem>> -> memref<128xi32, #tpu.memory_space<vmem>>
      %dma_start3A_398 = arith.constant 0 : i32
      %dma_start3A_399 = arith.constant 0 : i32
      %dma_start3A_400 = tpu.memref_slice %arg9[%dma_start3A_398, %dma_start3A_399] : memref<10000x16xf32, #tpu.memory_space<vmem_shared>> -> memref<10000x16xf32, #tpu.memory_space<vmem_shared>>
      %dma_start3A_401 = tpu.memref_slice %arg12[%dma_start3A_390] : memref<13x!tpu.dma_semaphore, #tpu.memory_space<semaphore_mem>> -> memref<1x!tpu.dma_semaphore, #tpu.memory_space<semaphore_mem>>
      %dma_start3A_402 = tpu.memref_squeeze %dma_start3A_401 : memref<1x!tpu.dma_semaphore, #tpu.memory_space<semaphore_mem>> -> memref<!tpu.dma_semaphore, #tpu.memory_space<semaphore_mem>>
      tpu.enqueue_indirect_dma source(%dma_start3A_394 : memref<128x16xf32, #tpu.memory_space<vmem>>) target(%dma_start3A_400 : memref<10000x16xf32, #tpu.memory_space<vmem_shared>>) offsets(%dma_start3A_397 : memref<128xi32, #tpu.memory_space<vmem>>) semaphore(%dma_start3A_402 : memref<!tpu.dma_semaphore, #tpu.memory_space<semaphore_mem>>) {add = true}
      %add3A_403 = arith.constant 5 : i32
      %add3A_404 = arith.addi %add3A_243, %add3A_403 : i32
      %dma_wait3A_405 = arith.constant 5 : i32
      %dma_wait3A_406 = arith.constant 5 : i32
      %dma_wait3A_407 = arith.constant 0 : i32
      %dma_wait3A_408 = arith.constant 0 : i32
      %dma_wait3A_409 = tpu.memref_slice %arg8[%dma_wait3A_405, %dma_wait3A_407, %dma_wait3A_408] : memref<13x128x16xf32, #tpu.memory_space<vmem>> -> memref<1x128x16xf32, #tpu.memory_space<vmem>>
      %dma_wait3A_410 = tpu.memref_squeeze %dma_wait3A_409 : memref<1x128x16xf32, #tpu.memory_space<vmem>> -> memref<128x16xf32, #tpu.memory_space<vmem>>
      %dma_wait3A_411 = arith.constant 0 : i32
      %dma_wait3A_412 = tpu.memref_slice %arg6[%add3A_404, %dma_wait3A_411] : memref<79x128xi32, #tpu.memory_space<vmem>> -> memref<1x128xi32, #tpu.memory_space<vmem>>
      %dma_wait3A_413 = tpu.memref_squeeze %dma_wait3A_412 : memref<1x128xi32, #tpu.memory_space<vmem>> -> memref<128xi32, #tpu.memory_space<vmem>>
      %dma_wait3A_414 = arith.constant 0 : i32
      %dma_wait3A_415 = arith.constant 0 : i32
      %dma_wait3A_416 = tpu.memref_slice %arg10[%dma_wait3A_414, %dma_wait3A_415] : memref<10000x16xf32, #tpu.memory_space<vmem_shared>> -> memref<10000x16xf32, #tpu.memory_space<vmem_shared>>
      %dma_wait3A_417 = tpu.memref_slice %arg11[%dma_wait3A_406] : memref<13x!tpu.dma_semaphore, #tpu.memory_space<semaphore_mem>> -> memref<1x!tpu.dma_semaphore, #tpu.memory_space<semaphore_mem>>
      %dma_wait3A_418 = tpu.memref_squeeze %dma_wait3A_417 : memref<1x!tpu.dma_semaphore, #tpu.memory_space<semaphore_mem>> -> memref<!tpu.dma_semaphore, #tpu.memory_space<semaphore_mem>>
      tpu.wait_indirect_dma semaphore(%dma_wait3A_418 : memref<!tpu.dma_semaphore, #tpu.memory_space<semaphore_mem>>) src(%dma_wait3A_416 : memref<10000x16xf32, #tpu.memory_space<vmem_shared>>) dst(%dma_wait3A_410 : memref<128x16xf32, #tpu.memory_space<vmem>>)
      %add3A_419 = arith.constant 5 : i32
      %add3A_420 = arith.addi %add3A_243, %add3A_419 : i32
      %dma_start3A_421 = arith.constant 5 : i32
      %dma_start3A_422 = arith.constant 5 : i32
      %dma_start3A_423 = arith.constant 0 : i32
      %dma_start3A_424 = arith.constant 0 : i32
      %dma_start3A_425 = tpu.memref_slice %arg8[%dma_start3A_421, %dma_start3A_423, %dma_start3A_424] : memref<13x128x16xf32, #tpu.memory_space<vmem>> -> memref<1x128x16xf32, #tpu.memory_space<vmem>>
      %dma_start3A_426 = tpu.memref_squeeze %dma_start3A_425 : memref<1x128x16xf32, #tpu.memory_space<vmem>> -> memref<128x16xf32, #tpu.memory_space<vmem>>
      %dma_start3A_427 = arith.constant 0 : i32
      %dma_start3A_428 = tpu.memref_slice %arg7[%add3A_420, %dma_start3A_427] : memref<79x128xi32, #tpu.memory_space<vmem>> -> memref<1x128xi32, #tpu.memory_space<vmem>>
      %dma_start3A_429 = tpu.memref_squeeze %dma_start3A_428 : memref<1x128xi32, #tpu.memory_space<vmem>> -> memref<128xi32, #tpu.memory_space<vmem>>
      %dma_start3A_430 = arith.constant 0 : i32
      %dma_start3A_431 = arith.constant 0 : i32
      %dma_start3A_432 = tpu.memref_slice %arg9[%dma_start3A_430, %dma_start3A_431] : memref<10000x16xf32, #tpu.memory_space<vmem_shared>> -> memref<10000x16xf32, #tpu.memory_space<vmem_shared>>
      %dma_start3A_433 = tpu.memref_slice %arg12[%dma_start3A_422] : memref<13x!tpu.dma_semaphore, #tpu.memory_space<semaphore_mem>> -> memref<1x!tpu.dma_semaphore, #tpu.memory_space<semaphore_mem>>
      %dma_start3A_434 = tpu.memref_squeeze %dma_start3A_433 : memref<1x!tpu.dma_semaphore, #tpu.memory_space<semaphore_mem>> -> memref<!tpu.dma_semaphore, #tpu.memory_space<semaphore_mem>>
      tpu.enqueue_indirect_dma source(%dma_start3A_426 : memref<128x16xf32, #tpu.memory_space<vmem>>) target(%dma_start3A_432 : memref<10000x16xf32, #tpu.memory_space<vmem_shared>>) offsets(%dma_start3A_429 : memref<128xi32, #tpu.memory_space<vmem>>) semaphore(%dma_start3A_434 : memref<!tpu.dma_semaphore, #tpu.memory_space<semaphore_mem>>) {add = true}
      %add3A_435 = arith.constant 6 : i32
      %add3A_436 = arith.addi %add3A_243, %add3A_435 : i32
      %dma_wait3A_437 = arith.constant 6 : i32
      %dma_wait3A_438 = arith.constant 6 : i32
      %dma_wait3A_439 = arith.constant 0 : i32
      %dma_wait3A_440 = arith.constant 0 : i32
      %dma_wait3A_441 = tpu.memref_slice %arg8[%dma_wait3A_437, %dma_wait3A_439, %dma_wait3A_440] : memref<13x128x16xf32, #tpu.memory_space<vmem>> -> memref<1x128x16xf32, #tpu.memory_space<vmem>>
      %dma_wait3A_442 = tpu.memref_squeeze %dma_wait3A_441 : memref<1x128x16xf32, #tpu.memory_space<vmem>> -> memref<128x16xf32, #tpu.memory_space<vmem>>
      %dma_wait3A_443 = arith.constant 0 : i32
      %dma_wait3A_444 = tpu.memref_slice %arg6[%add3A_436, %dma_wait3A_443] : memref<79x128xi32, #tpu.memory_space<vmem>> -> memref<1x128xi32, #tpu.memory_space<vmem>>
      %dma_wait3A_445 = tpu.memref_squeeze %dma_wait3A_444 : memref<1x128xi32, #tpu.memory_space<vmem>> -> memref<128xi32, #tpu.memory_space<vmem>>
      %dma_wait3A_446 = arith.constant 0 : i32
      %dma_wait3A_447 = arith.constant 0 : i32
      %dma_wait3A_448 = tpu.memref_slice %arg2[%dma_wait3A_446, %dma_wait3A_447] : memref<10000x16xf32, #tpu.memory_space<hbm>> -> memref<10000x16xf32, #tpu.memory_space<hbm>>
      %dma_wait3A_449 = tpu.memref_slice %arg11[%dma_wait3A_438] : memref<13x!tpu.dma_semaphore, #tpu.memory_space<semaphore_mem>> -> memref<1x!tpu.dma_semaphore, #tpu.memory_space<semaphore_mem>>
      %dma_wait3A_450 = tpu.memref_squeeze %dma_wait3A_449 : memref<1x!tpu.dma_semaphore, #tpu.memory_space<semaphore_mem>> -> memref<!tpu.dma_semaphore, #tpu.memory_space<semaphore_mem>>
      tpu.wait_indirect_dma semaphore(%dma_wait3A_450 : memref<!tpu.dma_semaphore, #tpu.memory_space<semaphore_mem>>) src(%dma_wait3A_448 : memref<10000x16xf32, #tpu.memory_space<hbm>>) dst(%dma_wait3A_442 : memref<128x16xf32, #tpu.memory_space<vmem>>)
      %add3A_451 = arith.constant 6 : i32
      %add3A_452 = arith.addi %add3A_243, %add3A_451 : i32
      %dma_start3A_453 = arith.constant 6 : i32
      %dma_start3A_454 = arith.constant 6 : i32
      %dma_start3A_455 = arith.constant 0 : i32
      %dma_start3A_456 = arith.constant 0 : i32
      %dma_start3A_457 = tpu.memref_slice %arg8[%dma_start3A_453, %dma_start3A_455, %dma_start3A_456] : memref<13x128x16xf32, #tpu.memory_space<vmem>> -> memref<1x128x16xf32, #tpu.memory_space<vmem>>
      %dma_start3A_458 = tpu.memref_squeeze %dma_start3A_457 : memref<1x128x16xf32, #tpu.memory_space<vmem>> -> memref<128x16xf32, #tpu.memory_space<vmem>>
      %dma_start3A_459 = arith.constant 0 : i32
      %dma_start3A_460 = tpu.memref_slice %arg7[%add3A_452, %dma_start3A_459] : memref<79x128xi32, #tpu.memory_space<vmem>> -> memref<1x128xi32, #tpu.memory_space<vmem>>
      %dma_start3A_461 = tpu.memref_squeeze %dma_start3A_460 : memref<1x128xi32, #tpu.memory_space<vmem>> -> memref<128xi32, #tpu.memory_space<vmem>>
      %dma_start3A_462 = arith.constant 0 : i32
      %dma_start3A_463 = arith.constant 0 : i32
      %dma_start3A_464 = tpu.memref_slice %arg9[%dma_start3A_462, %dma_start3A_463] : memref<10000x16xf32, #tpu.memory_space<vmem_shared>> -> memref<10000x16xf32, #tpu.memory_space<vmem_shared>>
      %dma_start3A_465 = tpu.memref_slice %arg12[%dma_start3A_454] : memref<13x!tpu.dma_semaphore, #tpu.memory_space<semaphore_mem>> -> memref<1x!tpu.dma_semaphore, #tpu.memory_space<semaphore_mem>>
      %dma_start3A_466 = tpu.memref_squeeze %dma_start3A_465 : memref<1x!tpu.dma_semaphore, #tpu.memory_space<semaphore_mem>> -> memref<!tpu.dma_semaphore, #tpu.memory_space<semaphore_mem>>
      tpu.enqueue_indirect_dma source(%dma_start3A_458 : memref<128x16xf32, #tpu.memory_space<vmem>>) target(%dma_start3A_464 : memref<10000x16xf32, #tpu.memory_space<vmem_shared>>) offsets(%dma_start3A_461 : memref<128xi32, #tpu.memory_space<vmem>>) semaphore(%dma_start3A_466 : memref<!tpu.dma_semaphore, #tpu.memory_space<semaphore_mem>>) {add = true}
      %add3A_467 = arith.constant 7 : i32
      %add3A_468 = arith.addi %add3A_243, %add3A_467 : i32
      %dma_wait3A_469 = arith.constant 7 : i32
      %dma_wait3A_470 = arith.constant 7 : i32
      %dma_wait3A_471 = arith.constant 0 : i32
      %dma_wait3A_472 = arith.constant 0 : i32
      %dma_wait3A_473 = tpu.memref_slice %arg8[%dma_wait3A_469, %dma_wait3A_471, %dma_wait3A_472] : memref<13x128x16xf32, #tpu.memory_space<vmem>> -> memref<1x128x16xf32, #tpu.memory_space<vmem>>
      %dma_wait3A_474 = tpu.memref_squeeze %dma_wait3A_473 : memref<1x128x16xf32, #tpu.memory_space<vmem>> -> memref<128x16xf32, #tpu.memory_space<vmem>>
      %dma_wait3A_475 = arith.constant 0 : i32
      %dma_wait3A_476 = tpu.memref_slice %arg6[%add3A_468, %dma_wait3A_475] : memref<79x128xi32, #tpu.memory_space<vmem>> -> memref<1x128xi32, #tpu.memory_space<vmem>>
      %dma_wait3A_477 = tpu.memref_squeeze %dma_wait3A_476 : memref<1x128xi32, #tpu.memory_space<vmem>> -> memref<128xi32, #tpu.memory_space<vmem>>
      %dma_wait3A_478 = arith.constant 0 : i32
      %dma_wait3A_479 = arith.constant 0 : i32
      %dma_wait3A_480 = tpu.memref_slice %arg10[%dma_wait3A_478, %dma_wait3A_479] : memref<10000x16xf32, #tpu.memory_space<vmem_shared>> -> memref<10000x16xf32, #tpu.memory_space<vmem_shared>>
      %dma_wait3A_481 = tpu.memref_slice %arg11[%dma_wait3A_470] : memref<13x!tpu.dma_semaphore, #tpu.memory_space<semaphore_mem>> -> memref<1x!tpu.dma_semaphore, #tpu.memory_space<semaphore_mem>>
      %dma_wait3A_482 = tpu.memref_squeeze %dma_wait3A_481 : memref<1x!tpu.dma_semaphore, #tpu.memory_space<semaphore_mem>> -> memref<!tpu.dma_semaphore, #tpu.memory_space<semaphore_mem>>
      tpu.wait_indirect_dma semaphore(%dma_wait3A_482 : memref<!tpu.dma_semaphore, #tpu.memory_space<semaphore_mem>>) src(%dma_wait3A_480 : memref<10000x16xf32, #tpu.memory_space<vmem_shared>>) dst(%dma_wait3A_474 : memref<128x16xf32, #tpu.memory_space<vmem>>)
      %add3A_483 = arith.constant 7 : i32
      %add3A_484 = arith.addi %add3A_243, %add3A_483 : i32
      %dma_start3A_485 = arith.constant 7 : i32
      %dma_start3A_486 = arith.constant 7 : i32
      %dma_start3A_487 = arith.constant 0 : i32
      %dma_start3A_488 = arith.constant 0 : i32
      %dma_start3A_489 = tpu.memref_slice %arg8[%dma_start3A_485, %dma_start3A_487, %dma_start3A_488] : memref<13x128x16xf32, #tpu.memory_space<vmem>> -> memref<1x128x16xf32, #tpu.memory_space<vmem>>
      %dma_start3A_490 = tpu.memref_squeeze %dma_start3A_489 : memref<1x128x16xf32, #tpu.memory_space<vmem>> -> memref<128x16xf32, #tpu.memory_space<vmem>>
      %dma_start3A_491 = arith.constant 0 : i32
      %dma_start3A_492 = tpu.memref_slice %arg7[%add3A_484, %dma_start3A_491] : memref<79x128xi32, #tpu.memory_space<vmem>> -> memref<1x128xi32, #tpu.memory_space<vmem>>
      %dma_start3A_493 = tpu.memref_squeeze %dma_start3A_492 : memref<1x128xi32, #tpu.memory_space<vmem>> -> memref<128xi32, #tpu.memory_space<vmem>>
      %dma_start3A_494 = arith.constant 0 : i32
      %dma_start3A_495 = arith.constant 0 : i32
      %dma_start3A_496 = tpu.memref_slice %arg9[%dma_start3A_494, %dma_start3A_495] : memref<10000x16xf32, #tpu.memory_space<vmem_shared>> -> memref<10000x16xf32, #tpu.memory_space<vmem_shared>>
      %dma_start3A_497 = tpu.memref_slice %arg12[%dma_start3A_486] : memref<13x!tpu.dma_semaphore, #tpu.memory_space<semaphore_mem>> -> memref<1x!tpu.dma_semaphore, #tpu.memory_space<semaphore_mem>>
      %dma_start3A_498 = tpu.memref_squeeze %dma_start3A_497 : memref<1x!tpu.dma_semaphore, #tpu.memory_space<semaphore_mem>> -> memref<!tpu.dma_semaphore, #tpu.memory_space<semaphore_mem>>
      tpu.enqueue_indirect_dma source(%dma_start3A_490 : memref<128x16xf32, #tpu.memory_space<vmem>>) target(%dma_start3A_496 : memref<10000x16xf32, #tpu.memory_space<vmem_shared>>) offsets(%dma_start3A_493 : memref<128xi32, #tpu.memory_space<vmem>>) semaphore(%dma_start3A_498 : memref<!tpu.dma_semaphore, #tpu.memory_space<semaphore_mem>>) {add = true}
      %add3A_499 = arith.constant 8 : i32
      %add3A_500 = arith.addi %add3A_243, %add3A_499 : i32
      %dma_wait3A_501 = arith.constant 8 : i32
      %dma_wait3A_502 = arith.constant 8 : i32
      %dma_wait3A_503 = arith.constant 0 : i32
      %dma_wait3A_504 = arith.constant 0 : i32
      %dma_wait3A_505 = tpu.memref_slice %arg8[%dma_wait3A_501, %dma_wait3A_503, %dma_wait3A_504] : memref<13x128x16xf32, #tpu.memory_space<vmem>> -> memref<1x128x16xf32, #tpu.memory_space<vmem>>
      %dma_wait3A_506 = tpu.memref_squeeze %dma_wait3A_505 : memref<1x128x16xf32, #tpu.memory_space<vmem>> -> memref<128x16xf32, #tpu.memory_space<vmem>>
      %dma_wait3A_507 = arith.constant 0 : i32
      %dma_wait3A_508 = tpu.memref_slice %arg6[%add3A_500, %dma_wait3A_507] : memref<79x128xi32, #tpu.memory_space<vmem>> -> memref<1x128xi32, #tpu.memory_space<vmem>>
      %dma_wait3A_509 = tpu.memref_squeeze %dma_wait3A_508 : memref<1x128xi32, #tpu.memory_space<vmem>> -> memref<128xi32, #tpu.memory_space<vmem>>
      %dma_wait3A_510 = arith.constant 0 : i32
      %dma_wait3A_511 = arith.constant 0 : i32
      %dma_wait3A_512 = tpu.memref_slice %arg2[%dma_wait3A_510, %dma_wait3A_511] : memref<10000x16xf32, #tpu.memory_space<hbm>> -> memref<10000x16xf32, #tpu.memory_space<hbm>>
      %dma_wait3A_513 = tpu.memref_slice %arg11[%dma_wait3A_502] : memref<13x!tpu.dma_semaphore, #tpu.memory_space<semaphore_mem>> -> memref<1x!tpu.dma_semaphore, #tpu.memory_space<semaphore_mem>>
      %dma_wait3A_514 = tpu.memref_squeeze %dma_wait3A_513 : memref<1x!tpu.dma_semaphore, #tpu.memory_space<semaphore_mem>> -> memref<!tpu.dma_semaphore, #tpu.memory_space<semaphore_mem>>
      tpu.wait_indirect_dma semaphore(%dma_wait3A_514 : memref<!tpu.dma_semaphore, #tpu.memory_space<semaphore_mem>>) src(%dma_wait3A_512 : memref<10000x16xf32, #tpu.memory_space<hbm>>) dst(%dma_wait3A_506 : memref<128x16xf32, #tpu.memory_space<vmem>>)
      %add3A_515 = arith.constant 8 : i32
      %add3A_516 = arith.addi %add3A_243, %add3A_515 : i32
      %dma_start3A_517 = arith.constant 8 : i32
      %dma_start3A_518 = arith.constant 8 : i32
      %dma_start3A_519 = arith.constant 0 : i32
      %dma_start3A_520 = arith.constant 0 : i32
      %dma_start3A_521 = tpu.memref_slice %arg8[%dma_start3A_517, %dma_start3A_519, %dma_start3A_520] : memref<13x128x16xf32, #tpu.memory_space<vmem>> -> memref<1x128x16xf32, #tpu.memory_space<vmem>>
      %dma_start3A_522 = tpu.memref_squeeze %dma_start3A_521 : memref<1x128x16xf32, #tpu.memory_space<vmem>> -> memref<128x16xf32, #tpu.memory_space<vmem>>
      %dma_start3A_523 = arith.constant 0 : i32
      %dma_start3A_524 = tpu.memref_slice %arg7[%add3A_516, %dma_start3A_523] : memref<79x128xi32, #tpu.memory_space<vmem>> -> memref<1x128xi32, #tpu.memory_space<vmem>>
      %dma_start3A_525 = tpu.memref_squeeze %dma_start3A_524 : memref<1x128xi32, #tpu.memory_space<vmem>> -> memref<128xi32, #tpu.memory_space<vmem>>
      %dma_start3A_526 = arith.constant 0 : i32
      %dma_start3A_527 = arith.constant 0 : i32
      %dma_start3A_528 = tpu.memref_slice %arg9[%dma_start3A_526, %dma_start3A_527] : memref<10000x16xf32, #tpu.memory_space<vmem_shared>> -> memref<10000x16xf32, #tpu.memory_space<vmem_shared>>
      %dma_start3A_529 = tpu.memref_slice %arg12[%dma_start3A_518] : memref<13x!tpu.dma_semaphore, #tpu.memory_space<semaphore_mem>> -> memref<1x!tpu.dma_semaphore, #tpu.memory_space<semaphore_mem>>
      %dma_start3A_530 = tpu.memref_squeeze %dma_start3A_529 : memref<1x!tpu.dma_semaphore, #tpu.memory_space<semaphore_mem>> -> memref<!tpu.dma_semaphore, #tpu.memory_space<semaphore_mem>>
      tpu.enqueue_indirect_dma source(%dma_start3A_522 : memref<128x16xf32, #tpu.memory_space<vmem>>) target(%dma_start3A_528 : memref<10000x16xf32, #tpu.memory_space<vmem_shared>>) offsets(%dma_start3A_525 : memref<128xi32, #tpu.memory_space<vmem>>) semaphore(%dma_start3A_530 : memref<!tpu.dma_semaphore, #tpu.memory_space<semaphore_mem>>) {add = true}
      %add3A_531 = arith.constant 9 : i32
      %add3A_532 = arith.addi %add3A_243, %add3A_531 : i32
      %dma_wait3A_533 = arith.constant 9 : i32
      %dma_wait3A_534 = arith.constant 9 : i32
      %dma_wait3A_535 = arith.constant 0 : i32
      %dma_wait3A_536 = arith.constant 0 : i32
      %dma_wait3A_537 = tpu.memref_slice %arg8[%dma_wait3A_533, %dma_wait3A_535, %dma_wait3A_536] : memref<13x128x16xf32, #tpu.memory_space<vmem>> -> memref<1x128x16xf32, #tpu.memory_space<vmem>>
      %dma_wait3A_538 = tpu.memref_squeeze %dma_wait3A_537 : memref<1x128x16xf32, #tpu.memory_space<vmem>> -> memref<128x16xf32, #tpu.memory_space<vmem>>
      %dma_wait3A_539 = arith.constant 0 : i32
      %dma_wait3A_540 = tpu.memref_slice %arg6[%add3A_532, %dma_wait3A_539] : memref<79x128xi32, #tpu.memory_space<vmem>> -> memref<1x128xi32, #tpu.memory_space<vmem>>
      %dma_wait3A_541 = tpu.memref_squeeze %dma_wait3A_540 : memref<1x128xi32, #tpu.memory_space<vmem>> -> memref<128xi32, #tpu.memory_space<vmem>>
      %dma_wait3A_542 = arith.constant 0 : i32
      %dma_wait3A_543 = arith.constant 0 : i32
      %dma_wait3A_544 = tpu.memref_slice %arg10[%dma_wait3A_542, %dma_wait3A_543] : memref<10000x16xf32, #tpu.memory_space<vmem_shared>> -> memref<10000x16xf32, #tpu.memory_space<vmem_shared>>
      %dma_wait3A_545 = tpu.memref_slice %arg11[%dma_wait3A_534] : memref<13x!tpu.dma_semaphore, #tpu.memory_space<semaphore_mem>> -> memref<1x!tpu.dma_semaphore, #tpu.memory_space<semaphore_mem>>
      %dma_wait3A_546 = tpu.memref_squeeze %dma_wait3A_545 : memref<1x!tpu.dma_semaphore, #tpu.memory_space<semaphore_mem>> -> memref<!tpu.dma_semaphore, #tpu.memory_space<semaphore_mem>>
      tpu.wait_indirect_dma semaphore(%dma_wait3A_546 : memref<!tpu.dma_semaphore, #tpu.memory_space<semaphore_mem>>) src(%dma_wait3A_544 : memref<10000x16xf32, #tpu.memory_space<vmem_shared>>) dst(%dma_wait3A_538 : memref<128x16xf32, #tpu.memory_space<vmem>>)
      %add3A_547 = arith.constant 9 : i32
      %add3A_548 = arith.addi %add3A_243, %add3A_547 : i32
      %dma_start3A_549 = arith.constant 9 : i32
      %dma_start3A_550 = arith.constant 9 : i32
      %dma_start3A_551 = arith.constant 0 : i32
      %dma_start3A_552 = arith.constant 0 : i32
      %dma_start3A_553 = tpu.memref_slice %arg8[%dma_start3A_549, %dma_start3A_551, %dma_start3A_552] : memref<13x128x16xf32, #tpu.memory_space<vmem>> -> memref<1x128x16xf32, #tpu.memory_space<vmem>>
      %dma_start3A_554 = tpu.memref_squeeze %dma_start3A_553 : memref<1x128x16xf32, #tpu.memory_space<vmem>> -> memref<128x16xf32, #tpu.memory_space<vmem>>
      %dma_start3A_555 = arith.constant 0 : i32
      %dma_start3A_556 = tpu.memref_slice %arg7[%add3A_548, %dma_start3A_555] : memref<79x128xi32, #tpu.memory_space<vmem>> -> memref<1x128xi32, #tpu.memory_space<vmem>>
      %dma_start3A_557 = tpu.memref_squeeze %dma_start3A_556 : memref<1x128xi32, #tpu.memory_space<vmem>> -> memref<128xi32, #tpu.memory_space<vmem>>
      %dma_start3A_558 = arith.constant 0 : i32
      %dma_start3A_559 = arith.constant 0 : i32
      %dma_start3A_560 = tpu.memref_slice %arg9[%dma_start3A_558, %dma_start3A_559] : memref<10000x16xf32, #tpu.memory_space<vmem_shared>> -> memref<10000x16xf32, #tpu.memory_space<vmem_shared>>
      %dma_start3A_561 = tpu.memref_slice %arg12[%dma_start3A_550] : memref<13x!tpu.dma_semaphore, #tpu.memory_space<semaphore_mem>> -> memref<1x!tpu.dma_semaphore, #tpu.memory_space<semaphore_mem>>
      %dma_start3A_562 = tpu.memref_squeeze %dma_start3A_561 : memref<1x!tpu.dma_semaphore, #tpu.memory_space<semaphore_mem>> -> memref<!tpu.dma_semaphore, #tpu.memory_space<semaphore_mem>>
      tpu.enqueue_indirect_dma source(%dma_start3A_554 : memref<128x16xf32, #tpu.memory_space<vmem>>) target(%dma_start3A_560 : memref<10000x16xf32, #tpu.memory_space<vmem_shared>>) offsets(%dma_start3A_557 : memref<128xi32, #tpu.memory_space<vmem>>) semaphore(%dma_start3A_562 : memref<!tpu.dma_semaphore, #tpu.memory_space<semaphore_mem>>) {add = true}
      %add3A_563 = arith.constant 10 : i32
      %add3A_564 = arith.addi %add3A_243, %add3A_563 : i32
      %dma_wait3A_565 = arith.constant 10 : i32
      %dma_wait3A_566 = arith.constant 10 : i32
      %dma_wait3A_567 = arith.constant 0 : i32
      %dma_wait3A_568 = arith.constant 0 : i32
      %dma_wait3A_569 = tpu.memref_slice %arg8[%dma_wait3A_565, %dma_wait3A_567, %dma_wait3A_568] : memref<13x128x16xf32, #tpu.memory_space<vmem>> -> memref<1x128x16xf32, #tpu.memory_space<vmem>>
      %dma_wait3A_570 = tpu.memref_squeeze %dma_wait3A_569 : memref<1x128x16xf32, #tpu.memory_space<vmem>> -> memref<128x16xf32, #tpu.memory_space<vmem>>
      %dma_wait3A_571 = arith.constant 0 : i32
      %dma_wait3A_572 = tpu.memref_slice %arg6[%add3A_564, %dma_wait3A_571] : memref<79x128xi32, #tpu.memory_space<vmem>> -> memref<1x128xi32, #tpu.memory_space<vmem>>
      %dma_wait3A_573 = tpu.memref_squeeze %dma_wait3A_572 : memref<1x128xi32, #tpu.memory_space<vmem>> -> memref<128xi32, #tpu.memory_space<vmem>>
      %dma_wait3A_574 = arith.constant 0 : i32
      %dma_wait3A_575 = arith.constant 0 : i32
      %dma_wait3A_576 = tpu.memref_slice %arg2[%dma_wait3A_574, %dma_wait3A_575] : memref<10000x16xf32, #tpu.memory_space<hbm>> -> memref<10000x16xf32, #tpu.memory_space<hbm>>
      %dma_wait3A_577 = tpu.memref_slice %arg11[%dma_wait3A_566] : memref<13x!tpu.dma_semaphore, #tpu.memory_space<semaphore_mem>> -> memref<1x!tpu.dma_semaphore, #tpu.memory_space<semaphore_mem>>
      %dma_wait3A_578 = tpu.memref_squeeze %dma_wait3A_577 : memref<1x!tpu.dma_semaphore, #tpu.memory_space<semaphore_mem>> -> memref<!tpu.dma_semaphore, #tpu.memory_space<semaphore_mem>>
      tpu.wait_indirect_dma semaphore(%dma_wait3A_578 : memref<!tpu.dma_semaphore, #tpu.memory_space<semaphore_mem>>) src(%dma_wait3A_576 : memref<10000x16xf32, #tpu.memory_space<hbm>>) dst(%dma_wait3A_570 : memref<128x16xf32, #tpu.memory_space<vmem>>)
      %add3A_579 = arith.constant 10 : i32
      %add3A_580 = arith.addi %add3A_243, %add3A_579 : i32
      %dma_start3A_581 = arith.constant 10 : i32
      %dma_start3A_582 = arith.constant 10 : i32
      %dma_start3A_583 = arith.constant 0 : i32
      %dma_start3A_584 = arith.constant 0 : i32
      %dma_start3A_585 = tpu.memref_slice %arg8[%dma_start3A_581, %dma_start3A_583, %dma_start3A_584] : memref<13x128x16xf32, #tpu.memory_space<vmem>> -> memref<1x128x16xf32, #tpu.memory_space<vmem>>
      %dma_start3A_586 = tpu.memref_squeeze %dma_start3A_585 : memref<1x128x16xf32, #tpu.memory_space<vmem>> -> memref<128x16xf32, #tpu.memory_space<vmem>>
      %dma_start3A_587 = arith.constant 0 : i32
      %dma_start3A_588 = tpu.memref_slice %arg7[%add3A_580, %dma_start3A_587] : memref<79x128xi32, #tpu.memory_space<vmem>> -> memref<1x128xi32, #tpu.memory_space<vmem>>
      %dma_start3A_589 = tpu.memref_squeeze %dma_start3A_588 : memref<1x128xi32, #tpu.memory_space<vmem>> -> memref<128xi32, #tpu.memory_space<vmem>>
      %dma_start3A_590 = arith.constant 0 : i32
      %dma_start3A_591 = arith.constant 0 : i32
      %dma_start3A_592 = tpu.memref_slice %arg9[%dma_start3A_590, %dma_start3A_591] : memref<10000x16xf32, #tpu.memory_space<vmem_shared>> -> memref<10000x16xf32, #tpu.memory_space<vmem_shared>>
      %dma_start3A_593 = tpu.memref_slice %arg12[%dma_start3A_582] : memref<13x!tpu.dma_semaphore, #tpu.memory_space<semaphore_mem>> -> memref<1x!tpu.dma_semaphore, #tpu.memory_space<semaphore_mem>>
      %dma_start3A_594 = tpu.memref_squeeze %dma_start3A_593 : memref<1x!tpu.dma_semaphore, #tpu.memory_space<semaphore_mem>> -> memref<!tpu.dma_semaphore, #tpu.memory_space<semaphore_mem>>
      tpu.enqueue_indirect_dma source(%dma_start3A_586 : memref<128x16xf32, #tpu.memory_space<vmem>>) target(%dma_start3A_592 : memref<10000x16xf32, #tpu.memory_space<vmem_shared>>) offsets(%dma_start3A_589 : memref<128xi32, #tpu.memory_space<vmem>>) semaphore(%dma_start3A_594 : memref<!tpu.dma_semaphore, #tpu.memory_space<semaphore_mem>>) {add = true}
      %add3A_595 = arith.constant 11 : i32
      %add3A_596 = arith.addi %add3A_243, %add3A_595 : i32
      %dma_wait3A_597 = arith.constant 11 : i32
      %dma_wait3A_598 = arith.constant 11 : i32
      %dma_wait3A_599 = arith.constant 0 : i32
      %dma_wait3A_600 = arith.constant 0 : i32
      %dma_wait3A_601 = tpu.memref_slice %arg8[%dma_wait3A_597, %dma_wait3A_599, %dma_wait3A_600] : memref<13x128x16xf32, #tpu.memory_space<vmem>> -> memref<1x128x16xf32, #tpu.memory_space<vmem>>
      %dma_wait3A_602 = tpu.memref_squeeze %dma_wait3A_601 : memref<1x128x16xf32, #tpu.memory_space<vmem>> -> memref<128x16xf32, #tpu.memory_space<vmem>>
      %dma_wait3A_603 = arith.constant 0 : i32
      %dma_wait3A_604 = tpu.memref_slice %arg6[%add3A_596, %dma_wait3A_603] : memref<79x128xi32, #tpu.memory_space<vmem>> -> memref<1x128xi32, #tpu.memory_space<vmem>>
      %dma_wait3A_605 = tpu.memref_squeeze %dma_wait3A_604 : memref<1x128xi32, #tpu.memory_space<vmem>> -> memref<128xi32, #tpu.memory_space<vmem>>
      %dma_wait3A_606 = arith.constant 0 : i32
      %dma_wait3A_607 = arith.constant 0 : i32
      %dma_wait3A_608 = tpu.memref_slice %arg10[%dma_wait3A_606, %dma_wait3A_607] : memref<10000x16xf32, #tpu.memory_space<vmem_shared>> -> memref<10000x16xf32, #tpu.memory_space<vmem_shared>>
      %dma_wait3A_609 = tpu.memref_slice %arg11[%dma_wait3A_598] : memref<13x!tpu.dma_semaphore, #tpu.memory_space<semaphore_mem>> -> memref<1x!tpu.dma_semaphore, #tpu.memory_space<semaphore_mem>>
      %dma_wait3A_610 = tpu.memref_squeeze %dma_wait3A_609 : memref<1x!tpu.dma_semaphore, #tpu.memory_space<semaphore_mem>> -> memref<!tpu.dma_semaphore, #tpu.memory_space<semaphore_mem>>
      tpu.wait_indirect_dma semaphore(%dma_wait3A_610 : memref<!tpu.dma_semaphore, #tpu.memory_space<semaphore_mem>>) src(%dma_wait3A_608 : memref<10000x16xf32, #tpu.memory_space<vmem_shared>>) dst(%dma_wait3A_602 : memref<128x16xf32, #tpu.memory_space<vmem>>)
      %add3A_611 = arith.constant 11 : i32
      %add3A_612 = arith.addi %add3A_243, %add3A_611 : i32
      %dma_start3A_613 = arith.constant 11 : i32
      %dma_start3A_614 = arith.constant 11 : i32
      %dma_start3A_615 = arith.constant 0 : i32
      %dma_start3A_616 = arith.constant 0 : i32
      %dma_start3A_617 = tpu.memref_slice %arg8[%dma_start3A_613, %dma_start3A_615, %dma_start3A_616] : memref<13x128x16xf32, #tpu.memory_space<vmem>> -> memref<1x128x16xf32, #tpu.memory_space<vmem>>
      %dma_start3A_618 = tpu.memref_squeeze %dma_start3A_617 : memref<1x128x16xf32, #tpu.memory_space<vmem>> -> memref<128x16xf32, #tpu.memory_space<vmem>>
      %dma_start3A_619 = arith.constant 0 : i32
      %dma_start3A_620 = tpu.memref_slice %arg7[%add3A_612, %dma_start3A_619] : memref<79x128xi32, #tpu.memory_space<vmem>> -> memref<1x128xi32, #tpu.memory_space<vmem>>
      %dma_start3A_621 = tpu.memref_squeeze %dma_start3A_620 : memref<1x128xi32, #tpu.memory_space<vmem>> -> memref<128xi32, #tpu.memory_space<vmem>>
      %dma_start3A_622 = arith.constant 0 : i32
      %dma_start3A_623 = arith.constant 0 : i32
      %dma_start3A_624 = tpu.memref_slice %arg9[%dma_start3A_622, %dma_start3A_623] : memref<10000x16xf32, #tpu.memory_space<vmem_shared>> -> memref<10000x16xf32, #tpu.memory_space<vmem_shared>>
      %dma_start3A_625 = tpu.memref_slice %arg12[%dma_start3A_614] : memref<13x!tpu.dma_semaphore, #tpu.memory_space<semaphore_mem>> -> memref<1x!tpu.dma_semaphore, #tpu.memory_space<semaphore_mem>>
      %dma_start3A_626 = tpu.memref_squeeze %dma_start3A_625 : memref<1x!tpu.dma_semaphore, #tpu.memory_space<semaphore_mem>> -> memref<!tpu.dma_semaphore, #tpu.memory_space<semaphore_mem>>
      tpu.enqueue_indirect_dma source(%dma_start3A_618 : memref<128x16xf32, #tpu.memory_space<vmem>>) target(%dma_start3A_624 : memref<10000x16xf32, #tpu.memory_space<vmem_shared>>) offsets(%dma_start3A_621 : memref<128xi32, #tpu.memory_space<vmem>>) semaphore(%dma_start3A_626 : memref<!tpu.dma_semaphore, #tpu.memory_space<semaphore_mem>>) {add = true}
      %add3A_627 = arith.constant 12 : i32
      %add3A_628 = arith.addi %add3A_243, %add3A_627 : i32
      %dma_wait3A_629 = arith.constant 12 : i32
      %dma_wait3A_630 = arith.constant 12 : i32
      %dma_wait3A_631 = arith.constant 0 : i32
      %dma_wait3A_632 = arith.constant 0 : i32
      %dma_wait3A_633 = tpu.memref_slice %arg8[%dma_wait3A_629, %dma_wait3A_631, %dma_wait3A_632] : memref<13x128x16xf32, #tpu.memory_space<vmem>> -> memref<1x128x16xf32, #tpu.memory_space<vmem>>
      %dma_wait3A_634 = tpu.memref_squeeze %dma_wait3A_633 : memref<1x128x16xf32, #tpu.memory_space<vmem>> -> memref<128x16xf32, #tpu.memory_space<vmem>>
      %dma_wait3A_635 = arith.constant 0 : i32
      %dma_wait3A_636 = tpu.memref_slice %arg6[%add3A_628, %dma_wait3A_635] : memref<79x128xi32, #tpu.memory_space<vmem>> -> memref<1x128xi32, #tpu.memory_space<vmem>>
      %dma_wait3A_637 = tpu.memref_squeeze %dma_wait3A_636 : memref<1x128xi32, #tpu.memory_space<vmem>> -> memref<128xi32, #tpu.memory_space<vmem>>
      %dma_wait3A_638 = arith.constant 0 : i32
      %dma_wait3A_639 = arith.constant 0 : i32
      %dma_wait3A_640 = tpu.memref_slice %arg2[%dma_wait3A_638, %dma_wait3A_639] : memref<10000x16xf32, #tpu.memory_space<hbm>> -> memref<10000x16xf32, #tpu.memory_space<hbm>>
      %dma_wait3A_641 = tpu.memref_slice %arg11[%dma_wait3A_630] : memref<13x!tpu.dma_semaphore, #tpu.memory_space<semaphore_mem>> -> memref<1x!tpu.dma_semaphore, #tpu.memory_space<semaphore_mem>>
      %dma_wait3A_642 = tpu.memref_squeeze %dma_wait3A_641 : memref<1x!tpu.dma_semaphore, #tpu.memory_space<semaphore_mem>> -> memref<!tpu.dma_semaphore, #tpu.memory_space<semaphore_mem>>
      tpu.wait_indirect_dma semaphore(%dma_wait3A_642 : memref<!tpu.dma_semaphore, #tpu.memory_space<semaphore_mem>>) src(%dma_wait3A_640 : memref<10000x16xf32, #tpu.memory_space<hbm>>) dst(%dma_wait3A_634 : memref<128x16xf32, #tpu.memory_space<vmem>>)
      %add3A_643 = arith.constant 12 : i32
      %add3A_644 = arith.addi %add3A_243, %add3A_643 : i32
      %dma_start3A_645 = arith.constant 12 : i32
      %dma_start3A_646 = arith.constant 12 : i32
      %dma_start3A_647 = arith.constant 0 : i32
      %dma_start3A_648 = arith.constant 0 : i32
      %dma_start3A_649 = tpu.memref_slice %arg8[%dma_start3A_645, %dma_start3A_647, %dma_start3A_648] : memref<13x128x16xf32, #tpu.memory_space<vmem>> -> memref<1x128x16xf32, #tpu.memory_space<vmem>>
      %dma_start3A_650 = tpu.memref_squeeze %dma_start3A_649 : memref<1x128x16xf32, #tpu.memory_space<vmem>> -> memref<128x16xf32, #tpu.memory_space<vmem>>
      %dma_start3A_651 = arith.constant 0 : i32
      %dma_start3A_652 = tpu.memref_slice %arg7[%add3A_644, %dma_start3A_651] : memref<79x128xi32, #tpu.memory_space<vmem>> -> memref<1x128xi32, #tpu.memory_space<vmem>>
      %dma_start3A_653 = tpu.memref_squeeze %dma_start3A_652 : memref<1x128xi32, #tpu.memory_space<vmem>> -> memref<128xi32, #tpu.memory_space<vmem>>
      %dma_start3A_654 = arith.constant 0 : i32
      %dma_start3A_655 = arith.constant 0 : i32
      %dma_start3A_656 = tpu.memref_slice %arg9[%dma_start3A_654, %dma_start3A_655] : memref<10000x16xf32, #tpu.memory_space<vmem_shared>> -> memref<10000x16xf32, #tpu.memory_space<vmem_shared>>
      %dma_start3A_657 = tpu.memref_slice %arg12[%dma_start3A_646] : memref<13x!tpu.dma_semaphore, #tpu.memory_space<semaphore_mem>> -> memref<1x!tpu.dma_semaphore, #tpu.memory_space<semaphore_mem>>
      %dma_start3A_658 = tpu.memref_squeeze %dma_start3A_657 : memref<1x!tpu.dma_semaphore, #tpu.memory_space<semaphore_mem>> -> memref<!tpu.dma_semaphore, #tpu.memory_space<semaphore_mem>>
      tpu.enqueue_indirect_dma source(%dma_start3A_650 : memref<128x16xf32, #tpu.memory_space<vmem>>) target(%dma_start3A_656 : memref<10000x16xf32, #tpu.memory_space<vmem_shared>>) offsets(%dma_start3A_653 : memref<128xi32, #tpu.memory_space<vmem>>) semaphore(%dma_start3A_658 : memref<!tpu.dma_semaphore, #tpu.memory_space<semaphore_mem>>) {add = true}
      %add3A_659 = arith.constant 13 : i32
      %add3A_660 = arith.addi %add3A_243, %add3A_659 : i32
      %add3A_661 = arith.constant 0 : i32
      %add3A_662 = arith.addi %add3A_660, %add3A_661 : i32
      %dma_wait3A_663 = arith.constant 0 : i32
      %dma_wait3A_664 = arith.constant 0 : i32
      %dma_wait3A_665 = arith.constant 0 : i32
      %dma_wait3A_666 = arith.constant 0 : i32
      %dma_wait3A_667 = tpu.memref_slice %arg8[%dma_wait3A_663, %dma_wait3A_665, %dma_wait3A_666] : memref<13x128x16xf32, #tpu.memory_space<vmem>> -> memref<1x128x16xf32, #tpu.memory_space<vmem>>
      %dma_wait3A_668 = tpu.memref_squeeze %dma_wait3A_667 : memref<1x128x16xf32, #tpu.memory_space<vmem>> -> memref<128x16xf32, #tpu.memory_space<vmem>>
      %dma_wait3A_669 = arith.constant 0 : i32
      %dma_wait3A_670 = arith.constant 0 : i32
      %dma_wait3A_671 = tpu.memref_slice %arg9[%dma_wait3A_669, %dma_wait3A_670] : memref<10000x16xf32, #tpu.memory_space<vmem_shared>> -> memref<128x16xf32, #tpu.memory_space<vmem_shared>>
      %dma_wait3A_672 = tpu.memref_slice %arg12[%dma_wait3A_664] : memref<13x!tpu.dma_semaphore, #tpu.memory_space<semaphore_mem>> -> memref<1x!tpu.dma_semaphore, #tpu.memory_space<semaphore_mem>>
      %dma_wait3A_673 = tpu.memref_squeeze %dma_wait3A_672 : memref<1x!tpu.dma_semaphore, #tpu.memory_space<semaphore_mem>> -> memref<!tpu.dma_semaphore, #tpu.memory_space<semaphore_mem>>
      %dma_wait3A_674 = arith.constant 0 : i32
      %dma_wait3A_675 = arith.constant 0 : i32
      %dma_wait3A_676 = tpu.memref_slice %arg9[%dma_wait3A_674, %dma_wait3A_675] : memref<10000x16xf32, #tpu.memory_space<vmem_shared>> -> memref<128x16xf32, #tpu.memory_space<vmem_shared>>
      %dma_wait3A_677 = arith.constant 0 : i32
      %dma_wait3A_678 = arith.constant 0 : i32
      %dma_wait3A_679 = tpu.memref_slice %arg8[%dma_wait3A_663, %dma_wait3A_677, %dma_wait3A_678] : memref<13x128x16xf32, #tpu.memory_space<vmem>> -> memref<1x128x16xf32, #tpu.memory_space<vmem>>
      %dma_wait3A_680 = tpu.memref_squeeze %dma_wait3A_679 : memref<1x128x16xf32, #tpu.memory_space<vmem>> -> memref<128x16xf32, #tpu.memory_space<vmem>>
      tpu.wait_dma2 semaphore(%dma_wait3A_673 : memref<!tpu.dma_semaphore, #tpu.memory_space<semaphore_mem>>) src(%dma_wait3A_680 : memref<128x16xf32, #tpu.memory_space<vmem>>) dst(%dma_wait3A_676 : memref<128x16xf32, #tpu.memory_space<vmem_shared>>)
      %lt3A_681 = arith.constant 4 : i32
      %lt3A_682 = arith.cmpi slt, %add3A, %lt3A_681 : i32
      %jit3A = arith.constant 1 : i32
      %jit3A_683 = arith.constant 0 : i32
      %select_n3A = arith.select %lt3A_682, %jit3A, %jit3A_683 : i32
      %add3A_684 = arith.constant 78 : i32
      %add3A_685 = arith.addi %add3A_684, %select_n3A : i32
      %lt3A_686 = arith.cmpi slt, %add3A_662, %add3A_685 : i32
      %convert_element_type3A_687 = arith.extui %lt3A_686 : i1 to i32
      %cond3A_688 = arith.constant 0 : i32
      %cond3A_689 = arith.cmpi ne, %convert_element_type3A_687, %cond3A_688 : i32
      scf.if %cond3A_689 {
        %dma_start3A_1086 = arith.constant 0 : i32
        %dma_start3A_1087 = arith.constant 0 : i32
        %dma_start3A_1088 = arith.constant 0 : i32
        %dma_start3A_1089 = arith.constant 0 : i32
        %dma_start3A_1090 = tpu.memref_slice %arg8[%dma_start3A_1086, %dma_start3A_1088, %dma_start3A_1089] : memref<13x128x16xf32, #tpu.memory_space<vmem>> -> memref<1x128x16xf32, #tpu.memory_space<vmem>>
        %dma_start3A_1091 = tpu.memref_squeeze %dma_start3A_1090 : memref<1x128x16xf32, #tpu.memory_space<vmem>> -> memref<128x16xf32, #tpu.memory_space<vmem>>
        %dma_start3A_1092 = arith.constant 0 : i32
        %dma_start3A_1093 = tpu.memref_slice %arg6[%add3A_662, %dma_start3A_1092] : memref<79x128xi32, #tpu.memory_space<vmem>> -> memref<1x128xi32, #tpu.memory_space<vmem>>
        %dma_start3A_1094 = tpu.memref_squeeze %dma_start3A_1093 : memref<1x128xi32, #tpu.memory_space<vmem>> -> memref<128xi32, #tpu.memory_space<vmem>>
        %dma_start3A_1095 = arith.constant 0 : i32
        %dma_start3A_1096 = arith.constant 0 : i32
        %dma_start3A_1097 = tpu.memref_slice %arg2[%dma_start3A_1095, %dma_start3A_1096] : memref<10000x16xf32, #tpu.memory_space<hbm>> -> memref<10000x16xf32, #tpu.memory_space<hbm>>
        %dma_start3A_1098 = tpu.memref_slice %arg11[%dma_start3A_1087] : memref<13x!tpu.dma_semaphore, #tpu.memory_space<semaphore_mem>> -> memref<1x!tpu.dma_semaphore, #tpu.memory_space<semaphore_mem>>
        %dma_start3A_1099 = tpu.memref_squeeze %dma_start3A_1098 : memref<1x!tpu.dma_semaphore, #tpu.memory_space<semaphore_mem>> -> memref<!tpu.dma_semaphore, #tpu.memory_space<semaphore_mem>>
        tpu.enqueue_indirect_dma source(%dma_start3A_1097 : memref<10000x16xf32, #tpu.memory_space<hbm>>) target(%dma_start3A_1091 : memref<128x16xf32, #tpu.memory_space<vmem>>) offsets(%dma_start3A_1094 : memref<128xi32, #tpu.memory_space<vmem>>) semaphore(%dma_start3A_1099 : memref<!tpu.dma_semaphore, #tpu.memory_space<semaphore_mem>>)
      } else {
      }
      %add3A_690 = arith.constant 13 : i32
      %add3A_691 = arith.addi %add3A_243, %add3A_690 : i32
      %add3A_692 = arith.constant 1 : i32
      %add3A_693 = arith.addi %add3A_691, %add3A_692 : i32
      %dma_wait3A_694 = arith.constant 1 : i32
      %dma_wait3A_695 = arith.constant 1 : i32
      %dma_wait3A_696 = arith.constant 0 : i32
      %dma_wait3A_697 = arith.constant 0 : i32
      %dma_wait3A_698 = tpu.memref_slice %arg8[%dma_wait3A_694, %dma_wait3A_696, %dma_wait3A_697] : memref<13x128x16xf32, #tpu.memory_space<vmem>> -> memref<1x128x16xf32, #tpu.memory_space<vmem>>
      %dma_wait3A_699 = tpu.memref_squeeze %dma_wait3A_698 : memref<1x128x16xf32, #tpu.memory_space<vmem>> -> memref<128x16xf32, #tpu.memory_space<vmem>>
      %dma_wait3A_700 = arith.constant 0 : i32
      %dma_wait3A_701 = arith.constant 0 : i32
      %dma_wait3A_702 = tpu.memref_slice %arg9[%dma_wait3A_700, %dma_wait3A_701] : memref<10000x16xf32, #tpu.memory_space<vmem_shared>> -> memref<128x16xf32, #tpu.memory_space<vmem_shared>>
      %dma_wait3A_703 = tpu.memref_slice %arg12[%dma_wait3A_695] : memref<13x!tpu.dma_semaphore, #tpu.memory_space<semaphore_mem>> -> memref<1x!tpu.dma_semaphore, #tpu.memory_space<semaphore_mem>>
      %dma_wait3A_704 = tpu.memref_squeeze %dma_wait3A_703 : memref<1x!tpu.dma_semaphore, #tpu.memory_space<semaphore_mem>> -> memref<!tpu.dma_semaphore, #tpu.memory_space<semaphore_mem>>
      %dma_wait3A_705 = arith.constant 0 : i32
      %dma_wait3A_706 = arith.constant 0 : i32
      %dma_wait3A_707 = tpu.memref_slice %arg9[%dma_wait3A_705, %dma_wait3A_706] : memref<10000x16xf32, #tpu.memory_space<vmem_shared>> -> memref<128x16xf32, #tpu.memory_space<vmem_shared>>
      %dma_wait3A_708 = arith.constant 0 : i32
      %dma_wait3A_709 = arith.constant 0 : i32
      %dma_wait3A_710 = tpu.memref_slice %arg8[%dma_wait3A_694, %dma_wait3A_708, %dma_wait3A_709] : memref<13x128x16xf32, #tpu.memory_space<vmem>> -> memref<1x128x16xf32, #tpu.memory_space<vmem>>
      %dma_wait3A_711 = tpu.memref_squeeze %dma_wait3A_710 : memref<1x128x16xf32, #tpu.memory_space<vmem>> -> memref<128x16xf32, #tpu.memory_space<vmem>>
      tpu.wait_dma2 semaphore(%dma_wait3A_704 : memref<!tpu.dma_semaphore, #tpu.memory_space<semaphore_mem>>) src(%dma_wait3A_711 : memref<128x16xf32, #tpu.memory_space<vmem>>) dst(%dma_wait3A_707 : memref<128x16xf32, #tpu.memory_space<vmem_shared>>)
      %lt3A_712 = arith.constant 4 : i32
      %lt3A_713 = arith.cmpi slt, %add3A, %lt3A_712 : i32
      %jit3A_714 = arith.constant 1 : i32
      %jit3A_715 = arith.constant 0 : i32
      %select_n3A_716 = arith.select %lt3A_713, %jit3A_714, %jit3A_715 : i32
      %add3A_717 = arith.constant 78 : i32
      %add3A_718 = arith.addi %add3A_717, %select_n3A_716 : i32
      %lt3A_719 = arith.cmpi slt, %add3A_693, %add3A_718 : i32
      %convert_element_type3A_720 = arith.extui %lt3A_719 : i1 to i32
      %cond3A_721 = arith.constant 0 : i32
      %cond3A_722 = arith.cmpi ne, %convert_element_type3A_720, %cond3A_721 : i32
      scf.if %cond3A_722 {
        %dma_start3A_1086 = arith.constant 1 : i32
        %dma_start3A_1087 = arith.constant 1 : i32
        %dma_start3A_1088 = arith.constant 0 : i32
        %dma_start3A_1089 = arith.constant 0 : i32
        %dma_start3A_1090 = tpu.memref_slice %arg8[%dma_start3A_1086, %dma_start3A_1088, %dma_start3A_1089] : memref<13x128x16xf32, #tpu.memory_space<vmem>> -> memref<1x128x16xf32, #tpu.memory_space<vmem>>
        %dma_start3A_1091 = tpu.memref_squeeze %dma_start3A_1090 : memref<1x128x16xf32, #tpu.memory_space<vmem>> -> memref<128x16xf32, #tpu.memory_space<vmem>>
        %dma_start3A_1092 = arith.constant 0 : i32
        %dma_start3A_1093 = tpu.memref_slice %arg6[%add3A_693, %dma_start3A_1092] : memref<79x128xi32, #tpu.memory_space<vmem>> -> memref<1x128xi32, #tpu.memory_space<vmem>>
        %dma_start3A_1094 = tpu.memref_squeeze %dma_start3A_1093 : memref<1x128xi32, #tpu.memory_space<vmem>> -> memref<128xi32, #tpu.memory_space<vmem>>
        %dma_start3A_1095 = arith.constant 0 : i32
        %dma_start3A_1096 = arith.constant 0 : i32
        %dma_start3A_1097 = tpu.memref_slice %arg10[%dma_start3A_1095, %dma_start3A_1096] : memref<10000x16xf32, #tpu.memory_space<vmem_shared>> -> memref<10000x16xf32, #tpu.memory_space<vmem_shared>>
        %dma_start3A_1098 = tpu.memref_slice %arg11[%dma_start3A_1087] : memref<13x!tpu.dma_semaphore, #tpu.memory_space<semaphore_mem>> -> memref<1x!tpu.dma_semaphore, #tpu.memory_space<semaphore_mem>>
        %dma_start3A_1099 = tpu.memref_squeeze %dma_start3A_1098 : memref<1x!tpu.dma_semaphore, #tpu.memory_space<semaphore_mem>> -> memref<!tpu.dma_semaphore, #tpu.memory_space<semaphore_mem>>
        tpu.enqueue_indirect_dma source(%dma_start3A_1097 : memref<10000x16xf32, #tpu.memory_space<vmem_shared>>) target(%dma_start3A_1091 : memref<128x16xf32, #tpu.memory_space<vmem>>) offsets(%dma_start3A_1094 : memref<128xi32, #tpu.memory_space<vmem>>) semaphore(%dma_start3A_1099 : memref<!tpu.dma_semaphore, #tpu.memory_space<semaphore_mem>>)
      } else {
      }
      %add3A_723 = arith.constant 13 : i32
      %add3A_724 = arith.addi %add3A_243, %add3A_723 : i32
      %add3A_725 = arith.constant 2 : i32
      %add3A_726 = arith.addi %add3A_724, %add3A_725 : i32
      %dma_wait3A_727 = arith.constant 2 : i32
      %dma_wait3A_728 = arith.constant 2 : i32
      %dma_wait3A_729 = arith.constant 0 : i32
      %dma_wait3A_730 = arith.constant 0 : i32
      %dma_wait3A_731 = tpu.memref_slice %arg8[%dma_wait3A_727, %dma_wait3A_729, %dma_wait3A_730] : memref<13x128x16xf32, #tpu.memory_space<vmem>> -> memref<1x128x16xf32, #tpu.memory_space<vmem>>
      %dma_wait3A_732 = tpu.memref_squeeze %dma_wait3A_731 : memref<1x128x16xf32, #tpu.memory_space<vmem>> -> memref<128x16xf32, #tpu.memory_space<vmem>>
      %dma_wait3A_733 = arith.constant 0 : i32
      %dma_wait3A_734 = arith.constant 0 : i32
      %dma_wait3A_735 = tpu.memref_slice %arg9[%dma_wait3A_733, %dma_wait3A_734] : memref<10000x16xf32, #tpu.memory_space<vmem_shared>> -> memref<128x16xf32, #tpu.memory_space<vmem_shared>>
      %dma_wait3A_736 = tpu.memref_slice %arg12[%dma_wait3A_728] : memref<13x!tpu.dma_semaphore, #tpu.memory_space<semaphore_mem>> -> memref<1x!tpu.dma_semaphore, #tpu.memory_space<semaphore_mem>>
      %dma_wait3A_737 = tpu.memref_squeeze %dma_wait3A_736 : memref<1x!tpu.dma_semaphore, #tpu.memory_space<semaphore_mem>> -> memref<!tpu.dma_semaphore, #tpu.memory_space<semaphore_mem>>
      %dma_wait3A_738 = arith.constant 0 : i32
      %dma_wait3A_739 = arith.constant 0 : i32
      %dma_wait3A_740 = tpu.memref_slice %arg9[%dma_wait3A_738, %dma_wait3A_739] : memref<10000x16xf32, #tpu.memory_space<vmem_shared>> -> memref<128x16xf32, #tpu.memory_space<vmem_shared>>
      %dma_wait3A_741 = arith.constant 0 : i32
      %dma_wait3A_742 = arith.constant 0 : i32
      %dma_wait3A_743 = tpu.memref_slice %arg8[%dma_wait3A_727, %dma_wait3A_741, %dma_wait3A_742] : memref<13x128x16xf32, #tpu.memory_space<vmem>> -> memref<1x128x16xf32, #tpu.memory_space<vmem>>
      %dma_wait3A_744 = tpu.memref_squeeze %dma_wait3A_743 : memref<1x128x16xf32, #tpu.memory_space<vmem>> -> memref<128x16xf32, #tpu.memory_space<vmem>>
      tpu.wait_dma2 semaphore(%dma_wait3A_737 : memref<!tpu.dma_semaphore, #tpu.memory_space<semaphore_mem>>) src(%dma_wait3A_744 : memref<128x16xf32, #tpu.memory_space<vmem>>) dst(%dma_wait3A_740 : memref<128x16xf32, #tpu.memory_space<vmem_shared>>)
      %lt3A_745 = arith.constant 4 : i32
      %lt3A_746 = arith.cmpi slt, %add3A, %lt3A_745 : i32
      %jit3A_747 = arith.constant 1 : i32
      %jit3A_748 = arith.constant 0 : i32
      %select_n3A_749 = arith.select %lt3A_746, %jit3A_747, %jit3A_748 : i32
      %add3A_750 = arith.constant 78 : i32
      %add3A_751 = arith.addi %add3A_750, %select_n3A_749 : i32
      %lt3A_752 = arith.cmpi slt, %add3A_726, %add3A_751 : i32
      %convert_element_type3A_753 = arith.extui %lt3A_752 : i1 to i32
      %cond3A_754 = arith.constant 0 : i32
      %cond3A_755 = arith.cmpi ne, %convert_element_type3A_753, %cond3A_754 : i32
      scf.if %cond3A_755 {
        %dma_start3A_1086 = arith.constant 2 : i32
        %dma_start3A_1087 = arith.constant 2 : i32
        %dma_start3A_1088 = arith.constant 0 : i32
        %dma_start3A_1089 = arith.constant 0 : i32
        %dma_start3A_1090 = tpu.memref_slice %arg8[%dma_start3A_1086, %dma_start3A_1088, %dma_start3A_1089] : memref<13x128x16xf32, #tpu.memory_space<vmem>> -> memref<1x128x16xf32, #tpu.memory_space<vmem>>
        %dma_start3A_1091 = tpu.memref_squeeze %dma_start3A_1090 : memref<1x128x16xf32, #tpu.memory_space<vmem>> -> memref<128x16xf32, #tpu.memory_space<vmem>>
        %dma_start3A_1092 = arith.constant 0 : i32
        %dma_start3A_1093 = tpu.memref_slice %arg6[%add3A_726, %dma_start3A_1092] : memref<79x128xi32, #tpu.memory_space<vmem>> -> memref<1x128xi32, #tpu.memory_space<vmem>>
        %dma_start3A_1094 = tpu.memref_squeeze %dma_start3A_1093 : memref<1x128xi32, #tpu.memory_space<vmem>> -> memref<128xi32, #tpu.memory_space<vmem>>
        %dma_start3A_1095 = arith.constant 0 : i32
        %dma_start3A_1096 = arith.constant 0 : i32
        %dma_start3A_1097 = tpu.memref_slice %arg2[%dma_start3A_1095, %dma_start3A_1096] : memref<10000x16xf32, #tpu.memory_space<hbm>> -> memref<10000x16xf32, #tpu.memory_space<hbm>>
        %dma_start3A_1098 = tpu.memref_slice %arg11[%dma_start3A_1087] : memref<13x!tpu.dma_semaphore, #tpu.memory_space<semaphore_mem>> -> memref<1x!tpu.dma_semaphore, #tpu.memory_space<semaphore_mem>>
        %dma_start3A_1099 = tpu.memref_squeeze %dma_start3A_1098 : memref<1x!tpu.dma_semaphore, #tpu.memory_space<semaphore_mem>> -> memref<!tpu.dma_semaphore, #tpu.memory_space<semaphore_mem>>
        tpu.enqueue_indirect_dma source(%dma_start3A_1097 : memref<10000x16xf32, #tpu.memory_space<hbm>>) target(%dma_start3A_1091 : memref<128x16xf32, #tpu.memory_space<vmem>>) offsets(%dma_start3A_1094 : memref<128xi32, #tpu.memory_space<vmem>>) semaphore(%dma_start3A_1099 : memref<!tpu.dma_semaphore, #tpu.memory_space<semaphore_mem>>)
      } else {
      }
      %add3A_756 = arith.constant 13 : i32
      %add3A_757 = arith.addi %add3A_243, %add3A_756 : i32
      %add3A_758 = arith.constant 3 : i32
      %add3A_759 = arith.addi %add3A_757, %add3A_758 : i32
      %dma_wait3A_760 = arith.constant 3 : i32
      %dma_wait3A_761 = arith.constant 3 : i32
      %dma_wait3A_762 = arith.constant 0 : i32
      %dma_wait3A_763 = arith.constant 0 : i32
      %dma_wait3A_764 = tpu.memref_slice %arg8[%dma_wait3A_760, %dma_wait3A_762, %dma_wait3A_763] : memref<13x128x16xf32, #tpu.memory_space<vmem>> -> memref<1x128x16xf32, #tpu.memory_space<vmem>>
      %dma_wait3A_765 = tpu.memref_squeeze %dma_wait3A_764 : memref<1x128x16xf32, #tpu.memory_space<vmem>> -> memref<128x16xf32, #tpu.memory_space<vmem>>
      %dma_wait3A_766 = arith.constant 0 : i32
      %dma_wait3A_767 = arith.constant 0 : i32
      %dma_wait3A_768 = tpu.memref_slice %arg9[%dma_wait3A_766, %dma_wait3A_767] : memref<10000x16xf32, #tpu.memory_space<vmem_shared>> -> memref<128x16xf32, #tpu.memory_space<vmem_shared>>
      %dma_wait3A_769 = tpu.memref_slice %arg12[%dma_wait3A_761] : memref<13x!tpu.dma_semaphore, #tpu.memory_space<semaphore_mem>> -> memref<1x!tpu.dma_semaphore, #tpu.memory_space<semaphore_mem>>
      %dma_wait3A_770 = tpu.memref_squeeze %dma_wait3A_769 : memref<1x!tpu.dma_semaphore, #tpu.memory_space<semaphore_mem>> -> memref<!tpu.dma_semaphore, #tpu.memory_space<semaphore_mem>>
      %dma_wait3A_771 = arith.constant 0 : i32
      %dma_wait3A_772 = arith.constant 0 : i32
      %dma_wait3A_773 = tpu.memref_slice %arg9[%dma_wait3A_771, %dma_wait3A_772] : memref<10000x16xf32, #tpu.memory_space<vmem_shared>> -> memref<128x16xf32, #tpu.memory_space<vmem_shared>>
      %dma_wait3A_774 = arith.constant 0 : i32
      %dma_wait3A_775 = arith.constant 0 : i32
      %dma_wait3A_776 = tpu.memref_slice %arg8[%dma_wait3A_760, %dma_wait3A_774, %dma_wait3A_775] : memref<13x128x16xf32, #tpu.memory_space<vmem>> -> memref<1x128x16xf32, #tpu.memory_space<vmem>>
      %dma_wait3A_777 = tpu.memref_squeeze %dma_wait3A_776 : memref<1x128x16xf32, #tpu.memory_space<vmem>> -> memref<128x16xf32, #tpu.memory_space<vmem>>
      tpu.wait_dma2 semaphore(%dma_wait3A_770 : memref<!tpu.dma_semaphore, #tpu.memory_space<semaphore_mem>>) src(%dma_wait3A_777 : memref<128x16xf32, #tpu.memory_space<vmem>>) dst(%dma_wait3A_773 : memref<128x16xf32, #tpu.memory_space<vmem_shared>>)
      %lt3A_778 = arith.constant 4 : i32
      %lt3A_779 = arith.cmpi slt, %add3A, %lt3A_778 : i32
      %jit3A_780 = arith.constant 1 : i32
      %jit3A_781 = arith.constant 0 : i32
      %select_n3A_782 = arith.select %lt3A_779, %jit3A_780, %jit3A_781 : i32
      %add3A_783 = arith.constant 78 : i32
      %add3A_784 = arith.addi %add3A_783, %select_n3A_782 : i32
      %lt3A_785 = arith.cmpi slt, %add3A_759, %add3A_784 : i32
      %convert_element_type3A_786 = arith.extui %lt3A_785 : i1 to i32
      %cond3A_787 = arith.constant 0 : i32
      %cond3A_788 = arith.cmpi ne, %convert_element_type3A_786, %cond3A_787 : i32
      scf.if %cond3A_788 {
        %dma_start3A_1086 = arith.constant 3 : i32
        %dma_start3A_1087 = arith.constant 3 : i32
        %dma_start3A_1088 = arith.constant 0 : i32
        %dma_start3A_1089 = arith.constant 0 : i32
        %dma_start3A_1090 = tpu.memref_slice %arg8[%dma_start3A_1086, %dma_start3A_1088, %dma_start3A_1089] : memref<13x128x16xf32, #tpu.memory_space<vmem>> -> memref<1x128x16xf32, #tpu.memory_space<vmem>>
        %dma_start3A_1091 = tpu.memref_squeeze %dma_start3A_1090 : memref<1x128x16xf32, #tpu.memory_space<vmem>> -> memref<128x16xf32, #tpu.memory_space<vmem>>
        %dma_start3A_1092 = arith.constant 0 : i32
        %dma_start3A_1093 = tpu.memref_slice %arg6[%add3A_759, %dma_start3A_1092] : memref<79x128xi32, #tpu.memory_space<vmem>> -> memref<1x128xi32, #tpu.memory_space<vmem>>
        %dma_start3A_1094 = tpu.memref_squeeze %dma_start3A_1093 : memref<1x128xi32, #tpu.memory_space<vmem>> -> memref<128xi32, #tpu.memory_space<vmem>>
        %dma_start3A_1095 = arith.constant 0 : i32
        %dma_start3A_1096 = arith.constant 0 : i32
        %dma_start3A_1097 = tpu.memref_slice %arg10[%dma_start3A_1095, %dma_start3A_1096] : memref<10000x16xf32, #tpu.memory_space<vmem_shared>> -> memref<10000x16xf32, #tpu.memory_space<vmem_shared>>
        %dma_start3A_1098 = tpu.memref_slice %arg11[%dma_start3A_1087] : memref<13x!tpu.dma_semaphore, #tpu.memory_space<semaphore_mem>> -> memref<1x!tpu.dma_semaphore, #tpu.memory_space<semaphore_mem>>
        %dma_start3A_1099 = tpu.memref_squeeze %dma_start3A_1098 : memref<1x!tpu.dma_semaphore, #tpu.memory_space<semaphore_mem>> -> memref<!tpu.dma_semaphore, #tpu.memory_space<semaphore_mem>>
        tpu.enqueue_indirect_dma source(%dma_start3A_1097 : memref<10000x16xf32, #tpu.memory_space<vmem_shared>>) target(%dma_start3A_1091 : memref<128x16xf32, #tpu.memory_space<vmem>>) offsets(%dma_start3A_1094 : memref<128xi32, #tpu.memory_space<vmem>>) semaphore(%dma_start3A_1099 : memref<!tpu.dma_semaphore, #tpu.memory_space<semaphore_mem>>)
      } else {
      }
      %add3A_789 = arith.constant 13 : i32
      %add3A_790 = arith.addi %add3A_243, %add3A_789 : i32
      %add3A_791 = arith.constant 4 : i32
      %add3A_792 = arith.addi %add3A_790, %add3A_791 : i32
      %dma_wait3A_793 = arith.constant 4 : i32
      %dma_wait3A_794 = arith.constant 4 : i32
      %dma_wait3A_795 = arith.constant 0 : i32
      %dma_wait3A_796 = arith.constant 0 : i32
      %dma_wait3A_797 = tpu.memref_slice %arg8[%dma_wait3A_793, %dma_wait3A_795, %dma_wait3A_796] : memref<13x128x16xf32, #tpu.memory_space<vmem>> -> memref<1x128x16xf32, #tpu.memory_space<vmem>>
      %dma_wait3A_798 = tpu.memref_squeeze %dma_wait3A_797 : memref<1x128x16xf32, #tpu.memory_space<vmem>> -> memref<128x16xf32, #tpu.memory_space<vmem>>
      %dma_wait3A_799 = arith.constant 0 : i32
      %dma_wait3A_800 = arith.constant 0 : i32
      %dma_wait3A_801 = tpu.memref_slice %arg9[%dma_wait3A_799, %dma_wait3A_800] : memref<10000x16xf32, #tpu.memory_space<vmem_shared>> -> memref<128x16xf32, #tpu.memory_space<vmem_shared>>
      %dma_wait3A_802 = tpu.memref_slice %arg12[%dma_wait3A_794] : memref<13x!tpu.dma_semaphore, #tpu.memory_space<semaphore_mem>> -> memref<1x!tpu.dma_semaphore, #tpu.memory_space<semaphore_mem>>
      %dma_wait3A_803 = tpu.memref_squeeze %dma_wait3A_802 : memref<1x!tpu.dma_semaphore, #tpu.memory_space<semaphore_mem>> -> memref<!tpu.dma_semaphore, #tpu.memory_space<semaphore_mem>>
      %dma_wait3A_804 = arith.constant 0 : i32
      %dma_wait3A_805 = arith.constant 0 : i32
      %dma_wait3A_806 = tpu.memref_slice %arg9[%dma_wait3A_804, %dma_wait3A_805] : memref<10000x16xf32, #tpu.memory_space<vmem_shared>> -> memref<128x16xf32, #tpu.memory_space<vmem_shared>>
      %dma_wait3A_807 = arith.constant 0 : i32
      %dma_wait3A_808 = arith.constant 0 : i32
      %dma_wait3A_809 = tpu.memref_slice %arg8[%dma_wait3A_793, %dma_wait3A_807, %dma_wait3A_808] : memref<13x128x16xf32, #tpu.memory_space<vmem>> -> memref<1x128x16xf32, #tpu.memory_space<vmem>>
      %dma_wait3A_810 = tpu.memref_squeeze %dma_wait3A_809 : memref<1x128x16xf32, #tpu.memory_space<vmem>> -> memref<128x16xf32, #tpu.memory_space<vmem>>
      tpu.wait_dma2 semaphore(%dma_wait3A_803 : memref<!tpu.dma_semaphore, #tpu.memory_space<semaphore_mem>>) src(%dma_wait3A_810 : memref<128x16xf32, #tpu.memory_space<vmem>>) dst(%dma_wait3A_806 : memref<128x16xf32, #tpu.memory_space<vmem_shared>>)
      %lt3A_811 = arith.constant 4 : i32
      %lt3A_812 = arith.cmpi slt, %add3A, %lt3A_811 : i32
      %jit3A_813 = arith.constant 1 : i32
      %jit3A_814 = arith.constant 0 : i32
      %select_n3A_815 = arith.select %lt3A_812, %jit3A_813, %jit3A_814 : i32
      %add3A_816 = arith.constant 78 : i32
      %add3A_817 = arith.addi %add3A_816, %select_n3A_815 : i32
      %lt3A_818 = arith.cmpi slt, %add3A_792, %add3A_817 : i32
      %convert_element_type3A_819 = arith.extui %lt3A_818 : i1 to i32
      %cond3A_820 = arith.constant 0 : i32
      %cond3A_821 = arith.cmpi ne, %convert_element_type3A_819, %cond3A_820 : i32
      scf.if %cond3A_821 {
        %dma_start3A_1086 = arith.constant 4 : i32
        %dma_start3A_1087 = arith.constant 4 : i32
        %dma_start3A_1088 = arith.constant 0 : i32
        %dma_start3A_1089 = arith.constant 0 : i32
        %dma_start3A_1090 = tpu.memref_slice %arg8[%dma_start3A_1086, %dma_start3A_1088, %dma_start3A_1089] : memref<13x128x16xf32, #tpu.memory_space<vmem>> -> memref<1x128x16xf32, #tpu.memory_space<vmem>>
        %dma_start3A_1091 = tpu.memref_squeeze %dma_start3A_1090 : memref<1x128x16xf32, #tpu.memory_space<vmem>> -> memref<128x16xf32, #tpu.memory_space<vmem>>
        %dma_start3A_1092 = arith.constant 0 : i32
        %dma_start3A_1093 = tpu.memref_slice %arg6[%add3A_792, %dma_start3A_1092] : memref<79x128xi32, #tpu.memory_space<vmem>> -> memref<1x128xi32, #tpu.memory_space<vmem>>
        %dma_start3A_1094 = tpu.memref_squeeze %dma_start3A_1093 : memref<1x128xi32, #tpu.memory_space<vmem>> -> memref<128xi32, #tpu.memory_space<vmem>>
        %dma_start3A_1095 = arith.constant 0 : i32
        %dma_start3A_1096 = arith.constant 0 : i32
        %dma_start3A_1097 = tpu.memref_slice %arg2[%dma_start3A_1095, %dma_start3A_1096] : memref<10000x16xf32, #tpu.memory_space<hbm>> -> memref<10000x16xf32, #tpu.memory_space<hbm>>
        %dma_start3A_1098 = tpu.memref_slice %arg11[%dma_start3A_1087] : memref<13x!tpu.dma_semaphore, #tpu.memory_space<semaphore_mem>> -> memref<1x!tpu.dma_semaphore, #tpu.memory_space<semaphore_mem>>
        %dma_start3A_1099 = tpu.memref_squeeze %dma_start3A_1098 : memref<1x!tpu.dma_semaphore, #tpu.memory_space<semaphore_mem>> -> memref<!tpu.dma_semaphore, #tpu.memory_space<semaphore_mem>>
        tpu.enqueue_indirect_dma source(%dma_start3A_1097 : memref<10000x16xf32, #tpu.memory_space<hbm>>) target(%dma_start3A_1091 : memref<128x16xf32, #tpu.memory_space<vmem>>) offsets(%dma_start3A_1094 : memref<128xi32, #tpu.memory_space<vmem>>) semaphore(%dma_start3A_1099 : memref<!tpu.dma_semaphore, #tpu.memory_space<semaphore_mem>>)
      } else {
      }
      %add3A_822 = arith.constant 13 : i32
      %add3A_823 = arith.addi %add3A_243, %add3A_822 : i32
      %add3A_824 = arith.constant 5 : i32
      %add3A_825 = arith.addi %add3A_823, %add3A_824 : i32
      %dma_wait3A_826 = arith.constant 5 : i32
      %dma_wait3A_827 = arith.constant 5 : i32
      %dma_wait3A_828 = arith.constant 0 : i32
      %dma_wait3A_829 = arith.constant 0 : i32
      %dma_wait3A_830 = tpu.memref_slice %arg8[%dma_wait3A_826, %dma_wait3A_828, %dma_wait3A_829] : memref<13x128x16xf32, #tpu.memory_space<vmem>> -> memref<1x128x16xf32, #tpu.memory_space<vmem>>
      %dma_wait3A_831 = tpu.memref_squeeze %dma_wait3A_830 : memref<1x128x16xf32, #tpu.memory_space<vmem>> -> memref<128x16xf32, #tpu.memory_space<vmem>>
      %dma_wait3A_832 = arith.constant 0 : i32
      %dma_wait3A_833 = arith.constant 0 : i32
      %dma_wait3A_834 = tpu.memref_slice %arg9[%dma_wait3A_832, %dma_wait3A_833] : memref<10000x16xf32, #tpu.memory_space<vmem_shared>> -> memref<128x16xf32, #tpu.memory_space<vmem_shared>>
      %dma_wait3A_835 = tpu.memref_slice %arg12[%dma_wait3A_827] : memref<13x!tpu.dma_semaphore, #tpu.memory_space<semaphore_mem>> -> memref<1x!tpu.dma_semaphore, #tpu.memory_space<semaphore_mem>>
      %dma_wait3A_836 = tpu.memref_squeeze %dma_wait3A_835 : memref<1x!tpu.dma_semaphore, #tpu.memory_space<semaphore_mem>> -> memref<!tpu.dma_semaphore, #tpu.memory_space<semaphore_mem>>
      %dma_wait3A_837 = arith.constant 0 : i32
      %dma_wait3A_838 = arith.constant 0 : i32
      %dma_wait3A_839 = tpu.memref_slice %arg9[%dma_wait3A_837, %dma_wait3A_838] : memref<10000x16xf32, #tpu.memory_space<vmem_shared>> -> memref<128x16xf32, #tpu.memory_space<vmem_shared>>
      %dma_wait3A_840 = arith.constant 0 : i32
      %dma_wait3A_841 = arith.constant 0 : i32
      %dma_wait3A_842 = tpu.memref_slice %arg8[%dma_wait3A_826, %dma_wait3A_840, %dma_wait3A_841] : memref<13x128x16xf32, #tpu.memory_space<vmem>> -> memref<1x128x16xf32, #tpu.memory_space<vmem>>
      %dma_wait3A_843 = tpu.memref_squeeze %dma_wait3A_842 : memref<1x128x16xf32, #tpu.memory_space<vmem>> -> memref<128x16xf32, #tpu.memory_space<vmem>>
      tpu.wait_dma2 semaphore(%dma_wait3A_836 : memref<!tpu.dma_semaphore, #tpu.memory_space<semaphore_mem>>) src(%dma_wait3A_843 : memref<128x16xf32, #tpu.memory_space<vmem>>) dst(%dma_wait3A_839 : memref<128x16xf32, #tpu.memory_space<vmem_shared>>)
      %lt3A_844 = arith.constant 4 : i32
      %lt3A_845 = arith.cmpi slt, %add3A, %lt3A_844 : i32
      %jit3A_846 = arith.constant 1 : i32
      %jit3A_847 = arith.constant 0 : i32
      %select_n3A_848 = arith.select %lt3A_845, %jit3A_846, %jit3A_847 : i32
      %add3A_849 = arith.constant 78 : i32
      %add3A_850 = arith.addi %add3A_849, %select_n3A_848 : i32
      %lt3A_851 = arith.cmpi slt, %add3A_825, %add3A_850 : i32
      %convert_element_type3A_852 = arith.extui %lt3A_851 : i1 to i32
      %cond3A_853 = arith.constant 0 : i32
      %cond3A_854 = arith.cmpi ne, %convert_element_type3A_852, %cond3A_853 : i32
      scf.if %cond3A_854 {
        %dma_start3A_1086 = arith.constant 5 : i32
        %dma_start3A_1087 = arith.constant 5 : i32
        %dma_start3A_1088 = arith.constant 0 : i32
        %dma_start3A_1089 = arith.constant 0 : i32
        %dma_start3A_1090 = tpu.memref_slice %arg8[%dma_start3A_1086, %dma_start3A_1088, %dma_start3A_1089] : memref<13x128x16xf32, #tpu.memory_space<vmem>> -> memref<1x128x16xf32, #tpu.memory_space<vmem>>
        %dma_start3A_1091 = tpu.memref_squeeze %dma_start3A_1090 : memref<1x128x16xf32, #tpu.memory_space<vmem>> -> memref<128x16xf32, #tpu.memory_space<vmem>>
        %dma_start3A_1092 = arith.constant 0 : i32
        %dma_start3A_1093 = tpu.memref_slice %arg6[%add3A_825, %dma_start3A_1092] : memref<79x128xi32, #tpu.memory_space<vmem>> -> memref<1x128xi32, #tpu.memory_space<vmem>>
        %dma_start3A_1094 = tpu.memref_squeeze %dma_start3A_1093 : memref<1x128xi32, #tpu.memory_space<vmem>> -> memref<128xi32, #tpu.memory_space<vmem>>
        %dma_start3A_1095 = arith.constant 0 : i32
        %dma_start3A_1096 = arith.constant 0 : i32
        %dma_start3A_1097 = tpu.memref_slice %arg10[%dma_start3A_1095, %dma_start3A_1096] : memref<10000x16xf32, #tpu.memory_space<vmem_shared>> -> memref<10000x16xf32, #tpu.memory_space<vmem_shared>>
        %dma_start3A_1098 = tpu.memref_slice %arg11[%dma_start3A_1087] : memref<13x!tpu.dma_semaphore, #tpu.memory_space<semaphore_mem>> -> memref<1x!tpu.dma_semaphore, #tpu.memory_space<semaphore_mem>>
        %dma_start3A_1099 = tpu.memref_squeeze %dma_start3A_1098 : memref<1x!tpu.dma_semaphore, #tpu.memory_space<semaphore_mem>> -> memref<!tpu.dma_semaphore, #tpu.memory_space<semaphore_mem>>
        tpu.enqueue_indirect_dma source(%dma_start3A_1097 : memref<10000x16xf32, #tpu.memory_space<vmem_shared>>) target(%dma_start3A_1091 : memref<128x16xf32, #tpu.memory_space<vmem>>) offsets(%dma_start3A_1094 : memref<128xi32, #tpu.memory_space<vmem>>) semaphore(%dma_start3A_1099 : memref<!tpu.dma_semaphore, #tpu.memory_space<semaphore_mem>>)
      } else {
      }
      %add3A_855 = arith.constant 13 : i32
      %add3A_856 = arith.addi %add3A_243, %add3A_855 : i32
      %add3A_857 = arith.constant 6 : i32
      %add3A_858 = arith.addi %add3A_856, %add3A_857 : i32
      %dma_wait3A_859 = arith.constant 6 : i32
      %dma_wait3A_860 = arith.constant 6 : i32
      %dma_wait3A_861 = arith.constant 0 : i32
      %dma_wait3A_862 = arith.constant 0 : i32
      %dma_wait3A_863 = tpu.memref_slice %arg8[%dma_wait3A_859, %dma_wait3A_861, %dma_wait3A_862] : memref<13x128x16xf32, #tpu.memory_space<vmem>> -> memref<1x128x16xf32, #tpu.memory_space<vmem>>
      %dma_wait3A_864 = tpu.memref_squeeze %dma_wait3A_863 : memref<1x128x16xf32, #tpu.memory_space<vmem>> -> memref<128x16xf32, #tpu.memory_space<vmem>>
      %dma_wait3A_865 = arith.constant 0 : i32
      %dma_wait3A_866 = arith.constant 0 : i32
      %dma_wait3A_867 = tpu.memref_slice %arg9[%dma_wait3A_865, %dma_wait3A_866] : memref<10000x16xf32, #tpu.memory_space<vmem_shared>> -> memref<128x16xf32, #tpu.memory_space<vmem_shared>>
      %dma_wait3A_868 = tpu.memref_slice %arg12[%dma_wait3A_860] : memref<13x!tpu.dma_semaphore, #tpu.memory_space<semaphore_mem>> -> memref<1x!tpu.dma_semaphore, #tpu.memory_space<semaphore_mem>>
      %dma_wait3A_869 = tpu.memref_squeeze %dma_wait3A_868 : memref<1x!tpu.dma_semaphore, #tpu.memory_space<semaphore_mem>> -> memref<!tpu.dma_semaphore, #tpu.memory_space<semaphore_mem>>
      %dma_wait3A_870 = arith.constant 0 : i32
      %dma_wait3A_871 = arith.constant 0 : i32
      %dma_wait3A_872 = tpu.memref_slice %arg9[%dma_wait3A_870, %dma_wait3A_871] : memref<10000x16xf32, #tpu.memory_space<vmem_shared>> -> memref<128x16xf32, #tpu.memory_space<vmem_shared>>
      %dma_wait3A_873 = arith.constant 0 : i32
      %dma_wait3A_874 = arith.constant 0 : i32
      %dma_wait3A_875 = tpu.memref_slice %arg8[%dma_wait3A_859, %dma_wait3A_873, %dma_wait3A_874] : memref<13x128x16xf32, #tpu.memory_space<vmem>> -> memref<1x128x16xf32, #tpu.memory_space<vmem>>
      %dma_wait3A_876 = tpu.memref_squeeze %dma_wait3A_875 : memref<1x128x16xf32, #tpu.memory_space<vmem>> -> memref<128x16xf32, #tpu.memory_space<vmem>>
      tpu.wait_dma2 semaphore(%dma_wait3A_869 : memref<!tpu.dma_semaphore, #tpu.memory_space<semaphore_mem>>) src(%dma_wait3A_876 : memref<128x16xf32, #tpu.memory_space<vmem>>) dst(%dma_wait3A_872 : memref<128x16xf32, #tpu.memory_space<vmem_shared>>)
      %lt3A_877 = arith.constant 4 : i32
      %lt3A_878 = arith.cmpi slt, %add3A, %lt3A_877 : i32
      %jit3A_879 = arith.constant 1 : i32
      %jit3A_880 = arith.constant 0 : i32
      %select_n3A_881 = arith.select %lt3A_878, %jit3A_879, %jit3A_880 : i32
      %add3A_882 = arith.constant 78 : i32
      %add3A_883 = arith.addi %add3A_882, %select_n3A_881 : i32
      %lt3A_884 = arith.cmpi slt, %add3A_858, %add3A_883 : i32
      %convert_element_type3A_885 = arith.extui %lt3A_884 : i1 to i32
      %cond3A_886 = arith.constant 0 : i32
      %cond3A_887 = arith.cmpi ne, %convert_element_type3A_885, %cond3A_886 : i32
      scf.if %cond3A_887 {
        %dma_start3A_1086 = arith.constant 6 : i32
        %dma_start3A_1087 = arith.constant 6 : i32
        %dma_start3A_1088 = arith.constant 0 : i32
        %dma_start3A_1089 = arith.constant 0 : i32
        %dma_start3A_1090 = tpu.memref_slice %arg8[%dma_start3A_1086, %dma_start3A_1088, %dma_start3A_1089] : memref<13x128x16xf32, #tpu.memory_space<vmem>> -> memref<1x128x16xf32, #tpu.memory_space<vmem>>
        %dma_start3A_1091 = tpu.memref_squeeze %dma_start3A_1090 : memref<1x128x16xf32, #tpu.memory_space<vmem>> -> memref<128x16xf32, #tpu.memory_space<vmem>>
        %dma_start3A_1092 = arith.constant 0 : i32
        %dma_start3A_1093 = tpu.memref_slice %arg6[%add3A_858, %dma_start3A_1092] : memref<79x128xi32, #tpu.memory_space<vmem>> -> memref<1x128xi32, #tpu.memory_space<vmem>>
        %dma_start3A_1094 = tpu.memref_squeeze %dma_start3A_1093 : memref<1x128xi32, #tpu.memory_space<vmem>> -> memref<128xi32, #tpu.memory_space<vmem>>
        %dma_start3A_1095 = arith.constant 0 : i32
        %dma_start3A_1096 = arith.constant 0 : i32
        %dma_start3A_1097 = tpu.memref_slice %arg2[%dma_start3A_1095, %dma_start3A_1096] : memref<10000x16xf32, #tpu.memory_space<hbm>> -> memref<10000x16xf32, #tpu.memory_space<hbm>>
        %dma_start3A_1098 = tpu.memref_slice %arg11[%dma_start3A_1087] : memref<13x!tpu.dma_semaphore, #tpu.memory_space<semaphore_mem>> -> memref<1x!tpu.dma_semaphore, #tpu.memory_space<semaphore_mem>>
        %dma_start3A_1099 = tpu.memref_squeeze %dma_start3A_1098 : memref<1x!tpu.dma_semaphore, #tpu.memory_space<semaphore_mem>> -> memref<!tpu.dma_semaphore, #tpu.memory_space<semaphore_mem>>
        tpu.enqueue_indirect_dma source(%dma_start3A_1097 : memref<10000x16xf32, #tpu.memory_space<hbm>>) target(%dma_start3A_1091 : memref<128x16xf32, #tpu.memory_space<vmem>>) offsets(%dma_start3A_1094 : memref<128xi32, #tpu.memory_space<vmem>>) semaphore(%dma_start3A_1099 : memref<!tpu.dma_semaphore, #tpu.memory_space<semaphore_mem>>)
      } else {
      }
      %add3A_888 = arith.constant 13 : i32
      %add3A_889 = arith.addi %add3A_243, %add3A_888 : i32
      %add3A_890 = arith.constant 7 : i32
      %add3A_891 = arith.addi %add3A_889, %add3A_890 : i32
      %dma_wait3A_892 = arith.constant 7 : i32
      %dma_wait3A_893 = arith.constant 7 : i32
      %dma_wait3A_894 = arith.constant 0 : i32
      %dma_wait3A_895 = arith.constant 0 : i32
      %dma_wait3A_896 = tpu.memref_slice %arg8[%dma_wait3A_892, %dma_wait3A_894, %dma_wait3A_895] : memref<13x128x16xf32, #tpu.memory_space<vmem>> -> memref<1x128x16xf32, #tpu.memory_space<vmem>>
      %dma_wait3A_897 = tpu.memref_squeeze %dma_wait3A_896 : memref<1x128x16xf32, #tpu.memory_space<vmem>> -> memref<128x16xf32, #tpu.memory_space<vmem>>
      %dma_wait3A_898 = arith.constant 0 : i32
      %dma_wait3A_899 = arith.constant 0 : i32
      %dma_wait3A_900 = tpu.memref_slice %arg9[%dma_wait3A_898, %dma_wait3A_899] : memref<10000x16xf32, #tpu.memory_space<vmem_shared>> -> memref<128x16xf32, #tpu.memory_space<vmem_shared>>
      %dma_wait3A_901 = tpu.memref_slice %arg12[%dma_wait3A_893] : memref<13x!tpu.dma_semaphore, #tpu.memory_space<semaphore_mem>> -> memref<1x!tpu.dma_semaphore, #tpu.memory_space<semaphore_mem>>
      %dma_wait3A_902 = tpu.memref_squeeze %dma_wait3A_901 : memref<1x!tpu.dma_semaphore, #tpu.memory_space<semaphore_mem>> -> memref<!tpu.dma_semaphore, #tpu.memory_space<semaphore_mem>>
      %dma_wait3A_903 = arith.constant 0 : i32
      %dma_wait3A_904 = arith.constant 0 : i32
      %dma_wait3A_905 = tpu.memref_slice %arg9[%dma_wait3A_903, %dma_wait3A_904] : memref<10000x16xf32, #tpu.memory_space<vmem_shared>> -> memref<128x16xf32, #tpu.memory_space<vmem_shared>>
      %dma_wait3A_906 = arith.constant 0 : i32
      %dma_wait3A_907 = arith.constant 0 : i32
      %dma_wait3A_908 = tpu.memref_slice %arg8[%dma_wait3A_892, %dma_wait3A_906, %dma_wait3A_907] : memref<13x128x16xf32, #tpu.memory_space<vmem>> -> memref<1x128x16xf32, #tpu.memory_space<vmem>>
      %dma_wait3A_909 = tpu.memref_squeeze %dma_wait3A_908 : memref<1x128x16xf32, #tpu.memory_space<vmem>> -> memref<128x16xf32, #tpu.memory_space<vmem>>
      tpu.wait_dma2 semaphore(%dma_wait3A_902 : memref<!tpu.dma_semaphore, #tpu.memory_space<semaphore_mem>>) src(%dma_wait3A_909 : memref<128x16xf32, #tpu.memory_space<vmem>>) dst(%dma_wait3A_905 : memref<128x16xf32, #tpu.memory_space<vmem_shared>>)
      %lt3A_910 = arith.constant 4 : i32
      %lt3A_911 = arith.cmpi slt, %add3A, %lt3A_910 : i32
      %jit3A_912 = arith.constant 1 : i32
      %jit3A_913 = arith.constant 0 : i32
      %select_n3A_914 = arith.select %lt3A_911, %jit3A_912, %jit3A_913 : i32
      %add3A_915 = arith.constant 78 : i32
      %add3A_916 = arith.addi %add3A_915, %select_n3A_914 : i32
      %lt3A_917 = arith.cmpi slt, %add3A_891, %add3A_916 : i32
      %convert_element_type3A_918 = arith.extui %lt3A_917 : i1 to i32
      %cond3A_919 = arith.constant 0 : i32
      %cond3A_920 = arith.cmpi ne, %convert_element_type3A_918, %cond3A_919 : i32
      scf.if %cond3A_920 {
        %dma_start3A_1086 = arith.constant 7 : i32
        %dma_start3A_1087 = arith.constant 7 : i32
        %dma_start3A_1088 = arith.constant 0 : i32
        %dma_start3A_1089 = arith.constant 0 : i32
        %dma_start3A_1090 = tpu.memref_slice %arg8[%dma_start3A_1086, %dma_start3A_1088, %dma_start3A_1089] : memref<13x128x16xf32, #tpu.memory_space<vmem>> -> memref<1x128x16xf32, #tpu.memory_space<vmem>>
        %dma_start3A_1091 = tpu.memref_squeeze %dma_start3A_1090 : memref<1x128x16xf32, #tpu.memory_space<vmem>> -> memref<128x16xf32, #tpu.memory_space<vmem>>
        %dma_start3A_1092 = arith.constant 0 : i32
        %dma_start3A_1093 = tpu.memref_slice %arg6[%add3A_891, %dma_start3A_1092] : memref<79x128xi32, #tpu.memory_space<vmem>> -> memref<1x128xi32, #tpu.memory_space<vmem>>
        %dma_start3A_1094 = tpu.memref_squeeze %dma_start3A_1093 : memref<1x128xi32, #tpu.memory_space<vmem>> -> memref<128xi32, #tpu.memory_space<vmem>>
        %dma_start3A_1095 = arith.constant 0 : i32
        %dma_start3A_1096 = arith.constant 0 : i32
        %dma_start3A_1097 = tpu.memref_slice %arg10[%dma_start3A_1095, %dma_start3A_1096] : memref<10000x16xf32, #tpu.memory_space<vmem_shared>> -> memref<10000x16xf32, #tpu.memory_space<vmem_shared>>
        %dma_start3A_1098 = tpu.memref_slice %arg11[%dma_start3A_1087] : memref<13x!tpu.dma_semaphore, #tpu.memory_space<semaphore_mem>> -> memref<1x!tpu.dma_semaphore, #tpu.memory_space<semaphore_mem>>
        %dma_start3A_1099 = tpu.memref_squeeze %dma_start3A_1098 : memref<1x!tpu.dma_semaphore, #tpu.memory_space<semaphore_mem>> -> memref<!tpu.dma_semaphore, #tpu.memory_space<semaphore_mem>>
        tpu.enqueue_indirect_dma source(%dma_start3A_1097 : memref<10000x16xf32, #tpu.memory_space<vmem_shared>>) target(%dma_start3A_1091 : memref<128x16xf32, #tpu.memory_space<vmem>>) offsets(%dma_start3A_1094 : memref<128xi32, #tpu.memory_space<vmem>>) semaphore(%dma_start3A_1099 : memref<!tpu.dma_semaphore, #tpu.memory_space<semaphore_mem>>)
      } else {
      }
      %add3A_921 = arith.constant 13 : i32
      %add3A_922 = arith.addi %add3A_243, %add3A_921 : i32
      %add3A_923 = arith.constant 8 : i32
      %add3A_924 = arith.addi %add3A_922, %add3A_923 : i32
      %dma_wait3A_925 = arith.constant 8 : i32
      %dma_wait3A_926 = arith.constant 8 : i32
      %dma_wait3A_927 = arith.constant 0 : i32
      %dma_wait3A_928 = arith.constant 0 : i32
      %dma_wait3A_929 = tpu.memref_slice %arg8[%dma_wait3A_925, %dma_wait3A_927, %dma_wait3A_928] : memref<13x128x16xf32, #tpu.memory_space<vmem>> -> memref<1x128x16xf32, #tpu.memory_space<vmem>>
      %dma_wait3A_930 = tpu.memref_squeeze %dma_wait3A_929 : memref<1x128x16xf32, #tpu.memory_space<vmem>> -> memref<128x16xf32, #tpu.memory_space<vmem>>
      %dma_wait3A_931 = arith.constant 0 : i32
      %dma_wait3A_932 = arith.constant 0 : i32
      %dma_wait3A_933 = tpu.memref_slice %arg9[%dma_wait3A_931, %dma_wait3A_932] : memref<10000x16xf32, #tpu.memory_space<vmem_shared>> -> memref<128x16xf32, #tpu.memory_space<vmem_shared>>
      %dma_wait3A_934 = tpu.memref_slice %arg12[%dma_wait3A_926] : memref<13x!tpu.dma_semaphore, #tpu.memory_space<semaphore_mem>> -> memref<1x!tpu.dma_semaphore, #tpu.memory_space<semaphore_mem>>
      %dma_wait3A_935 = tpu.memref_squeeze %dma_wait3A_934 : memref<1x!tpu.dma_semaphore, #tpu.memory_space<semaphore_mem>> -> memref<!tpu.dma_semaphore, #tpu.memory_space<semaphore_mem>>
      %dma_wait3A_936 = arith.constant 0 : i32
      %dma_wait3A_937 = arith.constant 0 : i32
      %dma_wait3A_938 = tpu.memref_slice %arg9[%dma_wait3A_936, %dma_wait3A_937] : memref<10000x16xf32, #tpu.memory_space<vmem_shared>> -> memref<128x16xf32, #tpu.memory_space<vmem_shared>>
      %dma_wait3A_939 = arith.constant 0 : i32
      %dma_wait3A_940 = arith.constant 0 : i32
      %dma_wait3A_941 = tpu.memref_slice %arg8[%dma_wait3A_925, %dma_wait3A_939, %dma_wait3A_940] : memref<13x128x16xf32, #tpu.memory_space<vmem>> -> memref<1x128x16xf32, #tpu.memory_space<vmem>>
      %dma_wait3A_942 = tpu.memref_squeeze %dma_wait3A_941 : memref<1x128x16xf32, #tpu.memory_space<vmem>> -> memref<128x16xf32, #tpu.memory_space<vmem>>
      tpu.wait_dma2 semaphore(%dma_wait3A_935 : memref<!tpu.dma_semaphore, #tpu.memory_space<semaphore_mem>>) src(%dma_wait3A_942 : memref<128x16xf32, #tpu.memory_space<vmem>>) dst(%dma_wait3A_938 : memref<128x16xf32, #tpu.memory_space<vmem_shared>>)
      %lt3A_943 = arith.constant 4 : i32
      %lt3A_944 = arith.cmpi slt, %add3A, %lt3A_943 : i32
      %jit3A_945 = arith.constant 1 : i32
      %jit3A_946 = arith.constant 0 : i32
      %select_n3A_947 = arith.select %lt3A_944, %jit3A_945, %jit3A_946 : i32
      %add3A_948 = arith.constant 78 : i32
      %add3A_949 = arith.addi %add3A_948, %select_n3A_947 : i32
      %lt3A_950 = arith.cmpi slt, %add3A_924, %add3A_949 : i32
      %convert_element_type3A_951 = arith.extui %lt3A_950 : i1 to i32
      %cond3A_952 = arith.constant 0 : i32
      %cond3A_953 = arith.cmpi ne, %convert_element_type3A_951, %cond3A_952 : i32
      scf.if %cond3A_953 {
        %dma_start3A_1086 = arith.constant 8 : i32
        %dma_start3A_1087 = arith.constant 8 : i32
        %dma_start3A_1088 = arith.constant 0 : i32
        %dma_start3A_1089 = arith.constant 0 : i32
        %dma_start3A_1090 = tpu.memref_slice %arg8[%dma_start3A_1086, %dma_start3A_1088, %dma_start3A_1089] : memref<13x128x16xf32, #tpu.memory_space<vmem>> -> memref<1x128x16xf32, #tpu.memory_space<vmem>>
        %dma_start3A_1091 = tpu.memref_squeeze %dma_start3A_1090 : memref<1x128x16xf32, #tpu.memory_space<vmem>> -> memref<128x16xf32, #tpu.memory_space<vmem>>
        %dma_start3A_1092 = arith.constant 0 : i32
        %dma_start3A_1093 = tpu.memref_slice %arg6[%add3A_924, %dma_start3A_1092] : memref<79x128xi32, #tpu.memory_space<vmem>> -> memref<1x128xi32, #tpu.memory_space<vmem>>
        %dma_start3A_1094 = tpu.memref_squeeze %dma_start3A_1093 : memref<1x128xi32, #tpu.memory_space<vmem>> -> memref<128xi32, #tpu.memory_space<vmem>>
        %dma_start3A_1095 = arith.constant 0 : i32
        %dma_start3A_1096 = arith.constant 0 : i32
        %dma_start3A_1097 = tpu.memref_slice %arg2[%dma_start3A_1095, %dma_start3A_1096] : memref<10000x16xf32, #tpu.memory_space<hbm>> -> memref<10000x16xf32, #tpu.memory_space<hbm>>
        %dma_start3A_1098 = tpu.memref_slice %arg11[%dma_start3A_1087] : memref<13x!tpu.dma_semaphore, #tpu.memory_space<semaphore_mem>> -> memref<1x!tpu.dma_semaphore, #tpu.memory_space<semaphore_mem>>
        %dma_start3A_1099 = tpu.memref_squeeze %dma_start3A_1098 : memref<1x!tpu.dma_semaphore, #tpu.memory_space<semaphore_mem>> -> memref<!tpu.dma_semaphore, #tpu.memory_space<semaphore_mem>>
        tpu.enqueue_indirect_dma source(%dma_start3A_1097 : memref<10000x16xf32, #tpu.memory_space<hbm>>) target(%dma_start3A_1091 : memref<128x16xf32, #tpu.memory_space<vmem>>) offsets(%dma_start3A_1094 : memref<128xi32, #tpu.memory_space<vmem>>) semaphore(%dma_start3A_1099 : memref<!tpu.dma_semaphore, #tpu.memory_space<semaphore_mem>>)
      } else {
      }
      %add3A_954 = arith.constant 13 : i32
      %add3A_955 = arith.addi %add3A_243, %add3A_954 : i32
      %add3A_956 = arith.constant 9 : i32
      %add3A_957 = arith.addi %add3A_955, %add3A_956 : i32
      %dma_wait3A_958 = arith.constant 9 : i32
      %dma_wait3A_959 = arith.constant 9 : i32
      %dma_wait3A_960 = arith.constant 0 : i32
      %dma_wait3A_961 = arith.constant 0 : i32
      %dma_wait3A_962 = tpu.memref_slice %arg8[%dma_wait3A_958, %dma_wait3A_960, %dma_wait3A_961] : memref<13x128x16xf32, #tpu.memory_space<vmem>> -> memref<1x128x16xf32, #tpu.memory_space<vmem>>
      %dma_wait3A_963 = tpu.memref_squeeze %dma_wait3A_962 : memref<1x128x16xf32, #tpu.memory_space<vmem>> -> memref<128x16xf32, #tpu.memory_space<vmem>>
      %dma_wait3A_964 = arith.constant 0 : i32
      %dma_wait3A_965 = arith.constant 0 : i32
      %dma_wait3A_966 = tpu.memref_slice %arg9[%dma_wait3A_964, %dma_wait3A_965] : memref<10000x16xf32, #tpu.memory_space<vmem_shared>> -> memref<128x16xf32, #tpu.memory_space<vmem_shared>>
      %dma_wait3A_967 = tpu.memref_slice %arg12[%dma_wait3A_959] : memref<13x!tpu.dma_semaphore, #tpu.memory_space<semaphore_mem>> -> memref<1x!tpu.dma_semaphore, #tpu.memory_space<semaphore_mem>>
      %dma_wait3A_968 = tpu.memref_squeeze %dma_wait3A_967 : memref<1x!tpu.dma_semaphore, #tpu.memory_space<semaphore_mem>> -> memref<!tpu.dma_semaphore, #tpu.memory_space<semaphore_mem>>
      %dma_wait3A_969 = arith.constant 0 : i32
      %dma_wait3A_970 = arith.constant 0 : i32
      %dma_wait3A_971 = tpu.memref_slice %arg9[%dma_wait3A_969, %dma_wait3A_970] : memref<10000x16xf32, #tpu.memory_space<vmem_shared>> -> memref<128x16xf32, #tpu.memory_space<vmem_shared>>
      %dma_wait3A_972 = arith.constant 0 : i32
      %dma_wait3A_973 = arith.constant 0 : i32
      %dma_wait3A_974 = tpu.memref_slice %arg8[%dma_wait3A_958, %dma_wait3A_972, %dma_wait3A_973] : memref<13x128x16xf32, #tpu.memory_space<vmem>> -> memref<1x128x16xf32, #tpu.memory_space<vmem>>
      %dma_wait3A_975 = tpu.memref_squeeze %dma_wait3A_974 : memref<1x128x16xf32, #tpu.memory_space<vmem>> -> memref<128x16xf32, #tpu.memory_space<vmem>>
      tpu.wait_dma2 semaphore(%dma_wait3A_968 : memref<!tpu.dma_semaphore, #tpu.memory_space<semaphore_mem>>) src(%dma_wait3A_975 : memref<128x16xf32, #tpu.memory_space<vmem>>) dst(%dma_wait3A_971 : memref<128x16xf32, #tpu.memory_space<vmem_shared>>)
      %lt3A_976 = arith.constant 4 : i32
      %lt3A_977 = arith.cmpi slt, %add3A, %lt3A_976 : i32
      %jit3A_978 = arith.constant 1 : i32
      %jit3A_979 = arith.constant 0 : i32
      %select_n3A_980 = arith.select %lt3A_977, %jit3A_978, %jit3A_979 : i32
      %add3A_981 = arith.constant 78 : i32
      %add3A_982 = arith.addi %add3A_981, %select_n3A_980 : i32
      %lt3A_983 = arith.cmpi slt, %add3A_957, %add3A_982 : i32
      %convert_element_type3A_984 = arith.extui %lt3A_983 : i1 to i32
      %cond3A_985 = arith.constant 0 : i32
      %cond3A_986 = arith.cmpi ne, %convert_element_type3A_984, %cond3A_985 : i32
      scf.if %cond3A_986 {
        %dma_start3A_1086 = arith.constant 9 : i32
        %dma_start3A_1087 = arith.constant 9 : i32
        %dma_start3A_1088 = arith.constant 0 : i32
        %dma_start3A_1089 = arith.constant 0 : i32
        %dma_start3A_1090 = tpu.memref_slice %arg8[%dma_start3A_1086, %dma_start3A_1088, %dma_start3A_1089] : memref<13x128x16xf32, #tpu.memory_space<vmem>> -> memref<1x128x16xf32, #tpu.memory_space<vmem>>
        %dma_start3A_1091 = tpu.memref_squeeze %dma_start3A_1090 : memref<1x128x16xf32, #tpu.memory_space<vmem>> -> memref<128x16xf32, #tpu.memory_space<vmem>>
        %dma_start3A_1092 = arith.constant 0 : i32
        %dma_start3A_1093 = tpu.memref_slice %arg6[%add3A_957, %dma_start3A_1092] : memref<79x128xi32, #tpu.memory_space<vmem>> -> memref<1x128xi32, #tpu.memory_space<vmem>>
        %dma_start3A_1094 = tpu.memref_squeeze %dma_start3A_1093 : memref<1x128xi32, #tpu.memory_space<vmem>> -> memref<128xi32, #tpu.memory_space<vmem>>
        %dma_start3A_1095 = arith.constant 0 : i32
        %dma_start3A_1096 = arith.constant 0 : i32
        %dma_start3A_1097 = tpu.memref_slice %arg10[%dma_start3A_1095, %dma_start3A_1096] : memref<10000x16xf32, #tpu.memory_space<vmem_shared>> -> memref<10000x16xf32, #tpu.memory_space<vmem_shared>>
        %dma_start3A_1098 = tpu.memref_slice %arg11[%dma_start3A_1087] : memref<13x!tpu.dma_semaphore, #tpu.memory_space<semaphore_mem>> -> memref<1x!tpu.dma_semaphore, #tpu.memory_space<semaphore_mem>>
        %dma_start3A_1099 = tpu.memref_squeeze %dma_start3A_1098 : memref<1x!tpu.dma_semaphore, #tpu.memory_space<semaphore_mem>> -> memref<!tpu.dma_semaphore, #tpu.memory_space<semaphore_mem>>
        tpu.enqueue_indirect_dma source(%dma_start3A_1097 : memref<10000x16xf32, #tpu.memory_space<vmem_shared>>) target(%dma_start3A_1091 : memref<128x16xf32, #tpu.memory_space<vmem>>) offsets(%dma_start3A_1094 : memref<128xi32, #tpu.memory_space<vmem>>) semaphore(%dma_start3A_1099 : memref<!tpu.dma_semaphore, #tpu.memory_space<semaphore_mem>>)
      } else {
      }
      %add3A_987 = arith.constant 13 : i32
      %add3A_988 = arith.addi %add3A_243, %add3A_987 : i32
      %add3A_989 = arith.constant 10 : i32
      %add3A_990 = arith.addi %add3A_988, %add3A_989 : i32
      %dma_wait3A_991 = arith.constant 10 : i32
      %dma_wait3A_992 = arith.constant 10 : i32
      %dma_wait3A_993 = arith.constant 0 : i32
      %dma_wait3A_994 = arith.constant 0 : i32
      %dma_wait3A_995 = tpu.memref_slice %arg8[%dma_wait3A_991, %dma_wait3A_993, %dma_wait3A_994] : memref<13x128x16xf32, #tpu.memory_space<vmem>> -> memref<1x128x16xf32, #tpu.memory_space<vmem>>
      %dma_wait3A_996 = tpu.memref_squeeze %dma_wait3A_995 : memref<1x128x16xf32, #tpu.memory_space<vmem>> -> memref<128x16xf32, #tpu.memory_space<vmem>>
      %dma_wait3A_997 = arith.constant 0 : i32
      %dma_wait3A_998 = arith.constant 0 : i32
      %dma_wait3A_999 = tpu.memref_slice %arg9[%dma_wait3A_997, %dma_wait3A_998] : memref<10000x16xf32, #tpu.memory_space<vmem_shared>> -> memref<128x16xf32, #tpu.memory_space<vmem_shared>>
      %dma_wait3A_1000 = tpu.memref_slice %arg12[%dma_wait3A_992] : memref<13x!tpu.dma_semaphore, #tpu.memory_space<semaphore_mem>> -> memref<1x!tpu.dma_semaphore, #tpu.memory_space<semaphore_mem>>
      %dma_wait3A_1001 = tpu.memref_squeeze %dma_wait3A_1000 : memref<1x!tpu.dma_semaphore, #tpu.memory_space<semaphore_mem>> -> memref<!tpu.dma_semaphore, #tpu.memory_space<semaphore_mem>>
      %dma_wait3A_1002 = arith.constant 0 : i32
      %dma_wait3A_1003 = arith.constant 0 : i32
      %dma_wait3A_1004 = tpu.memref_slice %arg9[%dma_wait3A_1002, %dma_wait3A_1003] : memref<10000x16xf32, #tpu.memory_space<vmem_shared>> -> memref<128x16xf32, #tpu.memory_space<vmem_shared>>
      %dma_wait3A_1005 = arith.constant 0 : i32
      %dma_wait3A_1006 = arith.constant 0 : i32
      %dma_wait3A_1007 = tpu.memref_slice %arg8[%dma_wait3A_991, %dma_wait3A_1005, %dma_wait3A_1006] : memref<13x128x16xf32, #tpu.memory_space<vmem>> -> memref<1x128x16xf32, #tpu.memory_space<vmem>>
      %dma_wait3A_1008 = tpu.memref_squeeze %dma_wait3A_1007 : memref<1x128x16xf32, #tpu.memory_space<vmem>> -> memref<128x16xf32, #tpu.memory_space<vmem>>
      tpu.wait_dma2 semaphore(%dma_wait3A_1001 : memref<!tpu.dma_semaphore, #tpu.memory_space<semaphore_mem>>) src(%dma_wait3A_1008 : memref<128x16xf32, #tpu.memory_space<vmem>>) dst(%dma_wait3A_1004 : memref<128x16xf32, #tpu.memory_space<vmem_shared>>)
      %lt3A_1009 = arith.constant 4 : i32
      %lt3A_1010 = arith.cmpi slt, %add3A, %lt3A_1009 : i32
      %jit3A_1011 = arith.constant 1 : i32
      %jit3A_1012 = arith.constant 0 : i32
      %select_n3A_1013 = arith.select %lt3A_1010, %jit3A_1011, %jit3A_1012 : i32
      %add3A_1014 = arith.constant 78 : i32
      %add3A_1015 = arith.addi %add3A_1014, %select_n3A_1013 : i32
      %lt3A_1016 = arith.cmpi slt, %add3A_990, %add3A_1015 : i32
      %convert_element_type3A_1017 = arith.extui %lt3A_1016 : i1 to i32
      %cond3A_1018 = arith.constant 0 : i32
      %cond3A_1019 = arith.cmpi ne, %convert_element_type3A_1017, %cond3A_1018 : i32
      scf.if %cond3A_1019 {
        %dma_start3A_1086 = arith.constant 10 : i32
        %dma_start3A_1087 = arith.constant 10 : i32
        %dma_start3A_1088 = arith.constant 0 : i32
        %dma_start3A_1089 = arith.constant 0 : i32
        %dma_start3A_1090 = tpu.memref_slice %arg8[%dma_start3A_1086, %dma_start3A_1088, %dma_start3A_1089] : memref<13x128x16xf32, #tpu.memory_space<vmem>> -> memref<1x128x16xf32, #tpu.memory_space<vmem>>
        %dma_start3A_1091 = tpu.memref_squeeze %dma_start3A_1090 : memref<1x128x16xf32, #tpu.memory_space<vmem>> -> memref<128x16xf32, #tpu.memory_space<vmem>>
        %dma_start3A_1092 = arith.constant 0 : i32
        %dma_start3A_1093 = tpu.memref_slice %arg6[%add3A_990, %dma_start3A_1092] : memref<79x128xi32, #tpu.memory_space<vmem>> -> memref<1x128xi32, #tpu.memory_space<vmem>>
        %dma_start3A_1094 = tpu.memref_squeeze %dma_start3A_1093 : memref<1x128xi32, #tpu.memory_space<vmem>> -> memref<128xi32, #tpu.memory_space<vmem>>
        %dma_start3A_1095 = arith.constant 0 : i32
        %dma_start3A_1096 = arith.constant 0 : i32
        %dma_start3A_1097 = tpu.memref_slice %arg2[%dma_start3A_1095, %dma_start3A_1096] : memref<10000x16xf32, #tpu.memory_space<hbm>> -> memref<10000x16xf32, #tpu.memory_space<hbm>>
        %dma_start3A_1098 = tpu.memref_slice %arg11[%dma_start3A_1087] : memref<13x!tpu.dma_semaphore, #tpu.memory_space<semaphore_mem>> -> memref<1x!tpu.dma_semaphore, #tpu.memory_space<semaphore_mem>>
        %dma_start3A_1099 = tpu.memref_squeeze %dma_start3A_1098 : memref<1x!tpu.dma_semaphore, #tpu.memory_space<semaphore_mem>> -> memref<!tpu.dma_semaphore, #tpu.memory_space<semaphore_mem>>
        tpu.enqueue_indirect_dma source(%dma_start3A_1097 : memref<10000x16xf32, #tpu.memory_space<hbm>>) target(%dma_start3A_1091 : memref<128x16xf32, #tpu.memory_space<vmem>>) offsets(%dma_start3A_1094 : memref<128xi32, #tpu.memory_space<vmem>>) semaphore(%dma_start3A_1099 : memref<!tpu.dma_semaphore, #tpu.memory_space<semaphore_mem>>)
      } else {
      }
      %add3A_1020 = arith.constant 13 : i32
      %add3A_1021 = arith.addi %add3A_243, %add3A_1020 : i32
      %add3A_1022 = arith.constant 11 : i32
      %add3A_1023 = arith.addi %add3A_1021, %add3A_1022 : i32
      %dma_wait3A_1024 = arith.constant 11 : i32
      %dma_wait3A_1025 = arith.constant 11 : i32
      %dma_wait3A_1026 = arith.constant 0 : i32
      %dma_wait3A_1027 = arith.constant 0 : i32
      %dma_wait3A_1028 = tpu.memref_slice %arg8[%dma_wait3A_1024, %dma_wait3A_1026, %dma_wait3A_1027] : memref<13x128x16xf32, #tpu.memory_space<vmem>> -> memref<1x128x16xf32, #tpu.memory_space<vmem>>
      %dma_wait3A_1029 = tpu.memref_squeeze %dma_wait3A_1028 : memref<1x128x16xf32, #tpu.memory_space<vmem>> -> memref<128x16xf32, #tpu.memory_space<vmem>>
      %dma_wait3A_1030 = arith.constant 0 : i32
      %dma_wait3A_1031 = arith.constant 0 : i32
      %dma_wait3A_1032 = tpu.memref_slice %arg9[%dma_wait3A_1030, %dma_wait3A_1031] : memref<10000x16xf32, #tpu.memory_space<vmem_shared>> -> memref<128x16xf32, #tpu.memory_space<vmem_shared>>
      %dma_wait3A_1033 = tpu.memref_slice %arg12[%dma_wait3A_1025] : memref<13x!tpu.dma_semaphore, #tpu.memory_space<semaphore_mem>> -> memref<1x!tpu.dma_semaphore, #tpu.memory_space<semaphore_mem>>
      %dma_wait3A_1034 = tpu.memref_squeeze %dma_wait3A_1033 : memref<1x!tpu.dma_semaphore, #tpu.memory_space<semaphore_mem>> -> memref<!tpu.dma_semaphore, #tpu.memory_space<semaphore_mem>>
      %dma_wait3A_1035 = arith.constant 0 : i32
      %dma_wait3A_1036 = arith.constant 0 : i32
      %dma_wait3A_1037 = tpu.memref_slice %arg9[%dma_wait3A_1035, %dma_wait3A_1036] : memref<10000x16xf32, #tpu.memory_space<vmem_shared>> -> memref<128x16xf32, #tpu.memory_space<vmem_shared>>
      %dma_wait3A_1038 = arith.constant 0 : i32
      %dma_wait3A_1039 = arith.constant 0 : i32
      %dma_wait3A_1040 = tpu.memref_slice %arg8[%dma_wait3A_1024, %dma_wait3A_1038, %dma_wait3A_1039] : memref<13x128x16xf32, #tpu.memory_space<vmem>> -> memref<1x128x16xf32, #tpu.memory_space<vmem>>
      %dma_wait3A_1041 = tpu.memref_squeeze %dma_wait3A_1040 : memref<1x128x16xf32, #tpu.memory_space<vmem>> -> memref<128x16xf32, #tpu.memory_space<vmem>>
      tpu.wait_dma2 semaphore(%dma_wait3A_1034 : memref<!tpu.dma_semaphore, #tpu.memory_space<semaphore_mem>>) src(%dma_wait3A_1041 : memref<128x16xf32, #tpu.memory_space<vmem>>) dst(%dma_wait3A_1037 : memref<128x16xf32, #tpu.memory_space<vmem_shared>>)
      %lt3A_1042 = arith.constant 4 : i32
      %lt3A_1043 = arith.cmpi slt, %add3A, %lt3A_1042 : i32
      %jit3A_1044 = arith.constant 1 : i32
      %jit3A_1045 = arith.constant 0 : i32
      %select_n3A_1046 = arith.select %lt3A_1043, %jit3A_1044, %jit3A_1045 : i32
      %add3A_1047 = arith.constant 78 : i32
      %add3A_1048 = arith.addi %add3A_1047, %select_n3A_1046 : i32
      %lt3A_1049 = arith.cmpi slt, %add3A_1023, %add3A_1048 : i32
      %convert_element_type3A_1050 = arith.extui %lt3A_1049 : i1 to i32
      %cond3A_1051 = arith.constant 0 : i32
      %cond3A_1052 = arith.cmpi ne, %convert_element_type3A_1050, %cond3A_1051 : i32
      scf.if %cond3A_1052 {
        %dma_start3A_1086 = arith.constant 11 : i32
        %dma_start3A_1087 = arith.constant 11 : i32
        %dma_start3A_1088 = arith.constant 0 : i32
        %dma_start3A_1089 = arith.constant 0 : i32
        %dma_start3A_1090 = tpu.memref_slice %arg8[%dma_start3A_1086, %dma_start3A_1088, %dma_start3A_1089] : memref<13x128x16xf32, #tpu.memory_space<vmem>> -> memref<1x128x16xf32, #tpu.memory_space<vmem>>
        %dma_start3A_1091 = tpu.memref_squeeze %dma_start3A_1090 : memref<1x128x16xf32, #tpu.memory_space<vmem>> -> memref<128x16xf32, #tpu.memory_space<vmem>>
        %dma_start3A_1092 = arith.constant 0 : i32
        %dma_start3A_1093 = tpu.memref_slice %arg6[%add3A_1023, %dma_start3A_1092] : memref<79x128xi32, #tpu.memory_space<vmem>> -> memref<1x128xi32, #tpu.memory_space<vmem>>
        %dma_start3A_1094 = tpu.memref_squeeze %dma_start3A_1093 : memref<1x128xi32, #tpu.memory_space<vmem>> -> memref<128xi32, #tpu.memory_space<vmem>>
        %dma_start3A_1095 = arith.constant 0 : i32
        %dma_start3A_1096 = arith.constant 0 : i32
        %dma_start3A_1097 = tpu.memref_slice %arg10[%dma_start3A_1095, %dma_start3A_1096] : memref<10000x16xf32, #tpu.memory_space<vmem_shared>> -> memref<10000x16xf32, #tpu.memory_space<vmem_shared>>
        %dma_start3A_1098 = tpu.memref_slice %arg11[%dma_start3A_1087] : memref<13x!tpu.dma_semaphore, #tpu.memory_space<semaphore_mem>> -> memref<1x!tpu.dma_semaphore, #tpu.memory_space<semaphore_mem>>
        %dma_start3A_1099 = tpu.memref_squeeze %dma_start3A_1098 : memref<1x!tpu.dma_semaphore, #tpu.memory_space<semaphore_mem>> -> memref<!tpu.dma_semaphore, #tpu.memory_space<semaphore_mem>>
        tpu.enqueue_indirect_dma source(%dma_start3A_1097 : memref<10000x16xf32, #tpu.memory_space<vmem_shared>>) target(%dma_start3A_1091 : memref<128x16xf32, #tpu.memory_space<vmem>>) offsets(%dma_start3A_1094 : memref<128xi32, #tpu.memory_space<vmem>>) semaphore(%dma_start3A_1099 : memref<!tpu.dma_semaphore, #tpu.memory_space<semaphore_mem>>)
      } else {
      }
      %add3A_1053 = arith.constant 13 : i32
      %add3A_1054 = arith.addi %add3A_243, %add3A_1053 : i32
      %add3A_1055 = arith.constant 12 : i32
      %add3A_1056 = arith.addi %add3A_1054, %add3A_1055 : i32
      %dma_wait3A_1057 = arith.constant 12 : i32
      %dma_wait3A_1058 = arith.constant 12 : i32
      %dma_wait3A_1059 = arith.constant 0 : i32
      %dma_wait3A_1060 = arith.constant 0 : i32
      %dma_wait3A_1061 = tpu.memref_slice %arg8[%dma_wait3A_1057, %dma_wait3A_1059, %dma_wait3A_1060] : memref<13x128x16xf32, #tpu.memory_space<vmem>> -> memref<1x128x16xf32, #tpu.memory_space<vmem>>
      %dma_wait3A_1062 = tpu.memref_squeeze %dma_wait3A_1061 : memref<1x128x16xf32, #tpu.memory_space<vmem>> -> memref<128x16xf32, #tpu.memory_space<vmem>>
      %dma_wait3A_1063 = arith.constant 0 : i32
      %dma_wait3A_1064 = arith.constant 0 : i32
      %dma_wait3A_1065 = tpu.memref_slice %arg9[%dma_wait3A_1063, %dma_wait3A_1064] : memref<10000x16xf32, #tpu.memory_space<vmem_shared>> -> memref<128x16xf32, #tpu.memory_space<vmem_shared>>
      %dma_wait3A_1066 = tpu.memref_slice %arg12[%dma_wait3A_1058] : memref<13x!tpu.dma_semaphore, #tpu.memory_space<semaphore_mem>> -> memref<1x!tpu.dma_semaphore, #tpu.memory_space<semaphore_mem>>
      %dma_wait3A_1067 = tpu.memref_squeeze %dma_wait3A_1066 : memref<1x!tpu.dma_semaphore, #tpu.memory_space<semaphore_mem>> -> memref<!tpu.dma_semaphore, #tpu.memory_space<semaphore_mem>>
      %dma_wait3A_1068 = arith.constant 0 : i32
      %dma_wait3A_1069 = arith.constant 0 : i32
      %dma_wait3A_1070 = tpu.memref_slice %arg9[%dma_wait3A_1068, %dma_wait3A_1069] : memref<10000x16xf32, #tpu.memory_space<vmem_shared>> -> memref<128x16xf32, #tpu.memory_space<vmem_shared>>
      %dma_wait3A_1071 = arith.constant 0 : i32
      %dma_wait3A_1072 = arith.constant 0 : i32
      %dma_wait3A_1073 = tpu.memref_slice %arg8[%dma_wait3A_1057, %dma_wait3A_1071, %dma_wait3A_1072] : memref<13x128x16xf32, #tpu.memory_space<vmem>> -> memref<1x128x16xf32, #tpu.memory_space<vmem>>
      %dma_wait3A_1074 = tpu.memref_squeeze %dma_wait3A_1073 : memref<1x128x16xf32, #tpu.memory_space<vmem>> -> memref<128x16xf32, #tpu.memory_space<vmem>>
      tpu.wait_dma2 semaphore(%dma_wait3A_1067 : memref<!tpu.dma_semaphore, #tpu.memory_space<semaphore_mem>>) src(%dma_wait3A_1074 : memref<128x16xf32, #tpu.memory_space<vmem>>) dst(%dma_wait3A_1070 : memref<128x16xf32, #tpu.memory_space<vmem_shared>>)
      %lt3A_1075 = arith.constant 4 : i32
      %lt3A_1076 = arith.cmpi slt, %add3A, %lt3A_1075 : i32
      %jit3A_1077 = arith.constant 1 : i32
      %jit3A_1078 = arith.constant 0 : i32
      %select_n3A_1079 = arith.select %lt3A_1076, %jit3A_1077, %jit3A_1078 : i32
      %add3A_1080 = arith.constant 78 : i32
      %add3A_1081 = arith.addi %add3A_1080, %select_n3A_1079 : i32
      %lt3A_1082 = arith.cmpi slt, %add3A_1056, %add3A_1081 : i32
      %convert_element_type3A_1083 = arith.extui %lt3A_1082 : i1 to i32
      %cond3A_1084 = arith.constant 0 : i32
      %cond3A_1085 = arith.cmpi ne, %convert_element_type3A_1083, %cond3A_1084 : i32
      scf.if %cond3A_1085 {
        %dma_start3A_1086 = arith.constant 12 : i32
        %dma_start3A_1087 = arith.constant 12 : i32
        %dma_start3A_1088 = arith.constant 0 : i32
        %dma_start3A_1089 = arith.constant 0 : i32
        %dma_start3A_1090 = tpu.memref_slice %arg8[%dma_start3A_1086, %dma_start3A_1088, %dma_start3A_1089] : memref<13x128x16xf32, #tpu.memory_space<vmem>> -> memref<1x128x16xf32, #tpu.memory_space<vmem>>
        %dma_start3A_1091 = tpu.memref_squeeze %dma_start3A_1090 : memref<1x128x16xf32, #tpu.memory_space<vmem>> -> memref<128x16xf32, #tpu.memory_space<vmem>>
        %dma_start3A_1092 = arith.constant 0 : i32
        %dma_start3A_1093 = tpu.memref_slice %arg6[%add3A_1056, %dma_start3A_1092] : memref<79x128xi32, #tpu.memory_space<vmem>> -> memref<1x128xi32, #tpu.memory_space<vmem>>
        %dma_start3A_1094 = tpu.memref_squeeze %dma_start3A_1093 : memref<1x128xi32, #tpu.memory_space<vmem>> -> memref<128xi32, #tpu.memory_space<vmem>>
        %dma_start3A_1095 = arith.constant 0 : i32
        %dma_start3A_1096 = arith.constant 0 : i32
        %dma_start3A_1097 = tpu.memref_slice %arg2[%dma_start3A_1095, %dma_start3A_1096] : memref<10000x16xf32, #tpu.memory_space<hbm>> -> memref<10000x16xf32, #tpu.memory_space<hbm>>
        %dma_start3A_1098 = tpu.memref_slice %arg11[%dma_start3A_1087] : memref<13x!tpu.dma_semaphore, #tpu.memory_space<semaphore_mem>> -> memref<1x!tpu.dma_semaphore, #tpu.memory_space<semaphore_mem>>
        %dma_start3A_1099 = tpu.memref_squeeze %dma_start3A_1098 : memref<1x!tpu.dma_semaphore, #tpu.memory_space<semaphore_mem>> -> memref<!tpu.dma_semaphore, #tpu.memory_space<semaphore_mem>>
        tpu.enqueue_indirect_dma source(%dma_start3A_1097 : memref<10000x16xf32, #tpu.memory_space<hbm>>) target(%dma_start3A_1091 : memref<128x16xf32, #tpu.memory_space<vmem>>) offsets(%dma_start3A_1094 : memref<128xi32, #tpu.memory_space<vmem>>) semaphore(%dma_start3A_1099 : memref<!tpu.dma_semaphore, #tpu.memory_space<semaphore_mem>>)
      } else {
      }
    }
    %scan3A_228 = arith.constant 6 : i32
    %lt3A_229 = arith.constant 4 : i32
    %lt3A_230 = arith.cmpi slt, %add3A, %lt3A_229 : i32
    %convert_element_type3A_231 = arith.extui %lt3A_230 : i1 to i32
    %cond3A_232 = arith.constant 0 : i32
    %cond3A_233 = arith.cmpi ne, %convert_element_type3A_231, %cond3A_232 : i32
    scf.if %cond3A_233 {
      %dma_wait3A = arith.constant 78 : i32
      %dma_wait3A_239 = arith.constant 0 : i32
      %dma_wait3A_240 = arith.constant 0 : i32
      %dma_wait3A_241 = arith.constant 0 : i32
      %dma_wait3A_242 = arith.constant 0 : i32
      %dma_wait3A_243 = tpu.memref_slice %arg8[%dma_wait3A_239, %dma_wait3A_241, %dma_wait3A_242] : memref<13x128x16xf32, #tpu.memory_space<vmem>> -> memref<1x128x16xf32, #tpu.memory_space<vmem>>
      %dma_wait3A_244 = tpu.memref_squeeze %dma_wait3A_243 : memref<1x128x16xf32, #tpu.memory_space<vmem>> -> memref<128x16xf32, #tpu.memory_space<vmem>>
      %dma_wait3A_245 = arith.constant 0 : i32
      %dma_wait3A_246 = tpu.memref_slice %arg6[%dma_wait3A, %dma_wait3A_245] : memref<79x128xi32, #tpu.memory_space<vmem>> -> memref<1x128xi32, #tpu.memory_space<vmem>>
      %dma_wait3A_247 = tpu.memref_squeeze %dma_wait3A_246 : memref<1x128xi32, #tpu.memory_space<vmem>> -> memref<128xi32, #tpu.memory_space<vmem>>
      %dma_wait3A_248 = arith.constant 0 : i32
      %dma_wait3A_249 = arith.constant 0 : i32
      %dma_wait3A_250 = tpu.memref_slice %arg2[%dma_wait3A_248, %dma_wait3A_249] : memref<10000x16xf32, #tpu.memory_space<hbm>> -> memref<10000x16xf32, #tpu.memory_space<hbm>>
      %dma_wait3A_251 = tpu.memref_slice %arg11[%dma_wait3A_240] : memref<13x!tpu.dma_semaphore, #tpu.memory_space<semaphore_mem>> -> memref<1x!tpu.dma_semaphore, #tpu.memory_space<semaphore_mem>>
      %dma_wait3A_252 = tpu.memref_squeeze %dma_wait3A_251 : memref<1x!tpu.dma_semaphore, #tpu.memory_space<semaphore_mem>> -> memref<!tpu.dma_semaphore, #tpu.memory_space<semaphore_mem>>
      tpu.wait_indirect_dma semaphore(%dma_wait3A_252 : memref<!tpu.dma_semaphore, #tpu.memory_space<semaphore_mem>>) src(%dma_wait3A_250 : memref<10000x16xf32, #tpu.memory_space<hbm>>) dst(%dma_wait3A_244 : memref<128x16xf32, #tpu.memory_space<vmem>>)
      %dma_start3A_253 = arith.constant 0 : i32
      %dma_start3A_254 = arith.constant 78 : i32
      %dma_start3A_255 = arith.constant 0 : i32
      %dma_start3A_256 = arith.constant 0 : i32
      %dma_start3A_257 = arith.constant 0 : i32
      %dma_start3A_258 = tpu.memref_slice %arg8[%dma_start3A_253, %dma_start3A_256, %dma_start3A_257] : memref<13x128x16xf32, #tpu.memory_space<vmem>> -> memref<1x128x16xf32, #tpu.memory_space<vmem>>
      %dma_start3A_259 = tpu.memref_squeeze %dma_start3A_258 : memref<1x128x16xf32, #tpu.memory_space<vmem>> -> memref<128x16xf32, #tpu.memory_space<vmem>>
      %dma_start3A_260 = arith.constant 0 : i32
      %dma_start3A_261 = tpu.memref_slice %arg7[%dma_start3A_254, %dma_start3A_260] : memref<79x128xi32, #tpu.memory_space<vmem>> -> memref<1x128xi32, #tpu.memory_space<vmem>>
      %dma_start3A_262 = tpu.memref_squeeze %dma_start3A_261 : memref<1x128xi32, #tpu.memory_space<vmem>> -> memref<128xi32, #tpu.memory_space<vmem>>
      %dma_start3A_263 = arith.constant 0 : i32
      %dma_start3A_264 = arith.constant 0 : i32
      %dma_start3A_265 = tpu.memref_slice %arg9[%dma_start3A_263, %dma_start3A_264] : memref<10000x16xf32, #tpu.memory_space<vmem_shared>> -> memref<10000x16xf32, #tpu.memory_space<vmem_shared>>
      %dma_start3A_266 = tpu.memref_slice %arg12[%dma_start3A_255] : memref<13x!tpu.dma_semaphore, #tpu.memory_space<semaphore_mem>> -> memref<1x!tpu.dma_semaphore, #tpu.memory_space<semaphore_mem>>
      %dma_start3A_267 = tpu.memref_squeeze %dma_start3A_266 : memref<1x!tpu.dma_semaphore, #tpu.memory_space<semaphore_mem>> -> memref<!tpu.dma_semaphore, #tpu.memory_space<semaphore_mem>>
      tpu.enqueue_indirect_dma source(%dma_start3A_259 : memref<128x16xf32, #tpu.memory_space<vmem>>) target(%dma_start3A_265 : memref<10000x16xf32, #tpu.memory_space<vmem_shared>>) offsets(%dma_start3A_262 : memref<128xi32, #tpu.memory_space<vmem>>) semaphore(%dma_start3A_267 : memref<!tpu.dma_semaphore, #tpu.memory_space<semaphore_mem>>) {add = true}
      %dma_wait3A_268 = arith.constant 0 : i32
      %dma_wait3A_269 = arith.constant 0 : i32
      %dma_wait3A_270 = arith.constant 0 : i32
      %dma_wait3A_271 = arith.constant 0 : i32
      %dma_wait3A_272 = tpu.memref_slice %arg8[%dma_wait3A_268, %dma_wait3A_270, %dma_wait3A_271] : memref<13x128x16xf32, #tpu.memory_space<vmem>> -> memref<1x128x16xf32, #tpu.memory_space<vmem>>
      %dma_wait3A_273 = tpu.memref_squeeze %dma_wait3A_272 : memref<1x128x16xf32, #tpu.memory_space<vmem>> -> memref<128x16xf32, #tpu.memory_space<vmem>>
      %dma_wait3A_274 = arith.constant 0 : i32
      %dma_wait3A_275 = arith.constant 0 : i32
      %dma_wait3A_276 = tpu.memref_slice %arg9[%dma_wait3A_274, %dma_wait3A_275] : memref<10000x16xf32, #tpu.memory_space<vmem_shared>> -> memref<128x16xf32, #tpu.memory_space<vmem_shared>>
      %dma_wait3A_277 = tpu.memref_slice %arg12[%dma_wait3A_269] : memref<13x!tpu.dma_semaphore, #tpu.memory_space<semaphore_mem>> -> memref<1x!tpu.dma_semaphore, #tpu.memory_space<semaphore_mem>>
      %dma_wait3A_278 = tpu.memref_squeeze %dma_wait3A_277 : memref<1x!tpu.dma_semaphore, #tpu.memory_space<semaphore_mem>> -> memref<!tpu.dma_semaphore, #tpu.memory_space<semaphore_mem>>
      %dma_wait3A_279 = arith.constant 0 : i32
      %dma_wait3A_280 = arith.constant 0 : i32
      %dma_wait3A_281 = tpu.memref_slice %arg9[%dma_wait3A_279, %dma_wait3A_280] : memref<10000x16xf32, #tpu.memory_space<vmem_shared>> -> memref<128x16xf32, #tpu.memory_space<vmem_shared>>
      %dma_wait3A_282 = arith.constant 0 : i32
      %dma_wait3A_283 = arith.constant 0 : i32
      %dma_wait3A_284 = tpu.memref_slice %arg8[%dma_wait3A_268, %dma_wait3A_282, %dma_wait3A_283] : memref<13x128x16xf32, #tpu.memory_space<vmem>> -> memref<1x128x16xf32, #tpu.memory_space<vmem>>
      %dma_wait3A_285 = tpu.memref_squeeze %dma_wait3A_284 : memref<1x128x16xf32, #tpu.memory_space<vmem>> -> memref<128x16xf32, #tpu.memory_space<vmem>>
      tpu.wait_dma2 semaphore(%dma_wait3A_278 : memref<!tpu.dma_semaphore, #tpu.memory_space<semaphore_mem>>) src(%dma_wait3A_285 : memref<128x16xf32, #tpu.memory_space<vmem>>) dst(%dma_wait3A_281 : memref<128x16xf32, #tpu.memory_space<vmem_shared>>)
    } else {
    }
    %barrier3A_234 = arith.constant 0 : index
    tpu.barrier barrier_id(%barrier3A_234)
    %mul3A_235 = arith.constant 625 : i32
    %mul3A_236 = arith.muli %arg1, %mul3A_235 : i32
    %mul3A_237 = arith.constant 625 : i32
    %mul3A_238 = arith.muli %arg1, %mul3A_237 : i32
    "tpu.region"() ({
      %run_scoped3A = tpu.sem_alloc : memref<!tpu.dma_semaphore, #tpu.memory_space<semaphore_mem>>
      %dma_start3A_239 = arith.constant 0 : i32
      %dma_start3A_240 = tpu.memref_slice %arg5[%arg0, %mul3A_238, %dma_start3A_239] : memref<2x10000x16xf32, #tpu.memory_space<hbm>> -> memref<1x625x16xf32, #tpu.memory_space<hbm>>
      %dma_start3A_241 = tpu.memref_squeeze %dma_start3A_240 : memref<1x625x16xf32, #tpu.memory_space<hbm>> -> memref<625x16xf32, #tpu.memory_space<hbm>>
      %dma_start3A_242 = arith.constant 0 : i32
      %dma_start3A_243 = tpu.memref_slice %arg9[%mul3A_236, %dma_start3A_242] : memref<10000x16xf32, #tpu.memory_space<vmem_shared>> -> memref<625x16xf32, #tpu.memory_space<vmem_shared>>
      tpu.enqueue_dma source(%dma_start3A_243 : memref<625x16xf32, #tpu.memory_space<vmem_shared>>) target(%dma_start3A_241 : memref<625x16xf32, #tpu.memory_space<hbm>>) target_semaphore(%run_scoped3A : memref<!tpu.dma_semaphore, #tpu.memory_space<semaphore_mem>>)
      %dma_wait3A = arith.constant 0 : i32
      %dma_wait3A_244 = tpu.memref_slice %arg5[%arg0, %mul3A_238, %dma_wait3A] : memref<2x10000x16xf32, #tpu.memory_space<hbm>> -> memref<1x625x16xf32, #tpu.memory_space<hbm>>
      %dma_wait3A_245 = tpu.memref_squeeze %dma_wait3A_244 : memref<1x625x16xf32, #tpu.memory_space<hbm>> -> memref<625x16xf32, #tpu.memory_space<hbm>>
      %dma_wait3A_246 = arith.constant 0 : i32
      %dma_wait3A_247 = tpu.memref_slice %arg9[%mul3A_236, %dma_wait3A_246] : memref<10000x16xf32, #tpu.memory_space<vmem_shared>> -> memref<625x16xf32, #tpu.memory_space<vmem_shared>>
      tpu.wait_dma2 semaphore(%run_scoped3A : memref<!tpu.dma_semaphore, #tpu.memory_space<semaphore_mem>>) src(%dma_wait3A_247 : memref<625x16xf32, #tpu.memory_space<vmem_shared>>) dst(%dma_wait3A_245 : memref<625x16xf32, #tpu.memory_space<hbm>>)
      tpu.yield
    }) : () -> ()
    return
  }
}

#map = affine_map<(d0, d1) -> (0, 0, 0)>
#map1 = affine_map<(d0, d1) -> (0)>
#map2 = affine_map<(d0, d1) -> (0, 0)>
module attributes {stable_mosaic.version = 14 : i64} {
  func.func @deg_kernel(%arg0: i32, %arg1: i32, %arg2: memref<2x2500x128xi32, #tpu.memory_space<hbm>>, %arg3: memref<128xf32, #tpu.memory_space<hbm>>, %arg4: memref<10000xf32, #tpu.memory_space<hbm>>, %arg5: memref<2x10000xf32, #tpu.memory_space<hbm>>, %arg6: memref<79x128xi32, #tpu.memory_space<vmem>>, %arg7: memref<128xf32, #tpu.memory_space<vmem>>, %arg8: memref<10000xf32, #tpu.memory_space<vmem_shared>>, %arg9: memref<!tpu.dma_semaphore, #tpu.memory_space<semaphore_mem>>) attributes {dimension_semantics = [#tpu.dimension_semantics<core_parallel>, #tpu.dimension_semantics<subcore_parallel>], iteration_bounds = array<i64: 2, 16>, scalar_prefetch = 0 : i64, scratch_operands = 4 : i64, tpu.core_type = #tpu.core_type<sc_vector_subcore>, window_params = [{transform_indices = #map}, {transform_indices = #map1}, {transform_indices = #map1}, {transform_indices = #map2}]} {
    %mul3A = arith.constant 16 : i32
    %mul3A_0 = arith.muli %arg0, %mul3A : i32
    %add3A = arith.addi %mul3A_0, %arg1 : i32
    %eq3A = arith.constant 0 : i32
    %eq3A_1 = arith.cmpi eq, %arg1, %eq3A : i32
    %convert_element_type3A = arith.extui %eq3A_1 : i1 to i32
    %cond3A = arith.constant 0 : i32
    %cond3A_2 = arith.cmpi ne, %convert_element_type3A, %cond3A : i32
    scf.if %cond3A_2 {
      "tpu.region"() ({
        %run_scoped3A = tpu.sem_alloc : memref<!tpu.dma_semaphore, #tpu.memory_space<semaphore_mem>>
        tpu.enqueue_dma source(%arg4 : memref<10000xf32, #tpu.memory_space<hbm>>) target(%arg8 : memref<10000xf32, #tpu.memory_space<vmem_shared>>) target_semaphore(%run_scoped3A : memref<!tpu.dma_semaphore, #tpu.memory_space<semaphore_mem>>)
        tpu.wait_dma2 semaphore(%run_scoped3A : memref<!tpu.dma_semaphore, #tpu.memory_space<semaphore_mem>>) src(%arg4 : memref<10000xf32, #tpu.memory_space<hbm>>) dst(%arg8 : memref<10000xf32, #tpu.memory_space<vmem_shared>>)
        tpu.yield
      }) : () -> ()
    } else {
    }
    %mul3A_3 = arith.constant 78 : i32
    %mul3A_4 = arith.muli %mul3A_3, %add3A : i32
    %min3A = arith.constant 4 : i32
    %min3A_5 = arith.minsi %add3A, %min3A : i32
    %add3A_6 = arith.addi %mul3A_4, %min3A_5 : i32
    %lt3A = arith.constant 4 : i32
    %lt3A_7 = arith.cmpi slt, %add3A, %lt3A : i32
    %convert_element_type3A_8 = arith.extui %lt3A_7 : i1 to i32
    %cond3A_9 = arith.constant 1 : i32
    %cond3A_10 = arith.constant 0 : i32
    %cond3A_11 = arith.cmpi ne, %convert_element_type3A_8, %cond3A_10 : i32
    scf.if %cond3A_11 {
      "tpu.region"() ({
        %run_scoped3A = tpu.sem_alloc : memref<!tpu.dma_semaphore, #tpu.memory_space<semaphore_mem>>
        %dma_start3A_110 = arith.constant 0 : i32
        %dma_start3A_111 = arith.constant 0 : i32
        %dma_start3A_112 = tpu.memref_slice %arg2[%cond3A_9, %dma_start3A_110, %dma_start3A_111] : memref<2x2500x128xi32, #tpu.memory_space<hbm>> -> memref<1x2500x128xi32, #tpu.memory_space<hbm>>
        %dma_start3A_113 = tpu.memref_squeeze %dma_start3A_112 : memref<1x2500x128xi32, #tpu.memory_space<hbm>> -> memref<2500x128xi32, #tpu.memory_space<hbm>>
        %dma_start3A_114 = arith.constant 0 : i32
        %dma_start3A_115 = tpu.memref_slice %dma_start3A_113[%add3A_6, %dma_start3A_114] : memref<2500x128xi32, #tpu.memory_space<hbm>> -> memref<79x128xi32, #tpu.memory_space<hbm>>
        %dma_start3A_116 = arith.constant 0 : i32
        %dma_start3A_117 = arith.constant 0 : i32
        %dma_start3A_118 = tpu.memref_slice %arg2[%cond3A_9, %dma_start3A_116, %dma_start3A_117] : memref<2x2500x128xi32, #tpu.memory_space<hbm>> -> memref<1x2500x128xi32, #tpu.memory_space<hbm>>
        %dma_start3A_119 = tpu.memref_squeeze %dma_start3A_118 : memref<1x2500x128xi32, #tpu.memory_space<hbm>> -> memref<2500x128xi32, #tpu.memory_space<hbm>>
        %dma_start3A_120 = arith.constant 0 : i32
        %dma_start3A_121 = tpu.memref_slice %dma_start3A_119[%add3A_6, %dma_start3A_120] : memref<2500x128xi32, #tpu.memory_space<hbm>> -> memref<79x128xi32, #tpu.memory_space<hbm>>
        tpu.enqueue_dma source(%dma_start3A_121 : memref<79x128xi32, #tpu.memory_space<hbm>>) target(%arg6 : memref<79x128xi32, #tpu.memory_space<vmem>>) target_semaphore(%run_scoped3A : memref<!tpu.dma_semaphore, #tpu.memory_space<semaphore_mem>>)
        %dma_wait3A_122 = arith.constant 0 : i32
        %dma_wait3A_123 = arith.constant 0 : i32
        %dma_wait3A_124 = tpu.memref_slice %arg2[%cond3A_9, %dma_wait3A_122, %dma_wait3A_123] : memref<2x2500x128xi32, #tpu.memory_space<hbm>> -> memref<1x2500x128xi32, #tpu.memory_space<hbm>>
        %dma_wait3A_125 = tpu.memref_squeeze %dma_wait3A_124 : memref<1x2500x128xi32, #tpu.memory_space<hbm>> -> memref<2500x128xi32, #tpu.memory_space<hbm>>
        %dma_wait3A_126 = arith.constant 0 : i32
        %dma_wait3A_127 = tpu.memref_slice %dma_wait3A_125[%add3A_6, %dma_wait3A_126] : memref<2500x128xi32, #tpu.memory_space<hbm>> -> memref<79x128xi32, #tpu.memory_space<hbm>>
        %dma_wait3A_128 = arith.constant 0 : i32
        %dma_wait3A_129 = arith.constant 0 : i32
        %dma_wait3A_130 = tpu.memref_slice %arg2[%cond3A_9, %dma_wait3A_128, %dma_wait3A_129] : memref<2x2500x128xi32, #tpu.memory_space<hbm>> -> memref<1x2500x128xi32, #tpu.memory_space<hbm>>
        %dma_wait3A_131 = tpu.memref_squeeze %dma_wait3A_130 : memref<1x2500x128xi32, #tpu.memory_space<hbm>> -> memref<2500x128xi32, #tpu.memory_space<hbm>>
        %dma_wait3A_132 = arith.constant 0 : i32
        %dma_wait3A_133 = tpu.memref_slice %dma_wait3A_131[%add3A_6, %dma_wait3A_132] : memref<2500x128xi32, #tpu.memory_space<hbm>> -> memref<79x128xi32, #tpu.memory_space<hbm>>
        tpu.wait_dma2 semaphore(%run_scoped3A : memref<!tpu.dma_semaphore, #tpu.memory_space<semaphore_mem>>) src(%dma_wait3A_133 : memref<79x128xi32, #tpu.memory_space<hbm>>) dst(%arg6 : memref<79x128xi32, #tpu.memory_space<vmem>>)
        tpu.yield
      }) : () -> ()
    } else {
    }
    %ge3A = arith.constant 4 : i32
    %ge3A_12 = arith.cmpi sge, %add3A, %ge3A : i32
    %convert_element_type3A_13 = arith.extui %ge3A_12 : i1 to i32
    %cond3A_14 = arith.constant 1 : i32
    %cond3A_15 = arith.constant 0 : i32
    %cond3A_16 = arith.cmpi ne, %convert_element_type3A_13, %cond3A_15 : i32
    scf.if %cond3A_16 {
      "tpu.region"() ({
        %run_scoped3A = tpu.sem_alloc : memref<!tpu.dma_semaphore, #tpu.memory_space<semaphore_mem>>
        %dma_start3A_110 = arith.constant 0 : i32
        %dma_start3A_111 = arith.constant 0 : i32
        %dma_start3A_112 = tpu.memref_slice %arg6[%dma_start3A_110, %dma_start3A_111] : memref<79x128xi32, #tpu.memory_space<vmem>> -> memref<78x128xi32, #tpu.memory_space<vmem>>
        %dma_start3A_113 = arith.constant 0 : i32
        %dma_start3A_114 = arith.constant 0 : i32
        %dma_start3A_115 = tpu.memref_slice %arg2[%cond3A_14, %dma_start3A_113, %dma_start3A_114] : memref<2x2500x128xi32, #tpu.memory_space<hbm>> -> memref<1x2500x128xi32, #tpu.memory_space<hbm>>
        %dma_start3A_116 = tpu.memref_squeeze %dma_start3A_115 : memref<1x2500x128xi32, #tpu.memory_space<hbm>> -> memref<2500x128xi32, #tpu.memory_space<hbm>>
        %dma_start3A_117 = arith.constant 0 : i32
        %dma_start3A_118 = tpu.memref_slice %dma_start3A_116[%add3A_6, %dma_start3A_117] : memref<2500x128xi32, #tpu.memory_space<hbm>> -> memref<78x128xi32, #tpu.memory_space<hbm>>
        %dma_start3A_119 = arith.constant 0 : i32
        %dma_start3A_120 = arith.constant 0 : i32
        %dma_start3A_121 = tpu.memref_slice %arg6[%dma_start3A_119, %dma_start3A_120] : memref<79x128xi32, #tpu.memory_space<vmem>> -> memref<78x128xi32, #tpu.memory_space<vmem>>
        %dma_start3A_122 = arith.constant 0 : i32
        %dma_start3A_123 = arith.constant 0 : i32
        %dma_start3A_124 = tpu.memref_slice %arg2[%cond3A_14, %dma_start3A_122, %dma_start3A_123] : memref<2x2500x128xi32, #tpu.memory_space<hbm>> -> memref<1x2500x128xi32, #tpu.memory_space<hbm>>
        %dma_start3A_125 = tpu.memref_squeeze %dma_start3A_124 : memref<1x2500x128xi32, #tpu.memory_space<hbm>> -> memref<2500x128xi32, #tpu.memory_space<hbm>>
        %dma_start3A_126 = arith.constant 0 : i32
        %dma_start3A_127 = tpu.memref_slice %dma_start3A_125[%add3A_6, %dma_start3A_126] : memref<2500x128xi32, #tpu.memory_space<hbm>> -> memref<78x128xi32, #tpu.memory_space<hbm>>
        tpu.enqueue_dma source(%dma_start3A_127 : memref<78x128xi32, #tpu.memory_space<hbm>>) target(%dma_start3A_121 : memref<78x128xi32, #tpu.memory_space<vmem>>) target_semaphore(%run_scoped3A : memref<!tpu.dma_semaphore, #tpu.memory_space<semaphore_mem>>)
        %dma_wait3A_128 = arith.constant 0 : i32
        %dma_wait3A_129 = arith.constant 0 : i32
        %dma_wait3A_130 = tpu.memref_slice %arg6[%dma_wait3A_128, %dma_wait3A_129] : memref<79x128xi32, #tpu.memory_space<vmem>> -> memref<78x128xi32, #tpu.memory_space<vmem>>
        %dma_wait3A_131 = arith.constant 0 : i32
        %dma_wait3A_132 = arith.constant 0 : i32
        %dma_wait3A_133 = tpu.memref_slice %arg2[%cond3A_14, %dma_wait3A_131, %dma_wait3A_132] : memref<2x2500x128xi32, #tpu.memory_space<hbm>> -> memref<1x2500x128xi32, #tpu.memory_space<hbm>>
        %dma_wait3A_134 = tpu.memref_squeeze %dma_wait3A_133 : memref<1x2500x128xi32, #tpu.memory_space<hbm>> -> memref<2500x128xi32, #tpu.memory_space<hbm>>
        %dma_wait3A_135 = arith.constant 0 : i32
        %dma_wait3A_136 = tpu.memref_slice %dma_wait3A_134[%add3A_6, %dma_wait3A_135] : memref<2500x128xi32, #tpu.memory_space<hbm>> -> memref<78x128xi32, #tpu.memory_space<hbm>>
        %dma_wait3A_137 = arith.constant 0 : i32
        %dma_wait3A_138 = arith.constant 0 : i32
        %dma_wait3A_139 = tpu.memref_slice %arg6[%dma_wait3A_137, %dma_wait3A_138] : memref<79x128xi32, #tpu.memory_space<vmem>> -> memref<78x128xi32, #tpu.memory_space<vmem>>
        %dma_wait3A_140 = arith.constant 0 : i32
        %dma_wait3A_141 = arith.constant 0 : i32
        %dma_wait3A_142 = tpu.memref_slice %arg2[%cond3A_14, %dma_wait3A_140, %dma_wait3A_141] : memref<2x2500x128xi32, #tpu.memory_space<hbm>> -> memref<1x2500x128xi32, #tpu.memory_space<hbm>>
        %dma_wait3A_143 = tpu.memref_squeeze %dma_wait3A_142 : memref<1x2500x128xi32, #tpu.memory_space<hbm>> -> memref<2500x128xi32, #tpu.memory_space<hbm>>
        %dma_wait3A_144 = arith.constant 0 : i32
        %dma_wait3A_145 = tpu.memref_slice %dma_wait3A_143[%add3A_6, %dma_wait3A_144] : memref<2500x128xi32, #tpu.memory_space<hbm>> -> memref<78x128xi32, #tpu.memory_space<hbm>>
        tpu.wait_dma2 semaphore(%run_scoped3A : memref<!tpu.dma_semaphore, #tpu.memory_space<semaphore_mem>>) src(%dma_wait3A_145 : memref<78x128xi32, #tpu.memory_space<hbm>>) dst(%dma_wait3A_139 : memref<78x128xi32, #tpu.memory_space<vmem>>)
        tpu.yield
      }) : () -> ()
    } else {
    }
    "tpu.region"() ({
      %run_scoped3A = tpu.sem_alloc : memref<!tpu.dma_semaphore, #tpu.memory_space<semaphore_mem>>
      tpu.enqueue_dma source(%arg3 : memref<128xf32, #tpu.memory_space<hbm>>) target(%arg7 : memref<128xf32, #tpu.memory_space<vmem>>) target_semaphore(%run_scoped3A : memref<!tpu.dma_semaphore, #tpu.memory_space<semaphore_mem>>)
      tpu.wait_dma2 semaphore(%run_scoped3A : memref<!tpu.dma_semaphore, #tpu.memory_space<semaphore_mem>>) src(%arg3 : memref<128xf32, #tpu.memory_space<hbm>>) dst(%arg7 : memref<128xf32, #tpu.memory_space<vmem>>)
      tpu.yield
    }) : () -> ()
    %barrier3A = arith.constant 0 : index
    tpu.barrier barrier_id(%barrier3A)
    %dma_start3A = arith.constant 0 : i32
    %dma_start3A_17 = arith.constant 0 : i32
    %dma_start3A_18 = tpu.memref_slice %arg6[%dma_start3A, %dma_start3A_17] : memref<79x128xi32, #tpu.memory_space<vmem>> -> memref<1x128xi32, #tpu.memory_space<vmem>>
    %dma_start3A_19 = tpu.memref_squeeze %dma_start3A_18 : memref<1x128xi32, #tpu.memory_space<vmem>> -> memref<128xi32, #tpu.memory_space<vmem>>
    %dma_start3A_20 = arith.constant 0 : i32
    %dma_start3A_21 = tpu.memref_slice %arg8[%dma_start3A_20] : memref<10000xf32, #tpu.memory_space<vmem_shared>> -> memref<10000xf32, #tpu.memory_space<vmem_shared>>
    tpu.enqueue_indirect_dma source(%arg7 : memref<128xf32, #tpu.memory_space<vmem>>) target(%dma_start3A_21 : memref<10000xf32, #tpu.memory_space<vmem_shared>>) offsets(%dma_start3A_19 : memref<128xi32, #tpu.memory_space<vmem>>) semaphore(%arg9 : memref<!tpu.dma_semaphore, #tpu.memory_space<semaphore_mem>>) {add = true}
    %dma_start3A_22 = arith.constant 1 : i32
    %dma_start3A_23 = arith.constant 0 : i32
    %dma_start3A_24 = tpu.memref_slice %arg6[%dma_start3A_22, %dma_start3A_23] : memref<79x128xi32, #tpu.memory_space<vmem>> -> memref<1x128xi32, #tpu.memory_space<vmem>>
    %dma_start3A_25 = tpu.memref_squeeze %dma_start3A_24 : memref<1x128xi32, #tpu.memory_space<vmem>> -> memref<128xi32, #tpu.memory_space<vmem>>
    %dma_start3A_26 = arith.constant 0 : i32
    %dma_start3A_27 = tpu.memref_slice %arg8[%dma_start3A_26] : memref<10000xf32, #tpu.memory_space<vmem_shared>> -> memref<10000xf32, #tpu.memory_space<vmem_shared>>
    tpu.enqueue_indirect_dma source(%arg7 : memref<128xf32, #tpu.memory_space<vmem>>) target(%dma_start3A_27 : memref<10000xf32, #tpu.memory_space<vmem_shared>>) offsets(%dma_start3A_25 : memref<128xi32, #tpu.memory_space<vmem>>) semaphore(%arg9 : memref<!tpu.dma_semaphore, #tpu.memory_space<semaphore_mem>>) {add = true}
    %dma_start3A_28 = arith.constant 2 : i32
    %dma_start3A_29 = arith.constant 0 : i32
    %dma_start3A_30 = tpu.memref_slice %arg6[%dma_start3A_28, %dma_start3A_29] : memref<79x128xi32, #tpu.memory_space<vmem>> -> memref<1x128xi32, #tpu.memory_space<vmem>>
    %dma_start3A_31 = tpu.memref_squeeze %dma_start3A_30 : memref<1x128xi32, #tpu.memory_space<vmem>> -> memref<128xi32, #tpu.memory_space<vmem>>
    %dma_start3A_32 = arith.constant 0 : i32
    %dma_start3A_33 = tpu.memref_slice %arg8[%dma_start3A_32] : memref<10000xf32, #tpu.memory_space<vmem_shared>> -> memref<10000xf32, #tpu.memory_space<vmem_shared>>
    tpu.enqueue_indirect_dma source(%arg7 : memref<128xf32, #tpu.memory_space<vmem>>) target(%dma_start3A_33 : memref<10000xf32, #tpu.memory_space<vmem_shared>>) offsets(%dma_start3A_31 : memref<128xi32, #tpu.memory_space<vmem>>) semaphore(%arg9 : memref<!tpu.dma_semaphore, #tpu.memory_space<semaphore_mem>>) {add = true}
    %dma_start3A_34 = arith.constant 3 : i32
    %dma_start3A_35 = arith.constant 0 : i32
    %dma_start3A_36 = tpu.memref_slice %arg6[%dma_start3A_34, %dma_start3A_35] : memref<79x128xi32, #tpu.memory_space<vmem>> -> memref<1x128xi32, #tpu.memory_space<vmem>>
    %dma_start3A_37 = tpu.memref_squeeze %dma_start3A_36 : memref<1x128xi32, #tpu.memory_space<vmem>> -> memref<128xi32, #tpu.memory_space<vmem>>
    %dma_start3A_38 = arith.constant 0 : i32
    %dma_start3A_39 = tpu.memref_slice %arg8[%dma_start3A_38] : memref<10000xf32, #tpu.memory_space<vmem_shared>> -> memref<10000xf32, #tpu.memory_space<vmem_shared>>
    tpu.enqueue_indirect_dma source(%arg7 : memref<128xf32, #tpu.memory_space<vmem>>) target(%dma_start3A_39 : memref<10000xf32, #tpu.memory_space<vmem_shared>>) offsets(%dma_start3A_37 : memref<128xi32, #tpu.memory_space<vmem>>) semaphore(%arg9 : memref<!tpu.dma_semaphore, #tpu.memory_space<semaphore_mem>>) {add = true}
    %dma_start3A_40 = arith.constant 4 : i32
    %dma_start3A_41 = arith.constant 0 : i32
    %dma_start3A_42 = tpu.memref_slice %arg6[%dma_start3A_40, %dma_start3A_41] : memref<79x128xi32, #tpu.memory_space<vmem>> -> memref<1x128xi32, #tpu.memory_space<vmem>>
    %dma_start3A_43 = tpu.memref_squeeze %dma_start3A_42 : memref<1x128xi32, #tpu.memory_space<vmem>> -> memref<128xi32, #tpu.memory_space<vmem>>
    %dma_start3A_44 = arith.constant 0 : i32
    %dma_start3A_45 = tpu.memref_slice %arg8[%dma_start3A_44] : memref<10000xf32, #tpu.memory_space<vmem_shared>> -> memref<10000xf32, #tpu.memory_space<vmem_shared>>
    tpu.enqueue_indirect_dma source(%arg7 : memref<128xf32, #tpu.memory_space<vmem>>) target(%dma_start3A_45 : memref<10000xf32, #tpu.memory_space<vmem_shared>>) offsets(%dma_start3A_43 : memref<128xi32, #tpu.memory_space<vmem>>) semaphore(%arg9 : memref<!tpu.dma_semaphore, #tpu.memory_space<semaphore_mem>>) {add = true}
    %dma_start3A_46 = arith.constant 5 : i32
    %dma_start3A_47 = arith.constant 0 : i32
    %dma_start3A_48 = tpu.memref_slice %arg6[%dma_start3A_46, %dma_start3A_47] : memref<79x128xi32, #tpu.memory_space<vmem>> -> memref<1x128xi32, #tpu.memory_space<vmem>>
    %dma_start3A_49 = tpu.memref_squeeze %dma_start3A_48 : memref<1x128xi32, #tpu.memory_space<vmem>> -> memref<128xi32, #tpu.memory_space<vmem>>
    %dma_start3A_50 = arith.constant 0 : i32
    %dma_start3A_51 = tpu.memref_slice %arg8[%dma_start3A_50] : memref<10000xf32, #tpu.memory_space<vmem_shared>> -> memref<10000xf32, #tpu.memory_space<vmem_shared>>
    tpu.enqueue_indirect_dma source(%arg7 : memref<128xf32, #tpu.memory_space<vmem>>) target(%dma_start3A_51 : memref<10000xf32, #tpu.memory_space<vmem_shared>>) offsets(%dma_start3A_49 : memref<128xi32, #tpu.memory_space<vmem>>) semaphore(%arg9 : memref<!tpu.dma_semaphore, #tpu.memory_space<semaphore_mem>>) {add = true}
    %dma_start3A_52 = arith.constant 6 : i32
    %dma_start3A_53 = arith.constant 0 : i32
    %dma_start3A_54 = tpu.memref_slice %arg6[%dma_start3A_52, %dma_start3A_53] : memref<79x128xi32, #tpu.memory_space<vmem>> -> memref<1x128xi32, #tpu.memory_space<vmem>>
    %dma_start3A_55 = tpu.memref_squeeze %dma_start3A_54 : memref<1x128xi32, #tpu.memory_space<vmem>> -> memref<128xi32, #tpu.memory_space<vmem>>
    %dma_start3A_56 = arith.constant 0 : i32
    %dma_start3A_57 = tpu.memref_slice %arg8[%dma_start3A_56] : memref<10000xf32, #tpu.memory_space<vmem_shared>> -> memref<10000xf32, #tpu.memory_space<vmem_shared>>
    tpu.enqueue_indirect_dma source(%arg7 : memref<128xf32, #tpu.memory_space<vmem>>) target(%dma_start3A_57 : memref<10000xf32, #tpu.memory_space<vmem_shared>>) offsets(%dma_start3A_55 : memref<128xi32, #tpu.memory_space<vmem>>) semaphore(%arg9 : memref<!tpu.dma_semaphore, #tpu.memory_space<semaphore_mem>>) {add = true}
    %dma_start3A_58 = arith.constant 7 : i32
    %dma_start3A_59 = arith.constant 0 : i32
    %dma_start3A_60 = tpu.memref_slice %arg6[%dma_start3A_58, %dma_start3A_59] : memref<79x128xi32, #tpu.memory_space<vmem>> -> memref<1x128xi32, #tpu.memory_space<vmem>>
    %dma_start3A_61 = tpu.memref_squeeze %dma_start3A_60 : memref<1x128xi32, #tpu.memory_space<vmem>> -> memref<128xi32, #tpu.memory_space<vmem>>
    %dma_start3A_62 = arith.constant 0 : i32
    %dma_start3A_63 = tpu.memref_slice %arg8[%dma_start3A_62] : memref<10000xf32, #tpu.memory_space<vmem_shared>> -> memref<10000xf32, #tpu.memory_space<vmem_shared>>
    tpu.enqueue_indirect_dma source(%arg7 : memref<128xf32, #tpu.memory_space<vmem>>) target(%dma_start3A_63 : memref<10000xf32, #tpu.memory_space<vmem_shared>>) offsets(%dma_start3A_61 : memref<128xi32, #tpu.memory_space<vmem>>) semaphore(%arg9 : memref<!tpu.dma_semaphore, #tpu.memory_space<semaphore_mem>>) {add = true}
    %scan3A = arith.constant 0 : i32
    %scan3A_64 = arith.constant 70 : i32
    %scan3A_65 = arith.addi %scan3A, %scan3A_64 : i32
    %scan3A_66 = arith.constant 1 : i32
    scf.for %scan3A_110 = %scan3A to %scan3A_65 step %scan3A_66  : i32 {
      %mul3A_111 = arith.constant 1 : i32
      %mul3A_112 = arith.muli %scan3A_110, %mul3A_111 : i32
      %add3A_113 = arith.constant 8 : i32
      %add3A_114 = arith.addi %add3A_113, %mul3A_112 : i32
      %dma_wait3A_115 = arith.constant 0 : i32
      %dma_wait3A_116 = tpu.memref_slice %arg8[%dma_wait3A_115] : memref<10000xf32, #tpu.memory_space<vmem_shared>> -> memref<128xf32, #tpu.memory_space<vmem_shared>>
      %dma_wait3A_117 = arith.constant 0 : i32
      %dma_wait3A_118 = tpu.memref_slice %arg8[%dma_wait3A_117] : memref<10000xf32, #tpu.memory_space<vmem_shared>> -> memref<128xf32, #tpu.memory_space<vmem_shared>>
      tpu.wait_dma2 semaphore(%arg9 : memref<!tpu.dma_semaphore, #tpu.memory_space<semaphore_mem>>) src(%arg7 : memref<128xf32, #tpu.memory_space<vmem>>) dst(%dma_wait3A_118 : memref<128xf32, #tpu.memory_space<vmem_shared>>)
      %dma_start3A_119 = arith.constant 0 : i32
      %dma_start3A_120 = tpu.memref_slice %arg6[%add3A_114, %dma_start3A_119] : memref<79x128xi32, #tpu.memory_space<vmem>> -> memref<1x128xi32, #tpu.memory_space<vmem>>
      %dma_start3A_121 = tpu.memref_squeeze %dma_start3A_120 : memref<1x128xi32, #tpu.memory_space<vmem>> -> memref<128xi32, #tpu.memory_space<vmem>>
      %dma_start3A_122 = arith.constant 0 : i32
      %dma_start3A_123 = tpu.memref_slice %arg8[%dma_start3A_122] : memref<10000xf32, #tpu.memory_space<vmem_shared>> -> memref<10000xf32, #tpu.memory_space<vmem_shared>>
      tpu.enqueue_indirect_dma source(%arg7 : memref<128xf32, #tpu.memory_space<vmem>>) target(%dma_start3A_123 : memref<10000xf32, #tpu.memory_space<vmem_shared>>) offsets(%dma_start3A_121 : memref<128xi32, #tpu.memory_space<vmem>>) semaphore(%arg9 : memref<!tpu.dma_semaphore, #tpu.memory_space<semaphore_mem>>) {add = true}
    }
    %scan3A_67 = arith.constant 70 : i32
    %lt3A_68 = arith.constant 4 : i32
    %lt3A_69 = arith.cmpi slt, %add3A, %lt3A_68 : i32
    %convert_element_type3A_70 = arith.extui %lt3A_69 : i1 to i32
    %cond3A_71 = arith.constant 0 : i32
    %cond3A_72 = arith.cmpi ne, %convert_element_type3A_70, %cond3A_71 : i32
    scf.if %cond3A_72 {
      %dma_wait3A_110 = arith.constant 0 : i32
      %dma_wait3A_111 = tpu.memref_slice %arg8[%dma_wait3A_110] : memref<10000xf32, #tpu.memory_space<vmem_shared>> -> memref<128xf32, #tpu.memory_space<vmem_shared>>
      %dma_wait3A_112 = arith.constant 0 : i32
      %dma_wait3A_113 = tpu.memref_slice %arg8[%dma_wait3A_112] : memref<10000xf32, #tpu.memory_space<vmem_shared>> -> memref<128xf32, #tpu.memory_space<vmem_shared>>
      tpu.wait_dma2 semaphore(%arg9 : memref<!tpu.dma_semaphore, #tpu.memory_space<semaphore_mem>>) src(%arg7 : memref<128xf32, #tpu.memory_space<vmem>>) dst(%dma_wait3A_113 : memref<128xf32, #tpu.memory_space<vmem_shared>>)
      %dma_start3A_114 = arith.constant 78 : i32
      %dma_start3A_115 = arith.constant 0 : i32
      %dma_start3A_116 = tpu.memref_slice %arg6[%dma_start3A_114, %dma_start3A_115] : memref<79x128xi32, #tpu.memory_space<vmem>> -> memref<1x128xi32, #tpu.memory_space<vmem>>
      %dma_start3A_117 = tpu.memref_squeeze %dma_start3A_116 : memref<1x128xi32, #tpu.memory_space<vmem>> -> memref<128xi32, #tpu.memory_space<vmem>>
      %dma_start3A_118 = arith.constant 0 : i32
      %dma_start3A_119 = tpu.memref_slice %arg8[%dma_start3A_118] : memref<10000xf32, #tpu.memory_space<vmem_shared>> -> memref<10000xf32, #tpu.memory_space<vmem_shared>>
      tpu.enqueue_indirect_dma source(%arg7 : memref<128xf32, #tpu.memory_space<vmem>>) target(%dma_start3A_119 : memref<10000xf32, #tpu.memory_space<vmem_shared>>) offsets(%dma_start3A_117 : memref<128xi32, #tpu.memory_space<vmem>>) semaphore(%arg9 : memref<!tpu.dma_semaphore, #tpu.memory_space<semaphore_mem>>) {add = true}
    } else {
    }
    %dma_wait3A = arith.constant 0 : i32
    %dma_wait3A_73 = tpu.memref_slice %arg8[%dma_wait3A] : memref<10000xf32, #tpu.memory_space<vmem_shared>> -> memref<128xf32, #tpu.memory_space<vmem_shared>>
    %dma_wait3A_74 = arith.constant 0 : i32
    %dma_wait3A_75 = tpu.memref_slice %arg8[%dma_wait3A_74] : memref<10000xf32, #tpu.memory_space<vmem_shared>> -> memref<128xf32, #tpu.memory_space<vmem_shared>>
    tpu.wait_dma2 semaphore(%arg9 : memref<!tpu.dma_semaphore, #tpu.memory_space<semaphore_mem>>) src(%arg7 : memref<128xf32, #tpu.memory_space<vmem>>) dst(%dma_wait3A_75 : memref<128xf32, #tpu.memory_space<vmem_shared>>)
    %dma_wait3A_76 = arith.constant 0 : i32
    %dma_wait3A_77 = tpu.memref_slice %arg8[%dma_wait3A_76] : memref<10000xf32, #tpu.memory_space<vmem_shared>> -> memref<128xf32, #tpu.memory_space<vmem_shared>>
    %dma_wait3A_78 = arith.constant 0 : i32
    %dma_wait3A_79 = tpu.memref_slice %arg8[%dma_wait3A_78] : memref<10000xf32, #tpu.memory_space<vmem_shared>> -> memref<128xf32, #tpu.memory_space<vmem_shared>>
    tpu.wait_dma2 semaphore(%arg9 : memref<!tpu.dma_semaphore, #tpu.memory_space<semaphore_mem>>) src(%arg7 : memref<128xf32, #tpu.memory_space<vmem>>) dst(%dma_wait3A_79 : memref<128xf32, #tpu.memory_space<vmem_shared>>)
    %dma_wait3A_80 = arith.constant 0 : i32
    %dma_wait3A_81 = tpu.memref_slice %arg8[%dma_wait3A_80] : memref<10000xf32, #tpu.memory_space<vmem_shared>> -> memref<128xf32, #tpu.memory_space<vmem_shared>>
    %dma_wait3A_82 = arith.constant 0 : i32
    %dma_wait3A_83 = tpu.memref_slice %arg8[%dma_wait3A_82] : memref<10000xf32, #tpu.memory_space<vmem_shared>> -> memref<128xf32, #tpu.memory_space<vmem_shared>>
    tpu.wait_dma2 semaphore(%arg9 : memref<!tpu.dma_semaphore, #tpu.memory_space<semaphore_mem>>) src(%arg7 : memref<128xf32, #tpu.memory_space<vmem>>) dst(%dma_wait3A_83 : memref<128xf32, #tpu.memory_space<vmem_shared>>)
    %dma_wait3A_84 = arith.constant 0 : i32
    %dma_wait3A_85 = tpu.memref_slice %arg8[%dma_wait3A_84] : memref<10000xf32, #tpu.memory_space<vmem_shared>> -> memref<128xf32, #tpu.memory_space<vmem_shared>>
    %dma_wait3A_86 = arith.constant 0 : i32
    %dma_wait3A_87 = tpu.memref_slice %arg8[%dma_wait3A_86] : memref<10000xf32, #tpu.memory_space<vmem_shared>> -> memref<128xf32, #tpu.memory_space<vmem_shared>>
    tpu.wait_dma2 semaphore(%arg9 : memref<!tpu.dma_semaphore, #tpu.memory_space<semaphore_mem>>) src(%arg7 : memref<128xf32, #tpu.memory_space<vmem>>) dst(%dma_wait3A_87 : memref<128xf32, #tpu.memory_space<vmem_shared>>)
    %dma_wait3A_88 = arith.constant 0 : i32
    %dma_wait3A_89 = tpu.memref_slice %arg8[%dma_wait3A_88] : memref<10000xf32, #tpu.memory_space<vmem_shared>> -> memref<128xf32, #tpu.memory_space<vmem_shared>>
    %dma_wait3A_90 = arith.constant 0 : i32
    %dma_wait3A_91 = tpu.memref_slice %arg8[%dma_wait3A_90] : memref<10000xf32, #tpu.memory_space<vmem_shared>> -> memref<128xf32, #tpu.memory_space<vmem_shared>>
    tpu.wait_dma2 semaphore(%arg9 : memref<!tpu.dma_semaphore, #tpu.memory_space<semaphore_mem>>) src(%arg7 : memref<128xf32, #tpu.memory_space<vmem>>) dst(%dma_wait3A_91 : memref<128xf32, #tpu.memory_space<vmem_shared>>)
    %dma_wait3A_92 = arith.constant 0 : i32
    %dma_wait3A_93 = tpu.memref_slice %arg8[%dma_wait3A_92] : memref<10000xf32, #tpu.memory_space<vmem_shared>> -> memref<128xf32, #tpu.memory_space<vmem_shared>>
    %dma_wait3A_94 = arith.constant 0 : i32
    %dma_wait3A_95 = tpu.memref_slice %arg8[%dma_wait3A_94] : memref<10000xf32, #tpu.memory_space<vmem_shared>> -> memref<128xf32, #tpu.memory_space<vmem_shared>>
    tpu.wait_dma2 semaphore(%arg9 : memref<!tpu.dma_semaphore, #tpu.memory_space<semaphore_mem>>) src(%arg7 : memref<128xf32, #tpu.memory_space<vmem>>) dst(%dma_wait3A_95 : memref<128xf32, #tpu.memory_space<vmem_shared>>)
    %dma_wait3A_96 = arith.constant 0 : i32
    %dma_wait3A_97 = tpu.memref_slice %arg8[%dma_wait3A_96] : memref<10000xf32, #tpu.memory_space<vmem_shared>> -> memref<128xf32, #tpu.memory_space<vmem_shared>>
    %dma_wait3A_98 = arith.constant 0 : i32
    %dma_wait3A_99 = tpu.memref_slice %arg8[%dma_wait3A_98] : memref<10000xf32, #tpu.memory_space<vmem_shared>> -> memref<128xf32, #tpu.memory_space<vmem_shared>>
    tpu.wait_dma2 semaphore(%arg9 : memref<!tpu.dma_semaphore, #tpu.memory_space<semaphore_mem>>) src(%arg7 : memref<128xf32, #tpu.memory_space<vmem>>) dst(%dma_wait3A_99 : memref<128xf32, #tpu.memory_space<vmem_shared>>)
    %dma_wait3A_100 = arith.constant 0 : i32
    %dma_wait3A_101 = tpu.memref_slice %arg8[%dma_wait3A_100] : memref<10000xf32, #tpu.memory_space<vmem_shared>> -> memref<128xf32, #tpu.memory_space<vmem_shared>>
    %dma_wait3A_102 = arith.constant 0 : i32
    %dma_wait3A_103 = tpu.memref_slice %arg8[%dma_wait3A_102] : memref<10000xf32, #tpu.memory_space<vmem_shared>> -> memref<128xf32, #tpu.memory_space<vmem_shared>>
    tpu.wait_dma2 semaphore(%arg9 : memref<!tpu.dma_semaphore, #tpu.memory_space<semaphore_mem>>) src(%arg7 : memref<128xf32, #tpu.memory_space<vmem>>) dst(%dma_wait3A_103 : memref<128xf32, #tpu.memory_space<vmem_shared>>)
    %barrier3A_104 = arith.constant 0 : index
    tpu.barrier barrier_id(%barrier3A_104)
    %eq3A_105 = arith.constant 0 : i32
    %eq3A_106 = arith.cmpi eq, %arg1, %eq3A_105 : i32
    %convert_element_type3A_107 = arith.extui %eq3A_106 : i1 to i32
    %cond3A_108 = arith.constant 0 : i32
    %cond3A_109 = arith.cmpi ne, %convert_element_type3A_107, %cond3A_108 : i32
    scf.if %cond3A_109 {
      "tpu.region"() ({
        %run_scoped3A = tpu.sem_alloc : memref<!tpu.dma_semaphore, #tpu.memory_space<semaphore_mem>>
        %dma_start3A_110 = arith.constant 0 : i32
        %dma_start3A_111 = tpu.memref_slice %arg5[%arg0, %dma_start3A_110] : memref<2x10000xf32, #tpu.memory_space<hbm>> -> memref<1x10000xf32, #tpu.memory_space<hbm>>
        %dma_start3A_112 = tpu.memref_squeeze %dma_start3A_111 : memref<1x10000xf32, #tpu.memory_space<hbm>> -> memref<10000xf32, #tpu.memory_space<hbm>>
        tpu.enqueue_dma source(%arg8 : memref<10000xf32, #tpu.memory_space<vmem_shared>>) target(%dma_start3A_112 : memref<10000xf32, #tpu.memory_space<hbm>>) target_semaphore(%run_scoped3A : memref<!tpu.dma_semaphore, #tpu.memory_space<semaphore_mem>>)
        %dma_wait3A_113 = arith.constant 0 : i32
        %dma_wait3A_114 = tpu.memref_slice %arg5[%arg0, %dma_wait3A_113] : memref<2x10000xf32, #tpu.memory_space<hbm>> -> memref<1x10000xf32, #tpu.memory_space<hbm>>
        %dma_wait3A_115 = tpu.memref_squeeze %dma_wait3A_114 : memref<1x10000xf32, #tpu.memory_space<hbm>> -> memref<10000xf32, #tpu.memory_space<hbm>>
        tpu.wait_dma2 semaphore(%run_scoped3A : memref<!tpu.dma_semaphore, #tpu.memory_space<semaphore_mem>>) src(%arg8 : memref<10000xf32, #tpu.memory_space<vmem_shared>>) dst(%dma_wait3A_115 : memref<10000xf32, #tpu.memory_space<hbm>>)
        tpu.yield
      }) : () -> ()
    } else {
    }
    return
  }
}

module attributes {stable_mosaic.version = 14 : i64} {
  func.func @_k2_body(%arg0: memref<2x10000xf32, #tpu.memory_space<vmem>>, %arg1: memref<10000x128xf32, #tpu.memory_space<vmem>>, %arg2: memref<128x16xf32, #tpu.memory_space<vmem>>, %arg3: memref<1250x128xf32, #tpu.memory_space<vmem>>, %arg4: memref<1250x128xf32, #tpu.memory_space<vmem>>, %arg5: memref<1250x64xf32, #tpu.memory_space<vmem>>) attributes {dimension_semantics = [], scalar_prefetch = 0 : i64, scratch_operands = 0 : i64, tpu.core_type = #tpu.core_type<tc>} {
    %get3A = arith.constant 0 : index
    %get3A_0 = arith.constant 0 : index
    %get3A_1 = vector.load %arg0[%get3A, %get3A_0] : memref<2x10000xf32, #tpu.memory_space<vmem>>, vector<1x10000xf32>
    %get3A_2 = arith.constant 1 : index
    %get3A_3 = arith.constant 0 : index
    %get3A_4 = vector.load %arg0[%get3A_2, %get3A_3] : memref<2x10000xf32, #tpu.memory_space<vmem>>, vector<1x10000xf32>
    %add3A = arith.addf %get3A_1, %get3A_4 : vector<1x10000xf32>
    %add3A_5 = arith.constant 1.000000e+00 : f32
    %add3A_6 = vector.broadcast %add3A_5 : f32 to vector<1x10000xf32>
    %add3A_7 = arith.addf %add3A, %add3A_6 : vector<1x10000xf32>
    %rsqrt3A = math.rsqrt %add3A_7 : vector<1x10000xf32>
    %transpose3A = tpu.transpose %rsqrt3A, [1, 0] : vector<1x10000xf32> -> vector<10000x1xf32>
    %broadcast_in_dim3A = vector.shape_cast %transpose3A : vector<10000x1xf32> to vector<10000x1xf32>
    %broadcast_in_dim3A_8 = vector.broadcast %broadcast_in_dim3A : vector<10000x1xf32> to vector<10000x16xf32>
    %get3A_9 = arith.constant 0 : index
    %get3A_10 = arith.constant 0 : index
    %get3A_11 = vector.load %arg1[%get3A_9, %get3A_10] : memref<10000x128xf32, #tpu.memory_space<vmem>>, vector<10000x128xf32>
    %get3A_12 = arith.constant 0 : index
    %get3A_13 = arith.constant 0 : index
    %get3A_14 = vector.load %arg2[%get3A_12, %get3A_13] : memref<128x16xf32, #tpu.memory_space<vmem>>, vector<128x16xf32>
    %dot_general3A = arith.constant dense<0.000000e+00> : vector<10000x16xf32>
    %dot_general3A_15 = tpu.matmul %get3A_11, %get3A_14, %dot_general3A {dimension_numbers = #tpu.dot_dimension_numbers<[1], [0], [0], [1], [0, 0, 1, 1], [], []>, transpose_lhs_hint = false} : vector<10000x128xf32>, vector<128x16xf32>, vector<10000x16xf32> -> vector<10000x16xf32>
    %mul3A = arith.mulf %dot_general3A_15, %broadcast_in_dim3A_8 : vector<10000x16xf32>
    %reshape3A = vector.shape_cast %mul3A : vector<10000x16xf32> to vector<1250x8x16xf32>
    %slice3A = vector.extract_strided_slice %reshape3A {offsets = [0, 0, 0], sizes = [1250, 1, 16], strides = [1, 1, 1]} : vector<1250x8x16xf32> to vector<1250x1x16xf32>
    %squeeze3A = vector.shape_cast %slice3A : vector<1250x1x16xf32> to vector<1250x16xf32>
    %slice3A_16 = vector.extract_strided_slice %reshape3A {offsets = [0, 1, 0], sizes = [1250, 1, 16], strides = [1, 1, 1]} : vector<1250x8x16xf32> to vector<1250x1x16xf32>
    %squeeze3A_17 = vector.shape_cast %slice3A_16 : vector<1250x1x16xf32> to vector<1250x16xf32>
    %slice3A_18 = vector.extract_strided_slice %reshape3A {offsets = [0, 2, 0], sizes = [1250, 1, 16], strides = [1, 1, 1]} : vector<1250x8x16xf32> to vector<1250x1x16xf32>
    %squeeze3A_19 = vector.shape_cast %slice3A_18 : vector<1250x1x16xf32> to vector<1250x16xf32>
    %slice3A_20 = vector.extract_strided_slice %reshape3A {offsets = [0, 3, 0], sizes = [1250, 1, 16], strides = [1, 1, 1]} : vector<1250x8x16xf32> to vector<1250x1x16xf32>
    %squeeze3A_21 = vector.shape_cast %slice3A_20 : vector<1250x1x16xf32> to vector<1250x16xf32>
    %slice3A_22 = vector.extract_strided_slice %reshape3A {offsets = [0, 4, 0], sizes = [1250, 1, 16], strides = [1, 1, 1]} : vector<1250x8x16xf32> to vector<1250x1x16xf32>
    %squeeze3A_23 = vector.shape_cast %slice3A_22 : vector<1250x1x16xf32> to vector<1250x16xf32>
    %slice3A_24 = vector.extract_strided_slice %reshape3A {offsets = [0, 5, 0], sizes = [1250, 1, 16], strides = [1, 1, 1]} : vector<1250x8x16xf32> to vector<1250x1x16xf32>
    %squeeze3A_25 = vector.shape_cast %slice3A_24 : vector<1250x1x16xf32> to vector<1250x16xf32>
    %slice3A_26 = vector.extract_strided_slice %reshape3A {offsets = [0, 6, 0], sizes = [1250, 1, 16], strides = [1, 1, 1]} : vector<1250x8x16xf32> to vector<1250x1x16xf32>
    %squeeze3A_27 = vector.shape_cast %slice3A_26 : vector<1250x1x16xf32> to vector<1250x16xf32>
    %slice3A_28 = vector.extract_strided_slice %reshape3A {offsets = [0, 7, 0], sizes = [1250, 1, 16], strides = [1, 1, 1]} : vector<1250x8x16xf32> to vector<1250x1x16xf32>
    %squeeze3A_29 = vector.shape_cast %slice3A_28 : vector<1250x1x16xf32> to vector<1250x16xf32>
    %concatenate3A = tpu.concatenate %squeeze3A, %squeeze3A_17, %squeeze3A_19, %squeeze3A_21, %squeeze3A_23, %squeeze3A_25, %squeeze3A_27, %squeeze3A_29 in 1 : vector<1250x16xf32>, vector<1250x16xf32>, vector<1250x16xf32>, vector<1250x16xf32>, vector<1250x16xf32>, vector<1250x16xf32>, vector<1250x16xf32>, vector<1250x16xf32> -> vector<1250x128xf32>
    %swap3A = arith.constant 0 : index
    %swap3A_30 = arith.constant 0 : index
    %swap3A_31 = vector.load %arg3[%swap3A, %swap3A_30] : memref<1250x128xf32, #tpu.memory_space<vmem>>, vector<1250x128xf32>
    tpu.vector_store %arg3[%swap3A, %swap3A_30], %concatenate3A {strides = array<i32>} : memref<1250x128xf32, #tpu.memory_space<vmem>>, vector<1250x128xf32>,
    %reshape3A_32 = vector.shape_cast %broadcast_in_dim3A_8 : vector<10000x16xf32> to vector<1250x8x16xf32>
    %slice3A_33 = vector.extract_strided_slice %reshape3A_32 {offsets = [0, 0, 0], sizes = [1250, 1, 16], strides = [1, 1, 1]} : vector<1250x8x16xf32> to vector<1250x1x16xf32>
    %squeeze3A_34 = vector.shape_cast %slice3A_33 : vector<1250x1x16xf32> to vector<1250x16xf32>
    %slice3A_35 = vector.extract_strided_slice %reshape3A_32 {offsets = [0, 1, 0], sizes = [1250, 1, 16], strides = [1, 1, 1]} : vector<1250x8x16xf32> to vector<1250x1x16xf32>
    %squeeze3A_36 = vector.shape_cast %slice3A_35 : vector<1250x1x16xf32> to vector<1250x16xf32>
    %slice3A_37 = vector.extract_strided_slice %reshape3A_32 {offsets = [0, 2, 0], sizes = [1250, 1, 16], strides = [1, 1, 1]} : vector<1250x8x16xf32> to vector<1250x1x16xf32>
    %squeeze3A_38 = vector.shape_cast %slice3A_37 : vector<1250x1x16xf32> to vector<1250x16xf32>
    %slice3A_39 = vector.extract_strided_slice %reshape3A_32 {offsets = [0, 3, 0], sizes = [1250, 1, 16], strides = [1, 1, 1]} : vector<1250x8x16xf32> to vector<1250x1x16xf32>
    %squeeze3A_40 = vector.shape_cast %slice3A_39 : vector<1250x1x16xf32> to vector<1250x16xf32>
    %slice3A_41 = vector.extract_strided_slice %reshape3A_32 {offsets = [0, 4, 0], sizes = [1250, 1, 16], strides = [1, 1, 1]} : vector<1250x8x16xf32> to vector<1250x1x16xf32>
    %squeeze3A_42 = vector.shape_cast %slice3A_41 : vector<1250x1x16xf32> to vector<1250x16xf32>
    %slice3A_43 = vector.extract_strided_slice %reshape3A_32 {offsets = [0, 5, 0], sizes = [1250, 1, 16], strides = [1, 1, 1]} : vector<1250x8x16xf32> to vector<1250x1x16xf32>
    %squeeze3A_44 = vector.shape_cast %slice3A_43 : vector<1250x1x16xf32> to vector<1250x16xf32>
    %slice3A_45 = vector.extract_strided_slice %reshape3A_32 {offsets = [0, 6, 0], sizes = [1250, 1, 16], strides = [1, 1, 1]} : vector<1250x8x16xf32> to vector<1250x1x16xf32>
    %squeeze3A_46 = vector.shape_cast %slice3A_45 : vector<1250x1x16xf32> to vector<1250x16xf32>
    %slice3A_47 = vector.extract_strided_slice %reshape3A_32 {offsets = [0, 7, 0], sizes = [1250, 1, 16], strides = [1, 1, 1]} : vector<1250x8x16xf32> to vector<1250x1x16xf32>
    %squeeze3A_48 = vector.shape_cast %slice3A_47 : vector<1250x1x16xf32> to vector<1250x16xf32>
    %concatenate3A_49 = tpu.concatenate %squeeze3A_34, %squeeze3A_36, %squeeze3A_38, %squeeze3A_40, %squeeze3A_42, %squeeze3A_44, %squeeze3A_46, %squeeze3A_48 in 1 : vector<1250x16xf32>, vector<1250x16xf32>, vector<1250x16xf32>, vector<1250x16xf32>, vector<1250x16xf32>, vector<1250x16xf32>, vector<1250x16xf32>, vector<1250x16xf32> -> vector<1250x128xf32>
    %swap3A_50 = arith.constant 0 : index
    %swap3A_51 = arith.constant 0 : index
    %swap3A_52 = vector.load %arg4[%swap3A_50, %swap3A_51] : memref<1250x128xf32, #tpu.memory_space<vmem>>, vector<1250x128xf32>
    tpu.vector_store %arg4[%swap3A_50, %swap3A_51], %concatenate3A_49 {strides = array<i32>} : memref<1250x128xf32, #tpu.memory_space<vmem>>, vector<1250x128xf32>,
    %broadcast_in_dim3A_53 = vector.shape_cast %transpose3A : vector<10000x1xf32> to vector<10000x1xf32>
    %broadcast_in_dim3A_54 = vector.broadcast %broadcast_in_dim3A_53 : vector<10000x1xf32> to vector<10000x8xf32>
    %reshape3A_55 = vector.shape_cast %broadcast_in_dim3A_54 : vector<10000x8xf32> to vector<1250x8x8xf32>
    %slice3A_56 = vector.extract_strided_slice %reshape3A_55 {offsets = [0, 0, 0], sizes = [1250, 1, 8], strides = [1, 1, 1]} : vector<1250x8x8xf32> to vector<1250x1x8xf32>
    %squeeze3A_57 = vector.shape_cast %slice3A_56 : vector<1250x1x8xf32> to vector<1250x8xf32>
    %slice3A_58 = vector.extract_strided_slice %reshape3A_55 {offsets = [0, 1, 0], sizes = [1250, 1, 8], strides = [1, 1, 1]} : vector<1250x8x8xf32> to vector<1250x1x8xf32>
    %squeeze3A_59 = vector.shape_cast %slice3A_58 : vector<1250x1x8xf32> to vector<1250x8xf32>
    %slice3A_60 = vector.extract_strided_slice %reshape3A_55 {offsets = [0, 2, 0], sizes = [1250, 1, 8], strides = [1, 1, 1]} : vector<1250x8x8xf32> to vector<1250x1x8xf32>
    %squeeze3A_61 = vector.shape_cast %slice3A_60 : vector<1250x1x8xf32> to vector<1250x8xf32>
    %slice3A_62 = vector.extract_strided_slice %reshape3A_55 {offsets = [0, 3, 0], sizes = [1250, 1, 8], strides = [1, 1, 1]} : vector<1250x8x8xf32> to vector<1250x1x8xf32>
    %squeeze3A_63 = vector.shape_cast %slice3A_62 : vector<1250x1x8xf32> to vector<1250x8xf32>
    %slice3A_64 = vector.extract_strided_slice %reshape3A_55 {offsets = [0, 4, 0], sizes = [1250, 1, 8], strides = [1, 1, 1]} : vector<1250x8x8xf32> to vector<1250x1x8xf32>
    %squeeze3A_65 = vector.shape_cast %slice3A_64 : vector<1250x1x8xf32> to vector<1250x8xf32>
    %slice3A_66 = vector.extract_strided_slice %reshape3A_55 {offsets = [0, 5, 0], sizes = [1250, 1, 8], strides = [1, 1, 1]} : vector<1250x8x8xf32> to vector<1250x1x8xf32>
    %squeeze3A_67 = vector.shape_cast %slice3A_66 : vector<1250x1x8xf32> to vector<1250x8xf32>
    %slice3A_68 = vector.extract_strided_slice %reshape3A_55 {offsets = [0, 6, 0], sizes = [1250, 1, 8], strides = [1, 1, 1]} : vector<1250x8x8xf32> to vector<1250x1x8xf32>
    %squeeze3A_69 = vector.shape_cast %slice3A_68 : vector<1250x1x8xf32> to vector<1250x8xf32>
    %slice3A_70 = vector.extract_strided_slice %reshape3A_55 {offsets = [0, 7, 0], sizes = [1250, 1, 8], strides = [1, 1, 1]} : vector<1250x8x8xf32> to vector<1250x1x8xf32>
    %squeeze3A_71 = vector.shape_cast %slice3A_70 : vector<1250x1x8xf32> to vector<1250x8xf32>
    %concatenate3A_72 = tpu.concatenate %squeeze3A_57, %squeeze3A_59, %squeeze3A_61, %squeeze3A_63, %squeeze3A_65, %squeeze3A_67, %squeeze3A_69, %squeeze3A_71 in 1 : vector<1250x8xf32>, vector<1250x8xf32>, vector<1250x8xf32>, vector<1250x8xf32>, vector<1250x8xf32>, vector<1250x8xf32>, vector<1250x8xf32>, vector<1250x8xf32> -> vector<1250x64xf32>
    %swap3A_73 = arith.constant 0 : index
    %swap3A_74 = arith.constant 0 : index
    %swap3A_75 = vector.load %arg5[%swap3A_73, %swap3A_74] : memref<1250x64xf32, #tpu.memory_space<vmem>>, vector<1250x64xf32>
    tpu.vector_store %arg5[%swap3A_73, %swap3A_74], %concatenate3A_72 {strides = array<i32>} : memref<1250x64xf32, #tpu.memory_space<vmem>>, vector<1250x64xf32>,
    return
  }
}

module attributes {stable_mosaic.version = 14 : i64} {
  func.func @_k4_body(%arg0: memref<2x1250x128xf32, #tpu.memory_space<vmem>>, %arg1: memref<1250x128xf32, #tpu.memory_space<vmem>>, %arg2: memref<1250x128xf32, #tpu.memory_space<vmem>>, %arg3: memref<1x128xf32, #tpu.memory_space<vmem>>, %arg4: memref<128x64xf32, #tpu.memory_space<vmem>>, %arg5: memref<1250x64xf32, #tpu.memory_space<vmem>>, %arg6: memref<1250x64xf32, #tpu.memory_space<vmem>>) attributes {dimension_semantics = [], scalar_prefetch = 0 : i64, scratch_operands = 0 : i64, tpu.core_type = #tpu.core_type<tc>} {
    %get3A = arith.constant 0 : index
    %get3A_0 = arith.constant 0 : index
    %get3A_1 = arith.constant 0 : index
    %get3A_2 = vector.load %arg0[%get3A, %get3A_0, %get3A_1] : memref<2x1250x128xf32, #tpu.memory_space<vmem>>, vector<1x1250x128xf32>
    %get3A_3 = vector.shape_cast %get3A_2 : vector<1x1250x128xf32> to vector<1250x128xf32>
    %get3A_4 = arith.constant 1 : index
    %get3A_5 = arith.constant 0 : index
    %get3A_6 = arith.constant 0 : index
    %get3A_7 = vector.load %arg0[%get3A_4, %get3A_5, %get3A_6] : memref<2x1250x128xf32, #tpu.memory_space<vmem>>, vector<1x1250x128xf32>
    %get3A_8 = vector.shape_cast %get3A_7 : vector<1x1250x128xf32> to vector<1250x128xf32>
    %add3A = arith.addf %get3A_3, %get3A_8 : vector<1250x128xf32>
    %get3A_9 = arith.constant 0 : index
    %get3A_10 = arith.constant 0 : index
    %get3A_11 = vector.load %arg1[%get3A_9, %get3A_10] : memref<1250x128xf32, #tpu.memory_space<vmem>>, vector<1250x128xf32>
    %add3A_12 = arith.addf %add3A, %get3A_11 : vector<1250x128xf32>
    %get3A_13 = arith.constant 0 : index
    %get3A_14 = arith.constant 0 : index
    %get3A_15 = vector.load %arg2[%get3A_13, %get3A_14] : memref<1250x128xf32, #tpu.memory_space<vmem>>, vector<1250x128xf32>
    %mul3A = arith.mulf %add3A_12, %get3A_15 : vector<1250x128xf32>
    %get3A_16 = arith.constant 0 : index
    %get3A_17 = arith.constant 0 : index
    %get3A_18 = vector.load %arg3[%get3A_16, %get3A_17] : memref<1x128xf32, #tpu.memory_space<vmem>>, vector<1x128xf32>
    %add3A_19 = vector.broadcast %get3A_18 : vector<1x128xf32> to vector<1250x128xf32>
    %add3A_20 = arith.addf %mul3A, %add3A_19 : vector<1250x128xf32>
    %max3A = arith.constant 0.000000e+00 : f32
    %max3A_21 = vector.broadcast %max3A : f32 to vector<1250x128xf32>
    %max3A_22 = arith.maximumf %add3A_20, %max3A_21 : vector<1250x128xf32>
    %get3A_23 = arith.constant 0 : index
    %get3A_24 = arith.constant 0 : index
    %get3A_25 = vector.load %arg4[%get3A_23, %get3A_24] : memref<128x64xf32, #tpu.memory_space<vmem>>, vector<128x64xf32>
    %dot_general3A = arith.constant dense<0.000000e+00> : vector<1250x64xf32>
    %dot_general3A_26 = tpu.matmul %max3A_22, %get3A_25, %dot_general3A {dimension_numbers = #tpu.dot_dimension_numbers<[1], [0], [0], [1], [0, 0, 1, 1], [], []>, transpose_lhs_hint = false} : vector<1250x128xf32>, vector<128x64xf32>, vector<1250x64xf32> -> vector<1250x64xf32>
    %get3A_27 = arith.constant 0 : index
    %get3A_28 = arith.constant 0 : index
    %get3A_29 = vector.load %arg5[%get3A_27, %get3A_28] : memref<1250x64xf32, #tpu.memory_space<vmem>>, vector<1250x64xf32>
    %mul3A_30 = arith.mulf %dot_general3A_26, %get3A_29 : vector<1250x64xf32>
    %swap3A = arith.constant 0 : index
    %swap3A_31 = arith.constant 0 : index
    %swap3A_32 = vector.load %arg6[%swap3A, %swap3A_31] : memref<1250x64xf32, #tpu.memory_space<vmem>>, vector<1250x64xf32>
    tpu.vector_store %arg6[%swap3A, %swap3A_31], %mul3A_30 {strides = array<i32>} : memref<1250x64xf32, #tpu.memory_space<vmem>>, vector<1250x64xf32>,
    return
  }
}

module attributes {stable_mosaic.version = 14 : i64} {
  func.func @_k6_body(%arg0: memref<2x1250x64xf32, #tpu.memory_space<vmem>>, %arg1: memref<1250x64xf32, #tpu.memory_space<vmem>>, %arg2: memref<1250x64xf32, #tpu.memory_space<vmem>>, %arg3: memref<1x64xf32, #tpu.memory_space<vmem>>, %arg4: memref<64x64xf32, #tpu.memory_space<vmem>>, %arg5: memref<1250x64xf32, #tpu.memory_space<vmem>>) attributes {dimension_semantics = [], scalar_prefetch = 0 : i64, scratch_operands = 0 : i64, tpu.core_type = #tpu.core_type<tc>} {
    %get3A = arith.constant 0 : index
    %get3A_0 = arith.constant 0 : index
    %get3A_1 = arith.constant 0 : index
    %get3A_2 = vector.load %arg0[%get3A, %get3A_0, %get3A_1] : memref<2x1250x64xf32, #tpu.memory_space<vmem>>, vector<1x1250x64xf32>
    %get3A_3 = vector.shape_cast %get3A_2 : vector<1x1250x64xf32> to vector<1250x64xf32>
    %get3A_4 = arith.constant 1 : index
    %get3A_5 = arith.constant 0 : index
    %get3A_6 = arith.constant 0 : index
    %get3A_7 = vector.load %arg0[%get3A_4, %get3A_5, %get3A_6] : memref<2x1250x64xf32, #tpu.memory_space<vmem>>, vector<1x1250x64xf32>
    %get3A_8 = vector.shape_cast %get3A_7 : vector<1x1250x64xf32> to vector<1250x64xf32>
    %add3A = arith.addf %get3A_3, %get3A_8 : vector<1250x64xf32>
    %get3A_9 = arith.constant 0 : index
    %get3A_10 = arith.constant 0 : index
    %get3A_11 = vector.load %arg1[%get3A_9, %get3A_10] : memref<1250x64xf32, #tpu.memory_space<vmem>>, vector<1250x64xf32>
    %add3A_12 = arith.addf %add3A, %get3A_11 : vector<1250x64xf32>
    %get3A_13 = arith.constant 0 : index
    %get3A_14 = arith.constant 0 : index
    %get3A_15 = vector.load %arg2[%get3A_13, %get3A_14] : memref<1250x64xf32, #tpu.memory_space<vmem>>, vector<1250x64xf32>
    %mul3A = arith.mulf %add3A_12, %get3A_15 : vector<1250x64xf32>
    %get3A_16 = arith.constant 0 : index
    %get3A_17 = arith.constant 0 : index
    %get3A_18 = vector.load %arg3[%get3A_16, %get3A_17] : memref<1x64xf32, #tpu.memory_space<vmem>>, vector<1x64xf32>
    %add3A_19 = vector.broadcast %get3A_18 : vector<1x64xf32> to vector<1250x64xf32>
    %add3A_20 = arith.addf %mul3A, %add3A_19 : vector<1250x64xf32>
    %iota3A = tpu.iota {dimensions = array<i32: 1>} : vector<1250x64xi32>
    %jit3A = arith.constant 8 : i32
    %eq3A = arith.constant 0 : i32
    %eq3A_21 = arith.cmpi eq, %jit3A, %eq3A : i32
    %jit3A_22 = arith.constant 1 : i32
    %select_n3A = arith.select %eq3A_21, %jit3A_22, %jit3A : i32
    %rem3A = vector.broadcast %select_n3A : i32 to vector<1250x64xi32>
    %rem3A_23 = arith.remsi %iota3A, %rem3A : vector<1250x64xi32>
    %ne3A = arith.constant 0 : i32
    %ne3A_24 = vector.broadcast %ne3A : i32 to vector<1250x64xi32>
    %ne3A_25 = arith.cmpi ne, %rem3A_23, %ne3A_24 : vector<1250x64xi32>
    %lt3A = arith.constant 0 : i32
    %lt3A_26 = vector.broadcast %lt3A : i32 to vector<1250x64xi32>
    %lt3A_27 = arith.cmpi slt, %rem3A_23, %lt3A_26 : vector<1250x64xi32>
    %lt3A_28 = arith.constant 0 : i32
    %lt3A_29 = arith.cmpi slt, %select_n3A, %lt3A_28 : i32
    %ne3A_30 = vector.broadcast %lt3A_29 : i1 to vector<1250x64xi1>
    %ne3A_31 = vector.broadcast %ne3A_30 : vector<1250x64xi1> to vector<1250x64xi1>
    %ne3A_32 = arith.xori %lt3A_27, %ne3A_31 : vector<1250x64xi1>
    %and3A = arith.andi %ne3A_32, %ne3A_25 : vector<1250x64xi1>
    %add3A_33 = vector.broadcast %select_n3A : i32 to vector<1250x64xi32>
    %add3A_34 = arith.addi %rem3A_23, %add3A_33 : vector<1250x64xi32>
    %select_n3A_35 = arith.select %and3A, %add3A_34, %rem3A_23 : vector<1250x64xi1>, vector<1250x64xi32>
    %lt3A_36 = arith.constant 7 : i32
    %lt3A_37 = vector.broadcast %lt3A_36 : i32 to vector<1250x64xi32>
    %lt3A_38 = arith.cmpi slt, %select_n3A_35, %lt3A_37 : vector<1250x64xi32>
    %jit3A_39 = arith.constant -1.000000e+30 : f32
    %broadcast_in_dim3A = vector.broadcast %jit3A_39 : f32 to vector<1250x64xf32>
    %select_n3A_40 = arith.select %lt3A_38, %add3A_20, %broadcast_in_dim3A : vector<1250x64xi1>, vector<1250x64xf32>
    %roll3A = arith.constant 63 : i32
    %roll3A_41 = tpu.dynamic_rotate %select_n3A_40 by %roll3A dim 1 : vector<1250x64xf32>, i32 -> vector<1250x64xf32>
    %lt3A_42 = arith.constant 7 : i32
    %lt3A_43 = vector.broadcast %lt3A_42 : i32 to vector<1250x64xi32>
    %lt3A_44 = arith.cmpi slt, %select_n3A_35, %lt3A_43 : vector<1250x64xi32>
    %jit3A_45 = arith.constant -1.000000e+30 : f32
    %broadcast_in_dim3A_46 = vector.broadcast %jit3A_45 : f32 to vector<1250x64xf32>
    %select_n3A_47 = arith.select %lt3A_44, %roll3A_41, %broadcast_in_dim3A_46 : vector<1250x64xi1>, vector<1250x64xf32>
    %max3A = arith.maximumf %select_n3A_40, %select_n3A_47 : vector<1250x64xf32>
    %roll3A_48 = arith.constant 62 : i32
    %roll3A_49 = tpu.dynamic_rotate %max3A by %roll3A_48 dim 1 : vector<1250x64xf32>, i32 -> vector<1250x64xf32>
    %lt3A_50 = arith.constant 6 : i32
    %lt3A_51 = vector.broadcast %lt3A_50 : i32 to vector<1250x64xi32>
    %lt3A_52 = arith.cmpi slt, %select_n3A_35, %lt3A_51 : vector<1250x64xi32>
    %jit3A_53 = arith.constant -1.000000e+30 : f32
    %broadcast_in_dim3A_54 = vector.broadcast %jit3A_53 : f32 to vector<1250x64xf32>
    %select_n3A_55 = arith.select %lt3A_52, %roll3A_49, %broadcast_in_dim3A_54 : vector<1250x64xi1>, vector<1250x64xf32>
    %max3A_56 = arith.maximumf %max3A, %select_n3A_55 : vector<1250x64xf32>
    %roll3A_57 = arith.constant 60 : i32
    %roll3A_58 = tpu.dynamic_rotate %max3A_56 by %roll3A_57 dim 1 : vector<1250x64xf32>, i32 -> vector<1250x64xf32>
    %lt3A_59 = arith.constant 4 : i32
    %lt3A_60 = vector.broadcast %lt3A_59 : i32 to vector<1250x64xi32>
    %lt3A_61 = arith.cmpi slt, %select_n3A_35, %lt3A_60 : vector<1250x64xi32>
    %jit3A_62 = arith.constant -1.000000e+30 : f32
    %broadcast_in_dim3A_63 = vector.broadcast %jit3A_62 : f32 to vector<1250x64xf32>
    %select_n3A_64 = arith.select %lt3A_61, %roll3A_58, %broadcast_in_dim3A_63 : vector<1250x64xi1>, vector<1250x64xf32>
    %max3A_65 = arith.maximumf %max3A_56, %select_n3A_64 : vector<1250x64xf32>
    %roll3A_66 = arith.constant 1 : i32
    %roll3A_67 = tpu.dynamic_rotate %max3A_65 by %roll3A_66 dim 1 : vector<1250x64xf32>, i32 -> vector<1250x64xf32>
    %ge3A = arith.constant 1 : i32
    %ge3A_68 = vector.broadcast %ge3A : i32 to vector<1250x64xi32>
    %ge3A_69 = arith.cmpi sge, %select_n3A_35, %ge3A_68 : vector<1250x64xi32>
    %jit3A_70 = arith.constant -1.000000e+30 : f32
    %broadcast_in_dim3A_71 = vector.broadcast %jit3A_70 : f32 to vector<1250x64xf32>
    %select_n3A_72 = arith.select %ge3A_69, %roll3A_67, %broadcast_in_dim3A_71 : vector<1250x64xi1>, vector<1250x64xf32>
    %max3A_73 = arith.maximumf %max3A_65, %select_n3A_72 : vector<1250x64xf32>
    %roll3A_74 = arith.constant 2 : i32
    %roll3A_75 = tpu.dynamic_rotate %max3A_73 by %roll3A_74 dim 1 : vector<1250x64xf32>, i32 -> vector<1250x64xf32>
    %ge3A_76 = arith.constant 2 : i32
    %ge3A_77 = vector.broadcast %ge3A_76 : i32 to vector<1250x64xi32>
    %ge3A_78 = arith.cmpi sge, %select_n3A_35, %ge3A_77 : vector<1250x64xi32>
    %jit3A_79 = arith.constant -1.000000e+30 : f32
    %broadcast_in_dim3A_80 = vector.broadcast %jit3A_79 : f32 to vector<1250x64xf32>
    %select_n3A_81 = arith.select %ge3A_78, %roll3A_75, %broadcast_in_dim3A_80 : vector<1250x64xi1>, vector<1250x64xf32>
    %max3A_82 = arith.maximumf %max3A_73, %select_n3A_81 : vector<1250x64xf32>
    %roll3A_83 = arith.constant 4 : i32
    %roll3A_84 = tpu.dynamic_rotate %max3A_82 by %roll3A_83 dim 1 : vector<1250x64xf32>, i32 -> vector<1250x64xf32>
    %ge3A_85 = arith.constant 4 : i32
    %ge3A_86 = vector.broadcast %ge3A_85 : i32 to vector<1250x64xi32>
    %ge3A_87 = arith.cmpi sge, %select_n3A_35, %ge3A_86 : vector<1250x64xi32>
    %jit3A_88 = arith.constant -1.000000e+30 : f32
    %broadcast_in_dim3A_89 = vector.broadcast %jit3A_88 : f32 to vector<1250x64xf32>
    %select_n3A_90 = arith.select %ge3A_87, %roll3A_84, %broadcast_in_dim3A_89 : vector<1250x64xi1>, vector<1250x64xf32>
    %max3A_91 = arith.maximumf %max3A_82, %select_n3A_90 : vector<1250x64xf32>
    %sub3A = arith.subf %select_n3A_40, %max3A_91 : vector<1250x64xf32>
    %exp3A = math.exp %sub3A : vector<1250x64xf32>
    %get3A_92 = arith.constant 0 : index
    %get3A_93 = arith.constant 0 : index
    %get3A_94 = vector.load %arg4[%get3A_92, %get3A_93] : memref<64x64xf32, #tpu.memory_space<vmem>>, vector<64x64xf32>
    %dot_general3A = arith.constant dense<0.000000e+00> : vector<1250x64xf32>
    %dot_general3A_95 = tpu.matmul %exp3A, %get3A_94, %dot_general3A {dimension_numbers = #tpu.dot_dimension_numbers<[1], [0], [0], [1], [0, 0, 1, 1], [], []>, precision = #tpu.contract_precision<fp32>, transpose_lhs_hint = false} : vector<1250x64xf32>, vector<64x64xf32>, vector<1250x64xf32> -> vector<1250x64xf32>
    %sub3A_96 = arith.subf %select_n3A_40, %max3A_91 : vector<1250x64xf32>
    %log3A = math.log %dot_general3A_95 : vector<1250x64xf32>
    %sub3A_97 = arith.subf %sub3A_96, %log3A : vector<1250x64xf32>
    %swap3A = arith.constant 0 : index
    %swap3A_98 = arith.constant 0 : index
    %swap3A_99 = vector.load %arg5[%swap3A, %swap3A_98] : memref<1250x64xf32, #tpu.memory_space<vmem>>, vector<1250x64xf32>
    tpu.vector_store %arg5[%swap3A, %swap3A_98], %sub3A_97 {strides = array<i32>} : memref<1250x64xf32, #tpu.memory_space<vmem>>, vector<1250x64xf32>,
    return
  }
}

</mosaic_0001>

<sc_bundles>
// kernel: kernel.11.cloned.1.call-start
scs
__scs_entry_jumppad:
0x0: {  	(pc) =	sbr.rel $0x88, $3  }
0x1: {  	(tag) =	ssettag $0x0;
	lr =	simm.s32 $0x1  }
0x2: {  	[smem:$0x3F9B] =	sst lr;
	_ =	strace $0xD0000000  }
0x3: {  	_ = 	snop  }
0x4: {  	_ = 	snop  }
0x5: {  	_ = 	snop  }
0x6: {  	_ = 	snop  }
0x7: {  	_ = 	snop  }
__scs_overlays_trampoline_lowered:
0x8: {  	[smem:$0x3FAA] =	sst s0  }
0x9: {  	[smem:$0x3FAB] =	sst s1  }
0xa: {  	[smem:$0x3FAC] =	sst s2  }
0xb: {  	[smem:$0x3FAD] =	sst s3  }
0xc: {  	[smem:$0x3FAE] =	sst s4  }
0xd: {  	[smem:$0x3FAF] =	sst s5  }
0xe: {  	[smem:$0x3FB0] =	sst s6  }
0xf: {  	[smem:$0x3FB1] =	sst s7  }
0x10: {  	[smem:$0x3FB2] =	sst s8  }
0x11: {  	[smem:$0x3FB3] =	sst s9;
	s0 =	simm.s32 @!p0 $0x0  }
0x12: {  	s1 =	sld [smem:$0x3F99];
	s0 =	simm.s32 @p0 $0x1  }
0x13: {  	[smem:$0x3FB4] =	sst s0;
	s0 =	simm.s32 @!p1 $0x0  }
0x14: {  	s2 =	sld [smem:$0x3F98];
	s0 =	simm.s32 @p1 $0x1  }
0x15: {  	[smem:$0x3FB5] =	sst s0;
	s0 =	simm.s32 @!p2 $0x0  }
0x16: {  	s3 =	sld [smem:$0x3FDB];
	s0 =	simm.s32 @p2 $0x1  }
0x17: {  	s4 =	simm.s32 $0x1BF5;
	[smem:$0x3FB7] =	sst s0  }
0x18: {  	s0 =	sld [smem:$0x3F9A];
	_ =	swait.ge [sflag:s4], $0x0  }
0x19: {  	s7 =	sld [smem:$0x3F9B]  }
0x1a: {  	s8 =	sadd.s32 $0xFFFFE003, lr  }
0x1b: {  	s9 =	sadd.s32 $0xFFFFFEF7, lr;
	s5 =	simm.s32 $0xFFFFFFFF;
	p2 =	slt.u32 s8, $0xFFFFF086  }
0x1c: {  	p1 =	slt.u32 s9, $0xF7A;
	s5 =	simm.s32 @!p2 $0x0  }
0x1d: {  	s5 =	simm.s32 @p1 $0x1;
	p0 =	seq.s32 s7, s2  }
0x1e: {  	s7 =	smul.u32 @!p0 $0xF7A, s2;
	p2 =	seq.s32 @!p0 s5, $0x0  }
0x1f: {  	s9 =	smul.u32 $0xF7A, s1;
	s8 =	simm.s32 @!p0 $0x1BF5;
	p2 =	por !p2, p0  }
0x20: {  	[sflag:s8] =	ssyncset.s32 @!p0 $0xFFFFF086;
	s6 =	sadd.s32 @!p0 s3, s7;
	s7 =	simm.s32 @!p0 $0x108  }
0x21: {  	s3 =	sadd.s32 s3, s9;
	s6 =	sadd.s32 @!p0 $0x88, s6;
	s7 =	simm.s32 @p2 $0x1082  }
0x22: {  	[simem:s7], [sflag:s8] =	dma.local @!p0 [hbm:s6], $0xF7A  }
0x23: {  	s9 =	sor.u32 $0xD0000000, s2;
	s6 =	simm.s32 $0x108;
	_ =	swait.ge @!p0 [sflag:s8], $0x0  }
0x24: {  	s3 =	sadd.s32 $0x88, s3;
	s6 =	simm.s32 @!p1 $0x1082;
	[sflag:s4] =	ssyncset.s32 $0xFFFFF086  }
0x25: {  	[simem:s6], [sflag:s4] =	dma.local [hbm:s3], $0xF7A  }
0x26: {  	[smem:$0x3F9B] =	sst s1;
	(tag) =	ssettag s2;
	_ =	strace s9  }
0x27: {  	s1 =	sld [smem:$0x3FAB]  }
0x28: {  	s2 =	sld [smem:$0x3FAC]  }
0x29: {  	s4 =	sld [smem:$0x3FAE]  }
0x2a: {  	p0 =	seq.s32 s5, $0x0;
	s5 =	sld [smem:$0x3FAF]  }
0x2b: {  	s6 =	sld [smem:$0x3FB0]  }
0x2c: {  	s7 =	sld [smem:$0x3FB1]  }
0x2d: {  	s3 =	simm.s32 $0x108;
	s8 =	sld [smem:$0x3FB2]  }
0x2e: {  	s3 =	simm.s32 @!p0 $0x1082;
	s9 =	sld [smem:$0x3FB3]  }
0x2f: {  	lr =	sadd.s32 s0, s3;
	s0 =	sld [smem:$0x3FAA]  }
0x30: {  	s3 =	sld [smem:$0x3FAD]  }
0x31: {  	[smem:$0x3FB6] =	sst s10  }
0x32: {  	s10 =	sld [smem:$0x3FB4];
	_ =	sdelay $0x3  }
0x33: {  	p0 =	seq.s32 s10, $0x1;
	s10 =	sld [smem:$0x3FB6];
	_ =	sdelay $0x3  }
0x34: {  	[smem:$0x3FB6] =	sst s10  }
0x35: {  	s10 =	sld [smem:$0x3FB5];
	_ =	sdelay $0x3  }
0x36: {  	p1 =	seq.s32 s10, $0x1;
	s10 =	sld [smem:$0x3FB6];
	_ =	sdelay $0x3  }
0x37: {  	[smem:$0x3FB6] =	sst s10  }
0x38: {  	s10 =	sld [smem:$0x3FB7]  }
0x39: {  	_ = 	snop;
	(pc) =	sbr.ind lr, $3  }
0x3a: {  	_ = 	snop  }
0x3b: {  	_ = 	snop  }
0x3c: {  	p2 =	seq.s32 s10, $0x1;
	s10 =	sld [smem:$0x3FB6]  }
0x3d: {  	_ =	shalt  }
0x3e: {  	_ =	shalt  }
0x3f: {  	_ =	shalt  }
0x40: {  	_ =	shalt  }
0x41: {  	_ =	shalt  }
0x42: {  	_ =	shalt  }
0x43: {  	_ =	shalt  }
0x44: {  	_ =	shalt  }
0x45: {  	_ =	shalt  }
0x46: {  	_ =	shalt  }
0x47: {  	_ =	shalt  }
0x48: {  	_ =	shalt  }
0x49: {  	_ =	shalt  }
0x4a: {  	_ =	shalt  }
0x4b: {  	_ =	shalt  }
0x4c: {  	_ =	shalt  }
0x4d: {  	_ =	shalt  }
0x4e: {  	_ =	shalt  }
0x4f: {  	_ =	shalt  }
0x50: {  	_ =	shalt  }
0x51: {  	_ =	shalt  }
0x52: {  	_ =	shalt  }
0x53: {  	_ =	shalt  }
0x54: {  	_ =	shalt  }
0x55: {  	_ =	shalt  }
0x56: {  	_ =	shalt  }
0x57: {  	_ =	shalt  }
0x58: {  	_ =	shalt  }
0x59: {  	_ =	shalt  }
0x5a: {  	_ =	shalt  }
0x5b: {  	_ =	shalt  }
0x5c: {  	_ =	shalt  }
0x5d: {  	_ =	shalt  }
0x5e: {  	_ =	shalt  }
0x5f: {  	_ =	shalt  }
0x60: {  	_ =	shalt  }
0x61: {  	_ =	shalt  }
0x62: {  	_ =	shalt  }
0x63: {  	_ =	shalt  }
0x64: {  	_ =	shalt  }
0x65: {  	_ =	shalt  }
0x66: {  	_ =	shalt  }
0x67: {  	_ =	shalt  }
0x68: {  	_ =	shalt  }
0x69: {  	_ =	shalt  }
0x6a: {  	_ =	shalt  }
0x6b: {  	_ =	shalt  }
0x6c: {  	_ =	shalt  }
0x6d: {  	_ =	shalt  }
0x6e: {  	_ =	shalt  }
0x6f: {  	_ =	shalt  }
0x70: {  	_ =	shalt  }
0x71: {  	_ =	shalt  }
0x72: {  	_ =	shalt  }
0x73: {  	_ =	shalt  }
0x74: {  	_ =	shalt  }
0x75: {  	_ =	shalt  }
0x76: {  	_ =	shalt  }
0x77: {  	_ =	shalt  }
0x78: {  	_ =	shalt  }
0x79: {  	_ =	shalt  }
0x7a: {  	_ =	shalt  }
0x7b: {  	_ =	shalt  }
0x7c: {  	_ =	shalt  }
0x7d: {  	_ =	shalt  }
0x7e: {  	_ =	shalt  }
0x7f: {  	_ =	shalt  }
0x80: {  	_ =	shalt  }
0x81: {  	_ =	shalt  }
0x82: {  	_ =	shalt  }
0x83: {  	_ =	shalt  }
0x84: {  	_ =	shalt  }
0x85: {  	_ =	shalt  }
0x86: {  	_ =	shalt  }
0x87: {  	_ =	shalt  }
.Lfunc_end0:
.L_simem_size_0:
called_computation.1_lowered:
.L_overlay_start_0:
0x88: {  	s2 =	sld [smem:$0x3FD9]  }
0x89: {  	s3 =	sld [smem:$0x3FFE];
	_ =	sdelay $0x1  }
0x8a: {  	s1 =	srdreg.scid  }
0x8b: {  	s0 =	sand.u32 $0x1, s1  }
0x8c: {  	s16 =	sshll.u32 s0, $0xA;
	s2 =	sadd.s32 s3, s2  }
0x8d: {  	s2 =	sadd.s32 s2, s16  }
0x8e: {  	[smem:$0x3FC2] =	sst s2  }
0x8f: {  	_ = 	snop  }
0x90: {  	(tm) =	ssettm $0x1  }
0x91: {  	s17 =	sld [smem:$0x3FFB];
	_ =	sdelay $0x3  }
0x92: {  	_ =	strace s17  }
0x93: {  	s2 =	sld [smem:$0x3FFC];
	_ =	sdelay $0x3  }
0x94: {  	_ =	strace s2  }
0x95: {  	s2 =	sld [smem:$0x3FFD];
	_ =	sdelay $0x3  }
0x96: {  	_ =	strace s2  }
0x97: {  	_ =	strace $0x8FFFFFFF  }
0x98: {  	s18 =	sld [smem:$0x3FDB];
	_ =	sdelay $0x1  }
0x99: {  	s19 =	simm.s32 $_scs_section_size  }
0x9a: {  	s4 =	simm.s32 $_size__tile_overlayer_lowered;
	s5 =	simm.s32 $_tile_overlayer_lowered  }
0x9b: {  	s22 =	simm.s32 $0x1BFF;
	s21 =	sshll.u32 s5, $0x1;
	s2 =	sadd.s32 s19, s18  }
0x9c: {  	s6 =	simm.s32 $0x0;
	s20 =	sshll.u32 s4, $0x1;
	s4 =	sadd.s32 s21, s2  }
0x9d: {  	[timem:s6], [sflag:s22] =	dma.local [hbm:s4], s20  }
0x9e: {  	_ =	swait.ge [sflag:s22], s20  }
0x9f: {  	s3 =	ssub.s32 $0x0, s20;
	[sflag:s22] =	ssyncset.done $0x0  }
0xa0: {  	[sflag:s22] =	ssyncadd.s32 s3;
	_ =	sdelay $0x1  }
0xa1: {  	s23 =	simm.s32 $0x1B8B  }
0xa2: {  	_ =	swait.ge [sflag:s23], $0x1  }
0xa3: {  	[sflag:s23] =	ssyncset.done $0x0  }
0xa4: {  	s25 =	simm.s32 $0x1B8E;
	s24 =	sld [smem:$0x3FFE];
	[sflag:s23] =	ssyncadd.s32 $0xFFFFFFFF  }
0xa5: {  	s26 =	simm.s32 $execute0_lowered;
	[smem:$0x3FD2] =	sst s25  }
0xa6: {  	s4 =	sshll.u32 s26, $0x1;
	_ =	strace $0x80000049;
	[dreg:$0x1] =	wrdreg $0xFFFFFFFF  }
0xa7: {  	s28 =	simm.s32 $_size_execute0_lowered;
	s2 =	sadd.s32 s2, s4;
	[dreg:$0x0] =	wrdreg $0x0  }
0xa8: {  	s4 =	sshll.u32 s28, $0x1;
	[dreg:$0x2] =	wrdreg s2  }
0xa9: {  	[dreg:$0x3] =	wrdreg s4  }
0xaa: {  	[dreg:$0x4] =	wrdreg $0xC0  }
0xab: {  	_ =	task [dreg:s6], $0x5FFFF  }
0xac: {  	[dreg:$0x1] =	wrdreg $0xFFFFFFFF  }
0xad: {  	[dreg:$0x0] =	wrdreg $0x60  }
0xae: {  	[dreg:$0x2] =	wrdreg s24  }
0xaf: {  	[dreg:$0x3] =	wrdreg $0xB7000  }
0xb0: {  	[dreg:$0x4] =	wrdreg $0xDE100  }
0xb1: {  	[dreg:$0x5] =	wrdreg $0x9  }
0xb2: {  	_ =	task.clear_ibuf [dreg:s6], $0x6FFFF;
	_ =	strace $0x90000049  }
0xb3: {  	s29 =	simm.s32 $0x9;
	_ =	strace $0x8000004B  }
0xb4: {  	_ =	swait.ge [sflag:s29], $0x1  }
0xb5: {  	[sflag:s29] =	ssyncadd.s32 $0xFFFFFFFF  }
0xb6: {  	_ =	strace $0x9000004B  }
0xb7: {  	_ =	sfence  }
0xb8: {  	s30 =	sld [smem:$0x0];
	_ =	sdelay $0x2  }
0xb9: {  	s31 =	sshll.u32 s1, $0xD;
	s1 =	sshrl.u32 s1, $0x2  }
0xba: {  	s3 =	sand.u32 $0x4000, s31;
	s1 =	sadd.s32 s1, s30  }
0xbb: {  	s0 =	sor.u32 s3, s0;
	s1 =	sshll.u32 s1, $0x11  }
0xbc: {  	s0 =	sor.u32 s1, s0  }
0xbd: {  	s0 =	sadd.s32 $0x8F2B, s0  }
0xbe: {  	[sflag:s0] =	ssyncadd.remote.s32 $0x1  }
0xbf: {  	_ =	sfence.sel $0xFFFF  }
0xc0: {  	[dreg:$0x0] =	wrdreg $0xFFFFFFFF;
	(pc) =	sbr.abs _section_cstart, $3  }
0xc1: {  	[dreg:$0x1] =	wrdreg $0xFFFFFFFF  }
0xc2: {  	_ =	task.clear_ibuf [dreg:s6], $0x2FFFF;
	_ =	strace $0x9FFFFFFF  }
0xc3: {  	(tm) =	ssettm $0x7FFFFFFF  }
tec
execute0_lowered:
.L_overlay_start_1:
0x0: {  	(tag) =	ssettag $0x1  }
0x1: {  	s0 =	srdreg.scid;
	s1 =	rddreg [dreg:$0x0]  }
0x2: {  	s12 =	stileid.u32;
	s2 =	rddreg [dreg:$0x1]  }
0x3: {  	s7 =	simm.s32 $0x0;
	s18 =	simm.s32 $0x80;
	s29 =	simm.s32 $0xC  }
0x4: {  	s31 =	simm.s32 $0xD;
	s30 =	simm.s32 $0x11;
	s28 =	simm.s32 $0x13  }
0x5: {  	s17 =	simm.s32 $0x15;
	s19 =	simm.s32 $0x1A;
	s0 =	sand.u32 $0x1, s0  }
0x6: {  	s6 =	smul.u32 $0x2710, s12;
	[smem:$0x7FF] =	sst s7;
	s9 =	sadd.s32 $0x15400, s1  }
0x7: {  	s22 =	sshll.u32 s12, $0x6;
	s3 =	sshll.u32 s0, $0x4;
	s8 =	smul.u32 $0x27100, s0  }
0x8: {  	s0 =	ssub.s32 $0x2, s0;
	s15 =	sor.u32 $0x1C1B, s22;
	s22 =	simm.s32 $0x9  }
0x9: {  	s4 =	sor.u32 s12, s3;
	s3 =	rddreg [dreg:$0x2];
	_ =	strace $0x8000004A  }
0xa: {  	[dreg:$0x4] =	wrdreg s9;
	s21 =	sshrl.u32 s0, $0x1;
	s11 =	sadd.s32 s6, s2  }
0xb: {  	s9 =	simm.s32 $0x4F;
	[dreg:$0x5] =	wrdreg s15;
	s5 =	smul.u32 $0x4E, s4  }
0xc: {  	s20 =	smin.u32 s4, $0x4;
	s8 =	sadd.s32 s6, s8;
	s0 =	ssub.s32 s0, s21  }
0xd: {  	s23 =	sadd.s32 s6, s3;
	s6 =	sshrl.u32 s6, $0x3;
	p0 =	slt.u32 s4, $0x4  }
0xe: {  	s21 =	simm.s32 $0xF;
	s8 =	sshrl.u32 s8, $0x3;
	s9 =	simm.s32 @!p0 $0x4E  }
0xf: {  	s0 =	smax.u32 s0, $0x1;
	p0 =	sgt.u32 s4, $0x3;
	s26 =	sshrl.u32 s23, $0x3  }
0x10: {  	s23 =	simm.s32 $0x4F00;
	s7 =	sadd.s32 s20, s5;
	[dreg:$0x9] =	wrdreg s0  }
0x11: {  	s5 =	sadd.s32 $0x16E00, s1;
	s8 =	sadd.s32 s8, s1;
	[dreg:$0xb] =	wrdreg s26  }
0x12: {  	s20 =	simm.s32 $0x8;
	s26 =	simm.s32 $0xB;
	s6 =	sadd.s32 s5, s6  }
0x13: {  	s7 =	sshll.u32 s7, $0x4;
	s25 =	sadd.s32 $0x25E00, s8;
	[dreg:$0x6] =	wrdreg s6  }
0x14: {  	s10 =	sadd.s32 s7, s1;
	[dreg:$0x8] =	wrdreg s25;
	s6 =	sshrl.u32 s11, $0x3  }
0x15: {  	s1 =	sadd.s32 $0xB640, s1;
	s24 =	sadd.s32 $0x1A00, s10;
	[dreg:$0xa] =	wrdreg s6  }
0x16: {  	s8 =	simm.s32 $0x1B;
	s0 =	sadd.s32 @p0 s7, s1;
	[dreg:$0x7] =	wrdreg s24  }
0x17: {  	s25 =	simm.s32 $0x10;
	[dreg:$0xc] =	wrdreg s0;
	s0 =	sadd.s32 @!p0 s7, s1  }
0x18: {  	s24 =	simm.s32 $0xA;
	[dreg:$0xd] =	wrdreg s0;
	s0 =	simm.s32 $0x0  }
.LBB2_1:
0x19: {  	[dreg:$0xe] =	wrdreg s0  }
0x1a: {  	s1 =	rddreg [dreg:$0x4]  }
0x1b: {  	[spmem:s6], [sflag:s15] =	dma.local [hbm:s1], $0x4E2  }
0x1c: {  	_ =	swait.ge [sflag:s8], $0x4E2  }
0x1d: {  	[sflag:s8] =	ssyncset.done $0x0;
	s16 =	rddreg [dreg:$0x6]  }
0x1e: {  	s0 =	rddreg [dreg:$0xb];
	[sflag:s8] =	ssyncadd.s32 $0xFFFFFB1E  }
0x1f: {  	[spmem:s0], [sflag:s15] =	dma.local [hbm:s16], $0x4E2  }
0x20: {  	_ =	swait.ge [sflag:s8], $0x4E2  }
0x21: {  	s1 =	simm.s32 @p0 $0x0;
	[sflag:s8] =	ssyncset.done $0x0  }
0x22: {  	s6 =	simm.s32 @p0 $0x1B;
	s11 =	rddreg [dreg:$0x7];
	[sflag:s8] =	ssyncadd.s32 $0xFFFFFB1E  }
0x23: {  	[tilespmem:s1], [sflag:$0x1B] =	stream.linear.gather @p0 [hbm4b:s11+s1], $0x2700, $0x38;
	[tilespmem:$0x10520] =	vst v63  }
0x24: {  	_ =	swait.ge @p0 [sflag:s6], $0x2700  }
0x25: {  	[sflag:s6] =	ssyncset.done @p0 $0x0  }
0x26: {  	s8 =	simm.s32 @p0 $0x2780;
	s12 =	rddreg [dreg:$0xc];
	[sflag:s6] =	ssyncadd.s32 @p0 $0xFFFFD900  }
0x27: {  	[tilespmem:s8], [sflag:$0x1B] =	stream.linear.gather @p0 [hbm4b:s12+s1], $0x2700, $0x38;
	[tilespmem:$0x10520] =	vst v63  }
0x28: {  	_ =	swait.ge @p0 [sflag:s6], $0x2700  }
0x29: {  	[sflag:s6] =	ssyncset.done @p0 $0x0  }
0x2a: {  	s1 =	simm.s32 @!p0 $0x0;
	[sflag:s6] =	ssyncadd.s32 @p0 $0xFFFFD900;
	s6 =	simm.s32 @!p0 $0x1B  }
0x2b: {  	[tilespmem:s1], [sflag:$0x1B] =	stream.linear.gather @!p0 [hbm4b:s11+s1], $0x2780, $0x38;
	[tilespmem:$0x10520] =	vst v63  }
0x2c: {  	_ =	swait.ge @!p0 [sflag:s6], $0x2780  }
0x2d: {  	[sflag:s6] =	ssyncset.done @!p0 $0x0  }
0x2e: {  	s8 =	simm.s32 @!p0 $0x2780;
	s11 =	rddreg [dreg:$0xd];
	[sflag:s6] =	ssyncadd.s32 @!p0 $0xFFFFD880  }
0x2f: {  	[tilespmem:s8], [sflag:$0x1B] =	stream.linear.gather @!p0 [hbm4b:s11+s1], $0x2780, $0x38;
	[tilespmem:$0x10520] =	vst v63  }
0x30: {  	_ =	swait.ge @!p0 [sflag:s6], $0x2780  }
0x31: {  	[sflag:s6] =	ssyncset.done @!p0 $0x0  }
0x32: {  	[sflag:s6] =	ssyncadd.s32 @!p0 $0xFFFFD880  }
0x33: {  	s4 =	simm.s32 $0x0;
	[bflag:$0x0] =	sbarrier.arrive $0xFFFF  }
0x34: {  	[tilespmem:s23], [sflag:$0x1] =	stream.indirect.gather [hbm4b:s5+s18], $0x10, s4, s18, $0xb8;
	[tilespmem:$0x10520] =	vst v63  }
0x35: {  	s0 =	simm.s32 $0x5700  }
0x36: {  	[tilespmem:s0], [sflag:$0x2] =	stream.indirect.gather [spmem:s3], $0x10, s18, s18, $0xb8;
	[tilespmem:$0x10520] =	vst v63  }
0x37: {  	s6 =	simm.s32 $0x100;
	s4 =	simm.s32 $0x5F00  }
0x38: {  	[tilespmem:s4], [sflag:$0x3] =	stream.indirect.gather [hbm4b:s5+s18], $0x10, s6, s18, $0xb8;
	[tilespmem:$0x10520] =	vst v63  }
0x39: {  	s7 =	simm.s32 $0x180;
	s6 =	simm.s32 $0x6700  }
0x3a: {  	[tilespmem:s6], [sflag:$0x4] =	stream.indirect.gather [spmem:s3], $0x10, s7, s18, $0xb8;
	[tilespmem:$0x10520] =	vst v63  }
0x3b: {  	s8 =	simm.s32 $0x200;
	s7 =	simm.s32 $0x6F00  }
0x3c: {  	[tilespmem:s7], [sflag:$0x5] =	stream.indirect.gather [hbm4b:s5+s18], $0x10, s8, s18, $0xb8;
	[tilespmem:$0x10520] =	vst v63  }
0x3d: {  	s10 =	simm.s32 $0x280;
	s8 =	simm.s32 $0x7700  }
0x3e: {  	[tilespmem:s8], [sflag:$0x6] =	stream.indirect.gather [spmem:s3], $0x10, s10, s18, $0xb8;
	[tilespmem:$0x10520] =	vst v63  }
0x3f: {  	s11 =	simm.s32 $0x300;
	s10 =	simm.s32 $0x7F00  }
0x40: {  	[tilespmem:s10], [sflag:$0x7] =	stream.indirect.gather [hbm4b:s5+s18], $0x10, s11, s18, $0xb8;
	[tilespmem:$0x10520] =	vst v63  }
0x41: {  	s12 =	simm.s32 $0x380;
	s11 =	simm.s32 $0x8700  }
0x42: {  	[tilespmem:s11], [sflag:$0x8] =	stream.indirect.gather [spmem:s3], $0x10, s12, s18, $0xb8;
	[tilespmem:$0x10520] =	vst v63  }
0x43: {  	s13 =	simm.s32 $0x400;
	s12 =	simm.s32 $0x8F00  }
0x44: {  	[tilespmem:s12], [sflag:$0x9] =	stream.indirect.gather [hbm4b:s5+s18], $0x10, s13, s18, $0xb8;
	[tilespmem:$0x10520] =	vst v63  }
0x45: {  	s14 =	simm.s32 $0x480;
	s13 =	simm.s32 $0x9700  }
0x46: {  	[tilespmem:s13], [sflag:$0xA] =	stream.indirect.gather [spmem:s3], $0x10, s14, s18, $0xb8;
	[tilespmem:$0x10520] =	vst v63  }
0x47: {  	s15 =	simm.s32 $0x500;
	s14 =	simm.s32 $0x9F00  }
0x48: {  	[tilespmem:s14], [sflag:$0xB] =	stream.indirect.gather [hbm4b:s5+s18], $0x10, s15, s18, $0xb8;
	[tilespmem:$0x10520] =	vst v63  }
0x49: {  	s16 =	simm.s32 $0x580;
	s15 =	simm.s32 $0xA700  }
0x4a: {  	[tilespmem:s15], [sflag:$0xC] =	stream.indirect.gather [spmem:s3], $0x10, s16, s18, $0xb8;
	[tilespmem:$0x10520] =	vst v63  }
0x4b: {  	s1 =	simm.s32 $0x600;
	s16 =	simm.s32 $0xAF00  }
0x4c: {  	[tilespmem:s16], [sflag:$0xD] =	stream.indirect.gather [hbm4b:s5+s18], $0x10, s1, s18, $0xb8;
	[tilespmem:$0x10520] =	vst v63  }
0x4d: {  	s1 =	simm.s32 $0x1  }
0x4e: {  	_ =	swait.ge [sflag:s1], $0x800  }
0x4f: {  	[sflag:s1] =	ssyncset.done $0x0  }
0x50: {  	[sflag:s1] =	ssyncadd.s32 $0xFFFFF800;
	s1 =	simm.s32 $0x2780  }
0x51: {  	[spmem:s2] =	stream.indirect.scatter.add.f32 [tilespmem:s23], [sflag:$0xE], $0x10, s1, s18, $0xb8;
	[tilespmem:$0x10520] =	vst v63  }
0x52: {  	s23 =	simm.s32 $0x2  }
0x53: {  	_ =	swait.ge [sflag:s23], $0x800  }
0x54: {  	[sflag:s23] =	ssyncset.done $0x0  }
0x55: {  	[sflag:s23] =	ssyncadd.s32 $0xFFFFF800;
	s23 =	simm.s32 $0x2800  }
0x56: {  	[spmem:s2] =	stream.indirect.scatter.add.f32 [tilespmem:s0], [sflag:$0xF], $0x10, s23, s18, $0xb8;
	[tilespmem:$0x10520] =	vst v63  }
0x57: {  	s23 =	simm.s32 $0x3  }
0x58: {  	_ =	swait.ge [sflag:s23], $0x800  }
0x59: {  	[sflag:s23] =	ssyncset.done $0x0  }
0x5a: {  	s1 =	simm.s32 $0x4;
	s0 =	simm.s32 $0x2880;
	[sflag:s23] =	ssyncadd.s32 $0xFFFFF800  }
0x5b: {  	[spmem:s2] =	stream.indirect.scatter.add.f32 [tilespmem:s4], [sflag:$0x10], $0x10, s0, s18, $0xb8;
	[tilespmem:$0x10520] =	vst v63  }
0x5c: {  	_ =	swait.ge [sflag:s1], $0x800  }
0x5d: {  	[sflag:s1] =	ssyncset.done $0x0  }
0x5e: {  	s23 =	simm.s32 $0x5;
	s4 =	simm.s32 $0x2900;
	[sflag:s1] =	ssyncadd.s32 $0xFFFFF800  }
0x5f: {  	[spmem:s2] =	stream.indirect.scatter.add.f32 [tilespmem:s6], [sflag:$0x11], $0x10, s4, s18, $0xb8;
	[tilespmem:$0x10520] =	vst v63  }
0x60: {  	_ =	swait.ge [sflag:s23], $0x800  }
0x61: {  	[sflag:s23] =	ssyncset.done $0x0  }
0x62: {  	s0 =	simm.s32 $0x2980;
	s4 =	simm.s32 $0x6;
	[sflag:s23] =	ssyncadd.s32 $0xFFFFF800  }
0x63: {  	[spmem:s2] =	stream.indirect.scatter.add.f32 [tilespmem:s7], [sflag:$0x12], $0x10, s0, s18, $0xb8;
	[tilespmem:$0x10520] =	vst v63  }
0x64: {  	_ =	swait.ge [sflag:s4], $0x800  }
0x65: {  	[sflag:s4] =	ssyncset.done $0x0  }
0x66: {  	s6 =	simm.s32 $0x2A00;
	s7 =	simm.s32 $0x7;
	[sflag:s4] =	ssyncadd.s32 $0xFFFFF800  }
0x67: {  	[spmem:s2] =	stream.indirect.scatter.add.f32 [tilespmem:s8], [sflag:$0x13], $0x10, s6, s18, $0xb8;
	[tilespmem:$0x10520] =	vst v63  }
0x68: {  	_ =	swait.ge [sflag:s7], $0x800  }
0x69: {  	[sflag:s7] =	ssyncset.done $0x0  }
0x6a: {  	s8 =	simm.s32 $0x2A80;
	[sflag:s7] =	ssyncadd.s32 $0xFFFFF800  }
0x6b: {  	[spmem:s2] =	stream.indirect.scatter.add.f32 [tilespmem:s10], [sflag:$0x14], $0x10, s8, s18, $0xb8;
	[tilespmem:$0x10520] =	vst v63  }
0x6c: {  	_ =	swait.ge [sflag:s20], $0x800  }
0x6d: {  	[sflag:s20] =	ssyncset.done $0x0  }
0x6e: {  	s10 =	simm.s32 $0x2B00;
	[sflag:s20] =	ssyncadd.s32 $0xFFFFF800  }
0x6f: {  	[spmem:s2] =	stream.indirect.scatter.add.f32 [tilespmem:s11], [sflag:$0x15], $0x10, s10, s18, $0xb8;
	[tilespmem:$0x10520] =	vst v63  }
0x70: {  	_ =	swait.ge [sflag:s22], $0x800  }
0x71: {  	[sflag:s22] =	ssyncset.done $0x0  }
0x72: {  	s11 =	simm.s32 $0x2B80;
	[sflag:s22] =	ssyncadd.s32 $0xFFFFF800  }
0x73: {  	[spmem:s2] =	stream.indirect.scatter.add.f32 [tilespmem:s12], [sflag:$0x16], $0x10, s11, s18, $0xb8;
	[tilespmem:$0x10520] =	vst v63  }
0x74: {  	_ =	swait.ge [sflag:s24], $0x800  }
0x75: {  	[sflag:s24] =	ssyncset.done $0x0  }
0x76: {  	s12 =	simm.s32 $0x2C00;
	[sflag:s24] =	ssyncadd.s32 $0xFFFFF800  }
0x77: {  	[spmem:s2] =	stream.indirect.scatter.add.f32 [tilespmem:s13], [sflag:$0x17], $0x10, s12, s18, $0xb8;
	[tilespmem:$0x10520] =	vst v63  }
0x78: {  	_ =	swait.ge [sflag:s26], $0x800  }
0x79: {  	[sflag:s26] =	ssyncset.done $0x0  }
0x7a: {  	s13 =	simm.s32 $0x2C80;
	[sflag:s26] =	ssyncadd.s32 $0xFFFFF800  }
0x7b: {  	[spmem:s2] =	stream.indirect.scatter.add.f32 [tilespmem:s14], [sflag:$0x18], $0x10, s13, s18, $0xb8;
	[tilespmem:$0x10520] =	vst v63  }
0x7c: {  	_ =	swait.ge [sflag:s29], $0x800  }
0x7d: {  	[sflag:s29] =	ssyncset.done $0x0  }
0x7e: {  	s14 =	simm.s32 $0x2D00;
	[sflag:s29] =	ssyncadd.s32 $0xFFFFF800  }
0x7f: {  	[spmem:s2] =	stream.indirect.scatter.add.f32 [tilespmem:s15], [sflag:$0x19], $0x10, s14, s18, $0xb8;
	[tilespmem:$0x10520] =	vst v63  }
0x80: {  	_ =	swait.ge [sflag:s31], $0x800  }
0x81: {  	[sflag:s31] =	ssyncset.done $0x0  }
0x82: {  	s23 =	simm.s32 $0x2D80;
	s0 =	simm.s32 $0xE;
	[sflag:s31] =	ssyncadd.s32 $0xFFFFF800  }
0x83: {  	[spmem:s2] =	stream.indirect.scatter.add.f32 [tilespmem:s16], [sflag:$0x1A], $0x10, s23, s18, $0xb8;
	[tilespmem:$0x10520] =	vst v63  }
0x84: {  	p1 =	sle.u32 s9, $0xD;
	_ =	swait.ge [sflag:s0], $0x800  }
0x85: {  	s1 =	simm.s32 @!p1 $0x4F00;
	[sflag:s0] =	ssyncset.done $0x0  }
0x86: {  	s6 =	simm.s32 @!p1 $0x680;
	s8 =	simm.s32 @!p1 $0x80;
	[sflag:s0] =	ssyncadd.s32 $0xFFFFF800  }
0x87: {  	[tilespmem:s1], [sflag:$0x1] =	stream.indirect.gather @!p1 [hbm4b:s5+s8], $0x10, s6, s8, $0xb8;
	[tilespmem:$0x10520] =	vst v63  }
0x88: {  	p1 =	sle.u32 s9, $0xE;
	_ =	swait.ge [sflag:s21], $0x800  }
0x89: {  	s1 =	simm.s32 @!p1 $0x5700;
	[sflag:s21] =	ssyncset.done $0x0  }
0x8a: {  	s6 =	simm.s32 @!p1 $0x700;
	s8 =	simm.s32 @!p1 $0x80;
	[sflag:s21] =	ssyncadd.s32 $0xFFFFF800  }
0x8b: {  	[tilespmem:s1], [sflag:$0x2] =	stream.indirect.gather @!p1 [spmem:s3], $0x10, s6, s8, $0xb8;
	[tilespmem:$0x10520] =	vst v63  }
0x8c: {  	p1 =	sle.u32 s9, $0xF;
	_ =	swait.ge [sflag:s25], $0x800  }
0x8d: {  	s1 =	simm.s32 @!p1 $0x5F00;
	[sflag:s25] =	ssyncset.done $0x0  }
0x8e: {  	s6 =	simm.s32 @!p1 $0x780;
	s8 =	simm.s32 @!p1 $0x80;
	[sflag:s25] =	ssyncadd.s32 $0xFFFFF800  }
0x8f: {  	[tilespmem:s1], [sflag:$0x3] =	stream.indirect.gather @!p1 [hbm4b:s5+s8], $0x10, s6, s8, $0xb8;
	[tilespmem:$0x10520] =	vst v63  }
0x90: {  	p1 =	sle.u32 s9, $0x10;
	_ =	swait.ge [sflag:s30], $0x800  }
0x91: {  	s4 =	simm.s32 $0x12;
	s1 =	simm.s32 @!p1 $0x6700;
	[sflag:s30] =	ssyncset.done $0x0  }
0x92: {  	s6 =	simm.s32 @!p1 $0x800;
	s8 =	simm.s32 @!p1 $0x80;
	[sflag:s30] =	ssyncadd.s32 $0xFFFFF800  }
0x93: {  	[tilespmem:s1], [sflag:$0x4] =	stream.indirect.gather @!p1 [spmem:s3], $0x10, s6, s8, $0xb8;
	[tilespmem:$0x10520] =	vst v63  }
0x94: {  	p1 =	sle.u32 s9, $0x11;
	_ =	swait.ge [sflag:s4], $0x800  }
0x95: {  	s1 =	simm.s32 @!p1 $0x6F00;
	[sflag:s4] =	ssyncset.done $0x0  }
0x96: {  	s6 =	simm.s32 @!p1 $0x880;
	s8 =	simm.s32 @!p1 $0x80;
	[sflag:s4] =	ssyncadd.s32 $0xFFFFF800  }
0x97: {  	[tilespmem:s1], [sflag:$0x5] =	stream.indirect.gather @!p1 [hbm4b:s5+s8], $0x10, s6, s8, $0xb8;
	[tilespmem:$0x10520] =	vst v63  }
0x98: {  	p1 =	sle.u32 s9, $0x12;
	_ =	swait.ge [sflag:s28], $0x800  }
0x99: {  	s16 =	simm.s32 $0x14;
	s1 =	simm.s32 @!p1 $0x7700;
	[sflag:s28] =	ssyncset.done $0x0  }
0x9a: {  	s6 =	simm.s32 @!p1 $0x900;
	s8 =	simm.s32 @!p1 $0x80;
	[sflag:s28] =	ssyncadd.s32 $0xFFFFF800  }
0x9b: {  	[tilespmem:s1], [sflag:$0x6] =	stream.indirect.gather @!p1 [spmem:s3], $0x10, s6, s8, $0xb8;
	[tilespmem:$0x10520] =	vst v63  }
0x9c: {  	p1 =	sle.u32 s9, $0x13;
	_ =	swait.ge [sflag:s16], $0x800  }
0x9d: {  	s1 =	simm.s32 @!p1 $0x7F00;
	[sflag:s16] =	ssyncset.done $0x0  }
0x9e: {  	s6 =	simm.s32 @!p1 $0x980;
	s8 =	simm.s32 @!p1 $0x80;
	[sflag:s16] =	ssyncadd.s32 $0xFFFFF800  }
0x9f: {  	[tilespmem:s1], [sflag:$0x7] =	stream.indirect.gather @!p1 [hbm4b:s5+s8], $0x10, s6, s8, $0xb8;
	[tilespmem:$0x10520] =	vst v63  }
0xa0: {  	p1 =	sle.u32 s9, $0x14;
	_ =	swait.ge [sflag:s17], $0x800  }
0xa1: {  	s10 =	simm.s32 $0x16;
	s1 =	simm.s32 @!p1 $0x8700;
	[sflag:s17] =	ssyncset.done $0x0  }
0xa2: {  	s6 =	simm.s32 @!p1 $0xA00;
	s8 =	simm.s32 @!p1 $0x80;
	[sflag:s17] =	ssyncadd.s32 $0xFFFFF800  }
0xa3: {  	[tilespmem:s1], [sflag:$0x8] =	stream.indirect.gather @!p1 [spmem:s3], $0x10, s6, s8, $0xb8;
	[tilespmem:$0x10520] =	vst v63  }
0xa4: {  	p1 =	sle.u32 s9, $0x15;
	_ =	swait.ge [sflag:s10], $0x800  }
0xa5: {  	s13 =	simm.s32 $0x17;
	s1 =	simm.s32 @!p1 $0x8F00;
	[sflag:s10] =	ssyncset.done $0x0  }
0xa6: {  	s6 =	simm.s32 @!p1 $0xA80;
	s8 =	simm.s32 @!p1 $0x80;
	[sflag:s10] =	ssyncadd.s32 $0xFFFFF800  }
0xa7: {  	[tilespmem:s1], [sflag:$0x9] =	stream.indirect.gather @!p1 [hbm4b:s5+s8], $0x10, s6, s8, $0xb8;
	[tilespmem:$0x10520] =	vst v63  }
0xa8: {  	p1 =	sle.u32 s9, $0x16;
	_ =	swait.ge [sflag:s13], $0x800  }
0xa9: {  	s7 =	simm.s32 $0x18;
	s1 =	simm.s32 @!p1 $0x9700;
	[sflag:s13] =	ssyncset.done $0x0  }
0xaa: {  	s6 =	simm.s32 @!p1 $0xB00;
	s8 =	simm.s32 @!p1 $0x80;
	[sflag:s13] =	ssyncadd.s32 $0xFFFFF800  }
0xab: {  	[tilespmem:s1], [sflag:$0xA] =	stream.indirect.gather @!p1 [spmem:s3], $0x10, s6, s8, $0xb8;
	[tilespmem:$0x10520] =	vst v63  }
0xac: {  	p1 =	sle.u32 s9, $0x17;
	_ =	swait.ge [sflag:s7], $0x800  }
0xad: {  	s14 =	simm.s32 $0x19;
	s1 =	simm.s32 @!p1 $0x9F00;
	[sflag:s7] =	ssyncset.done $0x0  }
0xae: {  	s6 =	simm.s32 @!p1 $0xB80;
	s8 =	simm.s32 @!p1 $0x80;
	[sflag:s7] =	ssyncadd.s32 $0xFFFFF800  }
0xaf: {  	[tilespmem:s1], [sflag:$0xB] =	stream.indirect.gather @!p1 [hbm4b:s5+s8], $0x10, s6, s8, $0xb8;
	[tilespmem:$0x10520] =	vst v63  }
0xb0: {  	p1 =	sle.u32 s9, $0x18;
	_ =	swait.ge [sflag:s14], $0x800  }
0xb1: {  	p2 =	sle.u32 s9, $0x19;
	s1 =	simm.s32 @!p1 $0xA700;
	[sflag:s14] =	ssyncset.done $0x0  }
0xb2: {  	s6 =	simm.s32 @!p1 $0xC00;
	s8 =	simm.s32 @!p1 $0x80;
	[sflag:s14] =	ssyncadd.s32 $0xFFFFF800  }
0xb3: {  	[tilespmem:s1], [sflag:$0xC] =	stream.indirect.gather @!p1 [spmem:s3], $0x10, s6, s8, $0xb8;
	[tilespmem:$0x10520] =	vst v63  }
0xb4: {  	s11 =	simm.s32 @!p2 $0x80;
	_ =	swait.ge [sflag:s19], $0x800  }
0xb5: {  	s23 =	simm.s32 $0x26;
	s1 =	simm.s32 $0x1A00;
	[sflag:s19] =	ssyncset.done $0x0  }
0xb6: {  	s6 =	simm.s32 @!p2 $0xAF00;
	s8 =	simm.s32 @!p2 $0xC80;
	[sflag:s19] =	ssyncadd.s32 $0xFFFFF800  }
.LBB2_2:
0xb7: {  	[tilespmem:s6], [sflag:$0xD] =	stream.indirect.gather @!p2 [hbm4b:s5+s11], $0x10, s8, s11, $0xb8;
	[tilespmem:$0x10520] =	vst v63  }
0xb8: {  	s6 =	smov.u32 s1;
	s1 =	sadd.s32 $0x1A00, s1;
	s11 =	simm.s32 $0x1  }
0xb9: {  	p1 =	sne.s32 s1, $0x9C00;
	_ =	swait.ge [sflag:s11], $0x800  }
0xba: {  	s8 =	sshra.s32 s6, $0x2;
	[sflag:s11] =	ssyncset.done $0x0  }
0xbb: {  	s12 =	simm.s32 $0x4F00;
	[sflag:s11] =	ssyncadd.s32 $0xFFFFF800;
	s11 =	sadd.s32 $0x2780, s8  }
0xbc: {  	[spmem:s2] =	stream.indirect.scatter.add.f32 [tilespmem:s12], [sflag:$0xE], $0x10, s11, s18, $0xb8;
	[tilespmem:$0x10520] =	vst v63  }
0xbd: {  	s11 =	simm.s32 $0x2  }
0xbe: {  	_ =	swait.ge [sflag:s11], $0x800  }
0xbf: {  	[sflag:s11] =	ssyncset.done $0x0  }
0xc0: {  	s12 =	simm.s32 $0x5700;
	[sflag:s11] =	ssyncadd.s32 $0xFFFFF800;
	s11 =	sadd.s32 $0x2800, s8  }
0xc1: {  	[spmem:s2] =	stream.indirect.scatter.add.f32 [tilespmem:s12], [sflag:$0xF], $0x10, s11, s18, $0xb8;
	[tilespmem:$0x10520] =	vst v63  }
0xc2: {  	s11 =	simm.s32 $0x3  }
0xc3: {  	_ =	swait.ge [sflag:s11], $0x800  }
0xc4: {  	[sflag:s11] =	ssyncset.done $0x0  }
0xc5: {  	s12 =	simm.s32 $0x5F00;
	[sflag:s11] =	ssyncadd.s32 $0xFFFFF800;
	s11 =	sadd.s32 $0x2880, s8  }
0xc6: {  	[spmem:s2] =	stream.indirect.scatter.add.f32 [tilespmem:s12], [sflag:$0x10], $0x10, s11, s18, $0xb8;
	[tilespmem:$0x10520] =	vst v63  }
0xc7: {  	s11 =	simm.s32 $0x4  }
0xc8: {  	_ =	swait.ge [sflag:s11], $0x800  }
0xc9: {  	[sflag:s11] =	ssyncset.done $0x0  }
0xca: {  	s12 =	simm.s32 $0x6700;
	[sflag:s11] =	ssyncadd.s32 $0xFFFFF800;
	s11 =	sadd.s32 $0x2900, s8  }
0xcb: {  	[spmem:s2] =	stream.indirect.scatter.add.f32 [tilespmem:s12], [sflag:$0x11], $0x10, s11, s18, $0xb8;
	[tilespmem:$0x10520] =	vst v63  }
0xcc: {  	s11 =	simm.s32 $0x5  }
0xcd: {  	_ =	swait.ge [sflag:s11], $0x800  }
0xce: {  	[sflag:s11] =	ssyncset.done $0x0  }
0xcf: {  	s12 =	simm.s32 $0x6F00;
	[sflag:s11] =	ssyncadd.s32 $0xFFFFF800;
	s11 =	sadd.s32 $0x2980, s8  }
0xd0: {  	[spmem:s2] =	stream.indirect.scatter.add.f32 [tilespmem:s12], [sflag:$0x12], $0x10, s11, s18, $0xb8;
	[tilespmem:$0x10520] =	vst v63  }
0xd1: {  	s11 =	simm.s32 $0x6  }
0xd2: {  	_ =	swait.ge [sflag:s11], $0x800  }
0xd3: {  	[sflag:s11] =	ssyncset.done $0x0  }
0xd4: {  	s12 =	simm.s32 $0x7700;
	[sflag:s11] =	ssyncadd.s32 $0xFFFFF800;
	s11 =	sadd.s32 $0x2A00, s8  }
0xd5: {  	[spmem:s2] =	stream.indirect.scatter.add.f32 [tilespmem:s12], [sflag:$0x13], $0x10, s11, s18, $0xb8;
	[tilespmem:$0x10520] =	vst v63  }
0xd6: {  	s11 =	simm.s32 $0x7  }
0xd7: {  	_ =	swait.ge [sflag:s11], $0x800  }
0xd8: {  	[sflag:s11] =	ssyncset.done $0x0  }
0xd9: {  	s12 =	simm.s32 $0x7F00;
	[sflag:s11] =	ssyncadd.s32 $0xFFFFF800;
	s11 =	sadd.s32 $0x2A80, s8  }
0xda: {  	[spmem:s2] =	stream.indirect.scatter.add.f32 [tilespmem:s12], [sflag:$0x14], $0x10, s11, s18, $0xb8;
	[tilespmem:$0x10520] =	vst v63  }
0xdb: {  	_ =	swait.ge [sflag:s20], $0x800  }
0xdc: {  	[sflag:s20] =	ssyncset.done $0x0  }
0xdd: {  	s11 =	sadd.s32 $0x2B00, s8;
	s12 =	simm.s32 $0x8700;
	[sflag:s20] =	ssyncadd.s32 $0xFFFFF800  }
0xde: {  	[spmem:s2] =	stream.indirect.scatter.add.f32 [tilespmem:s12], [sflag:$0x15], $0x10, s11, s18, $0xb8;
	[tilespmem:$0x10520] =	vst v63  }
0xdf: {  	_ =	swait.ge [sflag:s22], $0x800  }
0xe0: {  	[sflag:s22] =	ssyncset.done $0x0  }
0xe1: {  	s11 =	sadd.s32 $0x2B80, s8;
	s12 =	simm.s32 $0x8F00;
	[sflag:s22] =	ssyncadd.s32 $0xFFFFF800  }
0xe2: {  	[spmem:s2] =	stream.indirect.scatter.add.f32 [tilespmem:s12], [sflag:$0x16], $0x10, s11, s18, $0xb8;
	[tilespmem:$0x10520] =	vst v63  }
0xe3: {  	_ =	swait.ge [sflag:s24], $0x800  }
0xe4: {  	[sflag:s24] =	ssyncset.done $0x0  }
0xe5: {  	s11 =	sadd.s32 $0x2C00, s8;
	s12 =	simm.s32 $0x9700;
	[sflag:s24] =	ssyncadd.s32 $0xFFFFF800  }
0xe6: {  	[spmem:s2] =	stream.indirect.scatter.add.f32 [tilespmem:s12], [sflag:$0x17], $0x10, s11, s18, $0xb8;
	[tilespmem:$0x10520] =	vst v63  }
0xe7: {  	_ =	swait.ge [sflag:s26], $0x800  }
0xe8: {  	[sflag:s26] =	ssyncset.done $0x0  }
0xe9: {  	s11 =	sadd.s32 $0x2C80, s8;
	s12 =	simm.s32 $0x9F00;
	[sflag:s26] =	ssyncadd.s32 $0xFFFFF800  }
0xea: {  	[spmem:s2] =	stream.indirect.scatter.add.f32 [tilespmem:s12], [sflag:$0x18], $0x10, s11, s18, $0xb8;
	[tilespmem:$0x10520] =	vst v63  }
0xeb: {  	_ =	swait.ge [sflag:s29], $0x800  }
0xec: {  	[sflag:s29] =	ssyncset.done $0x0  }
0xed: {  	s11 =	sadd.s32 $0x2D00, s8;
	s12 =	simm.s32 $0xA700;
	[sflag:s29] =	ssyncadd.s32 $0xFFFFF800  }
0xee: {  	[spmem:s2] =	stream.indirect.scatter.add.f32 [tilespmem:s12], [sflag:$0x19], $0x10, s11, s18, $0xb8;
	[tilespmem:$0x10520] =	vst v63  }
0xef: {  	_ =	swait.ge [sflag:s31], $0x800  }
0xf0: {  	s8 =	sadd.s32 $0x2D80, s8;
	[sflag:s31] =	ssyncset.done $0x0  }
0xf1: {  	s11 =	sadd.s32 $0xFFFFFFF4, s23;
	s12 =	simm.s32 $0xAF00;
	[sflag:s31] =	ssyncadd.s32 $0xFFFFF800  }
0xf2: {  	[spmem:s2] =	stream.indirect.scatter.add.f32 [tilespmem:s12], [sflag:$0x1A], $0x10, s8, s18, $0xb8;
	[tilespmem:$0x10520] =	vst v63  }
0xf3: {  	p2 =	sge.u32 s11, s9;
	s8 =	sadd.s32 $0xFFFFFFF5, s23;
	_ =	swait.ge [sflag:s0], $0x800  }
0xf4: {  	s11 =	sshra.s32 @!p2 s6, $0x2;
	s12 =	simm.s32 @!p2 $0x4F00;
	[sflag:s0] =	ssyncset.done $0x0  }
0xf5: {  	s15 =	simm.s32 @!p2 $0x80;
	s11 =	sadd.s32 @!p2 $0x680, s11;
	[sflag:s0] =	ssyncadd.s32 $0xFFFFF800  }
0xf6: {  	[tilespmem:s12], [sflag:$0x1] =	stream.indirect.gather @!p2 [hbm4b:s5+s15], $0x10, s11, s15, $0xb8;
	[tilespmem:$0x10520] =	vst v63  }
0xf7: {  	p2 =	sge.u32 s8, s9;
	s8 =	sadd.s32 $0xFFFFFFF6, s23;
	_ =	swait.ge [sflag:s21], $0x800  }
0xf8: {  	s11 =	sshra.s32 @!p2 s6, $0x2;
	s12 =	simm.s32 @!p2 $0x5700;
	[sflag:s21] =	ssyncset.done $0x0  }
0xf9: {  	s15 =	simm.s32 @!p2 $0x80;
	s11 =	sadd.s32 @!p2 $0x700, s11;
	[sflag:s21] =	ssyncadd.s32 $0xFFFFF800  }
0xfa: {  	[tilespmem:s12], [sflag:$0x2] =	stream.indirect.gather @!p2 [spmem:s3], $0x10, s11, s15, $0xb8;
	[tilespmem:$0x10520] =	vst v63  }
0xfb: {  	p2 =	sge.u32 s8, s9;
	s8 =	sadd.s32 $0xFFFFFFF7, s23;
	_ =	swait.ge [sflag:s25], $0x800  }
0xfc: {  	s11 =	sshra.s32 @!p2 s6, $0x2;
	s12 =	simm.s32 @!p2 $0x5F00;
	[sflag:s25] =	ssyncset.done $0x0  }
0xfd: {  	s15 =	simm.s32 @!p2 $0x80;
	s11 =	sadd.s32 @!p2 $0x780, s11;
	[sflag:s25] =	ssyncadd.s32 $0xFFFFF800  }
0xfe: {  	[tilespmem:s12], [sflag:$0x3] =	stream.indirect.gather @!p2 [hbm4b:s5+s15], $0x10, s11, s15, $0xb8;
	[tilespmem:$0x10520] =	vst v63  }
0xff: {  	p2 =	sge.u32 s8, s9;
	s8 =	sadd.s32 $0xFFFFFFF8, s23;
	_ =	swait.ge [sflag:s30], $0x800  }
0x100: {  	s11 =	sshra.s32 @!p2 s6, $0x2;
	s12 =	simm.s32 @!p2 $0x6700;
	[sflag:s30] =	ssyncset.done $0x0  }
0x101: {  	s15 =	simm.s32 @!p2 $0x80;
	s11 =	sadd.s32 @!p2 $0x800, s11;
	[sflag:s30] =	ssyncadd.s32 $0xFFFFF800  }
0x102: {  	[tilespmem:s12], [sflag:$0x4] =	stream.indirect.gather @!p2 [spmem:s3], $0x10, s11, s15, $0xb8;
	[tilespmem:$0x10520] =	vst v63  }
0x103: {  	p2 =	sge.u32 s8, s9;
	s8 =	sadd.s32 $0xFFFFFFF9, s23;
	_ =	swait.ge [sflag:s4], $0x800  }
0x104: {  	s11 =	sshra.s32 @!p2 s6, $0x2;
	s12 =	simm.s32 @!p2 $0x6F00;
	[sflag:s4] =	ssyncset.done $0x0  }
0x105: {  	s15 =	simm.s32 @!p2 $0x80;
	s11 =	sadd.s32 @!p2 $0x880, s11;
	[sflag:s4] =	ssyncadd.s32 $0xFFFFF800  }
0x106: {  	[tilespmem:s12], [sflag:$0x5] =	stream.indirect.gather @!p2 [hbm4b:s5+s15], $0x10, s11, s15, $0xb8;
	[tilespmem:$0x10520] =	vst v63  }
0x107: {  	p2 =	sge.u32 s8, s9;
	s8 =	sadd.s32 $0xFFFFFFFA, s23;
	_ =	swait.ge [sflag:s28], $0x800  }
0x108: {  	s11 =	sshra.s32 @!p2 s6, $0x2;
	s12 =	simm.s32 @!p2 $0x7700;
	[sflag:s28] =	ssyncset.done $0x0  }
0x109: {  	s15 =	simm.s32 @!p2 $0x80;
	s11 =	sadd.s32 @!p2 $0x900, s11;
	[sflag:s28] =	ssyncadd.s32 $0xFFFFF800  }
0x10a: {  	[tilespmem:s12], [sflag:$0x6] =	stream.indirect.gather @!p2 [spmem:s3], $0x10, s11, s15, $0xb8;
	[tilespmem:$0x10520] =	vst v63  }
0x10b: {  	p2 =	sge.u32 s8, s9;
	s8 =	sadd.s32 $0xFFFFFFFB, s23;
	_ =	swait.ge [sflag:s16], $0x800  }
0x10c: {  	s11 =	sshra.s32 @!p2 s6, $0x2;
	s12 =	simm.s32 @!p2 $0x7F00;
	[sflag:s16] =	ssyncset.done $0x0  }
0x10d: {  	s15 =	simm.s32 @!p2 $0x80;
	s11 =	sadd.s32 @!p2 $0x980, s11;
	[sflag:s16] =	ssyncadd.s32 $0xFFFFF800  }
0x10e: {  	[tilespmem:s12], [sflag:$0x7] =	stream.indirect.gather @!p2 [hbm4b:s5+s15], $0x10, s11, s15, $0xb8;
	[tilespmem:$0x10520] =	vst v63  }
0x10f: {  	p2 =	sge.u32 s8, s9;
	s8 =	sadd.s32 $0xFFFFFFFC, s23;
	_ =	swait.ge [sflag:s17], $0x800  }
0x110: {  	s11 =	sshra.s32 @!p2 s6, $0x2;
	s12 =	simm.s32 @!p2 $0x8700;
	[sflag:s17] =	ssyncset.done $0x0  }
0x111: {  	s15 =	simm.s32 @!p2 $0x80;
	s11 =	sadd.s32 @!p2 $0xA00, s11;
	[sflag:s17] =	ssyncadd.s32 $0xFFFFF800  }
0x112: {  	[tilespmem:s12], [sflag:$0x8] =	stream.indirect.gather @!p2 [spmem:s3], $0x10, s11, s15, $0xb8;
	[tilespmem:$0x10520] =	vst v63  }
0x113: {  	p2 =	sge.u32 s8, s9;
	s8 =	sadd.s32 $0xFFFFFFFD, s23;
	_ =	swait.ge [sflag:s10], $0x800  }
0x114: {  	s11 =	sshra.s32 @!p2 s6, $0x2;
	s12 =	simm.s32 @!p2 $0x8F00;
	[sflag:s10] =	ssyncset.done $0x0  }
0x115: {  	s15 =	simm.s32 @!p2 $0x80;
	s11 =	sadd.s32 @!p2 $0xA80, s11;
	[sflag:s10] =	ssyncadd.s32 $0xFFFFF800  }
0x116: {  	[tilespmem:s12], [sflag:$0x9] =	stream.indirect.gather @!p2 [hbm4b:s5+s15], $0x10, s11, s15, $0xb8;
	[tilespmem:$0x10520] =	vst v63  }
0x117: {  	p2 =	sge.u32 s8, s9;
	s8 =	sadd.s32 $0xFFFFFFFE, s23;
	_ =	swait.ge [sflag:s13], $0x800  }
0x118: {  	s11 =	sshra.s32 @!p2 s6, $0x2;
	s12 =	simm.s32 @!p2 $0x9700;
	[sflag:s13] =	ssyncset.done $0x0  }
0x119: {  	s15 =	simm.s32 @!p2 $0x80;
	s11 =	sadd.s32 @!p2 $0xB00, s11;
	[sflag:s13] =	ssyncadd.s32 $0xFFFFF800  }
0x11a: {  	[tilespmem:s12], [sflag:$0xA] =	stream.indirect.gather @!p2 [spmem:s3], $0x10, s11, s15, $0xb8;
	[tilespmem:$0x10520] =	vst v63  }
0x11b: {  	p2 =	sge.u32 s8, s9;
	s8 =	sadd.s32 $0xFFFFFFFF, s23;
	_ =	swait.ge [sflag:s7], $0x800  }
0x11c: {  	s11 =	sshra.s32 @!p2 s6, $0x2;
	s12 =	simm.s32 @!p2 $0x9F00;
	[sflag:s7] =	ssyncset.done $0x0  }
0x11d: {  	s15 =	simm.s32 @!p2 $0x80;
	s11 =	sadd.s32 @!p2 $0xB80, s11;
	[sflag:s7] =	ssyncadd.s32 $0xFFFFF800  }
0x11e: {  	[tilespmem:s12], [sflag:$0xB] =	stream.indirect.gather @!p2 [hbm4b:s5+s15], $0x10, s11, s15, $0xb8;
	[tilespmem:$0x10520] =	vst v63  }
0x11f: {  	p2 =	sge.u32 s8, s9  }
0x120: {  	_ =	swait.ge [sflag:s14], $0x800;
	s8 =	sshra.s32 @!p2 s6, $0x2  }
0x121: {  	s11 =	simm.s32 @!p2 $0xA700;
	s12 =	simm.s32 @!p2 $0x80;
	[sflag:s14] =	ssyncset.done $0x0  }
.Ltmp0:
0x122: {  	s8 =	sadd.s32 @!p2 $0xC00, s8;
	[sflag:s14] =	ssyncadd.s32 $0xFFFFF800;
	(pc) =	sbr.rel @p1 .LBB2_2-.Ltmp0, $4  }
0x123: {  	[tilespmem:s11], [sflag:$0xC] =	stream.indirect.gather @!p2 [spmem:s3], $0x10, s8, s12, $0xb8;
	[tilespmem:$0x10520] =	vst v63  }
0x124: {  	p2 =	sge.u32 s23, s9;
	s23 =	sadd.s32 $0xD, s23;
	_ =	swait.ge [sflag:s19], $0x800  }
0x125: {  	s8 =	sshra.s32 @!p2 s6, $0x2;
	s6 =	simm.s32 @!p2 $0xAF00;
	[sflag:s19] =	ssyncset.done $0x0  }
0x126: {  	s11 =	simm.s32 @!p2 $0x80;
	s8 =	sadd.s32 @!p2 $0xC80, s8;
	[sflag:s19] =	ssyncadd.s32 $0xFFFFF800  }
0x127: {  	[tilespmem:s6], [sflag:$0xD] =	stream.indirect.gather @!p2 [hbm4b:s5+s11], $0x10, s8, s11, $0xb8;
	[tilespmem:$0x10520] =	vst v63  }
0x128: {  	s1 =	simm.s32 @!p0 $0x1  }
0x129: {  	_ =	swait.ge @!p0 [sflag:s1], $0x800  }
0x12a: {  	s6 =	simm.s32 @!p0 $0x4E80;
	[sflag:s1] =	ssyncset.done @!p0 $0x0  }
0x12b: {  	s8 =	simm.s32 @!p0 $0x4F00;
	[sflag:s1] =	ssyncadd.s32 @!p0 $0xFFFFF800;
	s1 =	simm.s32 @!p0 $0x80  }
0x12c: {  	[spmem:s2] =	stream.indirect.scatter.add.f32 @!p0 [tilespmem:s8], [sflag:$0xE], $0x10, s6, s1, $0xb8;
	[tilespmem:$0x10520] =	vst v63  }
0x12d: {  	s1 =	simm.s32 @!p0 $0xE  }
0x12e: {  	_ =	swait.ge @!p0 [sflag:s1], $0x800  }
0x12f: {  	[sflag:s1] =	ssyncset.done @!p0 $0x0  }
0x130: {  	[sflag:s1] =	ssyncadd.s32 @!p0 $0xFFFFF800  }
0x131: {  	[bflag:$0x0] =	sbarrier.arrive $0xFFFF  }
0x132: {  	s15 =	rddreg [dreg:$0x5]  }
0x133: {  	s16 =	rddreg [dreg:$0x8]  }
0x134: {  	s8 =	simm.s32 $0x1B;
	s6 =	rddreg [dreg:$0xa]  }
0x135: {  	[hbm:s16], [sflag:s15] =	dma.local [spmem:s6], $0x4E2  }
0x136: {  	_ =	swait.ge [sflag:s8], $0x4E2  }
0x137: {  	s0 =	rddreg [dreg:$0xe]  }
0x138: {  	s23 =	rddreg [dreg:$0x9];
	s0 =	sadd.s32 $0x1, s0  }
0x139: {  	p1 =	sne.s32 s0, s23  }
.Ltmp1:
0x13a: {  	_ = 	snop;
	(pc) =	sbr.rel @p1 .LBB2_1-.Ltmp1, $3  }
0x13b: {  	_ =	sdelay $0x1  }
0x13c: {  	[sflag:s8] =	ssyncset.done $0x0  }
0x13d: {  	[sflag:s8] =	ssyncadd.s32 $0xFFFFFB1E;
	s23 =	simm.s32 $0x4F00  }
0x13e: {  	_ =	sfence.sel $0x180000  }
0x13f: {  	[bflag:$0x0] =	sbarrier.arrive $0xFFFF  }
0x140: {  	_ =	strace $0x9000004A  }
0x141: {  	s0 =	stileid.u32;
	[bflag:$0x2] =	sbarrier.arrive $0xFFFF  }
0x142: {  	p0 =	sne.s32 s0, $0x0;
	s0 =	rddreg [dreg:$0x3]  }
0x143: {  	s0 =	sadd.s32 @!p0 $0x100000, s0  }
0x144: {  	[sflag:s0] =	ssyncadd.tile.s32 @!p0 $0x1;
	_ =	shalt  }
.Lfunc_end2:
_tile_overlayer_lowered:
.L_overlay_start_2:
0x145: {  	(tag) =	ssettag $0x2  }
0x146: {  	s0 =	rddreg [dreg:$0x0];
	s2 =	stileid.u32  }
0x147: {  	s1 =	rddreg [dreg:$0x1];
	p0 =	sne.s32 s2, $0x0  }
0x148: {  	s3 =	rddreg [dreg:$0x2];
	[bflag:$0x3] =	sbarrier.arrive $0xFFFF;
	s2 =	simm.s32 @!p0 $0x1C1B  }
0x149: {  	[timem:s3], [sflag:s2] =	dma.local @!p0 [hbm:s0], s1  }
0x14a: {  	s0 =	simm.s32 @!p0 $0x1B  }
0x14b: {  	_ =	swait.ge @!p0 [sflag:s0], s1  }
0x14c: {  	s1 =	ssub.s32 @!p0 $0x0, s1;
	[sflag:s0] =	ssyncset.done @!p0 $0x0  }
0x14d: {  	[sflag:s0] =	ssyncadd.s32 @!p0 s1  }
0x14e: {  	[bflag:$0x3] =	sbarrier.arrive $0xFFFF  }
0x14f: {  	_ =	shalt  }

// kernel: kernel.14.cloned.1.call-start
scs
__scs_entry_jumppad:
0x0: {  	(pc) =	sbr.rel $0x88, $3  }
0x1: {  	(tag) =	ssettag $0x0;
	lr =	simm.s32 $0x1  }
0x2: {  	[smem:$0x3F9B] =	sst lr;
	_ =	strace $0xD0000000  }
0x3: {  	_ = 	snop  }
0x4: {  	_ = 	snop  }
0x5: {  	_ = 	snop  }
0x6: {  	_ = 	snop  }
0x7: {  	_ = 	snop  }
__scs_overlays_trampoline_lowered:
0x8: {  	[smem:$0x3FAA] =	sst s0  }
0x9: {  	[smem:$0x3FAB] =	sst s1  }
0xa: {  	[smem:$0x3FAC] =	sst s2  }
0xb: {  	[smem:$0x3FAD] =	sst s3  }
0xc: {  	[smem:$0x3FAE] =	sst s4  }
0xd: {  	[smem:$0x3FAF] =	sst s5  }
0xe: {  	[smem:$0x3FB0] =	sst s6  }
0xf: {  	[smem:$0x3FB1] =	sst s7  }
0x10: {  	[smem:$0x3FB2] =	sst s8  }
0x11: {  	[smem:$0x3FB3] =	sst s9;
	s0 =	simm.s32 @!p0 $0x0  }
0x12: {  	s1 =	sld [smem:$0x3F99];
	s0 =	simm.s32 @p0 $0x1  }
0x13: {  	[smem:$0x3FB4] =	sst s0;
	s0 =	simm.s32 @!p1 $0x0  }
0x14: {  	s2 =	sld [smem:$0x3F98];
	s0 =	simm.s32 @p1 $0x1  }
0x15: {  	[smem:$0x3FB5] =	sst s0;
	s0 =	simm.s32 @!p2 $0x0  }
0x16: {  	s3 =	sld [smem:$0x3FDB];
	s0 =	simm.s32 @p2 $0x1  }
0x17: {  	s4 =	simm.s32 $0x1BF5;
	[smem:$0x3FB7] =	sst s0  }
0x18: {  	s0 =	sld [smem:$0x3F9A];
	_ =	swait.ge [sflag:s4], $0x0  }
0x19: {  	s7 =	sld [smem:$0x3F9B]  }
0x1a: {  	s8 =	sadd.s32 $0xFFFFE003, lr  }
0x1b: {  	s9 =	sadd.s32 $0xFFFFFEF7, lr;
	s5 =	simm.s32 $0xFFFFFFFF;
	p2 =	slt.u32 s8, $0xFFFFF086  }
0x1c: {  	p1 =	slt.u32 s9, $0xF7A;
	s5 =	simm.s32 @!p2 $0x0  }
0x1d: {  	s5 =	simm.s32 @p1 $0x1;
	p0 =	seq.s32 s7, s2  }
0x1e: {  	s7 =	smul.u32 @!p0 $0xF7A, s2;
	p2 =	seq.s32 @!p0 s5, $0x0  }
0x1f: {  	s9 =	smul.u32 $0xF7A, s1;
	s8 =	simm.s32 @!p0 $0x1BF5;
	p2 =	por !p2, p0  }
0x20: {  	[sflag:s8] =	ssyncset.s32 @!p0 $0xFFFFF086;
	s6 =	sadd.s32 @!p0 s3, s7;
	s7 =	simm.s32 @!p0 $0x108  }
0x21: {  	s3 =	sadd.s32 s3, s9;
	s6 =	sadd.s32 @!p0 $0x88, s6;
	s7 =	simm.s32 @p2 $0x1082  }
0x22: {  	[simem:s7], [sflag:s8] =	dma.local @!p0 [hbm:s6], $0xF7A  }
0x23: {  	s9 =	sor.u32 $0xD0000000, s2;
	s6 =	simm.s32 $0x108;
	_ =	swait.ge @!p0 [sflag:s8], $0x0  }
0x24: {  	s3 =	sadd.s32 $0x88, s3;
	s6 =	simm.s32 @!p1 $0x1082;
	[sflag:s4] =	ssyncset.s32 $0xFFFFF086  }
0x25: {  	[simem:s6], [sflag:s4] =	dma.local [hbm:s3], $0xF7A  }
0x26: {  	[smem:$0x3F9B] =	sst s1;
	(tag) =	ssettag s2;
	_ =	strace s9  }
0x27: {  	s1 =	sld [smem:$0x3FAB]  }
0x28: {  	s2 =	sld [smem:$0x3FAC]  }
0x29: {  	s4 =	sld [smem:$0x3FAE]  }
0x2a: {  	p0 =	seq.s32 s5, $0x0;
	s5 =	sld [smem:$0x3FAF]  }
0x2b: {  	s6 =	sld [smem:$0x3FB0]  }
0x2c: {  	s7 =	sld [smem:$0x3FB1]  }
0x2d: {  	s3 =	simm.s32 $0x108;
	s8 =	sld [smem:$0x3FB2]  }
0x2e: {  	s3 =	simm.s32 @!p0 $0x1082;
	s9 =	sld [smem:$0x3FB3]  }
0x2f: {  	lr =	sadd.s32 s0, s3;
	s0 =	sld [smem:$0x3FAA]  }
0x30: {  	s3 =	sld [smem:$0x3FAD]  }
0x31: {  	[smem:$0x3FB6] =	sst s10  }
0x32: {  	s10 =	sld [smem:$0x3FB4];
	_ =	sdelay $0x3  }
0x33: {  	p0 =	seq.s32 s10, $0x1;
	s10 =	sld [smem:$0x3FB6];
	_ =	sdelay $0x3  }
0x34: {  	[smem:$0x3FB6] =	sst s10  }
0x35: {  	s10 =	sld [smem:$0x3FB5];
	_ =	sdelay $0x3  }
0x36: {  	p1 =	seq.s32 s10, $0x1;
	s10 =	sld [smem:$0x3FB6];
	_ =	sdelay $0x3  }
0x37: {  	[smem:$0x3FB6] =	sst s10  }
0x38: {  	s10 =	sld [smem:$0x3FB7]  }
0x39: {  	_ = 	snop;
	(pc) =	sbr.ind lr, $3  }
0x3a: {  	_ = 	snop  }
0x3b: {  	_ = 	snop  }
0x3c: {  	p2 =	seq.s32 s10, $0x1;
	s10 =	sld [smem:$0x3FB6]  }
0x3d: {  	_ =	shalt  }
0x3e: {  	_ =	shalt  }
0x3f: {  	_ =	shalt  }
0x40: {  	_ =	shalt  }
0x41: {  	_ =	shalt  }
0x42: {  	_ =	shalt  }
0x43: {  	_ =	shalt  }
0x44: {  	_ =	shalt  }
0x45: {  	_ =	shalt  }
0x46: {  	_ =	shalt  }
0x47: {  	_ =	shalt  }
0x48: {  	_ =	shalt  }
0x49: {  	_ =	shalt  }
0x4a: {  	_ =	shalt  }
0x4b: {  	_ =	shalt  }
0x4c: {  	_ =	shalt  }
0x4d: {  	_ =	shalt  }
0x4e: {  	_ =	shalt  }
0x4f: {  	_ =	shalt  }
0x50: {  	_ =	shalt  }
0x51: {  	_ =	shalt  }
0x52: {  	_ =	shalt  }
0x53: {  	_ =	shalt  }
0x54: {  	_ =	shalt  }
0x55: {  	_ =	shalt  }
0x56: {  	_ =	shalt  }
0x57: {  	_ =	shalt  }
0x58: {  	_ =	shalt  }
0x59: {  	_ =	shalt  }
0x5a: {  	_ =	shalt  }
0x5b: {  	_ =	shalt  }
0x5c: {  	_ =	shalt  }
0x5d: {  	_ =	shalt  }
0x5e: {  	_ =	shalt  }
0x5f: {  	_ =	shalt  }
0x60: {  	_ =	shalt  }
0x61: {  	_ =	shalt  }
0x62: {  	_ =	shalt  }
0x63: {  	_ =	shalt  }
0x64: {  	_ =	shalt  }
0x65: {  	_ =	shalt  }
0x66: {  	_ =	shalt  }
0x67: {  	_ =	shalt  }
0x68: {  	_ =	shalt  }
0x69: {  	_ =	shalt  }
0x6a: {  	_ =	shalt  }
0x6b: {  	_ =	shalt  }
0x6c: {  	_ =	shalt  }
0x6d: {  	_ =	shalt  }
0x6e: {  	_ =	shalt  }
0x6f: {  	_ =	shalt  }
0x70: {  	_ =	shalt  }
0x71: {  	_ =	shalt  }
0x72: {  	_ =	shalt  }
0x73: {  	_ =	shalt  }
0x74: {  	_ =	shalt  }
0x75: {  	_ =	shalt  }
0x76: {  	_ =	shalt  }
0x77: {  	_ =	shalt  }
0x78: {  	_ =	shalt  }
0x79: {  	_ =	shalt  }
0x7a: {  	_ =	shalt  }
0x7b: {  	_ =	shalt  }
0x7c: {  	_ =	shalt  }
0x7d: {  	_ =	shalt  }
0x7e: {  	_ =	shalt  }
0x7f: {  	_ =	shalt  }
0x80: {  	_ =	shalt  }
0x81: {  	_ =	shalt  }
0x82: {  	_ =	shalt  }
0x83: {  	_ =	shalt  }
0x84: {  	_ =	shalt  }
0x85: {  	_ =	shalt  }
0x86: {  	_ =	shalt  }
0x87: {  	_ =	shalt  }
.Lfunc_end0:
.L_simem_size_0:
called_computation.2_lowered:
.L_overlay_start_0:
0x88: {  	s2 =	sld [smem:$0x3FD9]  }
0x89: {  	s3 =	sld [smem:$0x3FFE];
	_ =	sdelay $0x1  }
0x8a: {  	s1 =	srdreg.scid  }
0x8b: {  	s0 =	sand.u32 $0x1, s1  }
0x8c: {  	s17 =	sshll.u32 s0, $0xA;
	s2 =	sadd.s32 s3, s2  }
0x8d: {  	s2 =	sadd.s32 s2, s17  }
0x8e: {  	[smem:$0x3FC2] =	sst s2  }
0x8f: {  	_ = 	snop  }
0x90: {  	s2 =	sld [smem:$0x3FD0];
	(tm) =	ssettm $0x1  }
0x91: {  	s18 =	sld [smem:$0x3FFB];
	_ =	sdelay $0x3  }
0x92: {  	_ =	strace s18  }
0x93: {  	s3 =	sld [smem:$0x3FFC];
	_ =	sdelay $0x3  }
0x94: {  	_ =	strace s3  }
0x95: {  	s3 =	sld [smem:$0x3FFD];
	_ =	sdelay $0x3  }
0x96: {  	_ =	strace s3  }
0x97: {  	_ =	strace $0x8FFFFFFF  }
0x98: {  	s19 =	sld [smem:$0x3FDB];
	_ =	sdelay $0x1  }
0x99: {  	s4 =	simm.s32 $_scs_section_size  }
0x9a: {  	s5 =	simm.s32 $_size__tile_overlayer_lowered;
	s6 =	simm.s32 $_tile_overlayer_lowered  }
0x9b: {  	s22 =	simm.s32 $0x1BFF;
	s21 =	sshll.u32 s6, $0x1;
	s3 =	sadd.s32 s4, s19  }
0x9c: {  	s7 =	simm.s32 $0x0;
	s20 =	sshll.u32 s5, $0x1;
	s5 =	sadd.s32 s21, s3  }
0x9d: {  	[timem:s7], [sflag:s22] =	dma.local [hbm:s5], s20  }
0x9e: {  	_ =	swait.ge [sflag:s22], s20  }
0x9f: {  	s4 =	ssub.s32 $0x0, s20;
	[sflag:s22] =	ssyncset.done $0x0  }
0xa0: {  	[sflag:s22] =	ssyncadd.s32 s4;
	_ =	sdelay $0x1  }
0xa1: {  	s23 =	simm.s32 $0x1B8B  }
0xa2: {  	_ =	swait.ge [sflag:s23], $0x1  }
0xa3: {  	[sflag:s23] =	ssyncset.done $0x0  }
0xa4: {  	s25 =	simm.s32 $0x1B8E;
	s24 =	sld [smem:$0x3FFE];
	[sflag:s23] =	ssyncadd.s32 $0xFFFFFFFF  }
0xa5: {  	s26 =	simm.s32 $execute0_lowered;
	[smem:$0x3FD2] =	sst s25  }
0xa6: {  	s5 =	sshll.u32 s26, $0x1;
	_ =	strace $0x8000004C;
	[dreg:$0x1] =	wrdreg $0xFFFFFFFF  }
0xa7: {  	s28 =	simm.s32 $_size_execute0_lowered;
	s3 =	sadd.s32 s3, s5;
	[dreg:$0x0] =	wrdreg $0x0  }
0xa8: {  	s5 =	sshll.u32 s28, $0x1;
	[dreg:$0x2] =	wrdreg s3  }
0xa9: {  	[dreg:$0x3] =	wrdreg s5  }
0xaa: {  	[dreg:$0x4] =	wrdreg $0xC0  }
0xab: {  	_ =	task [dreg:s7], $0x5FFFF  }
0xac: {  	[dreg:$0x1] =	wrdreg $0xFFFFFFFF  }
0xad: {  	[dreg:$0x0] =	wrdreg $0x60  }
0xae: {  	[dreg:$0x2] =	wrdreg s2  }
0xaf: {  	[dreg:$0x3] =	wrdreg s24  }
0xb0: {  	[dreg:$0x4] =	wrdreg $0x83000  }
0xb1: {  	[dreg:$0x5] =	wrdreg $0x96880  }
0xb2: {  	[dreg:$0x6] =	wrdreg $0x9  }
0xb3: {  	_ =	task.clear_ibuf [dreg:s7], $0x7FFFF;
	_ =	strace $0x9000004C  }
0xb4: {  	s29 =	simm.s32 $0x9;
	_ =	strace $0x8000004E  }
0xb5: {  	_ =	swait.ge [sflag:s29], $0x1  }
0xb6: {  	[sflag:s29] =	ssyncadd.s32 $0xFFFFFFFF  }
0xb7: {  	_ =	strace $0x9000004E  }
0xb8: {  	_ =	sfence  }
0xb9: {  	s30 =	sld [smem:$0x0];
	_ =	sdelay $0x2  }
0xba: {  	s31 =	sshll.u32 s1, $0xD;
	s1 =	sshrl.u32 s1, $0x2  }
0xbb: {  	s3 =	sand.u32 $0x4000, s31;
	s1 =	sadd.s32 s1, s30  }
0xbc: {  	s0 =	sor.u32 s3, s0;
	s1 =	sshll.u32 s1, $0x11  }
0xbd: {  	s0 =	sor.u32 s1, s0  }
0xbe: {  	s0 =	sadd.s32 $0x8F2B, s0  }
0xbf: {  	[sflag:s0] =	ssyncadd.remote.s32 $0x1  }
0xc0: {  	_ =	sfence.sel $0xFFFF  }
0xc1: {  	[dreg:$0x0] =	wrdreg $0xFFFFFFFF;
	(pc) =	sbr.abs _section_cstart, $3  }
0xc2: {  	[dreg:$0x1] =	wrdreg $0xFFFFFFFF  }
0xc3: {  	_ =	task.clear_ibuf [dreg:s7], $0x2FFFF;
	_ =	strace $0x9FFFFFFF  }
0xc4: {  	(tm) =	ssettm $0x7FFFFFFF  }
0xc5: {  	_ =	shalt  }
tec
execute0_lowered:
.L_overlay_start_1:
0x0: {  	(tag) =	ssettag $0x1  }
0x1: {  	s1 =	rddreg [dreg:$0x0]  }
0x2: {  	s0 =	srdreg.scid;
	s4 =	rddreg [dreg:$0x1]  }
0x3: {  	s12 =	stileid.u32;
	s2 =	rddreg [dreg:$0x2]  }
0x4: {  	s10 =	simm.s32 $0x0;
	s29 =	simm.s32 $0x5300;
	s13 =	simm.s32 $0x8  }
0x5: {  	s28 =	simm.s32 $0xE;
	s30 =	simm.s32 $0xF;
	s31 =	simm.s32 $0x14  }
0x6: {  	s0 =	sand.u32 $0x1, s0;
	s7 =	smul.u32 $0x1388, s12;
	[smem:$0x7FF] =	sst s10  }
0x7: {  	s18 =	sadd.s32 $0x15400, s4;
	s22 =	sshll.u32 s12, $0x6;
	s3 =	sshll.u32 s0, $0x4  }
0x8: {  	s9 =	smul.u32 $0x13880, s0;
	s0 =	ssub.s32 $0x2, s0;
	s20 =	sor.u32 $0x1C1B, s22  }
0x9: {  	s22 =	simm.s32 $0x12;
	s5 =	sor.u32 s12, s3;
	s3 =	rddreg [dreg:$0x3]  }
0xa: {  	_ =	strace $0x8000004D;
	[dreg:$0x5] =	wrdreg s18;
	s21 =	sshrl.u32 s0, $0x1  }
0xb: {  	s11 =	sadd.s32 s7, s2;
	[dreg:$0x6] =	wrdreg s20;
	s18 =	simm.s32 $0x9  }
0xc: {  	s6 =	smul.u32 $0x4E, s5;
	s8 =	smin.u32 s5, $0x4;
	s16 =	sadd.s32 s7, s9  }
0xd: {  	s0 =	ssub.s32 s0, s21;
	s23 =	sadd.s32 s7, s3;
	s7 =	sshrl.u32 s7, $0x3  }
0xe: {  	p0 =	slt.u32 s5, $0x4;
	s21 =	simm.s32 $0xB;
	s1 =	sadd.s32 s1, s7  }
0xf: {  	s0 =	smax.u32 s0, $0x1;
	s7 =	simm.s32 $0x1B;
	s26 =	sshrl.u32 s23, $0x3  }
0x10: {  	s23 =	simm.s32 $0xC;
	s6 =	sadd.s32 s8, s6;
	[dreg:$0x7] =	wrdreg s1  }
0x11: {  	s8 =	sshrl.u32 s16, $0x3;
	s1 =	sadd.s32 $0xB640, s4;
	[dreg:$0xa] =	wrdreg s0  }
0x12: {  	[dreg:$0xc] =	wrdreg s26;
	s26 =	simm.s32 $0x13;
	s16 =	simm.s32 $0x18  }
0x13: {  	s6 =	sshll.u32 s6, $0x4;
	s19 =	sadd.s32 s8, s4;
	s8 =	simm.s32 $0x4F  }
0x14: {  	s17 =	sadd.s32 s6, s4;
	s8 =	simm.s32 @!p0 $0x4E;
	s25 =	sadd.s32 $0x15C00, s19  }
0x15: {  	p0 =	sgt.u32 s5, $0x3;
	s5 =	sshrl.u32 s11, $0x3;
	[dreg:$0x9] =	wrdreg s25  }
0x16: {  	s19 =	simm.s32 $0xA;
	s24 =	sadd.s32 $0x1A00, s17;
	[dreg:$0xb] =	wrdreg s5  }
0x17: {  	s0 =	sadd.s32 @p0 s6, s1;
	s17 =	simm.s32 $0x80;
	[dreg:$0x8] =	wrdreg s24  }
0x18: {  	s25 =	simm.s32 $0xD;
	[dreg:$0xd] =	wrdreg s0;
	s0 =	sadd.s32 @!p0 s6, s1  }
0x19: {  	s24 =	simm.s32 $0x4F00;
	s1 =	simm.s32 $0x0;
	[dreg:$0xe] =	wrdreg s0  }
.LBB2_1:
0x1a: {  	[dreg:$0xf] =	wrdreg s1  }
0x1b: {  	s0 =	rddreg [dreg:$0x5]  }
0x1c: {  	[spmem:s5], [sflag:s20] =	dma.local [hbm:s0], $0x271  }
0x1d: {  	_ =	swait.ge [sflag:s7], $0x271  }
0x1e: {  	[sflag:s7] =	ssyncset.done $0x0;
	s14 =	rddreg [dreg:$0x7]  }
0x1f: {  	s15 =	rddreg [dreg:$0xc];
	[sflag:s7] =	ssyncadd.s32 $0xFFFFFD8F  }
0x20: {  	[spmem:s15], [sflag:s20] =	dma.local [hbm:s14], $0x271  }
0x21: {  	_ =	swait.ge [sflag:s7], $0x271  }
0x22: {  	s0 =	simm.s32 @p0 $0x0;
	[sflag:s7] =	ssyncset.done $0x0  }
0x23: {  	s5 =	simm.s32 @p0 $0x1B;
	[sflag:s7] =	ssyncadd.s32 $0xFFFFFD8F;
	s7 =	rddreg [dreg:$0x8]  }
0x24: {  	[tilespmem:s0], [sflag:$0x1B] =	stream.linear.gather @p0 [hbm4b:s7+s0], $0x2700, $0x38;
	[tilespmem:$0xAA10] =	vst v63  }
0x25: {  	_ =	swait.ge @p0 [sflag:s5], $0x2700  }
0x26: {  	[sflag:s5] =	ssyncset.done @p0 $0x0  }
0x27: {  	s20 =	simm.s32 @p0 $0x2780;
	s10 =	rddreg [dreg:$0xd];
	[sflag:s5] =	ssyncadd.s32 @p0 $0xFFFFD900  }
0x28: {  	[tilespmem:s20], [sflag:$0x1B] =	stream.linear.gather @p0 [hbm4b:s10+s0], $0x2700, $0x38;
	[tilespmem:$0xAA10] =	vst v63  }
0x29: {  	_ =	swait.ge @p0 [sflag:s5], $0x2700  }
0x2a: {  	[sflag:s5] =	ssyncset.done @p0 $0x0  }
0x2b: {  	s0 =	simm.s32 @!p0 $0x0;
	[sflag:s5] =	ssyncadd.s32 @p0 $0xFFFFD900;
	s5 =	simm.s32 @!p0 $0x1B  }
0x2c: {  	[tilespmem:s0], [sflag:$0x1B] =	stream.linear.gather @!p0 [hbm4b:s7+s0], $0x2780, $0x38;
	[tilespmem:$0xAA10] =	vst v63  }
0x2d: {  	_ =	swait.ge @!p0 [sflag:s5], $0x2780  }
0x2e: {  	[sflag:s5] =	ssyncset.done @!p0 $0x0  }
0x2f: {  	s20 =	simm.s32 @!p0 $0x2780;
	s7 =	rddreg [dreg:$0xe];
	[sflag:s5] =	ssyncadd.s32 @!p0 $0xFFFFD880  }
0x30: {  	[tilespmem:s20], [sflag:$0x1B] =	stream.linear.gather @!p0 [hbm4b:s7+s0], $0x2780, $0x38;
	[tilespmem:$0xAA10] =	vst v63  }
0x31: {  	_ =	swait.ge @!p0 [sflag:s5], $0x2780  }
0x32: {  	[sflag:s5] =	ssyncset.done @!p0 $0x0  }
0x33: {  	[sflag:s5] =	ssyncadd.s32 @!p0 $0xFFFFD880  }
0x34: {  	s1 =	simm.s32 $0x0;
	[bflag:$0x0] =	sbarrier.arrive $0xFFFF  }
0x35: {  	[tilespmem:s24], [sflag:$0x1] =	stream.indirect.gather [spmem:s3], $0x8, s1, s17, $0xb8;
	[tilespmem:$0xAA10] =	vst v63  }
0x36: {  	_ = 	snop  }
0x37: {  	[tilespmem:s29], [sflag:$0x2] =	stream.indirect.gather [spmem:s3], $0x8, s17, s17, $0xb8;
	[tilespmem:$0xAA10] =	vst v63  }
0x38: {  	s4 =	simm.s32 $0x100;
	s1 =	simm.s32 $0x5700  }
0x39: {  	[tilespmem:s1], [sflag:$0x3] =	stream.indirect.gather [spmem:s3], $0x8, s4, s17, $0xb8;
	[tilespmem:$0xAA10] =	vst v63  }
0x3a: {  	s5 =	simm.s32 $0x180;
	s4 =	simm.s32 $0x5B00  }
0x3b: {  	[tilespmem:s4], [sflag:$0x4] =	stream.indirect.gather [spmem:s3], $0x8, s5, s17, $0xb8;
	[tilespmem:$0xAA10] =	vst v63  }
0x3c: {  	s6 =	simm.s32 $0x200;
	s5 =	simm.s32 $0x5F00  }
0x3d: {  	[tilespmem:s5], [sflag:$0x5] =	stream.indirect.gather [spmem:s3], $0x8, s6, s17, $0xb8;
	[tilespmem:$0xAA10] =	vst v63  }
0x3e: {  	s7 =	simm.s32 $0x280;
	s6 =	simm.s32 $0x6300  }
0x3f: {  	[tilespmem:s6], [sflag:$0x6] =	stream.indirect.gather [spmem:s3], $0x8, s7, s17, $0xb8;
	[tilespmem:$0xAA10] =	vst v63  }
0x40: {  	s9 =	simm.s32 $0x300;
	s7 =	simm.s32 $0x6700  }
0x41: {  	[tilespmem:s7], [sflag:$0x7] =	stream.indirect.gather [spmem:s3], $0x8, s9, s17, $0xb8;
	[tilespmem:$0xAA10] =	vst v63  }
0x42: {  	s10 =	simm.s32 $0x380;
	s9 =	simm.s32 $0x6B00  }
0x43: {  	[tilespmem:s9], [sflag:$0x8] =	stream.indirect.gather [spmem:s3], $0x8, s10, s17, $0xb8;
	[tilespmem:$0xAA10] =	vst v63  }
0x44: {  	s11 =	simm.s32 $0x400;
	s10 =	simm.s32 $0x6F00  }
0x45: {  	[tilespmem:s10], [sflag:$0x9] =	stream.indirect.gather [spmem:s3], $0x8, s11, s17, $0xb8;
	[tilespmem:$0xAA10] =	vst v63  }
0x46: {  	s12 =	simm.s32 $0x480;
	s11 =	simm.s32 $0x7300  }
0x47: {  	[tilespmem:s11], [sflag:$0xA] =	stream.indirect.gather [spmem:s3], $0x8, s12, s17, $0xb8;
	[tilespmem:$0xAA10] =	vst v63  }
0x48: {  	s14 =	simm.s32 $0x500;
	s12 =	simm.s32 $0x7700  }
0x49: {  	[tilespmem:s12], [sflag:$0xB] =	stream.indirect.gather [spmem:s3], $0x8, s14, s17, $0xb8;
	[tilespmem:$0xAA10] =	vst v63  }
0x4a: {  	s15 =	simm.s32 $0x580;
	s14 =	simm.s32 $0x7B00  }
0x4b: {  	[tilespmem:s14], [sflag:$0xC] =	stream.indirect.gather [spmem:s3], $0x8, s15, s17, $0xb8;
	[tilespmem:$0xAA10] =	vst v63  }
0x4c: {  	s20 =	simm.s32 $0x600;
	s15 =	simm.s32 $0x7F00  }
0x4d: {  	[tilespmem:s15], [sflag:$0xD] =	stream.indirect.gather [spmem:s3], $0x8, s20, s17, $0xb8;
	[tilespmem:$0xAA10] =	vst v63  }
0x4e: {  	s20 =	simm.s32 $0x1  }
0x4f: {  	_ =	swait.ge [sflag:s20], $0x400  }
0x50: {  	[sflag:s20] =	ssyncset.done $0x0  }
0x51: {  	[sflag:s20] =	ssyncadd.s32 $0xFFFFFC00;
	s20 =	simm.s32 $0x2780  }
0x52: {  	[spmem:s2] =	stream.indirect.scatter.add.f32 [tilespmem:s24], [sflag:$0xE], $0x8, s20, s17, $0xb8;
	[tilespmem:$0xAA10] =	vst v63  }
0x53: {  	s24 =	simm.s32 $0x2  }
0x54: {  	_ =	swait.ge [sflag:s24], $0x400  }
0x55: {  	[sflag:s24] =	ssyncset.done $0x0  }
0x56: {  	s20 =	simm.s32 $0x2800;
	[sflag:s24] =	ssyncadd.s32 $0xFFFFFC00;
	s24 =	simm.s32 $0x3  }
0x57: {  	[spmem:s2] =	stream.indirect.scatter.add.f32 [tilespmem:s29], [sflag:$0xF], $0x8, s20, s17, $0xb8;
	[tilespmem:$0xAA10] =	vst v63  }
0x58: {  	_ =	swait.ge [sflag:s24], $0x400  }
0x59: {  	[sflag:s24] =	ssyncset.done $0x0  }
0x5a: {  	s20 =	simm.s32 $0x2880;
	[sflag:s24] =	ssyncadd.s32 $0xFFFFFC00;
	s24 =	simm.s32 $0x4  }
0x5b: {  	[spmem:s2] =	stream.indirect.scatter.add.f32 [tilespmem:s1], [sflag:$0x10], $0x8, s20, s17, $0xb8;
	[tilespmem:$0xAA10] =	vst v63  }
0x5c: {  	_ =	swait.ge [sflag:s24], $0x400  }
0x5d: {  	[sflag:s24] =	ssyncset.done $0x0  }
0x5e: {  	s1 =	simm.s32 $0x2900;
	s20 =	simm.s32 $0x5;
	[sflag:s24] =	ssyncadd.s32 $0xFFFFFC00  }
0x5f: {  	[spmem:s2] =	stream.indirect.scatter.add.f32 [tilespmem:s4], [sflag:$0x11], $0x8, s1, s17, $0xb8;
	[tilespmem:$0xAA10] =	vst v63  }
0x60: {  	_ =	swait.ge [sflag:s20], $0x400  }
0x61: {  	[sflag:s20] =	ssyncset.done $0x0  }
0x62: {  	s24 =	simm.s32 $0x2980;
	s1 =	simm.s32 $0x6;
	[sflag:s20] =	ssyncadd.s32 $0xFFFFFC00  }
0x63: {  	[spmem:s2] =	stream.indirect.scatter.add.f32 [tilespmem:s5], [sflag:$0x12], $0x8, s24, s17, $0xb8;
	[tilespmem:$0xAA10] =	vst v63  }
0x64: {  	_ =	swait.ge [sflag:s1], $0x400  }
0x65: {  	[sflag:s1] =	ssyncset.done $0x0  }
0x66: {  	s4 =	simm.s32 $0x2A00;
	[sflag:s1] =	ssyncadd.s32 $0xFFFFFC00  }
0x67: {  	[spmem:s2] =	stream.indirect.scatter.add.f32 [tilespmem:s6], [sflag:$0x13], $0x8, s4, s17, $0xb8;
	[tilespmem:$0xAA10] =	vst v63  }
0x68: {  	s6 =	simm.s32 $0x7  }
0x69: {  	_ =	swait.ge [sflag:s6], $0x400  }
0x6a: {  	[sflag:s6] =	ssyncset.done $0x0  }
0x6b: {  	s5 =	simm.s32 $0x2A80;
	[sflag:s6] =	ssyncadd.s32 $0xFFFFFC00  }
0x6c: {  	[spmem:s2] =	stream.indirect.scatter.add.f32 [tilespmem:s7], [sflag:$0x14], $0x8, s5, s17, $0xb8;
	[tilespmem:$0xAA10] =	vst v63  }
0x6d: {  	_ =	swait.ge [sflag:s13], $0x400  }
0x6e: {  	[sflag:s13] =	ssyncset.done $0x0  }
0x6f: {  	s7 =	simm.s32 $0x2B00;
	[sflag:s13] =	ssyncadd.s32 $0xFFFFFC00  }
0x70: {  	[spmem:s2] =	stream.indirect.scatter.add.f32 [tilespmem:s9], [sflag:$0x15], $0x8, s7, s17, $0xb8;
	[tilespmem:$0xAA10] =	vst v63  }
0x71: {  	_ =	swait.ge [sflag:s18], $0x400  }
0x72: {  	[sflag:s18] =	ssyncset.done $0x0  }
0x73: {  	s9 =	simm.s32 $0x2B80;
	[sflag:s18] =	ssyncadd.s32 $0xFFFFFC00  }
0x74: {  	[spmem:s2] =	stream.indirect.scatter.add.f32 [tilespmem:s10], [sflag:$0x16], $0x8, s9, s17, $0xb8;
	[tilespmem:$0xAA10] =	vst v63  }
0x75: {  	_ =	swait.ge [sflag:s19], $0x400  }
0x76: {  	[sflag:s19] =	ssyncset.done $0x0  }
0x77: {  	s10 =	simm.s32 $0x2C00;
	[sflag:s19] =	ssyncadd.s32 $0xFFFFFC00  }
0x78: {  	[spmem:s2] =	stream.indirect.scatter.add.f32 [tilespmem:s11], [sflag:$0x17], $0x8, s10, s17, $0xb8;
	[tilespmem:$0xAA10] =	vst v63  }
0x79: {  	_ =	swait.ge [sflag:s21], $0x400  }
0x7a: {  	[sflag:s21] =	ssyncset.done $0x0  }
0x7b: {  	s11 =	simm.s32 $0x2C80;
	[sflag:s21] =	ssyncadd.s32 $0xFFFFFC00  }
0x7c: {  	[spmem:s2] =	stream.indirect.scatter.add.f32 [tilespmem:s12], [sflag:$0x18], $0x8, s11, s17, $0xb8;
	[tilespmem:$0xAA10] =	vst v63  }
0x7d: {  	_ =	swait.ge [sflag:s23], $0x400  }
0x7e: {  	[sflag:s23] =	ssyncset.done $0x0  }
0x7f: {  	s20 =	simm.s32 $0x2D00;
	[sflag:s23] =	ssyncadd.s32 $0xFFFFFC00  }
0x80: {  	[spmem:s2] =	stream.indirect.scatter.add.f32 [tilespmem:s14], [sflag:$0x19], $0x8, s20, s17, $0xb8;
	[tilespmem:$0xAA10] =	vst v63  }
0x81: {  	_ =	swait.ge [sflag:s25], $0x400  }
0x82: {  	[sflag:s25] =	ssyncset.done $0x0  }
0x83: {  	s24 =	simm.s32 $0x2D80;
	[sflag:s25] =	ssyncadd.s32 $0xFFFFFC00  }
0x84: {  	[spmem:s2] =	stream.indirect.scatter.add.f32 [tilespmem:s15], [sflag:$0x1A], $0x8, s24, s17, $0xb8;
	[tilespmem:$0xAA10] =	vst v63  }
0x85: {  	p1 =	sle.u32 s8, $0xD;
	_ =	swait.ge [sflag:s28], $0x400  }
0x86: {  	s0 =	simm.s32 @!p1 $0x4F00;
	[sflag:s28] =	ssyncset.done $0x0  }
0x87: {  	s5 =	simm.s32 @!p1 $0x680;
	s20 =	simm.s32 @!p1 $0x80;
	[sflag:s28] =	ssyncadd.s32 $0xFFFFFC00  }
0x88: {  	[tilespmem:s0], [sflag:$0x1] =	stream.indirect.gather @!p1 [spmem:s3], $0x8, s5, s20, $0xb8;
	[tilespmem:$0xAA10] =	vst v63  }
0x89: {  	p1 =	sle.u32 s8, $0xE;
	_ =	swait.ge [sflag:s30], $0x400  }
0x8a: {  	s1 =	simm.s32 $0x10;
	s0 =	simm.s32 @!p1 $0x5300;
	[sflag:s30] =	ssyncset.done $0x0  }
0x8b: {  	s5 =	simm.s32 @!p1 $0x700;
	s20 =	simm.s32 @!p1 $0x80;
	[sflag:s30] =	ssyncadd.s32 $0xFFFFFC00  }
0x8c: {  	[tilespmem:s0], [sflag:$0x2] =	stream.indirect.gather @!p1 [spmem:s3], $0x8, s5, s20, $0xb8;
	[tilespmem:$0xAA10] =	vst v63  }
0x8d: {  	p1 =	sle.u32 s8, $0xF;
	_ =	swait.ge [sflag:s1], $0x400  }
0x8e: {  	s4 =	simm.s32 $0x11;
	s0 =	simm.s32 @!p1 $0x5700;
	[sflag:s1] =	ssyncset.done $0x0  }
0x8f: {  	s5 =	simm.s32 @!p1 $0x780;
	s20 =	simm.s32 @!p1 $0x80;
	[sflag:s1] =	ssyncadd.s32 $0xFFFFFC00  }
0x90: {  	[tilespmem:s0], [sflag:$0x3] =	stream.indirect.gather @!p1 [spmem:s3], $0x8, s5, s20, $0xb8;
	[tilespmem:$0xAA10] =	vst v63  }
0x91: {  	p1 =	sle.u32 s8, $0x10;
	_ =	swait.ge [sflag:s4], $0x400  }
0x92: {  	s0 =	simm.s32 @!p1 $0x5B00;
	[sflag:s4] =	ssyncset.done $0x0  }
0x93: {  	s5 =	simm.s32 @!p1 $0x800;
	s20 =	simm.s32 @!p1 $0x80;
	[sflag:s4] =	ssyncadd.s32 $0xFFFFFC00  }
0x94: {  	[tilespmem:s0], [sflag:$0x4] =	stream.indirect.gather @!p1 [spmem:s3], $0x8, s5, s20, $0xb8;
	[tilespmem:$0xAA10] =	vst v63  }
0x95: {  	p1 =	sle.u32 s8, $0x11;
	_ =	swait.ge [sflag:s22], $0x400  }
0x96: {  	s0 =	simm.s32 @!p1 $0x5F00;
	[sflag:s22] =	ssyncset.done $0x0  }
0x97: {  	s5 =	simm.s32 @!p1 $0x880;
	s20 =	simm.s32 @!p1 $0x80;
	[sflag:s22] =	ssyncadd.s32 $0xFFFFFC00  }
0x98: {  	[tilespmem:s0], [sflag:$0x5] =	stream.indirect.gather @!p1 [spmem:s3], $0x8, s5, s20, $0xb8;
	[tilespmem:$0xAA10] =	vst v63  }
0x99: {  	p1 =	sle.u32 s8, $0x12;
	_ =	swait.ge [sflag:s26], $0x400  }
0x9a: {  	s0 =	simm.s32 @!p1 $0x6300;
	[sflag:s26] =	ssyncset.done $0x0  }
0x9b: {  	s5 =	simm.s32 @!p1 $0x900;
	s20 =	simm.s32 @!p1 $0x80;
	[sflag:s26] =	ssyncadd.s32 $0xFFFFFC00  }
0x9c: {  	[tilespmem:s0], [sflag:$0x6] =	stream.indirect.gather @!p1 [spmem:s3], $0x8, s5, s20, $0xb8;
	[tilespmem:$0xAA10] =	vst v63  }
0x9d: {  	p1 =	sle.u32 s8, $0x13;
	_ =	swait.ge [sflag:s31], $0x400  }
0x9e: {  	s11 =	simm.s32 $0x15;
	s0 =	simm.s32 @!p1 $0x6700;
	[sflag:s31] =	ssyncset.done $0x0  }
0x9f: {  	s5 =	simm.s32 @!p1 $0x980;
	s20 =	simm.s32 @!p1 $0x80;
	[sflag:s31] =	ssyncadd.s32 $0xFFFFFC00  }
0xa0: {  	[tilespmem:s0], [sflag:$0x7] =	stream.indirect.gather @!p1 [spmem:s3], $0x8, s5, s20, $0xb8;
	[tilespmem:$0xAA10] =	vst v63  }
0xa1: {  	p1 =	sle.u32 s8, $0x14;
	_ =	swait.ge [sflag:s11], $0x400  }
0xa2: {  	s14 =	simm.s32 $0x16;
	s0 =	simm.s32 @!p1 $0x6B00;
	[sflag:s11] =	ssyncset.done $0x0  }
0xa3: {  	s5 =	simm.s32 @!p1 $0xA00;
	s20 =	simm.s32 @!p1 $0x80;
	[sflag:s11] =	ssyncadd.s32 $0xFFFFFC00  }
0xa4: {  	[tilespmem:s0], [sflag:$0x8] =	stream.indirect.gather @!p1 [spmem:s3], $0x8, s5, s20, $0xb8;
	[tilespmem:$0xAA10] =	vst v63  }
0xa5: {  	p1 =	sle.u32 s8, $0x15;
	_ =	swait.ge [sflag:s14], $0x400  }
0xa6: {  	s15 =	simm.s32 $0x17;
	s0 =	simm.s32 @!p1 $0x6F00;
	[sflag:s14] =	ssyncset.done $0x0  }
0xa7: {  	s5 =	simm.s32 @!p1 $0xA80;
	s20 =	simm.s32 @!p1 $0x80;
	[sflag:s14] =	ssyncadd.s32 $0xFFFFFC00  }
0xa8: {  	[tilespmem:s0], [sflag:$0x9] =	stream.indirect.gather @!p1 [spmem:s3], $0x8, s5, s20, $0xb8;
	[tilespmem:$0xAA10] =	vst v63  }
0xa9: {  	p1 =	sle.u32 s8, $0x16;
	_ =	swait.ge [sflag:s15], $0x400  }
0xaa: {  	s0 =	simm.s32 @!p1 $0x7300;
	[sflag:s15] =	ssyncset.done $0x0  }
0xab: {  	s5 =	simm.s32 @!p1 $0xB00;
	s20 =	simm.s32 @!p1 $0x80;
	[sflag:s15] =	ssyncadd.s32 $0xFFFFFC00  }
0xac: {  	[tilespmem:s0], [sflag:$0xA] =	stream.indirect.gather @!p1 [spmem:s3], $0x8, s5, s20, $0xb8;
	[tilespmem:$0xAA10] =	vst v63  }
0xad: {  	p1 =	sle.u32 s8, $0x17;
	_ =	swait.ge [sflag:s16], $0x400  }
0xae: {  	s9 =	simm.s32 $0x19;
	s0 =	simm.s32 @!p1 $0x7700;
	[sflag:s16] =	ssyncset.done $0x0  }
0xaf: {  	s5 =	simm.s32 @!p1 $0xB80;
	s20 =	simm.s32 @!p1 $0x80;
	[sflag:s16] =	ssyncadd.s32 $0xFFFFFC00  }
0xb0: {  	[tilespmem:s0], [sflag:$0xB] =	stream.indirect.gather @!p1 [spmem:s3], $0x8, s5, s20, $0xb8;
	[tilespmem:$0xAA10] =	vst v63  }
0xb1: {  	p2 =	sle.u32 s8, $0x19;
	p1 =	sle.u32 s8, $0x18;
	_ =	swait.ge [sflag:s9], $0x400  }
0xb2: {  	s12 =	simm.s32 $0x1A;
	s0 =	simm.s32 @!p1 $0x7B00;
	[sflag:s9] =	ssyncset.done $0x0  }
0xb3: {  	s5 =	simm.s32 @!p1 $0xC00;
	s20 =	simm.s32 @!p1 $0x80;
	[sflag:s9] =	ssyncadd.s32 $0xFFFFFC00  }
0xb4: {  	[tilespmem:s0], [sflag:$0xC] =	stream.indirect.gather @!p1 [spmem:s3], $0x8, s5, s20, $0xb8;
	[tilespmem:$0xAA10] =	vst v63  }
0xb5: {  	s29 =	simm.s32 @!p2 $0xC80;
	_ =	swait.ge [sflag:s12], $0x400  }
0xb6: {  	s24 =	simm.s32 $0x26;
	s20 =	simm.s32 $0x1A00;
	[sflag:s12] =	ssyncset.done $0x0  }
0xb7: {  	s0 =	simm.s32 @!p2 $0x7F00;
	s5 =	simm.s32 @!p2 $0x80;
	[sflag:s12] =	ssyncadd.s32 $0xFFFFFC00  }
.LBB2_2:
0xb8: {  	[tilespmem:s0], [sflag:$0xD] =	stream.indirect.gather @!p2 [spmem:s3], $0x8, s29, s5, $0xb8;
	[tilespmem:$0xAA10] =	vst v63  }
0xb9: {  	s29 =	smov.u32 s20;
	s20 =	sadd.s32 $0x1A00, s20;
	s5 =	simm.s32 $0x1  }
0xba: {  	p1 =	sne.s32 s20, $0x9C00;
	_ =	swait.ge [sflag:s5], $0x400  }
0xbb: {  	s0 =	sshra.s32 s29, $0x2;
	[sflag:s5] =	ssyncset.done $0x0  }
0xbc: {  	s7 =	simm.s32 $0x4F00;
	[sflag:s5] =	ssyncadd.s32 $0xFFFFFC00;
	s5 =	sadd.s32 $0x2780, s0  }
0xbd: {  	[spmem:s2] =	stream.indirect.scatter.add.f32 [tilespmem:s7], [sflag:$0xE], $0x8, s5, s17, $0xb8;
	[tilespmem:$0xAA10] =	vst v63  }
0xbe: {  	s5 =	simm.s32 $0x2  }
0xbf: {  	_ =	swait.ge [sflag:s5], $0x400  }
0xc0: {  	[sflag:s5] =	ssyncset.done $0x0  }
0xc1: {  	s7 =	simm.s32 $0x5300;
	[sflag:s5] =	ssyncadd.s32 $0xFFFFFC00;
	s5 =	sadd.s32 $0x2800, s0  }
0xc2: {  	[spmem:s2] =	stream.indirect.scatter.add.f32 [tilespmem:s7], [sflag:$0xF], $0x8, s5, s17, $0xb8;
	[tilespmem:$0xAA10] =	vst v63  }
0xc3: {  	s5 =	simm.s32 $0x3  }
0xc4: {  	_ =	swait.ge [sflag:s5], $0x400  }
0xc5: {  	[sflag:s5] =	ssyncset.done $0x0  }
0xc6: {  	s7 =	simm.s32 $0x5700;
	[sflag:s5] =	ssyncadd.s32 $0xFFFFFC00;
	s5 =	sadd.s32 $0x2880, s0  }
0xc7: {  	[spmem:s2] =	stream.indirect.scatter.add.f32 [tilespmem:s7], [sflag:$0x10], $0x8, s5, s17, $0xb8;
	[tilespmem:$0xAA10] =	vst v63  }
0xc8: {  	s5 =	simm.s32 $0x4  }
0xc9: {  	_ =	swait.ge [sflag:s5], $0x400  }
0xca: {  	[sflag:s5] =	ssyncset.done $0x0  }
0xcb: {  	s7 =	simm.s32 $0x5B00;
	[sflag:s5] =	ssyncadd.s32 $0xFFFFFC00;
	s5 =	sadd.s32 $0x2900, s0  }
0xcc: {  	[spmem:s2] =	stream.indirect.scatter.add.f32 [tilespmem:s7], [sflag:$0x11], $0x8, s5, s17, $0xb8;
	[tilespmem:$0xAA10] =	vst v63  }
0xcd: {  	s5 =	simm.s32 $0x5  }
0xce: {  	_ =	swait.ge [sflag:s5], $0x400  }
0xcf: {  	[sflag:s5] =	ssyncset.done $0x0  }
0xd0: {  	s7 =	simm.s32 $0x5F00;
	[sflag:s5] =	ssyncadd.s32 $0xFFFFFC00;
	s5 =	sadd.s32 $0x2980, s0  }
0xd1: {  	[spmem:s2] =	stream.indirect.scatter.add.f32 [tilespmem:s7], [sflag:$0x12], $0x8, s5, s17, $0xb8;
	[tilespmem:$0xAA10] =	vst v63  }
0xd2: {  	s5 =	simm.s32 $0x6  }
0xd3: {  	_ =	swait.ge [sflag:s5], $0x400  }
0xd4: {  	[sflag:s5] =	ssyncset.done $0x0  }
0xd5: {  	s7 =	simm.s32 $0x6300;
	[sflag:s5] =	ssyncadd.s32 $0xFFFFFC00;
	s5 =	sadd.s32 $0x2A00, s0  }
0xd6: {  	[spmem:s2] =	stream.indirect.scatter.add.f32 [tilespmem:s7], [sflag:$0x13], $0x8, s5, s17, $0xb8;
	[tilespmem:$0xAA10] =	vst v63  }
0xd7: {  	_ =	swait.ge [sflag:s6], $0x400  }
0xd8: {  	[sflag:s6] =	ssyncset.done $0x0  }
0xd9: {  	s5 =	sadd.s32 $0x2A80, s0;
	s7 =	simm.s32 $0x6700;
	[sflag:s6] =	ssyncadd.s32 $0xFFFFFC00  }
0xda: {  	[spmem:s2] =	stream.indirect.scatter.add.f32 [tilespmem:s7], [sflag:$0x14], $0x8, s5, s17, $0xb8;
	[tilespmem:$0xAA10] =	vst v63  }
0xdb: {  	_ =	swait.ge [sflag:s13], $0x400  }
0xdc: {  	[sflag:s13] =	ssyncset.done $0x0  }
0xdd: {  	s5 =	sadd.s32 $0x2B00, s0;
	s7 =	simm.s32 $0x6B00;
	[sflag:s13] =	ssyncadd.s32 $0xFFFFFC00  }
0xde: {  	[spmem:s2] =	stream.indirect.scatter.add.f32 [tilespmem:s7], [sflag:$0x15], $0x8, s5, s17, $0xb8;
	[tilespmem:$0xAA10] =	vst v63  }
0xdf: {  	_ =	swait.ge [sflag:s18], $0x400  }
0xe0: {  	[sflag:s18] =	ssyncset.done $0x0  }
0xe1: {  	s5 =	sadd.s32 $0x2B80, s0;
	s7 =	simm.s32 $0x6F00;
	[sflag:s18] =	ssyncadd.s32 $0xFFFFFC00  }
0xe2: {  	[spmem:s2] =	stream.indirect.scatter.add.f32 [tilespmem:s7], [sflag:$0x16], $0x8, s5, s17, $0xb8;
	[tilespmem:$0xAA10] =	vst v63  }
0xe3: {  	_ =	swait.ge [sflag:s19], $0x400  }
0xe4: {  	[sflag:s19] =	ssyncset.done $0x0  }
0xe5: {  	s5 =	sadd.s32 $0x2C00, s0;
	s7 =	simm.s32 $0x7300;
	[sflag:s19] =	ssyncadd.s32 $0xFFFFFC00  }
0xe6: {  	[spmem:s2] =	stream.indirect.scatter.add.f32 [tilespmem:s7], [sflag:$0x17], $0x8, s5, s17, $0xb8;
	[tilespmem:$0xAA10] =	vst v63  }
0xe7: {  	_ =	swait.ge [sflag:s21], $0x400  }
0xe8: {  	[sflag:s21] =	ssyncset.done $0x0  }
0xe9: {  	s5 =	sadd.s32 $0x2C80, s0;
	s7 =	simm.s32 $0x7700;
	[sflag:s21] =	ssyncadd.s32 $0xFFFFFC00  }
0xea: {  	[spmem:s2] =	stream.indirect.scatter.add.f32 [tilespmem:s7], [sflag:$0x18], $0x8, s5, s17, $0xb8;
	[tilespmem:$0xAA10] =	vst v63  }
0xeb: {  	_ =	swait.ge [sflag:s23], $0x400  }
0xec: {  	[sflag:s23] =	ssyncset.done $0x0  }
0xed: {  	s5 =	sadd.s32 $0x2D00, s0;
	s7 =	simm.s32 $0x7B00;
	[sflag:s23] =	ssyncadd.s32 $0xFFFFFC00  }
0xee: {  	[spmem:s2] =	stream.indirect.scatter.add.f32 [tilespmem:s7], [sflag:$0x19], $0x8, s5, s17, $0xb8;
	[tilespmem:$0xAA10] =	vst v63  }
0xef: {  	_ =	swait.ge [sflag:s25], $0x400  }
0xf0: {  	s0 =	sadd.s32 $0x2D80, s0;
	[sflag:s25] =	ssyncset.done $0x0  }
0xf1: {  	s5 =	sadd.s32 $0xFFFFFFF4, s24;
	s7 =	simm.s32 $0x7F00;
	[sflag:s25] =	ssyncadd.s32 $0xFFFFFC00  }
0xf2: {  	[spmem:s2] =	stream.indirect.scatter.add.f32 [tilespmem:s7], [sflag:$0x1A], $0x8, s0, s17, $0xb8;
	[tilespmem:$0xAA10] =	vst v63  }
0xf3: {  	p2 =	sge.u32 s5, s8;
	s0 =	sadd.s32 $0xFFFFFFF5, s24;
	_ =	swait.ge [sflag:s28], $0x400  }
0xf4: {  	s5 =	sshra.s32 @!p2 s29, $0x2;
	s7 =	simm.s32 @!p2 $0x4F00;
	[sflag:s28] =	ssyncset.done $0x0  }
0xf5: {  	s10 =	simm.s32 @!p2 $0x80;
	s5 =	sadd.s32 @!p2 $0x680, s5;
	[sflag:s28] =	ssyncadd.s32 $0xFFFFFC00  }
0xf6: {  	[tilespmem:s7], [sflag:$0x1] =	stream.indirect.gather @!p2 [spmem:s3], $0x8, s5, s10, $0xb8;
	[tilespmem:$0xAA10] =	vst v63  }
0xf7: {  	p2 =	sge.u32 s0, s8;
	s0 =	sadd.s32 $0xFFFFFFF6, s24;
	_ =	swait.ge [sflag:s30], $0x400  }
0xf8: {  	s5 =	sshra.s32 @!p2 s29, $0x2;
	s7 =	simm.s32 @!p2 $0x5300;
	[sflag:s30] =	ssyncset.done $0x0  }
0xf9: {  	s10 =	simm.s32 @!p2 $0x80;
	s5 =	sadd.s32 @!p2 $0x700, s5;
	[sflag:s30] =	ssyncadd.s32 $0xFFFFFC00  }
0xfa: {  	[tilespmem:s7], [sflag:$0x2] =	stream.indirect.gather @!p2 [spmem:s3], $0x8, s5, s10, $0xb8;
	[tilespmem:$0xAA10] =	vst v63  }
0xfb: {  	p2 =	sge.u32 s0, s8;
	s0 =	sadd.s32 $0xFFFFFFF7, s24;
	_ =	swait.ge [sflag:s1], $0x400  }
0xfc: {  	s5 =	sshra.s32 @!p2 s29, $0x2;
	s7 =	simm.s32 @!p2 $0x5700;
	[sflag:s1] =	ssyncset.done $0x0  }
0xfd: {  	s10 =	simm.s32 @!p2 $0x80;
	s5 =	sadd.s32 @!p2 $0x780, s5;
	[sflag:s1] =	ssyncadd.s32 $0xFFFFFC00  }
0xfe: {  	[tilespmem:s7], [sflag:$0x3] =	stream.indirect.gather @!p2 [spmem:s3], $0x8, s5, s10, $0xb8;
	[tilespmem:$0xAA10] =	vst v63  }
0xff: {  	p2 =	sge.u32 s0, s8;
	s0 =	sadd.s32 $0xFFFFFFF8, s24;
	_ =	swait.ge [sflag:s4], $0x400  }
0x100: {  	s5 =	sshra.s32 @!p2 s29, $0x2;
	s7 =	simm.s32 @!p2 $0x5B00;
	[sflag:s4] =	ssyncset.done $0x0  }
0x101: {  	s10 =	simm.s32 @!p2 $0x80;
	s5 =	sadd.s32 @!p2 $0x800, s5;
	[sflag:s4] =	ssyncadd.s32 $0xFFFFFC00  }
0x102: {  	[tilespmem:s7], [sflag:$0x4] =	stream.indirect.gather @!p2 [spmem:s3], $0x8, s5, s10, $0xb8;
	[tilespmem:$0xAA10] =	vst v63  }
0x103: {  	p2 =	sge.u32 s0, s8;
	s0 =	sadd.s32 $0xFFFFFFF9, s24;
	_ =	swait.ge [sflag:s22], $0x400  }
0x104: {  	s5 =	sshra.s32 @!p2 s29, $0x2;
	s7 =	simm.s32 @!p2 $0x5F00;
	[sflag:s22] =	ssyncset.done $0x0  }
0x105: {  	s10 =	simm.s32 @!p2 $0x80;
	s5 =	sadd.s32 @!p2 $0x880, s5;
	[sflag:s22] =	ssyncadd.s32 $0xFFFFFC00  }
0x106: {  	[tilespmem:s7], [sflag:$0x5] =	stream.indirect.gather @!p2 [spmem:s3], $0x8, s5, s10, $0xb8;
	[tilespmem:$0xAA10] =	vst v63  }
0x107: {  	p2 =	sge.u32 s0, s8;
	s0 =	sadd.s32 $0xFFFFFFFA, s24;
	_ =	swait.ge [sflag:s26], $0x400  }
0x108: {  	s5 =	sshra.s32 @!p2 s29, $0x2;
	s7 =	simm.s32 @!p2 $0x6300;
	[sflag:s26] =	ssyncset.done $0x0  }
0x109: {  	s10 =	simm.s32 @!p2 $0x80;
	s5 =	sadd.s32 @!p2 $0x900, s5;
	[sflag:s26] =	ssyncadd.s32 $0xFFFFFC00  }
0x10a: {  	[tilespmem:s7], [sflag:$0x6] =	stream.indirect.gather @!p2 [spmem:s3], $0x8, s5, s10, $0xb8;
	[tilespmem:$0xAA10] =	vst v63  }
0x10b: {  	p2 =	sge.u32 s0, s8;
	s0 =	sadd.s32 $0xFFFFFFFB, s24;
	_ =	swait.ge [sflag:s31], $0x400  }
0x10c: {  	s5 =	sshra.s32 @!p2 s29, $0x2;
	s7 =	simm.s32 @!p2 $0x6700;
	[sflag:s31] =	ssyncset.done $0x0  }
0x10d: {  	s10 =	simm.s32 @!p2 $0x80;
	s5 =	sadd.s32 @!p2 $0x980, s5;
	[sflag:s31] =	ssyncadd.s32 $0xFFFFFC00  }
0x10e: {  	[tilespmem:s7], [sflag:$0x7] =	stream.indirect.gather @!p2 [spmem:s3], $0x8, s5, s10, $0xb8;
	[tilespmem:$0xAA10] =	vst v63  }
0x10f: {  	p2 =	sge.u32 s0, s8;
	s0 =	sadd.s32 $0xFFFFFFFC, s24;
	_ =	swait.ge [sflag:s11], $0x400  }
0x110: {  	s5 =	sshra.s32 @!p2 s29, $0x2;
	s7 =	simm.s32 @!p2 $0x6B00;
	[sflag:s11] =	ssyncset.done $0x0  }
0x111: {  	s10 =	simm.s32 @!p2 $0x80;
	s5 =	sadd.s32 @!p2 $0xA00, s5;
	[sflag:s11] =	ssyncadd.s32 $0xFFFFFC00  }
0x112: {  	[tilespmem:s7], [sflag:$0x8] =	stream.indirect.gather @!p2 [spmem:s3], $0x8, s5, s10, $0xb8;
	[tilespmem:$0xAA10] =	vst v63  }
0x113: {  	p2 =	sge.u32 s0, s8;
	s0 =	sadd.s32 $0xFFFFFFFD, s24;
	_ =	swait.ge [sflag:s14], $0x400  }
0x114: {  	s5 =	sshra.s32 @!p2 s29, $0x2;
	s7 =	simm.s32 @!p2 $0x6F00;
	[sflag:s14] =	ssyncset.done $0x0  }
0x115: {  	s10 =	simm.s32 @!p2 $0x80;
	s5 =	sadd.s32 @!p2 $0xA80, s5;
	[sflag:s14] =	ssyncadd.s32 $0xFFFFFC00  }
0x116: {  	[tilespmem:s7], [sflag:$0x9] =	stream.indirect.gather @!p2 [spmem:s3], $0x8, s5, s10, $0xb8;
	[tilespmem:$0xAA10] =	vst v63  }
0x117: {  	p2 =	sge.u32 s0, s8;
	s0 =	sadd.s32 $0xFFFFFFFE, s24;
	_ =	swait.ge [sflag:s15], $0x400  }
0x118: {  	s5 =	sshra.s32 @!p2 s29, $0x2;
	s7 =	simm.s32 @!p2 $0x7300;
	[sflag:s15] =	ssyncset.done $0x0  }
0x119: {  	s10 =	simm.s32 @!p2 $0x80;
	s5 =	sadd.s32 @!p2 $0xB00, s5;
	[sflag:s15] =	ssyncadd.s32 $0xFFFFFC00  }
0x11a: {  	[tilespmem:s7], [sflag:$0xA] =	stream.indirect.gather @!p2 [spmem:s3], $0x8, s5, s10, $0xb8;
	[tilespmem:$0xAA10] =	vst v63  }
0x11b: {  	p2 =	sge.u32 s0, s8;
	s0 =	sadd.s32 $0xFFFFFFFF, s24;
	_ =	swait.ge [sflag:s16], $0x400  }
0x11c: {  	s5 =	sshra.s32 @!p2 s29, $0x2;
	s7 =	simm.s32 @!p2 $0x7700;
	[sflag:s16] =	ssyncset.done $0x0  }
0x11d: {  	s10 =	simm.s32 @!p2 $0x80;
	s5 =	sadd.s32 @!p2 $0xB80, s5;
	[sflag:s16] =	ssyncadd.s32 $0xFFFFFC00  }
0x11e: {  	[tilespmem:s7], [sflag:$0xB] =	stream.indirect.gather @!p2 [spmem:s3], $0x8, s5, s10, $0xb8;
	[tilespmem:$0xAA10] =	vst v63  }
0x11f: {  	p2 =	sge.u32 s0, s8  }
0x120: {  	_ =	swait.ge [sflag:s9], $0x400;
	s0 =	sshra.s32 @!p2 s29, $0x2  }
0x121: {  	s5 =	simm.s32 @!p2 $0x7B00;
	s7 =	simm.s32 @!p2 $0x80;
	[sflag:s9] =	ssyncset.done $0x0  }
.Ltmp0:
0x122: {  	s0 =	sadd.s32 @!p2 $0xC00, s0;
	[sflag:s9] =	ssyncadd.s32 $0xFFFFFC00;
	(pc) =	sbr.rel @p1 .LBB2_2-.Ltmp0, $4  }
0x123: {  	[tilespmem:s5], [sflag:$0xC] =	stream.indirect.gather @!p2 [spmem:s3], $0x8, s0, s7, $0xb8;
	[tilespmem:$0xAA10] =	vst v63  }
0x124: {  	p2 =	sge.u32 s24, s8;
	s24 =	sadd.s32 $0xD, s24;
	_ =	swait.ge [sflag:s12], $0x400  }
0x125: {  	s5 =	sshra.s32 @!p2 s29, $0x2;
	s0 =	simm.s32 @!p2 $0x7F00;
	[sflag:s12] =	ssyncset.done $0x0  }
0x126: {  	s29 =	sadd.s32 @!p2 $0xC80, s5;
	s5 =	simm.s32 @!p2 $0x80;
	[sflag:s12] =	ssyncadd.s32 $0xFFFFFC00  }
0x127: {  	[tilespmem:s0], [sflag:$0xD] =	stream.indirect.gather @!p2 [spmem:s3], $0x8, s29, s5, $0xb8;
	[tilespmem:$0xAA10] =	vst v63  }
0x128: {  	s0 =	simm.s32 @!p0 $0x1  }
0x129: {  	_ =	swait.ge @!p0 [sflag:s0], $0x400  }
0x12a: {  	s5 =	simm.s32 @!p0 $0x4E80;
	[sflag:s0] =	ssyncset.done @!p0 $0x0  }
0x12b: {  	s7 =	simm.s32 @!p0 $0x4F00;
	[sflag:s0] =	ssyncadd.s32 @!p0 $0xFFFFFC00;
	s0 =	simm.s32 @!p0 $0x80  }
0x12c: {  	[spmem:s2] =	stream.indirect.scatter.add.f32 @!p0 [tilespmem:s7], [sflag:$0xE], $0x8, s5, s0, $0xb8;
	[tilespmem:$0xAA10] =	vst v63  }
0x12d: {  	s0 =	simm.s32 @!p0 $0xE  }
0x12e: {  	_ =	swait.ge @!p0 [sflag:s0], $0x400  }
0x12f: {  	[sflag:s0] =	ssyncset.done @!p0 $0x0  }
0x130: {  	[sflag:s0] =	ssyncadd.s32 @!p0 $0xFFFFFC00  }
0x131: {  	[bflag:$0x0] =	sbarrier.arrive $0xFFFF  }
0x132: {  	s20 =	rddreg [dreg:$0x6]  }
0x133: {  	s15 =	rddreg [dreg:$0x9]  }
0x134: {  	s7 =	simm.s32 $0x1B;
	s5 =	rddreg [dreg:$0xb]  }
0x135: {  	[hbm:s15], [sflag:s20] =	dma.local [spmem:s5], $0x271  }
0x136: {  	_ =	swait.ge [sflag:s7], $0x271  }
0x137: {  	s1 =	rddreg [dreg:$0xf]  }
0x138: {  	s24 =	rddreg [dreg:$0xa];
	s1 =	sadd.s32 $0x1, s1  }
0x139: {  	p1 =	sne.s32 s1, s24  }
.Ltmp1:
0x13a: {  	_ = 	snop;
	(pc) =	sbr.rel @p1 .LBB2_1-.Ltmp1, $3  }
0x13b: {  	_ =	sdelay $0x1  }
0x13c: {  	[sflag:s7] =	ssyncset.done $0x0  }
0x13d: {  	s29 =	simm.s32 $0x5300;
	[sflag:s7] =	ssyncadd.s32 $0xFFFFFD8F;
	s24 =	simm.s32 $0x4F00  }
0x13e: {  	_ =	sfence.sel $0x180000  }
0x13f: {  	[bflag:$0x0] =	sbarrier.arrive $0xFFFF  }
0x140: {  	_ =	strace $0x9000004D  }
0x141: {  	s0 =	stileid.u32;
	[bflag:$0x2] =	sbarrier.arrive $0xFFFF  }
0x142: {  	p0 =	sne.s32 s0, $0x0;
	s0 =	rddreg [dreg:$0x4]  }
0x143: {  	s0 =	sadd.s32 @!p0 $0x100000, s0  }
0x144: {  	[sflag:s0] =	ssyncadd.tile.s32 @!p0 $0x1;
	_ =	shalt  }
.Lfunc_end2:
_tile_overlayer_lowered:
.L_overlay_start_2:
0x145: {  	(tag) =	ssettag $0x2  }
0x146: {  	s0 =	rddreg [dreg:$0x0];
	s2 =	stileid.u32  }
0x147: {  	s1 =	rddreg [dreg:$0x1];
	p0 =	sne.s32 s2, $0x0  }
0x148: {  	s3 =	rddreg [dreg:$0x2];
	[bflag:$0x3] =	sbarrier.arrive $0xFFFF;
	s2 =	simm.s32 @!p0 $0x1C1B  }
0x149: {  	[timem:s3], [sflag:s2] =	dma.local @!p0 [hbm:s0], s1  }
0x14a: {  	s0 =	simm.s32 @!p0 $0x1B  }
0x14b: {  	_ =	swait.ge @!p0 [sflag:s0], s1  }
0x14c: {  	s1 =	ssub.s32 @!p0 $0x0, s1;
	[sflag:s0] =	ssyncset.done @!p0 $0x0  }
0x14d: {  	[sflag:s0] =	ssyncadd.s32 @!p0 s1  }
0x14e: {  	[bflag:$0x3] =	sbarrier.arrive $0xFFFF  }
0x14f: {  	_ =	shalt  }

// kernel: kernel.8.cloned.1.call-start
scs
__scs_entry_jumppad:
0x0: {  	(pc) =	sbr.rel $0x88, $3  }
0x1: {  	(tag) =	ssettag $0x0;
	lr =	simm.s32 $0x1  }
0x2: {  	[smem:$0x3F9B] =	sst lr;
	_ =	strace $0xD0000000  }
0x3: {  	_ = 	snop  }
0x4: {  	_ = 	snop  }
0x5: {  	_ = 	snop  }
0x6: {  	_ = 	snop  }
0x7: {  	_ = 	snop  }
__scs_overlays_trampoline_lowered:
0x8: {  	[smem:$0x3FAA] =	sst s0  }
0x9: {  	[smem:$0x3FAB] =	sst s1  }
0xa: {  	[smem:$0x3FAC] =	sst s2  }
0xb: {  	[smem:$0x3FAD] =	sst s3  }
0xc: {  	[smem:$0x3FAE] =	sst s4  }
0xd: {  	[smem:$0x3FAF] =	sst s5  }
0xe: {  	[smem:$0x3FB0] =	sst s6  }
0xf: {  	[smem:$0x3FB1] =	sst s7  }
0x10: {  	[smem:$0x3FB2] =	sst s8  }
0x11: {  	[smem:$0x3FB3] =	sst s9;
	s0 =	simm.s32 @!p0 $0x0  }
0x12: {  	s1 =	sld [smem:$0x3F99];
	s0 =	simm.s32 @p0 $0x1  }
0x13: {  	[smem:$0x3FB4] =	sst s0;
	s0 =	simm.s32 @!p1 $0x0  }
0x14: {  	s2 =	sld [smem:$0x3F98];
	s0 =	simm.s32 @p1 $0x1  }
0x15: {  	[smem:$0x3FB5] =	sst s0;
	s0 =	simm.s32 @!p2 $0x0  }
0x16: {  	s3 =	sld [smem:$0x3FDB];
	s0 =	simm.s32 @p2 $0x1  }
0x17: {  	s4 =	simm.s32 $0x1BF5;
	[smem:$0x3FB7] =	sst s0  }
0x18: {  	s0 =	sld [smem:$0x3F9A];
	_ =	swait.ge [sflag:s4], $0x0  }
0x19: {  	s7 =	sld [smem:$0x3F9B]  }
0x1a: {  	s8 =	sadd.s32 $0xFFFFE003, lr  }
0x1b: {  	s9 =	sadd.s32 $0xFFFFFEF7, lr;
	s5 =	simm.s32 $0xFFFFFFFF;
	p2 =	slt.u32 s8, $0xFFFFF086  }
0x1c: {  	p1 =	slt.u32 s9, $0xF7A;
	s5 =	simm.s32 @!p2 $0x0  }
0x1d: {  	s5 =	simm.s32 @p1 $0x1;
	p0 =	seq.s32 s7, s2  }
0x1e: {  	s7 =	smul.u32 @!p0 $0xF7A, s2;
	p2 =	seq.s32 @!p0 s5, $0x0  }
0x1f: {  	s9 =	smul.u32 $0xF7A, s1;
	s8 =	simm.s32 @!p0 $0x1BF5;
	p2 =	por !p2, p0  }
0x20: {  	[sflag:s8] =	ssyncset.s32 @!p0 $0xFFFFF086;
	s6 =	sadd.s32 @!p0 s3, s7;
	s7 =	simm.s32 @!p0 $0x108  }
0x21: {  	s3 =	sadd.s32 s3, s9;
	s6 =	sadd.s32 @!p0 $0x88, s6;
	s7 =	simm.s32 @p2 $0x1082  }
0x22: {  	[simem:s7], [sflag:s8] =	dma.local @!p0 [hbm:s6], $0xF7A  }
0x23: {  	s9 =	sor.u32 $0xD0000000, s2;
	s6 =	simm.s32 $0x108;
	_ =	swait.ge @!p0 [sflag:s8], $0x0  }
0x24: {  	s3 =	sadd.s32 $0x88, s3;
	s6 =	simm.s32 @!p1 $0x1082;
	[sflag:s4] =	ssyncset.s32 $0xFFFFF086  }
0x25: {  	[simem:s6], [sflag:s4] =	dma.local [hbm:s3], $0xF7A  }
0x26: {  	[smem:$0x3F9B] =	sst s1;
	(tag) =	ssettag s2;
	_ =	strace s9  }
0x27: {  	s1 =	sld [smem:$0x3FAB]  }
0x28: {  	s2 =	sld [smem:$0x3FAC]  }
0x29: {  	s4 =	sld [smem:$0x3FAE]  }
0x2a: {  	p0 =	seq.s32 s5, $0x0;
	s5 =	sld [smem:$0x3FAF]  }
0x2b: {  	s6 =	sld [smem:$0x3FB0]  }
0x2c: {  	s7 =	sld [smem:$0x3FB1]  }
0x2d: {  	s3 =	simm.s32 $0x108;
	s8 =	sld [smem:$0x3FB2]  }
0x2e: {  	s3 =	simm.s32 @!p0 $0x1082;
	s9 =	sld [smem:$0x3FB3]  }
0x2f: {  	lr =	sadd.s32 s0, s3;
	s0 =	sld [smem:$0x3FAA]  }
0x30: {  	s3 =	sld [smem:$0x3FAD]  }
0x31: {  	[smem:$0x3FB6] =	sst s10  }
0x32: {  	s10 =	sld [smem:$0x3FB4];
	_ =	sdelay $0x3  }
0x33: {  	p0 =	seq.s32 s10, $0x1;
	s10 =	sld [smem:$0x3FB6];
	_ =	sdelay $0x3  }
0x34: {  	[smem:$0x3FB6] =	sst s10  }
0x35: {  	s10 =	sld [smem:$0x3FB5];
	_ =	sdelay $0x3  }
0x36: {  	p1 =	seq.s32 s10, $0x1;
	s10 =	sld [smem:$0x3FB6];
	_ =	sdelay $0x3  }
0x37: {  	[smem:$0x3FB6] =	sst s10  }
0x38: {  	s10 =	sld [smem:$0x3FB7]  }
0x39: {  	_ = 	snop;
	(pc) =	sbr.ind lr, $3  }
0x3a: {  	_ = 	snop  }
0x3b: {  	_ = 	snop  }
0x3c: {  	p2 =	seq.s32 s10, $0x1;
	s10 =	sld [smem:$0x3FB6]  }
0x3d: {  	_ =	shalt  }
0x3e: {  	_ =	shalt  }
0x3f: {  	_ =	shalt  }
0x40: {  	_ =	shalt  }
0x41: {  	_ =	shalt  }
0x42: {  	_ =	shalt  }
0x43: {  	_ =	shalt  }
0x44: {  	_ =	shalt  }
0x45: {  	_ =	shalt  }
0x46: {  	_ =	shalt  }
0x47: {  	_ =	shalt  }
0x48: {  	_ =	shalt  }
0x49: {  	_ =	shalt  }
0x4a: {  	_ =	shalt  }
0x4b: {  	_ =	shalt  }
0x4c: {  	_ =	shalt  }
0x4d: {  	_ =	shalt  }
0x4e: {  	_ =	shalt  }
0x4f: {  	_ =	shalt  }
0x50: {  	_ =	shalt  }
0x51: {  	_ =	shalt  }
0x52: {  	_ =	shalt  }
0x53: {  	_ =	shalt  }
0x54: {  	_ =	shalt  }
0x55: {  	_ =	shalt  }
0x56: {  	_ =	shalt  }
0x57: {  	_ =	shalt  }
0x58: {  	_ =	shalt  }
0x59: {  	_ =	shalt  }
0x5a: {  	_ =	shalt  }
0x5b: {  	_ =	shalt  }
0x5c: {  	_ =	shalt  }
0x5d: {  	_ =	shalt  }
0x5e: {  	_ =	shalt  }
0x5f: {  	_ =	shalt  }
0x60: {  	_ =	shalt  }
0x61: {  	_ =	shalt  }
0x62: {  	_ =	shalt  }
0x63: {  	_ =	shalt  }
0x64: {  	_ =	shalt  }
0x65: {  	_ =	shalt  }
0x66: {  	_ =	shalt  }
0x67: {  	_ =	shalt  }
0x68: {  	_ =	shalt  }
0x69: {  	_ =	shalt  }
0x6a: {  	_ =	shalt  }
0x6b: {  	_ =	shalt  }
0x6c: {  	_ =	shalt  }
0x6d: {  	_ =	shalt  }
0x6e: {  	_ =	shalt  }
0x6f: {  	_ =	shalt  }
0x70: {  	_ =	shalt  }
0x71: {  	_ =	shalt  }
0x72: {  	_ =	shalt  }
0x73: {  	_ =	shalt  }
0x74: {  	_ =	shalt  }
0x75: {  	_ =	shalt  }
0x76: {  	_ =	shalt  }
0x77: {  	_ =	shalt  }
0x78: {  	_ =	shalt  }
0x79: {  	_ =	shalt  }
0x7a: {  	_ =	shalt  }
0x7b: {  	_ =	shalt  }
0x7c: {  	_ =	shalt  }
0x7d: {  	_ =	shalt  }
0x7e: {  	_ =	shalt  }
0x7f: {  	_ =	shalt  }
0x80: {  	_ =	shalt  }
0x81: {  	_ =	shalt  }
0x82: {  	_ =	shalt  }
0x83: {  	_ =	shalt  }
0x84: {  	_ =	shalt  }
0x85: {  	_ =	shalt  }
0x86: {  	_ =	shalt  }
0x87: {  	_ =	shalt  }
.Lfunc_end0:
.L_simem_size_0:
called_computation_lowered:
.L_overlay_start_0:
0x88: {  	s2 =	sld [smem:$0x3FD9]  }
0x89: {  	s3 =	sld [smem:$0x3FFE];
	_ =	sdelay $0x1  }
0x8a: {  	s1 =	srdreg.scid  }
0x8b: {  	s0 =	sand.u32 $0x1, s1  }
0x8c: {  	s17 =	sshll.u32 s0, $0xA;
	s2 =	sadd.s32 s3, s2  }
0x8d: {  	s2 =	sadd.s32 s2, s17  }
0x8e: {  	[smem:$0x3FC2] =	sst s2  }
0x8f: {  	_ = 	snop  }
0x90: {  	s2 =	sld [smem:$0x3FD0];
	(tm) =	ssettm $0x1  }
0x91: {  	s18 =	sld [smem:$0x3FFB];
	_ =	sdelay $0x3  }
0x92: {  	_ =	strace s18  }
0x93: {  	s3 =	sld [smem:$0x3FFC];
	_ =	sdelay $0x3  }
0x94: {  	_ =	strace s3  }
0x95: {  	s3 =	sld [smem:$0x3FFD];
	_ =	sdelay $0x3  }
0x96: {  	_ =	strace s3  }
0x97: {  	_ =	strace $0x8FFFFFFF  }
0x98: {  	s19 =	sld [smem:$0x3FDB];
	_ =	sdelay $0x1  }
0x99: {  	s4 =	simm.s32 $_scs_section_size  }
0x9a: {  	s5 =	simm.s32 $_size__tile_overlayer_lowered;
	s6 =	simm.s32 $_tile_overlayer_lowered  }
0x9b: {  	s22 =	simm.s32 $0x1BFF;
	s21 =	sshll.u32 s6, $0x1;
	s3 =	sadd.s32 s4, s19  }
0x9c: {  	s7 =	simm.s32 $0x0;
	s20 =	sshll.u32 s5, $0x1;
	s5 =	sadd.s32 s21, s3  }
0x9d: {  	[timem:s7], [sflag:s22] =	dma.local [hbm:s5], s20  }
0x9e: {  	_ =	swait.ge [sflag:s22], s20  }
0x9f: {  	s4 =	ssub.s32 $0x0, s20;
	[sflag:s22] =	ssyncset.done $0x0  }
0xa0: {  	[sflag:s22] =	ssyncadd.s32 s4;
	_ =	sdelay $0x1  }
0xa1: {  	s23 =	simm.s32 $0x1B8B  }
0xa2: {  	_ =	swait.ge [sflag:s23], $0x1  }
0xa3: {  	[sflag:s23] =	ssyncset.done $0x0  }
0xa4: {  	s25 =	simm.s32 $0x1B8E;
	s24 =	sld [smem:$0x3FFE];
	[sflag:s23] =	ssyncadd.s32 $0xFFFFFFFF  }
0xa5: {  	s26 =	simm.s32 $execute0_lowered;
	[smem:$0x3FD2] =	sst s25  }
0xa6: {  	s5 =	sshll.u32 s26, $0x1;
	_ =	strace $0x80000046;
	[dreg:$0x1] =	wrdreg $0xFFFFFFFF  }
0xa7: {  	s28 =	simm.s32 $_size_execute0_lowered;
	s3 =	sadd.s32 s3, s5;
	[dreg:$0x0] =	wrdreg $0x0  }
0xa8: {  	s5 =	sshll.u32 s28, $0x1;
	[dreg:$0x2] =	wrdreg s3  }
0xa9: {  	[dreg:$0x3] =	wrdreg s5  }
0xaa: {  	[dreg:$0x4] =	wrdreg $0xC0  }
0xab: {  	_ =	task [dreg:s7], $0x5FFFF  }
0xac: {  	[dreg:$0x1] =	wrdreg $0xFFFFFFFF  }
0xad: {  	[dreg:$0x0] =	wrdreg $0x60  }
0xae: {  	[dreg:$0x2] =	wrdreg s24  }
0xaf: {  	[dreg:$0x3] =	wrdreg s2  }
0xb0: {  	[dreg:$0x4] =	wrdreg $0x28000  }
0xb1: {  	[dreg:$0x5] =	wrdreg $0x9  }
0xb2: {  	_ =	task.clear_ibuf [dreg:s7], $0x6FFFF;
	_ =	strace $0x90000046  }
0xb3: {  	s29 =	simm.s32 $0x9;
	_ =	strace $0x80000048  }
0xb4: {  	_ =	swait.ge [sflag:s29], $0x1  }
0xb5: {  	[sflag:s29] =	ssyncadd.s32 $0xFFFFFFFF  }
0xb6: {  	_ =	strace $0x90000048  }
0xb7: {  	_ =	sfence  }
0xb8: {  	s30 =	sld [smem:$0x0];
	_ =	sdelay $0x2  }
0xb9: {  	s31 =	sshll.u32 s1, $0xD;
	s1 =	sshrl.u32 s1, $0x2  }
0xba: {  	s3 =	sand.u32 $0x4000, s31;
	s1 =	sadd.s32 s1, s30  }
0xbb: {  	s0 =	sor.u32 s3, s0;
	s1 =	sshll.u32 s1, $0x11  }
0xbc: {  	s0 =	sor.u32 s1, s0  }
0xbd: {  	s0 =	sadd.s32 $0x8F2B, s0  }
0xbe: {  	[sflag:s0] =	ssyncadd.remote.s32 $0x1  }
0xbf: {  	_ =	sfence.sel $0xFFFF  }
0xc0: {  	[dreg:$0x0] =	wrdreg $0xFFFFFFFF;
	(pc) =	sbr.abs _section_cstart, $3  }
0xc1: {  	[dreg:$0x1] =	wrdreg $0xFFFFFFFF  }
0xc2: {  	_ =	task.clear_ibuf [dreg:s7], $0x2FFFF;
	_ =	strace $0x9FFFFFFF  }
0xc3: {  	(tm) =	ssettm $0x7FFFFFFF  }
tec
execute0_lowered:
.L_overlay_start_1:
0x0: {  	(tag) =	ssettag $0x1  }
0x1: {  	s5 =	rddreg [dreg:$0x0]  }
0x2: {  	s6 =	rddreg [dreg:$0x1]  }
0x3: {  	s1 =	rddreg [dreg:$0x2]  }
0x4: {  	s2 =	srdreg.scid;
	s0 =	rddreg [dreg:$0x3]  }
0x5: {  	s8 =	stileid.u32;
	s14 =	simm.s32 $0x180;
	s15 =	simm.s32 $0x200  }
0x6: {  	s16 =	simm.s32 $0x280;
	s17 =	simm.s32 $0x300;
	s18 =	simm.s32 $0x380  }
0x7: {  	s19 =	simm.s32 $0x1;
	s20 =	simm.s32 $0x0;
	s7 =	sand.u32 $0x1, s2  }
0x8: {  	s2 =	simm.s32 $0x0;
	s4 =	sadd.s32 $0x15400, s5;
	p0 =	sne.s32 s8, $0x0  }
0x9: {  	s3 =	sshll.u32 s7, $0x4;
	[smem:$0x7FF] =	sst s2;
	s11 =	ssub.s32 $0x2, s7  }
0xa: {  	s7 =	smul.u32 $0x4E2, s7;
	s9 =	sor.u32 s8, s3;
	_ =	strace $0x80000047  }
0xb: {  	s3 =	sadd.s32 $0x15A00, s5;
	s13 =	sshrl.u32 s11, $0x1;
	s10 =	smul.u32 $0x4E, s9  }
0xc: {  	s12 =	smin.u32 s9, $0x4;
	s11 =	ssub.s32 s11, s13;
	p1 =	sgt.u32 s9, $0x3  }
0xd: {  	s13 =	simm.s32 $0x100;
	s10 =	sadd.s32 s12, s10;
	s12 =	sadd.s32 $0xB640, s5  }
0xe: {  	s5 =	sadd.s32 s6, s7;
	s6 =	smax.u32 s11, $0x1;
	s10 =	sshll.u32 s10, $0x4  }
0xf: {  	s7 =	sshrl.u32 @!p0 s1, $0x3;
	s11 =	simm.s32 $0x2;
	s8 =	sadd.s32 @p1 s10, s12  }
0x10: {  	s9 =	sadd.s32 @!p1 s10, s12;
	s10 =	simm.s32 $0x2780;
	s12 =	simm.s32 $0x80  }
.LBB2_1:
0x11: {  	s21 =	simm.s32 @!p0 $0x1C02  }
0x12: {  	[spmem:s7], [sflag:s21] =	dma.local @!p0 [hbm:s4], $0x4E2  }
0x13: {  	s21 =	simm.s32 @!p0 $0x2  }
0x14: {  	_ =	swait.ge @!p0 [sflag:s21], $0x4E2  }
0x15: {  	[sflag:s21] =	ssyncset.done @!p0 $0x0  }
0x16: {  	[sflag:s21] =	ssyncadd.s32 @!p0 $0xFFFFFB1E;
	s21 =	simm.s32 @p1 $0x0  }
0x17: {  	[tilespmem:s21], [sflag:$0x2] =	stream.linear.gather @p1 [hbm4b:s8+s21], $0x2700, $0x38;
	[tilespmem:$0x2A78] =	vst v63  }
0x18: {  	s21 =	simm.s32 @p1 $0x2  }
0x19: {  	_ =	swait.ge @p1 [sflag:s21], $0x2700  }
0x1a: {  	[sflag:s21] =	ssyncset.done @p1 $0x0  }
0x1b: {  	[sflag:s21] =	ssyncadd.s32 @p1 $0xFFFFD900;
	s21 =	simm.s32 @!p1 $0x0  }
0x1c: {  	[tilespmem:s21], [sflag:$0x2] =	stream.linear.gather @!p1 [hbm4b:s9+s21], $0x2780, $0x38;
	[tilespmem:$0x2A78] =	vst v63  }
0x1d: {  	s21 =	simm.s32 @!p1 $0x2  }
0x1e: {  	_ =	swait.ge @!p1 [sflag:s21], $0x2780  }
0x1f: {  	[sflag:s21] =	ssyncset.done @!p1 $0x0  }
0x20: {  	[sflag:s21] =	ssyncadd.s32 @!p1 $0xFFFFD880  }
0x21: {  	[tilespmem:s10], [sflag:$0x2] =	stream.linear.gather [hbm4b:s3+s2], $0x80, $0x38;
	[tilespmem:$0x2A78] =	vst v63  }
0x22: {  	_ =	swait.ge [sflag:s11], $0x80  }
0x23: {  	[sflag:s11] =	ssyncset.done $0x0  }
0x24: {  	[sflag:s11] =	ssyncadd.s32 $0xFFFFFF80  }
0x25: {  	[bflag:$0x0] =	sbarrier.arrive $0xFFFF  }
0x26: {  	[spmem:s1] =	stream.indirect.scatter.add.f32 [tilespmem:s10], [sflag:$0x1], $0x1, s2, s12, $0xb8;
	[tilespmem:$0x2A78] =	vst v63  }
0x27: {  	_ = 	snop  }
0x28: {  	[spmem:s1] =	stream.indirect.scatter.add.f32 [tilespmem:s10], [sflag:$0x1], $0x1, s12, s12, $0xb8;
	[tilespmem:$0x2A78] =	vst v63  }
0x29: {  	_ = 	snop  }
0x2a: {  	[spmem:s1] =	stream.indirect.scatter.add.f32 [tilespmem:s10], [sflag:$0x1], $0x1, s13, s12, $0xb8;
	[tilespmem:$0x2A78] =	vst v63  }
0x2b: {  	_ = 	snop  }
0x2c: {  	[spmem:s1] =	stream.indirect.scatter.add.f32 [tilespmem:s10], [sflag:$0x1], $0x1, s14, s12, $0xb8;
	[tilespmem:$0x2A78] =	vst v63  }
0x2d: {  	_ = 	snop  }
0x2e: {  	[spmem:s1] =	stream.indirect.scatter.add.f32 [tilespmem:s10], [sflag:$0x1], $0x1, s15, s12, $0xb8;
	[tilespmem:$0x2A78] =	vst v63  }
0x2f: {  	_ = 	snop  }
0x30: {  	[spmem:s1] =	stream.indirect.scatter.add.f32 [tilespmem:s10], [sflag:$0x1], $0x1, s16, s12, $0xb8;
	[tilespmem:$0x2A78] =	vst v63  }
0x31: {  	_ = 	snop  }
0x32: {  	[spmem:s1] =	stream.indirect.scatter.add.f32 [tilespmem:s10], [sflag:$0x1], $0x1, s17, s12, $0xb8;
	[tilespmem:$0x2A78] =	vst v63  }
0x33: {  	_ = 	snop  }
0x34: {  	[spmem:s1] =	stream.indirect.scatter.add.f32 [tilespmem:s10], [sflag:$0x1], $0x1, s18, s12, $0xb8;
	[tilespmem:$0x2A78] =	vst v63  }
0x35: {  	_ =	swait.ge [sflag:s19], $0x80  }
0x36: {  	[sflag:s19] =	ssyncset.done $0x0  }
0x37: {  	s22 =	simm.s32 $0x400;
	s21 =	simm.s32 $0x1200;
	[sflag:s19] =	ssyncadd.s32 $0xFFFFFF80  }
.LBB2_2:
0x38: {  	[spmem:s1] =	stream.indirect.scatter.add.f32 [tilespmem:s10], [sflag:$0x1], $0x1, s22, s12, $0xb8;
	[tilespmem:$0x2A78] =	vst v63  }
0x39: {  	s22 =	smov.u32 s21;
	p2 =	sne.s32 s21, $0x9A00  }
.Ltmp0:
0x3a: {  	s21 =	sadd.s32 $0x200, s21;
	(pc) =	sbr.rel @p2 .LBB2_2-.Ltmp0, $4  }
0x3b: {  	_ = 	snop  }
0x3c: {  	_ =	swait.ge [sflag:s19], $0x80  }
0x3d: {  	[sflag:s19] =	ssyncset.done $0x0  }
0x3e: {  	s22 =	sshra.s32 s22, $0x2;
	[sflag:s19] =	ssyncadd.s32 $0xFFFFFF80  }
0x3f: {  	[spmem:s1] =	stream.indirect.scatter.add.f32 [tilespmem:s10], [sflag:$0x1], $0x1, s22, s12, $0xb8;
	[tilespmem:$0x2A78] =	vst v63  }
0x40: {  	s21 =	simm.s32 @!p1 $0x1  }
0x41: {  	_ =	swait.ge @!p1 [sflag:s21], $0x80  }
0x42: {  	s22 =	simm.s32 @!p1 $0x2700;
	[sflag:s21] =	ssyncset.done @!p1 $0x0  }
0x43: {  	s23 =	simm.s32 @!p1 $0x2780;
	[sflag:s21] =	ssyncadd.s32 @!p1 $0xFFFFFF80;
	s21 =	simm.s32 @!p1 $0x80  }
0x44: {  	[spmem:s1] =	stream.indirect.scatter.add.f32 @!p1 [tilespmem:s23], [sflag:$0x1], $0x1, s22, s21, $0xb8;
	[tilespmem:$0x2A78] =	vst v63  }
0x45: {  	_ =	swait.ge [sflag:s19], $0x80  }
0x46: {  	[sflag:s19] =	ssyncset.done $0x0  }
0x47: {  	[sflag:s19] =	ssyncadd.s32 $0xFFFFFF80  }
0x48: {  	_ =	swait.ge [sflag:s19], $0x80  }
0x49: {  	[sflag:s19] =	ssyncset.done $0x0  }
0x4a: {  	[sflag:s19] =	ssyncadd.s32 $0xFFFFFF80  }
0x4b: {  	_ =	swait.ge [sflag:s19], $0x80  }
0x4c: {  	[sflag:s19] =	ssyncset.done $0x0  }
0x4d: {  	[sflag:s19] =	ssyncadd.s32 $0xFFFFFF80  }
0x4e: {  	_ =	swait.ge [sflag:s19], $0x80  }
0x4f: {  	[sflag:s19] =	ssyncset.done $0x0  }
0x50: {  	[sflag:s19] =	ssyncadd.s32 $0xFFFFFF80  }
0x51: {  	_ =	swait.ge [sflag:s19], $0x80  }
0x52: {  	[sflag:s19] =	ssyncset.done $0x0  }
0x53: {  	[sflag:s19] =	ssyncadd.s32 $0xFFFFFF80  }
0x54: {  	_ =	swait.ge [sflag:s19], $0x80  }
0x55: {  	[sflag:s19] =	ssyncset.done $0x0  }
0x56: {  	[sflag:s19] =	ssyncadd.s32 $0xFFFFFF80  }
0x57: {  	_ =	swait.ge [sflag:s19], $0x80  }
0x58: {  	[sflag:s19] =	ssyncset.done $0x0  }
0x59: {  	[sflag:s19] =	ssyncadd.s32 $0xFFFFFF80  }
0x5a: {  	_ =	swait.ge [sflag:s19], $0x80  }
0x5b: {  	[sflag:s19] =	ssyncset.done $0x0  }
0x5c: {  	s20 =	sadd.s32 $0x1, s20;
	[sflag:s19] =	ssyncadd.s32 $0xFFFFFF80  }
0x5d: {  	p2 =	sne.s32 s20, s6;
	s21 =	simm.s32 @!p0 $0x1C02;
	[bflag:$0x0] =	sbarrier.arrive $0xFFFF  }
0x5e: {  	[hbm:s5], [sflag:s21] =	dma.local @!p0 [spmem:s7], $0x4E2  }
.Ltmp1:
0x5f: {  	_ = 	snop;
	(pc) =	sbr.rel @p2 .LBB2_1-.Ltmp1, $4  }
0x60: {  	s21 =	simm.s32 @!p0 $0x2  }
0x61: {  	_ =	swait.ge @!p0 [sflag:s21], $0x4E2  }
0x62: {  	[sflag:s21] =	ssyncset.done @!p0 $0x0  }
0x63: {  	[sflag:s21] =	ssyncadd.s32 @!p0 $0xFFFFFB1E  }
0x64: {  	_ =	sfence.sel $0x180000  }
0x65: {  	[bflag:$0x0] =	sbarrier.arrive $0xFFFF  }
0x66: {  	_ =	strace $0x90000047  }
0x67: {  	s0 =	sadd.s32 @!p0 $0x100000, s0;
	[bflag:$0x2] =	sbarrier.arrive $0xFFFF  }
0x68: {  	[sflag:s0] =	ssyncadd.tile.s32 @!p0 $0x1;
	_ =	shalt  }
.Lfunc_end2:
_tile_overlayer_lowered:
.L_overlay_start_2:
0x69: {  	(tag) =	ssettag $0x2  }
0x6a: {  	s0 =	rddreg [dreg:$0x0];
	s2 =	stileid.u32  }
0x6b: {  	s1 =	rddreg [dreg:$0x1];
	p0 =	sne.s32 s2, $0x0  }
0x6c: {  	s3 =	rddreg [dreg:$0x2];
	[bflag:$0x3] =	sbarrier.arrive $0xFFFF;
	s2 =	simm.s32 @!p0 $0x1C02  }
0x6d: {  	[timem:s3], [sflag:s2] =	dma.local @!p0 [hbm:s0], s1  }
0x6e: {  	s0 =	simm.s32 @!p0 $0x2  }
0x6f: {  	_ =	swait.ge @!p0 [sflag:s0], s1  }
0x70: {  	s1 =	ssub.s32 @!p0 $0x0, s1;
	[sflag:s0] =	ssyncset.done @!p0 $0x0  }
0x71: {  	[sflag:s0] =	ssyncadd.s32 @!p0 s1  }
0x72: {  	[bflag:$0x3] =	sbarrier.arrive $0xFFFF  }
0x73: {  	_ =	shalt  }

</sc_bundles>
